<compile_context>
chip_gen: v7x
topology: tpu7x:2x2x1
jax: 0.10.2.dev20260603
libtpu: 0.0.44.dev20260713+nightly
codegen_flags: <defaults>
</compile_context>

<pallas_src>
import functools

import jax
import jax.numpy as jnp
from jax import lax
from jax.experimental import pallas as pl
from jax.experimental.pallas import tpu as pltpu
from jax.experimental.pallas import tpu_sc as plsc

_BATCH = 2048
_IN_DIM = 8192
_OUT_DIM = 8192
_TAU = 1.0

_NC = 2
_NS = 16
_NW = _NC * _NS
_L = 16

_ROWS_PER_W = _BATCH // _NW
_R = 3
_NCHUNK = _OUT_DIM // _L

_SLICE = _OUT_DIM // _NS
_NGRP = _SLICE // _L


def _round_bf16_lo(u):
    return lax.shift_right_logical(u + jnp.int32(0x8000), 16)


def _round_bf16_hi(u):
    return jnp.bitwise_and(u + jnp.int32(0x8000), jnp.int32(-65536))


def _sc_body(x_hbm, w_hbm, ia_hbm, ib_hbm, out_hbm,
             pk_v, pc1_v, pc2_v,
             iasl_v, ibsl_v, pksl_v, pc1sl_v, pc2sl_v,
             pk_sh, pc1_sh, pc2_sh,
             xin00, xin01, xin02, xin10, xin11, xin12,
             yo00, yo01, yo02, yo10, yo11, yo12,
             in_sem0, in_sem1, out_sem0, out_sem1):
    xin_bufs = ((xin00, xin01, xin02), (xin10, xin11, xin12))
    yout_bufs = ((yo00, yo01, yo02), (yo10, yo11, yo12))
    cid = lax.axis_index("c")
    sid = lax.axis_index("s")
    wid = sid * _NC + cid
    row0 = wid * _ROWS_PER_W

    in_sems = (in_sem0, in_sem1)
    out_sems = (out_sem0, out_sem1)

    last = row0 + _ROWS_PER_W - 1

    def start_in(off, slot, nrows=_R):
        return [
            pltpu.async_copy(
                x_hbm.at[jnp.minimum(row0 + off + r, last)],
                xin_bufs[slot][r], in_sems[slot])
            for r in range(nrows)
        ]

    def wait_in(slot, nrows=_R):
        for r in range(nrows):
            pltpu.make_async_copy(x_hbm.at[row0], xin_bufs[slot][r],
                                  in_sems[slot]).wait()

    def start_out(off, slot, nrows=_R):
        return [
            pltpu.async_copy(yout_bufs[slot][r], out_hbm.at[row0 + off + r],
                             out_sems[slot])
            for r in range(nrows)
        ]

    def wait_out(slot, nrows=_R):
        for r in range(nrows):
            pltpu.make_async_copy(yout_bufs[slot][r], out_hbm.at[row0],
                                  out_sems[slot]).wait()

    start_in(0, 0)
    start_in(3, 1)

    nbase = sid * _SLICE
    w_v = yo01
    pltpu.sync_copy(w_hbm.at[pl.ds(nbase * 16, _SLICE * 16)], w_v)
    pltpu.sync_copy(ia_hbm.at[pl.ds(nbase, _SLICE)], iasl_v)
    pltpu.sync_copy(ib_hbm.at[pl.ds(nbase, _SLICE)], ibsl_v)

    lane16 = lax.iota(jnp.int32, _L) * 16

    @plsc.parallel_loop(0, _NGRP, 1, unroll=2)
    def _grp(g):
        goff = g * _L
        wgt = [plsc.load_gather(w_v, [lane16 + (goff * 16 + t)])
               for t in range(16)]
        if _TAU != 1.0:
            wgt = [w * (1.0 / _TAU) for w in wgt]
        m = wgt[0]
        for t in range(1, 16):
            m = jnp.maximum(m, wgt[t])
        e = [jnp.exp(w - m) for w in wgt]
        tot = e[0]
        for t in range(1, 16):
            tot = tot + e[t]
        rinv = 1.0 / tot
        p = [v * rinv for v in e]
        s23 = p[2] + p[3]
        s45 = p[4] + p[5]
        s67 = p[6] + p[7]
        s89 = p[8] + p[9]
        s1011 = p[10] + p[11]
        s1213 = p[12] + p[13]
        s1415 = p[14] + p[15]
        c0 = (s89 + s1011) + (s1213 + s1415)
        ca = (s23 + s67) - (s89 + s1213)
        cb = (s45 + s67) - (s89 + s1011)
        cab = (((p[1] - p[2]) - (p[4] + p[7])) - 2.0 * p[6]
               + (p[8] + 2.0 * p[9]) + (p[11] + p[13]) - p[14])
        u0 = plsc.bitcast(c0, jnp.int32)
        ua = plsc.bitcast(ca, jnp.int32)
        ub = plsc.bitcast(cb, jnp.int32)
        uab = plsc.bitcast(cab, jnp.int32)
        pc1sl_v[pl.ds(goff, _L)] = _round_bf16_lo(u0) | _round_bf16_hi(ua)
        pc2sl_v[pl.ds(goff, _L)] = _round_bf16_lo(ub) | _round_bf16_hi(uab)
        pksl_v[pl.ds(goff, _L)] = (iasl_v[pl.ds(goff, _L)]
                                   | jnp.left_shift(ibsl_v[pl.ds(goff, _L)],
                                                    16))

    pltpu.sync_copy(pksl_v, pk_sh.at[pl.ds(nbase, _SLICE)])
    pltpu.sync_copy(pc1sl_v, pc1_sh.at[pl.ds(nbase, _SLICE)])
    pltpu.sync_copy(pc2sl_v, pc2_sh.at[pl.ds(nbase, _SLICE)])
    plsc.subcore_barrier()
    pltpu.sync_copy(pk_sh, pk_v)
    pltpu.sync_copy(pc1_sh, pc1_v)
    pltpu.sync_copy(pc2_sh, pc2_v)

    def compute(slot, nrows):
        @plsc.parallel_loop(0, _NCHUNK, 1, unroll=4)
        def _chunk(jc):
            off = jc * _L
            pab = pk_v[pl.ds(off, _L)]
            ia = jnp.bitwise_and(pab, 0xFFFF)
            ib = lax.shift_right_logical(pab, 16)
            p1 = pc1_v[pl.ds(off, _L)]
            p2 = pc2_v[pl.ds(off, _L)]
            c0 = plsc.bitcast(jnp.left_shift(p1, 16), jnp.float32)
            ca = plsc.bitcast(p1, jnp.float32)
            cb = plsc.bitcast(jnp.left_shift(p2, 16), jnp.float32)
            cab = plsc.bitcast(p2, jnp.float32)
            for r in range(nrows):
                a = plsc.load_gather(xin_bufs[slot][r], [ia])
                b = plsc.load_gather(xin_bufs[slot][r], [ib])
                yout_bufs[slot][r][pl.ds(off, _L)] = (
                    (c0 + cb * b) + a * (ca + cab * b))

    wait_in(0)
    compute(0, _R)
    start_out(0, 0)
    start_in(6, 0)
    wait_in(1)
    compute(1, _R)
    start_out(3, 1)
    start_in(9, 1)

    def pair_body(p, carry):
        off = p * 6
        wait_out(0)
        wait_in(0)
        compute(0, _R)
        start_out(off, 0)
        start_in(off + 6, 0)
        wait_out(1)
        wait_in(1)
        compute(1, _R)
        start_out(off + 3, 1)
        start_in(off + 9, 1)
        return carry

    lax.fori_loop(1, 10, pair_body, 0)

    wait_out(0)
    wait_in(0)
    compute(0, _R)
    start_out(60, 0)
    wait_out(1)
    wait_in(1)
    compute(1, 1)
    start_out(63, 1, nrows=1)
    wait_out(0)
    wait_out(1, nrows=1)


@functools.partial(jax.jit, donate_argnums=())
def _logic_sc(x, weight, idx_a, idx_b):
    mesh = plsc.VectorSubcoreMesh(
        core_axis_name="c", subcore_axis_name="s",
        num_cores=_NC, num_subcores=_NS)
    fn = pl.kernel(
        _sc_body,
        out_type=jax.ShapeDtypeStruct((_BATCH, _OUT_DIM), jnp.float32),
        mesh=mesh,
        compiler_params=pltpu.CompilerParams(needs_layout_passes=False),
        scratch_types=[
            pltpu.VMEM((_OUT_DIM,), jnp.int32),
            pltpu.VMEM((_OUT_DIM,), jnp.int32),
            pltpu.VMEM((_OUT_DIM,), jnp.int32),
            pltpu.VMEM((_SLICE,), jnp.int32),
            pltpu.VMEM((_SLICE,), jnp.int32),
            pltpu.VMEM((_SLICE,), jnp.int32),
            pltpu.VMEM((_SLICE,), jnp.int32),
            pltpu.VMEM((_SLICE,), jnp.int32),
            pltpu.VMEM_SHARED((_OUT_DIM,), jnp.int32),
            pltpu.VMEM_SHARED((_OUT_DIM,), jnp.int32),
            pltpu.VMEM_SHARED((_OUT_DIM,), jnp.int32),
            pltpu.VMEM((_IN_DIM,), jnp.float32),
            pltpu.VMEM((_IN_DIM,), jnp.float32),
            pltpu.VMEM((_IN_DIM,), jnp.float32),
            pltpu.VMEM((_IN_DIM,), jnp.float32),
            pltpu.VMEM((_IN_DIM,), jnp.float32),
            pltpu.VMEM((_IN_DIM,), jnp.float32),
            pltpu.VMEM((_OUT_DIM,), jnp.float32),
            pltpu.VMEM((_OUT_DIM,), jnp.float32),
            pltpu.VMEM((_OUT_DIM,), jnp.float32),
            pltpu.VMEM((_OUT_DIM,), jnp.float32),
            pltpu.VMEM((_OUT_DIM,), jnp.float32),
            pltpu.VMEM((_OUT_DIM,), jnp.float32),
            pltpu.SemaphoreType.DMA,
            pltpu.SemaphoreType.DMA,
            pltpu.SemaphoreType.DMA,
            pltpu.SemaphoreType.DMA,
        ],
    )
    return fn(x, weight.reshape(_OUT_DIM * 16),
              idx_a.astype(jnp.int32), idx_b.astype(jnp.int32))


def kernel(x, weight, idx_a, idx_b):
    return _logic_sc(x, weight, idx_a, idx_b)

# --- scband reference (transcript-rebuilt; emitter-appended) ---
"""Pipeline reference for scband-logic-dense-5523327943044 (READ-ONLY COPY).

The authoritative reference and input builder live on the scoring server;
editing this copy changes nothing except your own understanding.
"""

import jax, jax.numpy as jnp
import numpy as np

BATCH = 2048
IN_DIM = 8192
OUT_DIM = 8192
TAU = 1.0


def setup_inputs(seed: int = 0) -> dict:
    key = jax.random.key(seed)
    k1, k2, k3 = jax.random.split(key, 3)
    x = jax.random.uniform(k1, (BATCH, IN_DIM), dtype=jnp.float32)
    # random connections: each output neuron reads two input coordinates
    idx_a = jax.random.randint(k2, (OUT_DIM,), 0, IN_DIM, dtype=jnp.int64 if jax.config.jax_enable_x64 else jnp.int32)
    idx_b = jax.random.randint(k3, (OUT_DIM,), 0, IN_DIM, dtype=jnp.int64 if jax.config.jax_enable_x64 else jnp.int32)
    # weight_init='residual', parametrization='raw': zeros with gate-3 (pass-through A) biased to 5.0
    weight = jnp.zeros((OUT_DIM, 16), dtype=jnp.float32).at[:, 3].set(5.0)
    return {"x": x, "weight": weight, "idx_a": idx_a, "idx_b": idx_b}


def _bin_op_s(a, b, w):
    # w: [out_dim, 16] soft gate distribution, broadcasts over batch dim
    ab = a * b
    out = (
        w[:, 0] * jnp.zeros_like(a)
        + w[:, 1] * ab
        + w[:, 2] * (a - ab)
        + w[:, 3] * a
        + w[:, 4] * (b - ab)
        + w[:, 5] * b
        + w[:, 6] * (a + b - 2.0 * ab)
        + w[:, 7] * (a + b - ab)
        + w[:, 8] * (1.0 - (a + b - ab))
        + w[:, 9] * (1.0 - (a + b - 2.0 * ab))
        + w[:, 10] * (1.0 - b)
        + w[:, 11] * (1.0 - b + ab)
        + w[:, 12] * (1.0 - a)
        + w[:, 13] * (1.0 - a + ab)
        + w[:, 14] * (1.0 - ab)
        + w[:, 15] * jnp.ones_like(a)
    )
    return out


def reference(x, weight, idx_a, idx_b):
    # forward_python, training mode, parametrization='raw', forward_sampling='soft'
    a = jnp.take(x, idx_a, axis=-1)
    b = jnp.take(x, idx_b, axis=-1)
    w = jax.nn.softmax(weight / TAU, axis=-1)  # soft_raw
    return _bin_op_s(a, b, w)

if __name__ == "__main__":
    import jax
    _d = setup_inputs()
    print(jax.jit(kernel)(*tuple(_d.values())))

</pallas_src>

<mosaic_0001>
#map = affine_map<(d0, d1) -> (0, 0)>
#map1 = affine_map<(d0, d1) -> (0)>
module attributes {stable_mosaic.version = 14 : i64} {
  func.func @_sc_body(%arg0: i32, %arg1: i32, %arg2: memref<2048x8192xf32, #tpu.memory_space<hbm>>, %arg3: memref<131072xf32, #tpu.memory_space<hbm>>, %arg4: memref<8192xi32, #tpu.memory_space<hbm>>, %arg5: memref<8192xi32, #tpu.memory_space<hbm>>, %arg6: memref<2048x8192xf32, #tpu.memory_space<hbm>>, %arg7: memref<8192xi32, #tpu.memory_space<vmem>>, %arg8: memref<8192xi32, #tpu.memory_space<vmem>>, %arg9: memref<8192xi32, #tpu.memory_space<vmem>>, %arg10: memref<512xi32, #tpu.memory_space<vmem>>, %arg11: memref<512xi32, #tpu.memory_space<vmem>>, %arg12: memref<512xi32, #tpu.memory_space<vmem>>, %arg13: memref<512xi32, #tpu.memory_space<vmem>>, %arg14: memref<512xi32, #tpu.memory_space<vmem>>, %arg15: memref<8192xi32, #tpu.memory_space<vmem_shared>>, %arg16: memref<8192xi32, #tpu.memory_space<vmem_shared>>, %arg17: memref<8192xi32, #tpu.memory_space<vmem_shared>>, %arg18: memref<8192xf32, #tpu.memory_space<vmem>>, %arg19: memref<8192xf32, #tpu.memory_space<vmem>>, %arg20: memref<8192xf32, #tpu.memory_space<vmem>>, %arg21: memref<8192xf32, #tpu.memory_space<vmem>>, %arg22: memref<8192xf32, #tpu.memory_space<vmem>>, %arg23: memref<8192xf32, #tpu.memory_space<vmem>>, %arg24: memref<8192xf32, #tpu.memory_space<vmem>>, %arg25: memref<8192xf32, #tpu.memory_space<vmem>>, %arg26: memref<8192xf32, #tpu.memory_space<vmem>>, %arg27: memref<8192xf32, #tpu.memory_space<vmem>>, %arg28: memref<8192xf32, #tpu.memory_space<vmem>>, %arg29: memref<8192xf32, #tpu.memory_space<vmem>>, %arg30: memref<!tpu.dma_semaphore, #tpu.memory_space<semaphore_mem>>, %arg31: memref<!tpu.dma_semaphore, #tpu.memory_space<semaphore_mem>>, %arg32: memref<!tpu.dma_semaphore, #tpu.memory_space<semaphore_mem>>, %arg33: memref<!tpu.dma_semaphore, #tpu.memory_space<semaphore_mem>>) attributes {dimension_semantics = [#tpu.dimension_semantics<core_parallel>, #tpu.dimension_semantics<subcore_parallel>], iteration_bounds = array<i64: 2, 16>, scalar_prefetch = 0 : i64, scratch_operands = 27 : i64, tpu.core_type = #tpu.core_type<sc_vector_subcore>, window_params = [{transform_indices = #map}, {transform_indices = #map1}, {transform_indices = #map1}, {transform_indices = #map1}, {transform_indices = #map}]} {
    %mul3A = arith.constant 2 : i32
    %mul3A_0 = arith.muli %arg1, %mul3A : i32
    %add3A = arith.addi %mul3A_0, %arg0 : i32
    %mul3A_1 = arith.constant 64 : i32
    %mul3A_2 = arith.muli %add3A, %mul3A_1 : i32
    %add3A_3 = arith.constant 64 : i32
    %add3A_4 = arith.addi %mul3A_2, %add3A_3 : i32
    %sub3A = arith.constant 1 : i32
    %sub3A_5 = arith.subi %add3A_4, %sub3A : i32
    %add3A_6 = arith.constant 0 : i32
    %add3A_7 = arith.addi %mul3A_2, %add3A_6 : i32
    %add3A_8 = arith.constant 0 : i32
    %add3A_9 = arith.addi %add3A_7, %add3A_8 : i32
    %min3A = arith.minsi %add3A_9, %sub3A_5 : i32
    %dma_start3A = arith.constant 0 : i32
    %dma_start3A_10 = tpu.memref_slice %arg2[%min3A, %dma_start3A] : memref<2048x8192xf32, #tpu.memory_space<hbm>> -> memref<1x8192xf32, #tpu.memory_space<hbm>>
    %dma_start3A_11 = tpu.memref_squeeze %dma_start3A_10 : memref<1x8192xf32, #tpu.memory_space<hbm>> -> memref<8192xf32, #tpu.memory_space<hbm>>
    %dma_start3A_12 = arith.constant 0 : i32
    %dma_start3A_13 = tpu.memref_slice %arg2[%min3A, %dma_start3A_12] : memref<2048x8192xf32, #tpu.memory_space<hbm>> -> memref<1x8192xf32, #tpu.memory_space<hbm>>
    %dma_start3A_14 = tpu.memref_squeeze %dma_start3A_13 : memref<1x8192xf32, #tpu.memory_space<hbm>> -> memref<8192xf32, #tpu.memory_space<hbm>>
    tpu.enqueue_dma source(%dma_start3A_14 : memref<8192xf32, #tpu.memory_space<hbm>>) target(%arg18 : memref<8192xf32, #tpu.memory_space<vmem>>) target_semaphore(%arg30 : memref<!tpu.dma_semaphore, #tpu.memory_space<semaphore_mem>>)
    %add3A_15 = arith.constant 0 : i32
    %add3A_16 = arith.addi %mul3A_2, %add3A_15 : i32
    %add3A_17 = arith.constant 1 : i32
    %add3A_18 = arith.addi %add3A_16, %add3A_17 : i32
    %min3A_19 = arith.minsi %add3A_18, %sub3A_5 : i32
    %dma_start3A_20 = arith.constant 0 : i32
    %dma_start3A_21 = tpu.memref_slice %arg2[%min3A_19, %dma_start3A_20] : memref<2048x8192xf32, #tpu.memory_space<hbm>> -> memref<1x8192xf32, #tpu.memory_space<hbm>>
    %dma_start3A_22 = tpu.memref_squeeze %dma_start3A_21 : memref<1x8192xf32, #tpu.memory_space<hbm>> -> memref<8192xf32, #tpu.memory_space<hbm>>
    %dma_start3A_23 = arith.constant 0 : i32
    %dma_start3A_24 = tpu.memref_slice %arg2[%min3A_19, %dma_start3A_23] : memref<2048x8192xf32, #tpu.memory_space<hbm>> -> memref<1x8192xf32, #tpu.memory_space<hbm>>
    %dma_start3A_25 = tpu.memref_squeeze %dma_start3A_24 : memref<1x8192xf32, #tpu.memory_space<hbm>> -> memref<8192xf32, #tpu.memory_space<hbm>>
    tpu.enqueue_dma source(%dma_start3A_25 : memref<8192xf32, #tpu.memory_space<hbm>>) target(%arg19 : memref<8192xf32, #tpu.memory_space<vmem>>) target_semaphore(%arg30 : memref<!tpu.dma_semaphore, #tpu.memory_space<semaphore_mem>>)
    %add3A_26 = arith.constant 0 : i32
    %add3A_27 = arith.addi %mul3A_2, %add3A_26 : i32
    %add3A_28 = arith.constant 2 : i32
    %add3A_29 = arith.addi %add3A_27, %add3A_28 : i32
    %min3A_30 = arith.minsi %add3A_29, %sub3A_5 : i32
    %dma_start3A_31 = arith.constant 0 : i32
    %dma_start3A_32 = tpu.memref_slice %arg2[%min3A_30, %dma_start3A_31] : memref<2048x8192xf32, #tpu.memory_space<hbm>> -> memref<1x8192xf32, #tpu.memory_space<hbm>>
    %dma_start3A_33 = tpu.memref_squeeze %dma_start3A_32 : memref<1x8192xf32, #tpu.memory_space<hbm>> -> memref<8192xf32, #tpu.memory_space<hbm>>
    %dma_start3A_34 = arith.constant 0 : i32
    %dma_start3A_35 = tpu.memref_slice %arg2[%min3A_30, %dma_start3A_34] : memref<2048x8192xf32, #tpu.memory_space<hbm>> -> memref<1x8192xf32, #tpu.memory_space<hbm>>
    %dma_start3A_36 = tpu.memref_squeeze %dma_start3A_35 : memref<1x8192xf32, #tpu.memory_space<hbm>> -> memref<8192xf32, #tpu.memory_space<hbm>>
    tpu.enqueue_dma source(%dma_start3A_36 : memref<8192xf32, #tpu.memory_space<hbm>>) target(%arg20 : memref<8192xf32, #tpu.memory_space<vmem>>) target_semaphore(%arg30 : memref<!tpu.dma_semaphore, #tpu.memory_space<semaphore_mem>>)
    %add3A_37 = arith.constant 3 : i32
    %add3A_38 = arith.addi %mul3A_2, %add3A_37 : i32
    %add3A_39 = arith.constant 0 : i32
    %add3A_40 = arith.addi %add3A_38, %add3A_39 : i32
    %min3A_41 = arith.minsi %add3A_40, %sub3A_5 : i32
    %dma_start3A_42 = arith.constant 0 : i32
    %dma_start3A_43 = tpu.memref_slice %arg2[%min3A_41, %dma_start3A_42] : memref<2048x8192xf32, #tpu.memory_space<hbm>> -> memref<1x8192xf32, #tpu.memory_space<hbm>>
    %dma_start3A_44 = tpu.memref_squeeze %dma_start3A_43 : memref<1x8192xf32, #tpu.memory_space<hbm>> -> memref<8192xf32, #tpu.memory_space<hbm>>
    %dma_start3A_45 = arith.constant 0 : i32
    %dma_start3A_46 = tpu.memref_slice %arg2[%min3A_41, %dma_start3A_45] : memref<2048x8192xf32, #tpu.memory_space<hbm>> -> memref<1x8192xf32, #tpu.memory_space<hbm>>
    %dma_start3A_47 = tpu.memref_squeeze %dma_start3A_46 : memref<1x8192xf32, #tpu.memory_space<hbm>> -> memref<8192xf32, #tpu.memory_space<hbm>>
    tpu.enqueue_dma source(%dma_start3A_47 : memref<8192xf32, #tpu.memory_space<hbm>>) target(%arg21 : memref<8192xf32, #tpu.memory_space<vmem>>) target_semaphore(%arg31 : memref<!tpu.dma_semaphore, #tpu.memory_space<semaphore_mem>>)
    %add3A_48 = arith.constant 3 : i32
    %add3A_49 = arith.addi %mul3A_2, %add3A_48 : i32
    %add3A_50 = arith.constant 1 : i32
    %add3A_51 = arith.addi %add3A_49, %add3A_50 : i32
    %min3A_52 = arith.minsi %add3A_51, %sub3A_5 : i32
    %dma_start3A_53 = arith.constant 0 : i32
    %dma_start3A_54 = tpu.memref_slice %arg2[%min3A_52, %dma_start3A_53] : memref<2048x8192xf32, #tpu.memory_space<hbm>> -> memref<1x8192xf32, #tpu.memory_space<hbm>>
    %dma_start3A_55 = tpu.memref_squeeze %dma_start3A_54 : memref<1x8192xf32, #tpu.memory_space<hbm>> -> memref<8192xf32, #tpu.memory_space<hbm>>
    %dma_start3A_56 = arith.constant 0 : i32
    %dma_start3A_57 = tpu.memref_slice %arg2[%min3A_52, %dma_start3A_56] : memref<2048x8192xf32, #tpu.memory_space<hbm>> -> memref<1x8192xf32, #tpu.memory_space<hbm>>
    %dma_start3A_58 = tpu.memref_squeeze %dma_start3A_57 : memref<1x8192xf32, #tpu.memory_space<hbm>> -> memref<8192xf32, #tpu.memory_space<hbm>>
    tpu.enqueue_dma source(%dma_start3A_58 : memref<8192xf32, #tpu.memory_space<hbm>>) target(%arg22 : memref<8192xf32, #tpu.memory_space<vmem>>) target_semaphore(%arg31 : memref<!tpu.dma_semaphore, #tpu.memory_space<semaphore_mem>>)
    %add3A_59 = arith.constant 3 : i32
    %add3A_60 = arith.addi %mul3A_2, %add3A_59 : i32
    %add3A_61 = arith.constant 2 : i32
    %add3A_62 = arith.addi %add3A_60, %add3A_61 : i32
    %min3A_63 = arith.minsi %add3A_62, %sub3A_5 : i32
    %dma_start3A_64 = arith.constant 0 : i32
    %dma_start3A_65 = tpu.memref_slice %arg2[%min3A_63, %dma_start3A_64] : memref<2048x8192xf32, #tpu.memory_space<hbm>> -> memref<1x8192xf32, #tpu.memory_space<hbm>>
    %dma_start3A_66 = tpu.memref_squeeze %dma_start3A_65 : memref<1x8192xf32, #tpu.memory_space<hbm>> -> memref<8192xf32, #tpu.memory_space<hbm>>
    %dma_start3A_67 = arith.constant 0 : i32
    %dma_start3A_68 = tpu.memref_slice %arg2[%min3A_63, %dma_start3A_67] : memref<2048x8192xf32, #tpu.memory_space<hbm>> -> memref<1x8192xf32, #tpu.memory_space<hbm>>
    %dma_start3A_69 = tpu.memref_squeeze %dma_start3A_68 : memref<1x8192xf32, #tpu.memory_space<hbm>> -> memref<8192xf32, #tpu.memory_space<hbm>>
    tpu.enqueue_dma source(%dma_start3A_69 : memref<8192xf32, #tpu.memory_space<hbm>>) target(%arg23 : memref<8192xf32, #tpu.memory_space<vmem>>) target_semaphore(%arg31 : memref<!tpu.dma_semaphore, #tpu.memory_space<semaphore_mem>>)
    %mul3A_70 = arith.constant 512 : i32
    %mul3A_71 = arith.muli %arg1, %mul3A_70 : i32
    %mul3A_72 = arith.constant 16 : i32
    %mul3A_73 = arith.muli %mul3A_71, %mul3A_72 : i32
    "tpu.region"() ({
      %run_scoped3A = tpu.sem_alloc : memref<!tpu.dma_semaphore, #tpu.memory_space<semaphore_mem>>
      %dma_start3A_393 = tpu.memref_slice %arg3[%mul3A_73] : memref<131072xf32, #tpu.memory_space<hbm>> -> memref<8192xf32, #tpu.memory_space<hbm>>
      %dma_start3A_394 = tpu.memref_slice %arg3[%mul3A_73] : memref<131072xf32, #tpu.memory_space<hbm>> -> memref<8192xf32, #tpu.memory_space<hbm>>
      tpu.enqueue_dma source(%dma_start3A_394 : memref<8192xf32, #tpu.memory_space<hbm>>) target(%arg25 : memref<8192xf32, #tpu.memory_space<vmem>>) target_semaphore(%run_scoped3A : memref<!tpu.dma_semaphore, #tpu.memory_space<semaphore_mem>>)
      %dma_wait3A_395 = tpu.memref_slice %arg3[%mul3A_73] : memref<131072xf32, #tpu.memory_space<hbm>> -> memref<8192xf32, #tpu.memory_space<hbm>>
      %dma_wait3A_396 = tpu.memref_slice %arg3[%mul3A_73] : memref<131072xf32, #tpu.memory_space<hbm>> -> memref<8192xf32, #tpu.memory_space<hbm>>
      tpu.wait_dma2 semaphore(%run_scoped3A : memref<!tpu.dma_semaphore, #tpu.memory_space<semaphore_mem>>) src(%dma_wait3A_396 : memref<8192xf32, #tpu.memory_space<hbm>>) dst(%arg25 : memref<8192xf32, #tpu.memory_space<vmem>>)
      tpu.yield
    }) : () -> ()
    "tpu.region"() ({
      %run_scoped3A = tpu.sem_alloc : memref<!tpu.dma_semaphore, #tpu.memory_space<semaphore_mem>>
      %dma_start3A_393 = tpu.memref_slice %arg4[%mul3A_71] : memref<8192xi32, #tpu.memory_space<hbm>> -> memref<512xi32, #tpu.memory_space<hbm>>
      %dma_start3A_394 = tpu.memref_slice %arg4[%mul3A_71] : memref<8192xi32, #tpu.memory_space<hbm>> -> memref<512xi32, #tpu.memory_space<hbm>>
      tpu.enqueue_dma source(%dma_start3A_394 : memref<512xi32, #tpu.memory_space<hbm>>) target(%arg10 : memref<512xi32, #tpu.memory_space<vmem>>) target_semaphore(%run_scoped3A : memref<!tpu.dma_semaphore, #tpu.memory_space<semaphore_mem>>)
      %dma_wait3A_395 = tpu.memref_slice %arg4[%mul3A_71] : memref<8192xi32, #tpu.memory_space<hbm>> -> memref<512xi32, #tpu.memory_space<hbm>>
      %dma_wait3A_396 = tpu.memref_slice %arg4[%mul3A_71] : memref<8192xi32, #tpu.memory_space<hbm>> -> memref<512xi32, #tpu.memory_space<hbm>>
      tpu.wait_dma2 semaphore(%run_scoped3A : memref<!tpu.dma_semaphore, #tpu.memory_space<semaphore_mem>>) src(%dma_wait3A_396 : memref<512xi32, #tpu.memory_space<hbm>>) dst(%arg10 : memref<512xi32, #tpu.memory_space<vmem>>)
      tpu.yield
    }) : () -> ()
    "tpu.region"() ({
      %run_scoped3A = tpu.sem_alloc : memref<!tpu.dma_semaphore, #tpu.memory_space<semaphore_mem>>
      %dma_start3A_393 = tpu.memref_slice %arg5[%mul3A_71] : memref<8192xi32, #tpu.memory_space<hbm>> -> memref<512xi32, #tpu.memory_space<hbm>>
      %dma_start3A_394 = tpu.memref_slice %arg5[%mul3A_71] : memref<8192xi32, #tpu.memory_space<hbm>> -> memref<512xi32, #tpu.memory_space<hbm>>
      tpu.enqueue_dma source(%dma_start3A_394 : memref<512xi32, #tpu.memory_space<hbm>>) target(%arg11 : memref<512xi32, #tpu.memory_space<vmem>>) target_semaphore(%run_scoped3A : memref<!tpu.dma_semaphore, #tpu.memory_space<semaphore_mem>>)
      %dma_wait3A_395 = tpu.memref_slice %arg5[%mul3A_71] : memref<8192xi32, #tpu.memory_space<hbm>> -> memref<512xi32, #tpu.memory_space<hbm>>
      %dma_wait3A_396 = tpu.memref_slice %arg5[%mul3A_71] : memref<8192xi32, #tpu.memory_space<hbm>> -> memref<512xi32, #tpu.memory_space<hbm>>
      tpu.wait_dma2 semaphore(%run_scoped3A : memref<!tpu.dma_semaphore, #tpu.memory_space<semaphore_mem>>) src(%dma_wait3A_396 : memref<512xi32, #tpu.memory_space<hbm>>) dst(%arg11 : memref<512xi32, #tpu.memory_space<vmem>>)
      tpu.yield
    }) : () -> ()
    %iota3A = tpu.iota {dimensions = array<i32: 0>} : vector<16xi32>
    %mul3A_74 = arith.constant 16 : i32
    %mul3A_75 = vector.broadcast %mul3A_74 : i32 to vector<16xi32>
    %mul3A_76 = arith.muli %iota3A, %mul3A_75 : vector<16xi32>
    %parallel_loop3A = arith.constant 0 : i32
    %parallel_loop3A_77 = arith.constant 32 : i32
    %parallel_loop3A_78 = arith.constant 1 : i32
    scf.for %parallel_loop3A_393 = %parallel_loop3A to %parallel_loop3A_77 step %parallel_loop3A_78  : i32 {
      %parallel_loop3A_394 = arith.constant 16 : i32
      %parallel_loop3A_395 = arith.muli %parallel_loop3A_393, %parallel_loop3A_394 : i32
      %parallel_loop3A_396 = arith.constant 16 : i32
      %parallel_loop3A_397 = arith.muli %parallel_loop3A_395, %parallel_loop3A_396 : i32
      %parallel_loop3A_398 = arith.constant 0 : i32
      %parallel_loop3A_399 = arith.addi %parallel_loop3A_397, %parallel_loop3A_398 : i32
      %parallel_loop3A_400 = vector.broadcast %parallel_loop3A_399 : i32 to vector<16xi32>
      %parallel_loop3A_401 = arith.addi %mul3A_76, %parallel_loop3A_400 : vector<16xi32>
      %parallel_loop3A_402 = tpu.vector_load_idx %arg25[%parallel_loop3A_401] : memref<8192xf32, #tpu.memory_space<vmem>>[vector<16xi32>], vector<16xf32>,
      %parallel_loop3A_403 = arith.constant 16 : i32
      %parallel_loop3A_404 = arith.muli %parallel_loop3A_395, %parallel_loop3A_403 : i32
      %parallel_loop3A_405 = arith.constant 1 : i32
      %parallel_loop3A_406 = arith.addi %parallel_loop3A_404, %parallel_loop3A_405 : i32
      %parallel_loop3A_407 = vector.broadcast %parallel_loop3A_406 : i32 to vector<16xi32>
      %parallel_loop3A_408 = arith.addi %mul3A_76, %parallel_loop3A_407 : vector<16xi32>
      %parallel_loop3A_409 = tpu.vector_load_idx %arg25[%parallel_loop3A_408] : memref<8192xf32, #tpu.memory_space<vmem>>[vector<16xi32>], vector<16xf32>,
      %parallel_loop3A_410 = arith.constant 16 : i32
      %parallel_loop3A_411 = arith.muli %parallel_loop3A_395, %parallel_loop3A_410 : i32
      %parallel_loop3A_412 = arith.constant 2 : i32
      %parallel_loop3A_413 = arith.addi %parallel_loop3A_411, %parallel_loop3A_412 : i32
      %parallel_loop3A_414 = vector.broadcast %parallel_loop3A_413 : i32 to vector<16xi32>
      %parallel_loop3A_415 = arith.addi %mul3A_76, %parallel_loop3A_414 : vector<16xi32>
      %parallel_loop3A_416 = tpu.vector_load_idx %arg25[%parallel_loop3A_415] : memref<8192xf32, #tpu.memory_space<vmem>>[vector<16xi32>], vector<16xf32>,
      %parallel_loop3A_417 = arith.constant 16 : i32
      %parallel_loop3A_418 = arith.muli %parallel_loop3A_395, %parallel_loop3A_417 : i32
      %parallel_loop3A_419 = arith.constant 3 : i32
      %parallel_loop3A_420 = arith.addi %parallel_loop3A_418, %parallel_loop3A_419 : i32
      %parallel_loop3A_421 = vector.broadcast %parallel_loop3A_420 : i32 to vector<16xi32>
      %parallel_loop3A_422 = arith.addi %mul3A_76, %parallel_loop3A_421 : vector<16xi32>
      %parallel_loop3A_423 = tpu.vector_load_idx %arg25[%parallel_loop3A_422] : memref<8192xf32, #tpu.memory_space<vmem>>[vector<16xi32>], vector<16xf32>,
      %parallel_loop3A_424 = arith.constant 16 : i32
      %parallel_loop3A_425 = arith.muli %parallel_loop3A_395, %parallel_loop3A_424 : i32
      %parallel_loop3A_426 = arith.constant 4 : i32
      %parallel_loop3A_427 = arith.addi %parallel_loop3A_425, %parallel_loop3A_426 : i32
      %parallel_loop3A_428 = vector.broadcast %parallel_loop3A_427 : i32 to vector<16xi32>
      %parallel_loop3A_429 = arith.addi %mul3A_76, %parallel_loop3A_428 : vector<16xi32>
      %parallel_loop3A_430 = tpu.vector_load_idx %arg25[%parallel_loop3A_429] : memref<8192xf32, #tpu.memory_space<vmem>>[vector<16xi32>], vector<16xf32>,
      %parallel_loop3A_431 = arith.constant 16 : i32
      %parallel_loop3A_432 = arith.muli %parallel_loop3A_395, %parallel_loop3A_431 : i32
      %parallel_loop3A_433 = arith.constant 5 : i32
      %parallel_loop3A_434 = arith.addi %parallel_loop3A_432, %parallel_loop3A_433 : i32
      %parallel_loop3A_435 = vector.broadcast %parallel_loop3A_434 : i32 to vector<16xi32>
      %parallel_loop3A_436 = arith.addi %mul3A_76, %parallel_loop3A_435 : vector<16xi32>
      %parallel_loop3A_437 = tpu.vector_load_idx %arg25[%parallel_loop3A_436] : memref<8192xf32, #tpu.memory_space<vmem>>[vector<16xi32>], vector<16xf32>,
      %parallel_loop3A_438 = arith.constant 16 : i32
      %parallel_loop3A_439 = arith.muli %parallel_loop3A_395, %parallel_loop3A_438 : i32
      %parallel_loop3A_440 = arith.constant 6 : i32
      %parallel_loop3A_441 = arith.addi %parallel_loop3A_439, %parallel_loop3A_440 : i32
      %parallel_loop3A_442 = vector.broadcast %parallel_loop3A_441 : i32 to vector<16xi32>
      %parallel_loop3A_443 = arith.addi %mul3A_76, %parallel_loop3A_442 : vector<16xi32>
      %parallel_loop3A_444 = tpu.vector_load_idx %arg25[%parallel_loop3A_443] : memref<8192xf32, #tpu.memory_space<vmem>>[vector<16xi32>], vector<16xf32>,
      %parallel_loop3A_445 = arith.constant 16 : i32
      %parallel_loop3A_446 = arith.muli %parallel_loop3A_395, %parallel_loop3A_445 : i32
      %parallel_loop3A_447 = arith.constant 7 : i32
      %parallel_loop3A_448 = arith.addi %parallel_loop3A_446, %parallel_loop3A_447 : i32
      %parallel_loop3A_449 = vector.broadcast %parallel_loop3A_448 : i32 to vector<16xi32>
      %parallel_loop3A_450 = arith.addi %mul3A_76, %parallel_loop3A_449 : vector<16xi32>
      %parallel_loop3A_451 = tpu.vector_load_idx %arg25[%parallel_loop3A_450] : memref<8192xf32, #tpu.memory_space<vmem>>[vector<16xi32>], vector<16xf32>,
      %parallel_loop3A_452 = arith.constant 16 : i32
      %parallel_loop3A_453 = arith.muli %parallel_loop3A_395, %parallel_loop3A_452 : i32
      %parallel_loop3A_454 = arith.constant 8 : i32
      %parallel_loop3A_455 = arith.addi %parallel_loop3A_453, %parallel_loop3A_454 : i32
      %parallel_loop3A_456 = vector.broadcast %parallel_loop3A_455 : i32 to vector<16xi32>
      %parallel_loop3A_457 = arith.addi %mul3A_76, %parallel_loop3A_456 : vector<16xi32>
      %parallel_loop3A_458 = tpu.vector_load_idx %arg25[%parallel_loop3A_457] : memref<8192xf32, #tpu.memory_space<vmem>>[vector<16xi32>], vector<16xf32>,
      %parallel_loop3A_459 = arith.constant 16 : i32
      %parallel_loop3A_460 = arith.muli %parallel_loop3A_395, %parallel_loop3A_459 : i32
      %parallel_loop3A_461 = arith.constant 9 : i32
      %parallel_loop3A_462 = arith.addi %parallel_loop3A_460, %parallel_loop3A_461 : i32
      %parallel_loop3A_463 = vector.broadcast %parallel_loop3A_462 : i32 to vector<16xi32>
      %parallel_loop3A_464 = arith.addi %mul3A_76, %parallel_loop3A_463 : vector<16xi32>
      %parallel_loop3A_465 = tpu.vector_load_idx %arg25[%parallel_loop3A_464] : memref<8192xf32, #tpu.memory_space<vmem>>[vector<16xi32>], vector<16xf32>,
      %parallel_loop3A_466 = arith.constant 16 : i32
      %parallel_loop3A_467 = arith.muli %parallel_loop3A_395, %parallel_loop3A_466 : i32
      %parallel_loop3A_468 = arith.constant 10 : i32
      %parallel_loop3A_469 = arith.addi %parallel_loop3A_467, %parallel_loop3A_468 : i32
      %parallel_loop3A_470 = vector.broadcast %parallel_loop3A_469 : i32 to vector<16xi32>
      %parallel_loop3A_471 = arith.addi %mul3A_76, %parallel_loop3A_470 : vector<16xi32>
      %parallel_loop3A_472 = tpu.vector_load_idx %arg25[%parallel_loop3A_471] : memref<8192xf32, #tpu.memory_space<vmem>>[vector<16xi32>], vector<16xf32>,
      %parallel_loop3A_473 = arith.constant 16 : i32
      %parallel_loop3A_474 = arith.muli %parallel_loop3A_395, %parallel_loop3A_473 : i32
      %parallel_loop3A_475 = arith.constant 11 : i32
      %parallel_loop3A_476 = arith.addi %parallel_loop3A_474, %parallel_loop3A_475 : i32
      %parallel_loop3A_477 = vector.broadcast %parallel_loop3A_476 : i32 to vector<16xi32>
      %parallel_loop3A_478 = arith.addi %mul3A_76, %parallel_loop3A_477 : vector<16xi32>
      %parallel_loop3A_479 = tpu.vector_load_idx %arg25[%parallel_loop3A_478] : memref<8192xf32, #tpu.memory_space<vmem>>[vector<16xi32>], vector<16xf32>,
      %parallel_loop3A_480 = arith.constant 16 : i32
      %parallel_loop3A_481 = arith.muli %parallel_loop3A_395, %parallel_loop3A_480 : i32
      %parallel_loop3A_482 = arith.constant 12 : i32
      %parallel_loop3A_483 = arith.addi %parallel_loop3A_481, %parallel_loop3A_482 : i32
      %parallel_loop3A_484 = vector.broadcast %parallel_loop3A_483 : i32 to vector<16xi32>
      %parallel_loop3A_485 = arith.addi %mul3A_76, %parallel_loop3A_484 : vector<16xi32>
      %parallel_loop3A_486 = tpu.vector_load_idx %arg25[%parallel_loop3A_485] : memref<8192xf32, #tpu.memory_space<vmem>>[vector<16xi32>], vector<16xf32>,
      %parallel_loop3A_487 = arith.constant 16 : i32
      %parallel_loop3A_488 = arith.muli %parallel_loop3A_395, %parallel_loop3A_487 : i32
      %parallel_loop3A_489 = arith.constant 13 : i32
      %parallel_loop3A_490 = arith.addi %parallel_loop3A_488, %parallel_loop3A_489 : i32
      %parallel_loop3A_491 = vector.broadcast %parallel_loop3A_490 : i32 to vector<16xi32>
      %parallel_loop3A_492 = arith.addi %mul3A_76, %parallel_loop3A_491 : vector<16xi32>
      %parallel_loop3A_493 = tpu.vector_load_idx %arg25[%parallel_loop3A_492] : memref<8192xf32, #tpu.memory_space<vmem>>[vector<16xi32>], vector<16xf32>,
      %parallel_loop3A_494 = arith.constant 16 : i32
      %parallel_loop3A_495 = arith.muli %parallel_loop3A_395, %parallel_loop3A_494 : i32
      %parallel_loop3A_496 = arith.constant 14 : i32
      %parallel_loop3A_497 = arith.addi %parallel_loop3A_495, %parallel_loop3A_496 : i32
      %parallel_loop3A_498 = vector.broadcast %parallel_loop3A_497 : i32 to vector<16xi32>
      %parallel_loop3A_499 = arith.addi %mul3A_76, %parallel_loop3A_498 : vector<16xi32>
      %parallel_loop3A_500 = tpu.vector_load_idx %arg25[%parallel_loop3A_499] : memref<8192xf32, #tpu.memory_space<vmem>>[vector<16xi32>], vector<16xf32>,
      %parallel_loop3A_501 = arith.constant 16 : i32
      %parallel_loop3A_502 = arith.muli %parallel_loop3A_395, %parallel_loop3A_501 : i32
      %parallel_loop3A_503 = arith.constant 15 : i32
      %parallel_loop3A_504 = arith.addi %parallel_loop3A_502, %parallel_loop3A_503 : i32
      %parallel_loop3A_505 = vector.broadcast %parallel_loop3A_504 : i32 to vector<16xi32>
      %parallel_loop3A_506 = arith.addi %mul3A_76, %parallel_loop3A_505 : vector<16xi32>
      %parallel_loop3A_507 = tpu.vector_load_idx %arg25[%parallel_loop3A_506] : memref<8192xf32, #tpu.memory_space<vmem>>[vector<16xi32>], vector<16xf32>,
      %parallel_loop3A_508 = arith.maximumf %parallel_loop3A_402, %parallel_loop3A_409 : vector<16xf32>
      %parallel_loop3A_509 = arith.maximumf %parallel_loop3A_508, %parallel_loop3A_416 : vector<16xf32>
      %parallel_loop3A_510 = arith.maximumf %parallel_loop3A_509, %parallel_loop3A_423 : vector<16xf32>
      %parallel_loop3A_511 = arith.maximumf %parallel_loop3A_510, %parallel_loop3A_430 : vector<16xf32>
      %parallel_loop3A_512 = arith.maximumf %parallel_loop3A_511, %parallel_loop3A_437 : vector<16xf32>
      %parallel_loop3A_513 = arith.maximumf %parallel_loop3A_512, %parallel_loop3A_444 : vector<16xf32>
      %parallel_loop3A_514 = arith.maximumf %parallel_loop3A_513, %parallel_loop3A_451 : vector<16xf32>
      %parallel_loop3A_515 = arith.maximumf %parallel_loop3A_514, %parallel_loop3A_458 : vector<16xf32>
      %parallel_loop3A_516 = arith.maximumf %parallel_loop3A_515, %parallel_loop3A_465 : vector<16xf32>
      %parallel_loop3A_517 = arith.maximumf %parallel_loop3A_516, %parallel_loop3A_472 : vector<16xf32>
      %parallel_loop3A_518 = arith.maximumf %parallel_loop3A_517, %parallel_loop3A_479 : vector<16xf32>
      %parallel_loop3A_519 = arith.maximumf %parallel_loop3A_518, %parallel_loop3A_486 : vector<16xf32>
      %parallel_loop3A_520 = arith.maximumf %parallel_loop3A_519, %parallel_loop3A_493 : vector<16xf32>
      %parallel_loop3A_521 = arith.maximumf %parallel_loop3A_520, %parallel_loop3A_500 : vector<16xf32>
      %parallel_loop3A_522 = arith.maximumf %parallel_loop3A_521, %parallel_loop3A_507 : vector<16xf32>
      %parallel_loop3A_523 = arith.subf %parallel_loop3A_402, %parallel_loop3A_522 : vector<16xf32>
      %parallel_loop3A_524 = math.exp %parallel_loop3A_523 : vector<16xf32>
      %parallel_loop3A_525 = arith.subf %parallel_loop3A_409, %parallel_loop3A_522 : vector<16xf32>
      %parallel_loop3A_526 = math.exp %parallel_loop3A_525 : vector<16xf32>
      %parallel_loop3A_527 = arith.subf %parallel_loop3A_416, %parallel_loop3A_522 : vector<16xf32>
      %parallel_loop3A_528 = math.exp %parallel_loop3A_527 : vector<16xf32>
      %parallel_loop3A_529 = arith.subf %parallel_loop3A_423, %parallel_loop3A_522 : vector<16xf32>
      %parallel_loop3A_530 = math.exp %parallel_loop3A_529 : vector<16xf32>
      %parallel_loop3A_531 = arith.subf %parallel_loop3A_430, %parallel_loop3A_522 : vector<16xf32>
      %parallel_loop3A_532 = math.exp %parallel_loop3A_531 : vector<16xf32>
      %parallel_loop3A_533 = arith.subf %parallel_loop3A_437, %parallel_loop3A_522 : vector<16xf32>
      %parallel_loop3A_534 = math.exp %parallel_loop3A_533 : vector<16xf32>
      %parallel_loop3A_535 = arith.subf %parallel_loop3A_444, %parallel_loop3A_522 : vector<16xf32>
      %parallel_loop3A_536 = math.exp %parallel_loop3A_535 : vector<16xf32>
      %parallel_loop3A_537 = arith.subf %parallel_loop3A_451, %parallel_loop3A_522 : vector<16xf32>
      %parallel_loop3A_538 = math.exp %parallel_loop3A_537 : vector<16xf32>
      %parallel_loop3A_539 = arith.subf %parallel_loop3A_458, %parallel_loop3A_522 : vector<16xf32>
      %parallel_loop3A_540 = math.exp %parallel_loop3A_539 : vector<16xf32>
      %parallel_loop3A_541 = arith.subf %parallel_loop3A_465, %parallel_loop3A_522 : vector<16xf32>
      %parallel_loop3A_542 = math.exp %parallel_loop3A_541 : vector<16xf32>
      %parallel_loop3A_543 = arith.subf %parallel_loop3A_472, %parallel_loop3A_522 : vector<16xf32>
      %parallel_loop3A_544 = math.exp %parallel_loop3A_543 : vector<16xf32>
      %parallel_loop3A_545 = arith.subf %parallel_loop3A_479, %parallel_loop3A_522 : vector<16xf32>
      %parallel_loop3A_546 = math.exp %parallel_loop3A_545 : vector<16xf32>
      %parallel_loop3A_547 = arith.subf %parallel_loop3A_486, %parallel_loop3A_522 : vector<16xf32>
      %parallel_loop3A_548 = math.exp %parallel_loop3A_547 : vector<16xf32>
      %parallel_loop3A_549 = arith.subf %parallel_loop3A_493, %parallel_loop3A_522 : vector<16xf32>
      %parallel_loop3A_550 = math.exp %parallel_loop3A_549 : vector<16xf32>
      %parallel_loop3A_551 = arith.subf %parallel_loop3A_500, %parallel_loop3A_522 : vector<16xf32>
      %parallel_loop3A_552 = math.exp %parallel_loop3A_551 : vector<16xf32>
      %parallel_loop3A_553 = arith.subf %parallel_loop3A_507, %parallel_loop3A_522 : vector<16xf32>
      %parallel_loop3A_554 = math.exp %parallel_loop3A_553 : vector<16xf32>
      %parallel_loop3A_555 = arith.addf %parallel_loop3A_524, %parallel_loop3A_526 : vector<16xf32>
      %parallel_loop3A_556 = arith.addf %parallel_loop3A_555, %parallel_loop3A_528 : vector<16xf32>
      %parallel_loop3A_557 = arith.addf %parallel_loop3A_556, %parallel_loop3A_530 : vector<16xf32>
      %parallel_loop3A_558 = arith.addf %parallel_loop3A_557, %parallel_loop3A_532 : vector<16xf32>
      %parallel_loop3A_559 = arith.addf %parallel_loop3A_558, %parallel_loop3A_534 : vector<16xf32>
      %parallel_loop3A_560 = arith.addf %parallel_loop3A_559, %parallel_loop3A_536 : vector<16xf32>
      %parallel_loop3A_561 = arith.addf %parallel_loop3A_560, %parallel_loop3A_538 : vector<16xf32>
      %parallel_loop3A_562 = arith.addf %parallel_loop3A_561, %parallel_loop3A_540 : vector<16xf32>
      %parallel_loop3A_563 = arith.addf %parallel_loop3A_562, %parallel_loop3A_542 : vector<16xf32>
      %parallel_loop3A_564 = arith.addf %parallel_loop3A_563, %parallel_loop3A_544 : vector<16xf32>
      %parallel_loop3A_565 = arith.addf %parallel_loop3A_564, %parallel_loop3A_546 : vector<16xf32>
      %parallel_loop3A_566 = arith.addf %parallel_loop3A_565, %parallel_loop3A_548 : vector<16xf32>
      %parallel_loop3A_567 = arith.addf %parallel_loop3A_566, %parallel_loop3A_550 : vector<16xf32>
      %parallel_loop3A_568 = arith.addf %parallel_loop3A_567, %parallel_loop3A_552 : vector<16xf32>
      %parallel_loop3A_569 = arith.addf %parallel_loop3A_568, %parallel_loop3A_554 : vector<16xf32>
      %parallel_loop3A_570 = arith.constant 1.000000e+00 : f32
      %parallel_loop3A_571 = vector.broadcast %parallel_loop3A_570 : f32 to vector<16xf32>
      %parallel_loop3A_572 = arith.divf %parallel_loop3A_571, %parallel_loop3A_569 : vector<16xf32>
      %parallel_loop3A_573 = arith.mulf %parallel_loop3A_524, %parallel_loop3A_572 : vector<16xf32>
      %parallel_loop3A_574 = arith.mulf %parallel_loop3A_526, %parallel_loop3A_572 : vector<16xf32>
      %parallel_loop3A_575 = arith.mulf %parallel_loop3A_528, %parallel_loop3A_572 : vector<16xf32>
      %parallel_loop3A_576 = arith.mulf %parallel_loop3A_530, %parallel_loop3A_572 : vector<16xf32>
      %parallel_loop3A_577 = arith.mulf %parallel_loop3A_532, %parallel_loop3A_572 : vector<16xf32>
      %parallel_loop3A_578 = arith.mulf %parallel_loop3A_534, %parallel_loop3A_572 : vector<16xf32>
      %parallel_loop3A_579 = arith.mulf %parallel_loop3A_536, %parallel_loop3A_572 : vector<16xf32>
      %parallel_loop3A_580 = arith.mulf %parallel_loop3A_538, %parallel_loop3A_572 : vector<16xf32>
      %parallel_loop3A_581 = arith.mulf %parallel_loop3A_540, %parallel_loop3A_572 : vector<16xf32>
      %parallel_loop3A_582 = arith.mulf %parallel_loop3A_542, %parallel_loop3A_572 : vector<16xf32>
      %parallel_loop3A_583 = arith.mulf %parallel_loop3A_544, %parallel_loop3A_572 : vector<16xf32>
      %parallel_loop3A_584 = arith.mulf %parallel_loop3A_546, %parallel_loop3A_572 : vector<16xf32>
      %parallel_loop3A_585 = arith.mulf %parallel_loop3A_548, %parallel_loop3A_572 : vector<16xf32>
      %parallel_loop3A_586 = arith.mulf %parallel_loop3A_550, %parallel_loop3A_572 : vector<16xf32>
      %parallel_loop3A_587 = arith.mulf %parallel_loop3A_552, %parallel_loop3A_572 : vector<16xf32>
      %parallel_loop3A_588 = arith.mulf %parallel_loop3A_554, %parallel_loop3A_572 : vector<16xf32>
      %parallel_loop3A_589 = arith.addf %parallel_loop3A_575, %parallel_loop3A_576 : vector<16xf32>
      %parallel_loop3A_590 = arith.addf %parallel_loop3A_577, %parallel_loop3A_578 : vector<16xf32>
      %parallel_loop3A_591 = arith.addf %parallel_loop3A_579, %parallel_loop3A_580 : vector<16xf32>
      %parallel_loop3A_592 = arith.addf %parallel_loop3A_581, %parallel_loop3A_582 : vector<16xf32>
      %parallel_loop3A_593 = arith.addf %parallel_loop3A_583, %parallel_loop3A_584 : vector<16xf32>
      %parallel_loop3A_594 = arith.addf %parallel_loop3A_585, %parallel_loop3A_586 : vector<16xf32>
      %parallel_loop3A_595 = arith.addf %parallel_loop3A_587, %parallel_loop3A_588 : vector<16xf32>
      %parallel_loop3A_596 = arith.addf %parallel_loop3A_592, %parallel_loop3A_593 : vector<16xf32>
      %parallel_loop3A_597 = arith.addf %parallel_loop3A_594, %parallel_loop3A_595 : vector<16xf32>
      %parallel_loop3A_598 = arith.addf %parallel_loop3A_596, %parallel_loop3A_597 : vector<16xf32>
      %parallel_loop3A_599 = arith.addf %parallel_loop3A_589, %parallel_loop3A_591 : vector<16xf32>
      %parallel_loop3A_600 = arith.addf %parallel_loop3A_592, %parallel_loop3A_594 : vector<16xf32>
      %parallel_loop3A_601 = arith.subf %parallel_loop3A_599, %parallel_loop3A_600 : vector<16xf32>
      %parallel_loop3A_602 = arith.addf %parallel_loop3A_590, %parallel_loop3A_591 : vector<16xf32>
      %parallel_loop3A_603 = arith.addf %parallel_loop3A_592, %parallel_loop3A_593 : vector<16xf32>
      %parallel_loop3A_604 = arith.subf %parallel_loop3A_602, %parallel_loop3A_603 : vector<16xf32>
      %parallel_loop3A_605 = arith.subf %parallel_loop3A_574, %parallel_loop3A_575 : vector<16xf32>
      %parallel_loop3A_606 = arith.addf %parallel_loop3A_577, %parallel_loop3A_580 : vector<16xf32>
      %parallel_loop3A_607 = arith.subf %parallel_loop3A_605, %parallel_loop3A_606 : vector<16xf32>
      %parallel_loop3A_608 = arith.constant 2.000000e+00 : f32
      %parallel_loop3A_609 = vector.broadcast %parallel_loop3A_608 : f32 to vector<16xf32>
      %parallel_loop3A_610 = arith.mulf %parallel_loop3A_609, %parallel_loop3A_579 : vector<16xf32>
      %parallel_loop3A_611 = arith.subf %parallel_loop3A_607, %parallel_loop3A_610 : vector<16xf32>
      %parallel_loop3A_612 = arith.constant 2.000000e+00 : f32
      %parallel_loop3A_613 = vector.broadcast %parallel_loop3A_612 : f32 to vector<16xf32>
      %parallel_loop3A_614 = arith.mulf %parallel_loop3A_613, %parallel_loop3A_582 : vector<16xf32>
      %parallel_loop3A_615 = arith.addf %parallel_loop3A_581, %parallel_loop3A_614 : vector<16xf32>
      %parallel_loop3A_616 = arith.addf %parallel_loop3A_611, %parallel_loop3A_615 : vector<16xf32>
      %parallel_loop3A_617 = arith.addf %parallel_loop3A_584, %parallel_loop3A_586 : vector<16xf32>
      %parallel_loop3A_618 = arith.addf %parallel_loop3A_616, %parallel_loop3A_617 : vector<16xf32>
      %parallel_loop3A_619 = arith.subf %parallel_loop3A_618, %parallel_loop3A_587 : vector<16xf32>
      %parallel_loop3A_620 = vector.bitcast %parallel_loop3A_598 : vector<16xf32> to vector<16xi32>
      %parallel_loop3A_621 = vector.bitcast %parallel_loop3A_601 : vector<16xf32> to vector<16xi32>
      %parallel_loop3A_622 = vector.bitcast %parallel_loop3A_604 : vector<16xf32> to vector<16xi32>
      %parallel_loop3A_623 = vector.bitcast %parallel_loop3A_619 : vector<16xf32> to vector<16xi32>
      %parallel_loop3A_624 = arith.constant 32768 : i32
      %parallel_loop3A_625 = vector.broadcast %parallel_loop3A_624 : i32 to vector<16xi32>
      %parallel_loop3A_626 = arith.addi %parallel_loop3A_620, %parallel_loop3A_625 : vector<16xi32>
      %parallel_loop3A_627 = arith.constant 16 : i32
      %parallel_loop3A_628 = vector.broadcast %parallel_loop3A_627 : i32 to vector<16xi32>
      %parallel_loop3A_629 = arith.shrui %parallel_loop3A_626, %parallel_loop3A_628 : vector<16xi32>
      %parallel_loop3A_630 = arith.constant 32768 : i32
      %parallel_loop3A_631 = vector.broadcast %parallel_loop3A_630 : i32 to vector<16xi32>
      %parallel_loop3A_632 = arith.addi %parallel_loop3A_621, %parallel_loop3A_631 : vector<16xi32>
      %parallel_loop3A_633 = arith.constant -65536 : i32
      %parallel_loop3A_634 = vector.broadcast %parallel_loop3A_633 : i32 to vector<16xi32>
      %parallel_loop3A_635 = arith.andi %parallel_loop3A_632, %parallel_loop3A_634 : vector<16xi32>
      %parallel_loop3A_636 = arith.ori %parallel_loop3A_629, %parallel_loop3A_635 : vector<16xi32>
      %parallel_loop3A_637 = arith.index_cast %parallel_loop3A_395 : i32 to index
      %parallel_loop3A_638 = tpu.vector_load %arg13[%parallel_loop3A_637] {strides = array<i32>} : memref<512xi32, #tpu.memory_space<vmem>>, vector<16xi32>,
      tpu.vector_store %arg13[%parallel_loop3A_637], %parallel_loop3A_636 {strides = array<i32>} : memref<512xi32, #tpu.memory_space<vmem>>, vector<16xi32>,
      %parallel_loop3A_639 = arith.constant 32768 : i32
      %parallel_loop3A_640 = vector.broadcast %parallel_loop3A_639 : i32 to vector<16xi32>
      %parallel_loop3A_641 = arith.addi %parallel_loop3A_622, %parallel_loop3A_640 : vector<16xi32>
      %parallel_loop3A_642 = arith.constant 16 : i32
      %parallel_loop3A_643 = vector.broadcast %parallel_loop3A_642 : i32 to vector<16xi32>
      %parallel_loop3A_644 = arith.shrui %parallel_loop3A_641, %parallel_loop3A_643 : vector<16xi32>
      %parallel_loop3A_645 = arith.constant 32768 : i32
      %parallel_loop3A_646 = vector.broadcast %parallel_loop3A_645 : i32 to vector<16xi32>
      %parallel_loop3A_647 = arith.addi %parallel_loop3A_623, %parallel_loop3A_646 : vector<16xi32>
      %parallel_loop3A_648 = arith.constant -65536 : i32
      %parallel_loop3A_649 = vector.broadcast %parallel_loop3A_648 : i32 to vector<16xi32>
      %parallel_loop3A_650 = arith.andi %parallel_loop3A_647, %parallel_loop3A_649 : vector<16xi32>
      %parallel_loop3A_651 = arith.ori %parallel_loop3A_644, %parallel_loop3A_650 : vector<16xi32>
      %parallel_loop3A_652 = arith.index_cast %parallel_loop3A_395 : i32 to index
      %parallel_loop3A_653 = tpu.vector_load %arg14[%parallel_loop3A_652] {strides = array<i32>} : memref<512xi32, #tpu.memory_space<vmem>>, vector<16xi32>,
      tpu.vector_store %arg14[%parallel_loop3A_652], %parallel_loop3A_651 {strides = array<i32>} : memref<512xi32, #tpu.memory_space<vmem>>, vector<16xi32>,
      %parallel_loop3A_654 = arith.index_cast %parallel_loop3A_395 : i32 to index
      %parallel_loop3A_655 = tpu.vector_load %arg10[%parallel_loop3A_654] {strides = array<i32>} : memref<512xi32, #tpu.memory_space<vmem>>, vector<16xi32>,
      %parallel_loop3A_656 = arith.index_cast %parallel_loop3A_395 : i32 to index
      %parallel_loop3A_657 = tpu.vector_load %arg11[%parallel_loop3A_656] {strides = array<i32>} : memref<512xi32, #tpu.memory_space<vmem>>, vector<16xi32>,
      %parallel_loop3A_658 = arith.constant 16 : i32
      %parallel_loop3A_659 = vector.broadcast %parallel_loop3A_658 : i32 to vector<16xi32>
      %parallel_loop3A_660 = arith.shli %parallel_loop3A_657, %parallel_loop3A_659 : vector<16xi32>
      %parallel_loop3A_661 = arith.ori %parallel_loop3A_655, %parallel_loop3A_660 : vector<16xi32>
      %parallel_loop3A_662 = arith.index_cast %parallel_loop3A_395 : i32 to index
      %parallel_loop3A_663 = tpu.vector_load %arg12[%parallel_loop3A_662] {strides = array<i32>} : memref<512xi32, #tpu.memory_space<vmem>>, vector<16xi32>,
      tpu.vector_store %arg12[%parallel_loop3A_662], %parallel_loop3A_661 {strides = array<i32>} : memref<512xi32, #tpu.memory_space<vmem>>, vector<16xi32>,
    } {sc.loop_unroll_factor = 2 : i64, sc.parallel_access}
    "tpu.region"() ({
      %run_scoped3A = tpu.sem_alloc : memref<!tpu.dma_semaphore, #tpu.memory_space<semaphore_mem>>
      %dma_start3A_393 = tpu.memref_slice %arg15[%mul3A_71] : memref<8192xi32, #tpu.memory_space<vmem_shared>> -> memref<512xi32, #tpu.memory_space<vmem_shared>>
      %dma_start3A_394 = tpu.memref_slice %arg15[%mul3A_71] : memref<8192xi32, #tpu.memory_space<vmem_shared>> -> memref<512xi32, #tpu.memory_space<vmem_shared>>
      tpu.enqueue_dma source(%arg12 : memref<512xi32, #tpu.memory_space<vmem>>) target(%dma_start3A_394 : memref<512xi32, #tpu.memory_space<vmem_shared>>) target_semaphore(%run_scoped3A : memref<!tpu.dma_semaphore, #tpu.memory_space<semaphore_mem>>)
      %dma_wait3A_395 = tpu.memref_slice %arg15[%mul3A_71] : memref<8192xi32, #tpu.memory_space<vmem_shared>> -> memref<512xi32, #tpu.memory_space<vmem_shared>>
      %dma_wait3A_396 = tpu.memref_slice %arg15[%mul3A_71] : memref<8192xi32, #tpu.memory_space<vmem_shared>> -> memref<512xi32, #tpu.memory_space<vmem_shared>>
      tpu.wait_dma2 semaphore(%run_scoped3A : memref<!tpu.dma_semaphore, #tpu.memory_space<semaphore_mem>>) src(%arg12 : memref<512xi32, #tpu.memory_space<vmem>>) dst(%dma_wait3A_396 : memref<512xi32, #tpu.memory_space<vmem_shared>>)
      tpu.yield
    }) : () -> ()
    "tpu.region"() ({
      %run_scoped3A = tpu.sem_alloc : memref<!tpu.dma_semaphore, #tpu.memory_space<semaphore_mem>>
      %dma_start3A_393 = tpu.memref_slice %arg16[%mul3A_71] : memref<8192xi32, #tpu.memory_space<vmem_shared>> -> memref<512xi32, #tpu.memory_space<vmem_shared>>
      %dma_start3A_394 = tpu.memref_slice %arg16[%mul3A_71] : memref<8192xi32, #tpu.memory_space<vmem_shared>> -> memref<512xi32, #tpu.memory_space<vmem_shared>>
      tpu.enqueue_dma source(%arg13 : memref<512xi32, #tpu.memory_space<vmem>>) target(%dma_start3A_394 : memref<512xi32, #tpu.memory_space<vmem_shared>>) target_semaphore(%run_scoped3A : memref<!tpu.dma_semaphore, #tpu.memory_space<semaphore_mem>>)
      %dma_wait3A_395 = tpu.memref_slice %arg16[%mul3A_71] : memref<8192xi32, #tpu.memory_space<vmem_shared>> -> memref<512xi32, #tpu.memory_space<vmem_shared>>
      %dma_wait3A_396 = tpu.memref_slice %arg16[%mul3A_71] : memref<8192xi32, #tpu.memory_space<vmem_shared>> -> memref<512xi32, #tpu.memory_space<vmem_shared>>
      tpu.wait_dma2 semaphore(%run_scoped3A : memref<!tpu.dma_semaphore, #tpu.memory_space<semaphore_mem>>) src(%arg13 : memref<512xi32, #tpu.memory_space<vmem>>) dst(%dma_wait3A_396 : memref<512xi32, #tpu.memory_space<vmem_shared>>)
      tpu.yield
    }) : () -> ()
    "tpu.region"() ({
      %run_scoped3A = tpu.sem_alloc : memref<!tpu.dma_semaphore, #tpu.memory_space<semaphore_mem>>
      %dma_start3A_393 = tpu.memref_slice %arg17[%mul3A_71] : memref<8192xi32, #tpu.memory_space<vmem_shared>> -> memref<512xi32, #tpu.memory_space<vmem_shared>>
      %dma_start3A_394 = tpu.memref_slice %arg17[%mul3A_71] : memref<8192xi32, #tpu.memory_space<vmem_shared>> -> memref<512xi32, #tpu.memory_space<vmem_shared>>
      tpu.enqueue_dma source(%arg14 : memref<512xi32, #tpu.memory_space<vmem>>) target(%dma_start3A_394 : memref<512xi32, #tpu.memory_space<vmem_shared>>) target_semaphore(%run_scoped3A : memref<!tpu.dma_semaphore, #tpu.memory_space<semaphore_mem>>)
      %dma_wait3A_395 = tpu.memref_slice %arg17[%mul3A_71] : memref<8192xi32, #tpu.memory_space<vmem_shared>> -> memref<512xi32, #tpu.memory_space<vmem_shared>>
      %dma_wait3A_396 = tpu.memref_slice %arg17[%mul3A_71] : memref<8192xi32, #tpu.memory_space<vmem_shared>> -> memref<512xi32, #tpu.memory_space<vmem_shared>>
      tpu.wait_dma2 semaphore(%run_scoped3A : memref<!tpu.dma_semaphore, #tpu.memory_space<semaphore_mem>>) src(%arg14 : memref<512xi32, #tpu.memory_space<vmem>>) dst(%dma_wait3A_396 : memref<512xi32, #tpu.memory_space<vmem_shared>>)
      tpu.yield
    }) : () -> ()
    %barrier3A = arith.constant 0 : index
    tpu.barrier barrier_id(%barrier3A)
    "tpu.region"() ({
      %run_scoped3A = tpu.sem_alloc : memref<!tpu.dma_semaphore, #tpu.memory_space<semaphore_mem>>
      tpu.enqueue_dma source(%arg15 : memref<8192xi32, #tpu.memory_space<vmem_shared>>) target(%arg7 : memref<8192xi32, #tpu.memory_space<vmem>>) target_semaphore(%run_scoped3A : memref<!tpu.dma_semaphore, #tpu.memory_space<semaphore_mem>>)
      tpu.wait_dma2 semaphore(%run_scoped3A : memref<!tpu.dma_semaphore, #tpu.memory_space<semaphore_mem>>) src(%arg15 : memref<8192xi32, #tpu.memory_space<vmem_shared>>) dst(%arg7 : memref<8192xi32, #tpu.memory_space<vmem>>)
      tpu.yield
    }) : () -> ()
    "tpu.region"() ({
      %run_scoped3A = tpu.sem_alloc : memref<!tpu.dma_semaphore, #tpu.memory_space<semaphore_mem>>
      tpu.enqueue_dma source(%arg16 : memref<8192xi32, #tpu.memory_space<vmem_shared>>) target(%arg8 : memref<8192xi32, #tpu.memory_space<vmem>>) target_semaphore(%run_scoped3A : memref<!tpu.dma_semaphore, #tpu.memory_space<semaphore_mem>>)
      tpu.wait_dma2 semaphore(%run_scoped3A : memref<!tpu.dma_semaphore, #tpu.memory_space<semaphore_mem>>) src(%arg16 : memref<8192xi32, #tpu.memory_space<vmem_shared>>) dst(%arg8 : memref<8192xi32, #tpu.memory_space<vmem>>)
      tpu.yield
    }) : () -> ()
    "tpu.region"() ({
      %run_scoped3A = tpu.sem_alloc : memref<!tpu.dma_semaphore, #tpu.memory_space<semaphore_mem>>
      tpu.enqueue_dma source(%arg17 : memref<8192xi32, #tpu.memory_space<vmem_shared>>) target(%arg9 : memref<8192xi32, #tpu.memory_space<vmem>>) target_semaphore(%run_scoped3A : memref<!tpu.dma_semaphore, #tpu.memory_space<semaphore_mem>>)
      tpu.wait_dma2 semaphore(%run_scoped3A : memref<!tpu.dma_semaphore, #tpu.memory_space<semaphore_mem>>) src(%arg17 : memref<8192xi32, #tpu.memory_space<vmem_shared>>) dst(%arg9 : memref<8192xi32, #tpu.memory_space<vmem>>)
      tpu.yield
    }) : () -> ()
    %dma_wait3A = arith.constant 0 : i32
    %dma_wait3A_79 = tpu.memref_slice %arg2[%mul3A_2, %dma_wait3A] : memref<2048x8192xf32, #tpu.memory_space<hbm>> -> memref<1x8192xf32, #tpu.memory_space<hbm>>
    %dma_wait3A_80 = tpu.memref_squeeze %dma_wait3A_79 : memref<1x8192xf32, #tpu.memory_space<hbm>> -> memref<8192xf32, #tpu.memory_space<hbm>>
    %dma_wait3A_81 = arith.constant 0 : i32
    %dma_wait3A_82 = tpu.memref_slice %arg2[%mul3A_2, %dma_wait3A_81] : memref<2048x8192xf32, #tpu.memory_space<hbm>> -> memref<1x8192xf32, #tpu.memory_space<hbm>>
    %dma_wait3A_83 = tpu.memref_squeeze %dma_wait3A_82 : memref<1x8192xf32, #tpu.memory_space<hbm>> -> memref<8192xf32, #tpu.memory_space<hbm>>
    tpu.wait_dma2 semaphore(%arg30 : memref<!tpu.dma_semaphore, #tpu.memory_space<semaphore_mem>>) src(%dma_wait3A_83 : memref<8192xf32, #tpu.memory_space<hbm>>) dst(%arg18 : memref<8192xf32, #tpu.memory_space<vmem>>)
    %dma_wait3A_84 = arith.constant 0 : i32
    %dma_wait3A_85 = tpu.memref_slice %arg2[%mul3A_2, %dma_wait3A_84] : memref<2048x8192xf32, #tpu.memory_space<hbm>> -> memref<1x8192xf32, #tpu.memory_space<hbm>>
    %dma_wait3A_86 = tpu.memref_squeeze %dma_wait3A_85 : memref<1x8192xf32, #tpu.memory_space<hbm>> -> memref<8192xf32, #tpu.memory_space<hbm>>
    %dma_wait3A_87 = arith.constant 0 : i32
    %dma_wait3A_88 = tpu.memref_slice %arg2[%mul3A_2, %dma_wait3A_87] : memref<2048x8192xf32, #tpu.memory_space<hbm>> -> memref<1x8192xf32, #tpu.memory_space<hbm>>
    %dma_wait3A_89 = tpu.memref_squeeze %dma_wait3A_88 : memref<1x8192xf32, #tpu.memory_space<hbm>> -> memref<8192xf32, #tpu.memory_space<hbm>>
    tpu.wait_dma2 semaphore(%arg30 : memref<!tpu.dma_semaphore, #tpu.memory_space<semaphore_mem>>) src(%dma_wait3A_89 : memref<8192xf32, #tpu.memory_space<hbm>>) dst(%arg19 : memref<8192xf32, #tpu.memory_space<vmem>>)
    %dma_wait3A_90 = arith.constant 0 : i32
    %dma_wait3A_91 = tpu.memref_slice %arg2[%mul3A_2, %dma_wait3A_90] : memref<2048x8192xf32, #tpu.memory_space<hbm>> -> memref<1x8192xf32, #tpu.memory_space<hbm>>
    %dma_wait3A_92 = tpu.memref_squeeze %dma_wait3A_91 : memref<1x8192xf32, #tpu.memory_space<hbm>> -> memref<8192xf32, #tpu.memory_space<hbm>>
    %dma_wait3A_93 = arith.constant 0 : i32
    %dma_wait3A_94 = tpu.memref_slice %arg2[%mul3A_2, %dma_wait3A_93] : memref<2048x8192xf32, #tpu.memory_space<hbm>> -> memref<1x8192xf32, #tpu.memory_space<hbm>>
    %dma_wait3A_95 = tpu.memref_squeeze %dma_wait3A_94 : memref<1x8192xf32, #tpu.memory_space<hbm>> -> memref<8192xf32, #tpu.memory_space<hbm>>
    tpu.wait_dma2 semaphore(%arg30 : memref<!tpu.dma_semaphore, #tpu.memory_space<semaphore_mem>>) src(%dma_wait3A_95 : memref<8192xf32, #tpu.memory_space<hbm>>) dst(%arg20 : memref<8192xf32, #tpu.memory_space<vmem>>)
    %parallel_loop3A_96 = arith.constant 0 : i32
    %parallel_loop3A_97 = arith.constant 512 : i32
    %parallel_loop3A_98 = arith.constant 1 : i32
    scf.for %parallel_loop3A_393 = %parallel_loop3A_96 to %parallel_loop3A_97 step %parallel_loop3A_98  : i32 {
      %parallel_loop3A_394 = arith.constant 16 : i32
      %parallel_loop3A_395 = arith.muli %parallel_loop3A_393, %parallel_loop3A_394 : i32
      %parallel_loop3A_396 = arith.index_cast %parallel_loop3A_395 : i32 to index
      %parallel_loop3A_397 = tpu.vector_load %arg7[%parallel_loop3A_396] {strides = array<i32>} : memref<8192xi32, #tpu.memory_space<vmem>>, vector<16xi32>,
      %parallel_loop3A_398 = arith.constant 65535 : i32
      %parallel_loop3A_399 = vector.broadcast %parallel_loop3A_398 : i32 to vector<16xi32>
      %parallel_loop3A_400 = arith.andi %parallel_loop3A_397, %parallel_loop3A_399 : vector<16xi32>
      %parallel_loop3A_401 = arith.constant 16 : i32
      %parallel_loop3A_402 = vector.broadcast %parallel_loop3A_401 : i32 to vector<16xi32>
      %parallel_loop3A_403 = arith.shrui %parallel_loop3A_397, %parallel_loop3A_402 : vector<16xi32>
      %parallel_loop3A_404 = arith.index_cast %parallel_loop3A_395 : i32 to index
      %parallel_loop3A_405 = tpu.vector_load %arg8[%parallel_loop3A_404] {strides = array<i32>} : memref<8192xi32, #tpu.memory_space<vmem>>, vector<16xi32>,
      %parallel_loop3A_406 = arith.index_cast %parallel_loop3A_395 : i32 to index
      %parallel_loop3A_407 = tpu.vector_load %arg9[%parallel_loop3A_406] {strides = array<i32>} : memref<8192xi32, #tpu.memory_space<vmem>>, vector<16xi32>,
      %parallel_loop3A_408 = arith.constant 16 : i32
      %parallel_loop3A_409 = vector.broadcast %parallel_loop3A_408 : i32 to vector<16xi32>
      %parallel_loop3A_410 = arith.shli %parallel_loop3A_405, %parallel_loop3A_409 : vector<16xi32>
      %parallel_loop3A_411 = vector.bitcast %parallel_loop3A_410 : vector<16xi32> to vector<16xf32>
      %parallel_loop3A_412 = vector.bitcast %parallel_loop3A_405 : vector<16xi32> to vector<16xf32>
      %parallel_loop3A_413 = arith.constant 16 : i32
      %parallel_loop3A_414 = vector.broadcast %parallel_loop3A_413 : i32 to vector<16xi32>
      %parallel_loop3A_415 = arith.shli %parallel_loop3A_407, %parallel_loop3A_414 : vector<16xi32>
      %parallel_loop3A_416 = vector.bitcast %parallel_loop3A_415 : vector<16xi32> to vector<16xf32>
      %parallel_loop3A_417 = vector.bitcast %parallel_loop3A_407 : vector<16xi32> to vector<16xf32>
      %parallel_loop3A_418 = tpu.vector_load_idx %arg18[%parallel_loop3A_400] : memref<8192xf32, #tpu.memory_space<vmem>>[vector<16xi32>], vector<16xf32>,
      %parallel_loop3A_419 = tpu.vector_load_idx %arg18[%parallel_loop3A_403] : memref<8192xf32, #tpu.memory_space<vmem>>[vector<16xi32>], vector<16xf32>,
      %parallel_loop3A_420 = arith.mulf %parallel_loop3A_416, %parallel_loop3A_419 : vector<16xf32>
      %parallel_loop3A_421 = arith.addf %parallel_loop3A_411, %parallel_loop3A_420 : vector<16xf32>
      %parallel_loop3A_422 = arith.mulf %parallel_loop3A_417, %parallel_loop3A_419 : vector<16xf32>
      %parallel_loop3A_423 = arith.addf %parallel_loop3A_412, %parallel_loop3A_422 : vector<16xf32>
      %parallel_loop3A_424 = arith.mulf %parallel_loop3A_418, %parallel_loop3A_423 : vector<16xf32>
      %parallel_loop3A_425 = arith.addf %parallel_loop3A_421, %parallel_loop3A_424 : vector<16xf32>
      %parallel_loop3A_426 = arith.index_cast %parallel_loop3A_395 : i32 to index
      %parallel_loop3A_427 = tpu.vector_load %arg24[%parallel_loop3A_426] {strides = array<i32>} : memref<8192xf32, #tpu.memory_space<vmem>>, vector<16xf32>,
      tpu.vector_store %arg24[%parallel_loop3A_426], %parallel_loop3A_425 {strides = array<i32>} : memref<8192xf32, #tpu.memory_space<vmem>>, vector<16xf32>,
      %parallel_loop3A_428 = tpu.vector_load_idx %arg19[%parallel_loop3A_400] : memref<8192xf32, #tpu.memory_space<vmem>>[vector<16xi32>], vector<16xf32>,
      %parallel_loop3A_429 = tpu.vector_load_idx %arg19[%parallel_loop3A_403] : memref<8192xf32, #tpu.memory_space<vmem>>[vector<16xi32>], vector<16xf32>,
      %parallel_loop3A_430 = arith.mulf %parallel_loop3A_416, %parallel_loop3A_429 : vector<16xf32>
      %parallel_loop3A_431 = arith.addf %parallel_loop3A_411, %parallel_loop3A_430 : vector<16xf32>
      %parallel_loop3A_432 = arith.mulf %parallel_loop3A_417, %parallel_loop3A_429 : vector<16xf32>
      %parallel_loop3A_433 = arith.addf %parallel_loop3A_412, %parallel_loop3A_432 : vector<16xf32>
      %parallel_loop3A_434 = arith.mulf %parallel_loop3A_428, %parallel_loop3A_433 : vector<16xf32>
      %parallel_loop3A_435 = arith.addf %parallel_loop3A_431, %parallel_loop3A_434 : vector<16xf32>
      %parallel_loop3A_436 = arith.index_cast %parallel_loop3A_395 : i32 to index
      %parallel_loop3A_437 = tpu.vector_load %arg25[%parallel_loop3A_436] {strides = array<i32>} : memref<8192xf32, #tpu.memory_space<vmem>>, vector<16xf32>,
      tpu.vector_store %arg25[%parallel_loop3A_436], %parallel_loop3A_435 {strides = array<i32>} : memref<8192xf32, #tpu.memory_space<vmem>>, vector<16xf32>,
      %parallel_loop3A_438 = tpu.vector_load_idx %arg20[%parallel_loop3A_400] : memref<8192xf32, #tpu.memory_space<vmem>>[vector<16xi32>], vector<16xf32>,
      %parallel_loop3A_439 = tpu.vector_load_idx %arg20[%parallel_loop3A_403] : memref<8192xf32, #tpu.memory_space<vmem>>[vector<16xi32>], vector<16xf32>,
      %parallel_loop3A_440 = arith.mulf %parallel_loop3A_416, %parallel_loop3A_439 : vector<16xf32>
      %parallel_loop3A_441 = arith.addf %parallel_loop3A_411, %parallel_loop3A_440 : vector<16xf32>
      %parallel_loop3A_442 = arith.mulf %parallel_loop3A_417, %parallel_loop3A_439 : vector<16xf32>
      %parallel_loop3A_443 = arith.addf %parallel_loop3A_412, %parallel_loop3A_442 : vector<16xf32>
      %parallel_loop3A_444 = arith.mulf %parallel_loop3A_438, %parallel_loop3A_443 : vector<16xf32>
      %parallel_loop3A_445 = arith.addf %parallel_loop3A_441, %parallel_loop3A_444 : vector<16xf32>
      %parallel_loop3A_446 = arith.index_cast %parallel_loop3A_395 : i32 to index
      %parallel_loop3A_447 = tpu.vector_load %arg26[%parallel_loop3A_446] {strides = array<i32>} : memref<8192xf32, #tpu.memory_space<vmem>>, vector<16xf32>,
      tpu.vector_store %arg26[%parallel_loop3A_446], %parallel_loop3A_445 {strides = array<i32>} : memref<8192xf32, #tpu.memory_space<vmem>>, vector<16xf32>,
    } {sc.loop_unroll_factor = 4 : i64, sc.parallel_access}
    %add3A_99 = arith.constant 0 : i32
    %add3A_100 = arith.addi %mul3A_2, %add3A_99 : i32
    %add3A_101 = arith.constant 0 : i32
    %add3A_102 = arith.addi %add3A_100, %add3A_101 : i32
    %dma_start3A_103 = arith.constant 0 : i32
    %dma_start3A_104 = tpu.memref_slice %arg6[%add3A_102, %dma_start3A_103] : memref<2048x8192xf32, #tpu.memory_space<hbm>> -> memref<1x8192xf32, #tpu.memory_space<hbm>>
    %dma_start3A_105 = tpu.memref_squeeze %dma_start3A_104 : memref<1x8192xf32, #tpu.memory_space<hbm>> -> memref<8192xf32, #tpu.memory_space<hbm>>
    %dma_start3A_106 = arith.constant 0 : i32
    %dma_start3A_107 = tpu.memref_slice %arg6[%add3A_102, %dma_start3A_106] : memref<2048x8192xf32, #tpu.memory_space<hbm>> -> memref<1x8192xf32, #tpu.memory_space<hbm>>
    %dma_start3A_108 = tpu.memref_squeeze %dma_start3A_107 : memref<1x8192xf32, #tpu.memory_space<hbm>> -> memref<8192xf32, #tpu.memory_space<hbm>>
    tpu.enqueue_dma source(%arg24 : memref<8192xf32, #tpu.memory_space<vmem>>) target(%dma_start3A_108 : memref<8192xf32, #tpu.memory_space<hbm>>) target_semaphore(%arg32 : memref<!tpu.dma_semaphore, #tpu.memory_space<semaphore_mem>>)
    %add3A_109 = arith.constant 0 : i32
    %add3A_110 = arith.addi %mul3A_2, %add3A_109 : i32
    %add3A_111 = arith.constant 1 : i32
    %add3A_112 = arith.addi %add3A_110, %add3A_111 : i32
    %dma_start3A_113 = arith.constant 0 : i32
    %dma_start3A_114 = tpu.memref_slice %arg6[%add3A_112, %dma_start3A_113] : memref<2048x8192xf32, #tpu.memory_space<hbm>> -> memref<1x8192xf32, #tpu.memory_space<hbm>>
    %dma_start3A_115 = tpu.memref_squeeze %dma_start3A_114 : memref<1x8192xf32, #tpu.memory_space<hbm>> -> memref<8192xf32, #tpu.memory_space<hbm>>
    %dma_start3A_116 = arith.constant 0 : i32
    %dma_start3A_117 = tpu.memref_slice %arg6[%add3A_112, %dma_start3A_116] : memref<2048x8192xf32, #tpu.memory_space<hbm>> -> memref<1x8192xf32, #tpu.memory_space<hbm>>
    %dma_start3A_118 = tpu.memref_squeeze %dma_start3A_117 : memref<1x8192xf32, #tpu.memory_space<hbm>> -> memref<8192xf32, #tpu.memory_space<hbm>>
    tpu.enqueue_dma source(%arg25 : memref<8192xf32, #tpu.memory_space<vmem>>) target(%dma_start3A_118 : memref<8192xf32, #tpu.memory_space<hbm>>) target_semaphore(%arg32 : memref<!tpu.dma_semaphore, #tpu.memory_space<semaphore_mem>>)
    %add3A_119 = arith.constant 0 : i32
    %add3A_120 = arith.addi %mul3A_2, %add3A_119 : i32
    %add3A_121 = arith.constant 2 : i32
    %add3A_122 = arith.addi %add3A_120, %add3A_121 : i32
    %dma_start3A_123 = arith.constant 0 : i32
    %dma_start3A_124 = tpu.memref_slice %arg6[%add3A_122, %dma_start3A_123] : memref<2048x8192xf32, #tpu.memory_space<hbm>> -> memref<1x8192xf32, #tpu.memory_space<hbm>>
    %dma_start3A_125 = tpu.memref_squeeze %dma_start3A_124 : memref<1x8192xf32, #tpu.memory_space<hbm>> -> memref<8192xf32, #tpu.memory_space<hbm>>
    %dma_start3A_126 = arith.constant 0 : i32
    %dma_start3A_127 = tpu.memref_slice %arg6[%add3A_122, %dma_start3A_126] : memref<2048x8192xf32, #tpu.memory_space<hbm>> -> memref<1x8192xf32, #tpu.memory_space<hbm>>
    %dma_start3A_128 = tpu.memref_squeeze %dma_start3A_127 : memref<1x8192xf32, #tpu.memory_space<hbm>> -> memref<8192xf32, #tpu.memory_space<hbm>>
    tpu.enqueue_dma source(%arg26 : memref<8192xf32, #tpu.memory_space<vmem>>) target(%dma_start3A_128 : memref<8192xf32, #tpu.memory_space<hbm>>) target_semaphore(%arg32 : memref<!tpu.dma_semaphore, #tpu.memory_space<semaphore_mem>>)
    %add3A_129 = arith.constant 6 : i32
    %add3A_130 = arith.addi %mul3A_2, %add3A_129 : i32
    %add3A_131 = arith.constant 0 : i32
    %add3A_132 = arith.addi %add3A_130, %add3A_131 : i32
    %min3A_133 = arith.minsi %add3A_132, %sub3A_5 : i32
    %dma_start3A_134 = arith.constant 0 : i32
    %dma_start3A_135 = tpu.memref_slice %arg2[%min3A_133, %dma_start3A_134] : memref<2048x8192xf32, #tpu.memory_space<hbm>> -> memref<1x8192xf32, #tpu.memory_space<hbm>>
    %dma_start3A_136 = tpu.memref_squeeze %dma_start3A_135 : memref<1x8192xf32, #tpu.memory_space<hbm>> -> memref<8192xf32, #tpu.memory_space<hbm>>
    %dma_start3A_137 = arith.constant 0 : i32
    %dma_start3A_138 = tpu.memref_slice %arg2[%min3A_133, %dma_start3A_137] : memref<2048x8192xf32, #tpu.memory_space<hbm>> -> memref<1x8192xf32, #tpu.memory_space<hbm>>
    %dma_start3A_139 = tpu.memref_squeeze %dma_start3A_138 : memref<1x8192xf32, #tpu.memory_space<hbm>> -> memref<8192xf32, #tpu.memory_space<hbm>>
    tpu.enqueue_dma source(%dma_start3A_139 : memref<8192xf32, #tpu.memory_space<hbm>>) target(%arg18 : memref<8192xf32, #tpu.memory_space<vmem>>) target_semaphore(%arg30 : memref<!tpu.dma_semaphore, #tpu.memory_space<semaphore_mem>>)
    %add3A_140 = arith.constant 6 : i32
    %add3A_141 = arith.addi %mul3A_2, %add3A_140 : i32
    %add3A_142 = arith.constant 1 : i32
    %add3A_143 = arith.addi %add3A_141, %add3A_142 : i32
    %min3A_144 = arith.minsi %add3A_143, %sub3A_5 : i32
    %dma_start3A_145 = arith.constant 0 : i32
    %dma_start3A_146 = tpu.memref_slice %arg2[%min3A_144, %dma_start3A_145] : memref<2048x8192xf32, #tpu.memory_space<hbm>> -> memref<1x8192xf32, #tpu.memory_space<hbm>>
    %dma_start3A_147 = tpu.memref_squeeze %dma_start3A_146 : memref<1x8192xf32, #tpu.memory_space<hbm>> -> memref<8192xf32, #tpu.memory_space<hbm>>
    %dma_start3A_148 = arith.constant 0 : i32
    %dma_start3A_149 = tpu.memref_slice %arg2[%min3A_144, %dma_start3A_148] : memref<2048x8192xf32, #tpu.memory_space<hbm>> -> memref<1x8192xf32, #tpu.memory_space<hbm>>
    %dma_start3A_150 = tpu.memref_squeeze %dma_start3A_149 : memref<1x8192xf32, #tpu.memory_space<hbm>> -> memref<8192xf32, #tpu.memory_space<hbm>>
    tpu.enqueue_dma source(%dma_start3A_150 : memref<8192xf32, #tpu.memory_space<hbm>>) target(%arg19 : memref<8192xf32, #tpu.memory_space<vmem>>) target_semaphore(%arg30 : memref<!tpu.dma_semaphore, #tpu.memory_space<semaphore_mem>>)
    %add3A_151 = arith.constant 6 : i32
    %add3A_152 = arith.addi %mul3A_2, %add3A_151 : i32
    %add3A_153 = arith.constant 2 : i32
    %add3A_154 = arith.addi %add3A_152, %add3A_153 : i32
    %min3A_155 = arith.minsi %add3A_154, %sub3A_5 : i32
    %dma_start3A_156 = arith.constant 0 : i32
    %dma_start3A_157 = tpu.memref_slice %arg2[%min3A_155, %dma_start3A_156] : memref<2048x8192xf32, #tpu.memory_space<hbm>> -> memref<1x8192xf32, #tpu.memory_space<hbm>>
    %dma_start3A_158 = tpu.memref_squeeze %dma_start3A_157 : memref<1x8192xf32, #tpu.memory_space<hbm>> -> memref<8192xf32, #tpu.memory_space<hbm>>
    %dma_start3A_159 = arith.constant 0 : i32
    %dma_start3A_160 = tpu.memref_slice %arg2[%min3A_155, %dma_start3A_159] : memref<2048x8192xf32, #tpu.memory_space<hbm>> -> memref<1x8192xf32, #tpu.memory_space<hbm>>
    %dma_start3A_161 = tpu.memref_squeeze %dma_start3A_160 : memref<1x8192xf32, #tpu.memory_space<hbm>> -> memref<8192xf32, #tpu.memory_space<hbm>>
    tpu.enqueue_dma source(%dma_start3A_161 : memref<8192xf32, #tpu.memory_space<hbm>>) target(%arg20 : memref<8192xf32, #tpu.memory_space<vmem>>) target_semaphore(%arg30 : memref<!tpu.dma_semaphore, #tpu.memory_space<semaphore_mem>>)
    %dma_wait3A_162 = arith.constant 0 : i32
    %dma_wait3A_163 = tpu.memref_slice %arg2[%mul3A_2, %dma_wait3A_162] : memref<2048x8192xf32, #tpu.memory_space<hbm>> -> memref<1x8192xf32, #tpu.memory_space<hbm>>
    %dma_wait3A_164 = tpu.memref_squeeze %dma_wait3A_163 : memref<1x8192xf32, #tpu.memory_space<hbm>> -> memref<8192xf32, #tpu.memory_space<hbm>>
    %dma_wait3A_165 = arith.constant 0 : i32
    %dma_wait3A_166 = tpu.memref_slice %arg2[%mul3A_2, %dma_wait3A_165] : memref<2048x8192xf32, #tpu.memory_space<hbm>> -> memref<1x8192xf32, #tpu.memory_space<hbm>>
    %dma_wait3A_167 = tpu.memref_squeeze %dma_wait3A_166 : memref<1x8192xf32, #tpu.memory_space<hbm>> -> memref<8192xf32, #tpu.memory_space<hbm>>
    tpu.wait_dma2 semaphore(%arg31 : memref<!tpu.dma_semaphore, #tpu.memory_space<semaphore_mem>>) src(%dma_wait3A_167 : memref<8192xf32, #tpu.memory_space<hbm>>) dst(%arg21 : memref<8192xf32, #tpu.memory_space<vmem>>)
    %dma_wait3A_168 = arith.constant 0 : i32
    %dma_wait3A_169 = tpu.memref_slice %arg2[%mul3A_2, %dma_wait3A_168] : memref<2048x8192xf32, #tpu.memory_space<hbm>> -> memref<1x8192xf32, #tpu.memory_space<hbm>>
    %dma_wait3A_170 = tpu.memref_squeeze %dma_wait3A_169 : memref<1x8192xf32, #tpu.memory_space<hbm>> -> memref<8192xf32, #tpu.memory_space<hbm>>
    %dma_wait3A_171 = arith.constant 0 : i32
    %dma_wait3A_172 = tpu.memref_slice %arg2[%mul3A_2, %dma_wait3A_171] : memref<2048x8192xf32, #tpu.memory_space<hbm>> -> memref<1x8192xf32, #tpu.memory_space<hbm>>
    %dma_wait3A_173 = tpu.memref_squeeze %dma_wait3A_172 : memref<1x8192xf32, #tpu.memory_space<hbm>> -> memref<8192xf32, #tpu.memory_space<hbm>>
    tpu.wait_dma2 semaphore(%arg31 : memref<!tpu.dma_semaphore, #tpu.memory_space<semaphore_mem>>) src(%dma_wait3A_173 : memref<8192xf32, #tpu.memory_space<hbm>>) dst(%arg22 : memref<8192xf32, #tpu.memory_space<vmem>>)
    %dma_wait3A_174 = arith.constant 0 : i32
    %dma_wait3A_175 = tpu.memref_slice %arg2[%mul3A_2, %dma_wait3A_174] : memref<2048x8192xf32, #tpu.memory_space<hbm>> -> memref<1x8192xf32, #tpu.memory_space<hbm>>
    %dma_wait3A_176 = tpu.memref_squeeze %dma_wait3A_175 : memref<1x8192xf32, #tpu.memory_space<hbm>> -> memref<8192xf32, #tpu.memory_space<hbm>>
    %dma_wait3A_177 = arith.constant 0 : i32
    %dma_wait3A_178 = tpu.memref_slice %arg2[%mul3A_2, %dma_wait3A_177] : memref<2048x8192xf32, #tpu.memory_space<hbm>> -> memref<1x8192xf32, #tpu.memory_space<hbm>>
    %dma_wait3A_179 = tpu.memref_squeeze %dma_wait3A_178 : memref<1x8192xf32, #tpu.memory_space<hbm>> -> memref<8192xf32, #tpu.memory_space<hbm>>
    tpu.wait_dma2 semaphore(%arg31 : memref<!tpu.dma_semaphore, #tpu.memory_space<semaphore_mem>>) src(%dma_wait3A_179 : memref<8192xf32, #tpu.memory_space<hbm>>) dst(%arg23 : memref<8192xf32, #tpu.memory_space<vmem>>)
    %parallel_loop3A_180 = arith.constant 0 : i32
    %parallel_loop3A_181 = arith.constant 512 : i32
    %parallel_loop3A_182 = arith.constant 1 : i32
    scf.for %parallel_loop3A_393 = %parallel_loop3A_180 to %parallel_loop3A_181 step %parallel_loop3A_182  : i32 {
      %parallel_loop3A_394 = arith.constant 16 : i32
      %parallel_loop3A_395 = arith.muli %parallel_loop3A_393, %parallel_loop3A_394 : i32
      %parallel_loop3A_396 = arith.index_cast %parallel_loop3A_395 : i32 to index
      %parallel_loop3A_397 = tpu.vector_load %arg7[%parallel_loop3A_396] {strides = array<i32>} : memref<8192xi32, #tpu.memory_space<vmem>>, vector<16xi32>,
      %parallel_loop3A_398 = arith.constant 65535 : i32
      %parallel_loop3A_399 = vector.broadcast %parallel_loop3A_398 : i32 to vector<16xi32>
      %parallel_loop3A_400 = arith.andi %parallel_loop3A_397, %parallel_loop3A_399 : vector<16xi32>
      %parallel_loop3A_401 = arith.constant 16 : i32
      %parallel_loop3A_402 = vector.broadcast %parallel_loop3A_401 : i32 to vector<16xi32>
      %parallel_loop3A_403 = arith.shrui %parallel_loop3A_397, %parallel_loop3A_402 : vector<16xi32>
      %parallel_loop3A_404 = arith.index_cast %parallel_loop3A_395 : i32 to index
      %parallel_loop3A_405 = tpu.vector_load %arg8[%parallel_loop3A_404] {strides = array<i32>} : memref<8192xi32, #tpu.memory_space<vmem>>, vector<16xi32>,
      %parallel_loop3A_406 = arith.index_cast %parallel_loop3A_395 : i32 to index
      %parallel_loop3A_407 = tpu.vector_load %arg9[%parallel_loop3A_406] {strides = array<i32>} : memref<8192xi32, #tpu.memory_space<vmem>>, vector<16xi32>,
      %parallel_loop3A_408 = arith.constant 16 : i32
      %parallel_loop3A_409 = vector.broadcast %parallel_loop3A_408 : i32 to vector<16xi32>
      %parallel_loop3A_410 = arith.shli %parallel_loop3A_405, %parallel_loop3A_409 : vector<16xi32>
      %parallel_loop3A_411 = vector.bitcast %parallel_loop3A_410 : vector<16xi32> to vector<16xf32>
      %parallel_loop3A_412 = vector.bitcast %parallel_loop3A_405 : vector<16xi32> to vector<16xf32>
      %parallel_loop3A_413 = arith.constant 16 : i32
      %parallel_loop3A_414 = vector.broadcast %parallel_loop3A_413 : i32 to vector<16xi32>
      %parallel_loop3A_415 = arith.shli %parallel_loop3A_407, %parallel_loop3A_414 : vector<16xi32>
      %parallel_loop3A_416 = vector.bitcast %parallel_loop3A_415 : vector<16xi32> to vector<16xf32>
      %parallel_loop3A_417 = vector.bitcast %parallel_loop3A_407 : vector<16xi32> to vector<16xf32>
      %parallel_loop3A_418 = tpu.vector_load_idx %arg21[%parallel_loop3A_400] : memref<8192xf32, #tpu.memory_space<vmem>>[vector<16xi32>], vector<16xf32>,
      %parallel_loop3A_419 = tpu.vector_load_idx %arg21[%parallel_loop3A_403] : memref<8192xf32, #tpu.memory_space<vmem>>[vector<16xi32>], vector<16xf32>,
      %parallel_loop3A_420 = arith.mulf %parallel_loop3A_416, %parallel_loop3A_419 : vector<16xf32>
      %parallel_loop3A_421 = arith.addf %parallel_loop3A_411, %parallel_loop3A_420 : vector<16xf32>
      %parallel_loop3A_422 = arith.mulf %parallel_loop3A_417, %parallel_loop3A_419 : vector<16xf32>
      %parallel_loop3A_423 = arith.addf %parallel_loop3A_412, %parallel_loop3A_422 : vector<16xf32>
      %parallel_loop3A_424 = arith.mulf %parallel_loop3A_418, %parallel_loop3A_423 : vector<16xf32>
      %parallel_loop3A_425 = arith.addf %parallel_loop3A_421, %parallel_loop3A_424 : vector<16xf32>
      %parallel_loop3A_426 = arith.index_cast %parallel_loop3A_395 : i32 to index
      %parallel_loop3A_427 = tpu.vector_load %arg27[%parallel_loop3A_426] {strides = array<i32>} : memref<8192xf32, #tpu.memory_space<vmem>>, vector<16xf32>,
      tpu.vector_store %arg27[%parallel_loop3A_426], %parallel_loop3A_425 {strides = array<i32>} : memref<8192xf32, #tpu.memory_space<vmem>>, vector<16xf32>,
      %parallel_loop3A_428 = tpu.vector_load_idx %arg22[%parallel_loop3A_400] : memref<8192xf32, #tpu.memory_space<vmem>>[vector<16xi32>], vector<16xf32>,
      %parallel_loop3A_429 = tpu.vector_load_idx %arg22[%parallel_loop3A_403] : memref<8192xf32, #tpu.memory_space<vmem>>[vector<16xi32>], vector<16xf32>,
      %parallel_loop3A_430 = arith.mulf %parallel_loop3A_416, %parallel_loop3A_429 : vector<16xf32>
      %parallel_loop3A_431 = arith.addf %parallel_loop3A_411, %parallel_loop3A_430 : vector<16xf32>
      %parallel_loop3A_432 = arith.mulf %parallel_loop3A_417, %parallel_loop3A_429 : vector<16xf32>
      %parallel_loop3A_433 = arith.addf %parallel_loop3A_412, %parallel_loop3A_432 : vector<16xf32>
      %parallel_loop3A_434 = arith.mulf %parallel_loop3A_428, %parallel_loop3A_433 : vector<16xf32>
      %parallel_loop3A_435 = arith.addf %parallel_loop3A_431, %parallel_loop3A_434 : vector<16xf32>
      %parallel_loop3A_436 = arith.index_cast %parallel_loop3A_395 : i32 to index
      %parallel_loop3A_437 = tpu.vector_load %arg28[%parallel_loop3A_436] {strides = array<i32>} : memref<8192xf32, #tpu.memory_space<vmem>>, vector<16xf32>,
      tpu.vector_store %arg28[%parallel_loop3A_436], %parallel_loop3A_435 {strides = array<i32>} : memref<8192xf32, #tpu.memory_space<vmem>>, vector<16xf32>,
      %parallel_loop3A_438 = tpu.vector_load_idx %arg23[%parallel_loop3A_400] : memref<8192xf32, #tpu.memory_space<vmem>>[vector<16xi32>], vector<16xf32>,
      %parallel_loop3A_439 = tpu.vector_load_idx %arg23[%parallel_loop3A_403] : memref<8192xf32, #tpu.memory_space<vmem>>[vector<16xi32>], vector<16xf32>,
      %parallel_loop3A_440 = arith.mulf %parallel_loop3A_416, %parallel_loop3A_439 : vector<16xf32>
      %parallel_loop3A_441 = arith.addf %parallel_loop3A_411, %parallel_loop3A_440 : vector<16xf32>
      %parallel_loop3A_442 = arith.mulf %parallel_loop3A_417, %parallel_loop3A_439 : vector<16xf32>
      %parallel_loop3A_443 = arith.addf %parallel_loop3A_412, %parallel_loop3A_442 : vector<16xf32>
      %parallel_loop3A_444 = arith.mulf %parallel_loop3A_438, %parallel_loop3A_443 : vector<16xf32>
      %parallel_loop3A_445 = arith.addf %parallel_loop3A_441, %parallel_loop3A_444 : vector<16xf32>
      %parallel_loop3A_446 = arith.index_cast %parallel_loop3A_395 : i32 to index
      %parallel_loop3A_447 = tpu.vector_load %arg29[%parallel_loop3A_446] {strides = array<i32>} : memref<8192xf32, #tpu.memory_space<vmem>>, vector<16xf32>,
      tpu.vector_store %arg29[%parallel_loop3A_446], %parallel_loop3A_445 {strides = array<i32>} : memref<8192xf32, #tpu.memory_space<vmem>>, vector<16xf32>,
    } {sc.loop_unroll_factor = 4 : i64, sc.parallel_access}
    %add3A_183 = arith.constant 3 : i32
    %add3A_184 = arith.addi %mul3A_2, %add3A_183 : i32
    %add3A_185 = arith.constant 0 : i32
    %add3A_186 = arith.addi %add3A_184, %add3A_185 : i32
    %dma_start3A_187 = arith.constant 0 : i32
    %dma_start3A_188 = tpu.memref_slice %arg6[%add3A_186, %dma_start3A_187] : memref<2048x8192xf32, #tpu.memory_space<hbm>> -> memref<1x8192xf32, #tpu.memory_space<hbm>>
    %dma_start3A_189 = tpu.memref_squeeze %dma_start3A_188 : memref<1x8192xf32, #tpu.memory_space<hbm>> -> memref<8192xf32, #tpu.memory_space<hbm>>
    %dma_start3A_190 = arith.constant 0 : i32
    %dma_start3A_191 = tpu.memref_slice %arg6[%add3A_186, %dma_start3A_190] : memref<2048x8192xf32, #tpu.memory_space<hbm>> -> memref<1x8192xf32, #tpu.memory_space<hbm>>
    %dma_start3A_192 = tpu.memref_squeeze %dma_start3A_191 : memref<1x8192xf32, #tpu.memory_space<hbm>> -> memref<8192xf32, #tpu.memory_space<hbm>>
    tpu.enqueue_dma source(%arg27 : memref<8192xf32, #tpu.memory_space<vmem>>) target(%dma_start3A_192 : memref<8192xf32, #tpu.memory_space<hbm>>) target_semaphore(%arg33 : memref<!tpu.dma_semaphore, #tpu.memory_space<semaphore_mem>>)
    %add3A_193 = arith.constant 3 : i32
    %add3A_194 = arith.addi %mul3A_2, %add3A_193 : i32
    %add3A_195 = arith.constant 1 : i32
    %add3A_196 = arith.addi %add3A_194, %add3A_195 : i32
    %dma_start3A_197 = arith.constant 0 : i32
    %dma_start3A_198 = tpu.memref_slice %arg6[%add3A_196, %dma_start3A_197] : memref<2048x8192xf32, #tpu.memory_space<hbm>> -> memref<1x8192xf32, #tpu.memory_space<hbm>>
    %dma_start3A_199 = tpu.memref_squeeze %dma_start3A_198 : memref<1x8192xf32, #tpu.memory_space<hbm>> -> memref<8192xf32, #tpu.memory_space<hbm>>
    %dma_start3A_200 = arith.constant 0 : i32
    %dma_start3A_201 = tpu.memref_slice %arg6[%add3A_196, %dma_start3A_200] : memref<2048x8192xf32, #tpu.memory_space<hbm>> -> memref<1x8192xf32, #tpu.memory_space<hbm>>
    %dma_start3A_202 = tpu.memref_squeeze %dma_start3A_201 : memref<1x8192xf32, #tpu.memory_space<hbm>> -> memref<8192xf32, #tpu.memory_space<hbm>>
    tpu.enqueue_dma source(%arg28 : memref<8192xf32, #tpu.memory_space<vmem>>) target(%dma_start3A_202 : memref<8192xf32, #tpu.memory_space<hbm>>) target_semaphore(%arg33 : memref<!tpu.dma_semaphore, #tpu.memory_space<semaphore_mem>>)
    %add3A_203 = arith.constant 3 : i32
    %add3A_204 = arith.addi %mul3A_2, %add3A_203 : i32
    %add3A_205 = arith.constant 2 : i32
    %add3A_206 = arith.addi %add3A_204, %add3A_205 : i32
    %dma_start3A_207 = arith.constant 0 : i32
    %dma_start3A_208 = tpu.memref_slice %arg6[%add3A_206, %dma_start3A_207] : memref<2048x8192xf32, #tpu.memory_space<hbm>> -> memref<1x8192xf32, #tpu.memory_space<hbm>>
    %dma_start3A_209 = tpu.memref_squeeze %dma_start3A_208 : memref<1x8192xf32, #tpu.memory_space<hbm>> -> memref<8192xf32, #tpu.memory_space<hbm>>
    %dma_start3A_210 = arith.constant 0 : i32
    %dma_start3A_211 = tpu.memref_slice %arg6[%add3A_206, %dma_start3A_210] : memref<2048x8192xf32, #tpu.memory_space<hbm>> -> memref<1x8192xf32, #tpu.memory_space<hbm>>
    %dma_start3A_212 = tpu.memref_squeeze %dma_start3A_211 : memref<1x8192xf32, #tpu.memory_space<hbm>> -> memref<8192xf32, #tpu.memory_space<hbm>>
    tpu.enqueue_dma source(%arg29 : memref<8192xf32, #tpu.memory_space<vmem>>) target(%dma_start3A_212 : memref<8192xf32, #tpu.memory_space<hbm>>) target_semaphore(%arg33 : memref<!tpu.dma_semaphore, #tpu.memory_space<semaphore_mem>>)
    %add3A_213 = arith.constant 9 : i32
    %add3A_214 = arith.addi %mul3A_2, %add3A_213 : i32
    %add3A_215 = arith.constant 0 : i32
    %add3A_216 = arith.addi %add3A_214, %add3A_215 : i32
    %min3A_217 = arith.minsi %add3A_216, %sub3A_5 : i32
    %dma_start3A_218 = arith.constant 0 : i32
    %dma_start3A_219 = tpu.memref_slice %arg2[%min3A_217, %dma_start3A_218] : memref<2048x8192xf32, #tpu.memory_space<hbm>> -> memref<1x8192xf32, #tpu.memory_space<hbm>>
    %dma_start3A_220 = tpu.memref_squeeze %dma_start3A_219 : memref<1x8192xf32, #tpu.memory_space<hbm>> -> memref<8192xf32, #tpu.memory_space<hbm>>
    %dma_start3A_221 = arith.constant 0 : i32
    %dma_start3A_222 = tpu.memref_slice %arg2[%min3A_217, %dma_start3A_221] : memref<2048x8192xf32, #tpu.memory_space<hbm>> -> memref<1x8192xf32, #tpu.memory_space<hbm>>
    %dma_start3A_223 = tpu.memref_squeeze %dma_start3A_222 : memref<1x8192xf32, #tpu.memory_space<hbm>> -> memref<8192xf32, #tpu.memory_space<hbm>>
    tpu.enqueue_dma source(%dma_start3A_223 : memref<8192xf32, #tpu.memory_space<hbm>>) target(%arg21 : memref<8192xf32, #tpu.memory_space<vmem>>) target_semaphore(%arg31 : memref<!tpu.dma_semaphore, #tpu.memory_space<semaphore_mem>>)
    %add3A_224 = arith.constant 9 : i32
    %add3A_225 = arith.addi %mul3A_2, %add3A_224 : i32
    %add3A_226 = arith.constant 1 : i32
    %add3A_227 = arith.addi %add3A_225, %add3A_226 : i32
    %min3A_228 = arith.minsi %add3A_227, %sub3A_5 : i32
    %dma_start3A_229 = arith.constant 0 : i32
    %dma_start3A_230 = tpu.memref_slice %arg2[%min3A_228, %dma_start3A_229] : memref<2048x8192xf32, #tpu.memory_space<hbm>> -> memref<1x8192xf32, #tpu.memory_space<hbm>>
    %dma_start3A_231 = tpu.memref_squeeze %dma_start3A_230 : memref<1x8192xf32, #tpu.memory_space<hbm>> -> memref<8192xf32, #tpu.memory_space<hbm>>
    %dma_start3A_232 = arith.constant 0 : i32
    %dma_start3A_233 = tpu.memref_slice %arg2[%min3A_228, %dma_start3A_232] : memref<2048x8192xf32, #tpu.memory_space<hbm>> -> memref<1x8192xf32, #tpu.memory_space<hbm>>
    %dma_start3A_234 = tpu.memref_squeeze %dma_start3A_233 : memref<1x8192xf32, #tpu.memory_space<hbm>> -> memref<8192xf32, #tpu.memory_space<hbm>>
    tpu.enqueue_dma source(%dma_start3A_234 : memref<8192xf32, #tpu.memory_space<hbm>>) target(%arg22 : memref<8192xf32, #tpu.memory_space<vmem>>) target_semaphore(%arg31 : memref<!tpu.dma_semaphore, #tpu.memory_space<semaphore_mem>>)
    %add3A_235 = arith.constant 9 : i32
    %add3A_236 = arith.addi %mul3A_2, %add3A_235 : i32
    %add3A_237 = arith.constant 2 : i32
    %add3A_238 = arith.addi %add3A_236, %add3A_237 : i32
    %min3A_239 = arith.minsi %add3A_238, %sub3A_5 : i32
    %dma_start3A_240 = arith.constant 0 : i32
    %dma_start3A_241 = tpu.memref_slice %arg2[%min3A_239, %dma_start3A_240] : memref<2048x8192xf32, #tpu.memory_space<hbm>> -> memref<1x8192xf32, #tpu.memory_space<hbm>>
    %dma_start3A_242 = tpu.memref_squeeze %dma_start3A_241 : memref<1x8192xf32, #tpu.memory_space<hbm>> -> memref<8192xf32, #tpu.memory_space<hbm>>
    %dma_start3A_243 = arith.constant 0 : i32
    %dma_start3A_244 = tpu.memref_slice %arg2[%min3A_239, %dma_start3A_243] : memref<2048x8192xf32, #tpu.memory_space<hbm>> -> memref<1x8192xf32, #tpu.memory_space<hbm>>
    %dma_start3A_245 = tpu.memref_squeeze %dma_start3A_244 : memref<1x8192xf32, #tpu.memory_space<hbm>> -> memref<8192xf32, #tpu.memory_space<hbm>>
    tpu.enqueue_dma source(%dma_start3A_245 : memref<8192xf32, #tpu.memory_space<hbm>>) target(%arg23 : memref<8192xf32, #tpu.memory_space<vmem>>) target_semaphore(%arg31 : memref<!tpu.dma_semaphore, #tpu.memory_space<semaphore_mem>>)
    %scan3A = arith.constant 0 : i32
    %scan3A_246 = arith.constant 1 : i32
    %scan3A_247 = arith.constant 9 : i32
    %scan3A_248 = arith.addi %scan3A_246, %scan3A_247 : i32
    %scan3A_249 = arith.constant 1 : i32
    scf.for %scan3A_393 = %scan3A_246 to %scan3A_248 step %scan3A_249  : i32 {
      %mul3A_394 = arith.constant 6 : i32
      %mul3A_395 = arith.muli %scan3A_393, %mul3A_394 : i32
      %dma_wait3A_396 = arith.constant 0 : i32
      %dma_wait3A_397 = tpu.memref_slice %arg6[%mul3A_2, %dma_wait3A_396] : memref<2048x8192xf32, #tpu.memory_space<hbm>> -> memref<1x8192xf32, #tpu.memory_space<hbm>>
      %dma_wait3A_398 = tpu.memref_squeeze %dma_wait3A_397 : memref<1x8192xf32, #tpu.memory_space<hbm>> -> memref<8192xf32, #tpu.memory_space<hbm>>
      %dma_wait3A_399 = arith.constant 0 : i32
      %dma_wait3A_400 = tpu.memref_slice %arg6[%mul3A_2, %dma_wait3A_399] : memref<2048x8192xf32, #tpu.memory_space<hbm>> -> memref<1x8192xf32, #tpu.memory_space<hbm>>
      %dma_wait3A_401 = tpu.memref_squeeze %dma_wait3A_400 : memref<1x8192xf32, #tpu.memory_space<hbm>> -> memref<8192xf32, #tpu.memory_space<hbm>>
      tpu.wait_dma2 semaphore(%arg32 : memref<!tpu.dma_semaphore, #tpu.memory_space<semaphore_mem>>) src(%arg24 : memref<8192xf32, #tpu.memory_space<vmem>>) dst(%dma_wait3A_401 : memref<8192xf32, #tpu.memory_space<hbm>>)
      %dma_wait3A_402 = arith.constant 0 : i32
      %dma_wait3A_403 = tpu.memref_slice %arg6[%mul3A_2, %dma_wait3A_402] : memref<2048x8192xf32, #tpu.memory_space<hbm>> -> memref<1x8192xf32, #tpu.memory_space<hbm>>
      %dma_wait3A_404 = tpu.memref_squeeze %dma_wait3A_403 : memref<1x8192xf32, #tpu.memory_space<hbm>> -> memref<8192xf32, #tpu.memory_space<hbm>>
      %dma_wait3A_405 = arith.constant 0 : i32
      %dma_wait3A_406 = tpu.memref_slice %arg6[%mul3A_2, %dma_wait3A_405] : memref<2048x8192xf32, #tpu.memory_space<hbm>> -> memref<1x8192xf32, #tpu.memory_space<hbm>>
      %dma_wait3A_407 = tpu.memref_squeeze %dma_wait3A_406 : memref<1x8192xf32, #tpu.memory_space<hbm>> -> memref<8192xf32, #tpu.memory_space<hbm>>
      tpu.wait_dma2 semaphore(%arg32 : memref<!tpu.dma_semaphore, #tpu.memory_space<semaphore_mem>>) src(%arg25 : memref<8192xf32, #tpu.memory_space<vmem>>) dst(%dma_wait3A_407 : memref<8192xf32, #tpu.memory_space<hbm>>)
      %dma_wait3A_408 = arith.constant 0 : i32
      %dma_wait3A_409 = tpu.memref_slice %arg6[%mul3A_2, %dma_wait3A_408] : memref<2048x8192xf32, #tpu.memory_space<hbm>> -> memref<1x8192xf32, #tpu.memory_space<hbm>>
      %dma_wait3A_410 = tpu.memref_squeeze %dma_wait3A_409 : memref<1x8192xf32, #tpu.memory_space<hbm>> -> memref<8192xf32, #tpu.memory_space<hbm>>
      %dma_wait3A_411 = arith.constant 0 : i32
      %dma_wait3A_412 = tpu.memref_slice %arg6[%mul3A_2, %dma_wait3A_411] : memref<2048x8192xf32, #tpu.memory_space<hbm>> -> memref<1x8192xf32, #tpu.memory_space<hbm>>
      %dma_wait3A_413 = tpu.memref_squeeze %dma_wait3A_412 : memref<1x8192xf32, #tpu.memory_space<hbm>> -> memref<8192xf32, #tpu.memory_space<hbm>>
      tpu.wait_dma2 semaphore(%arg32 : memref<!tpu.dma_semaphore, #tpu.memory_space<semaphore_mem>>) src(%arg26 : memref<8192xf32, #tpu.memory_space<vmem>>) dst(%dma_wait3A_413 : memref<8192xf32, #tpu.memory_space<hbm>>)
      %dma_wait3A_414 = arith.constant 0 : i32
      %dma_wait3A_415 = tpu.memref_slice %arg2[%mul3A_2, %dma_wait3A_414] : memref<2048x8192xf32, #tpu.memory_space<hbm>> -> memref<1x8192xf32, #tpu.memory_space<hbm>>
      %dma_wait3A_416 = tpu.memref_squeeze %dma_wait3A_415 : memref<1x8192xf32, #tpu.memory_space<hbm>> -> memref<8192xf32, #tpu.memory_space<hbm>>
      %dma_wait3A_417 = arith.constant 0 : i32
      %dma_wait3A_418 = tpu.memref_slice %arg2[%mul3A_2, %dma_wait3A_417] : memref<2048x8192xf32, #tpu.memory_space<hbm>> -> memref<1x8192xf32, #tpu.memory_space<hbm>>
      %dma_wait3A_419 = tpu.memref_squeeze %dma_wait3A_418 : memref<1x8192xf32, #tpu.memory_space<hbm>> -> memref<8192xf32, #tpu.memory_space<hbm>>
      tpu.wait_dma2 semaphore(%arg30 : memref<!tpu.dma_semaphore, #tpu.memory_space<semaphore_mem>>) src(%dma_wait3A_419 : memref<8192xf32, #tpu.memory_space<hbm>>) dst(%arg18 : memref<8192xf32, #tpu.memory_space<vmem>>)
      %dma_wait3A_420 = arith.constant 0 : i32
      %dma_wait3A_421 = tpu.memref_slice %arg2[%mul3A_2, %dma_wait3A_420] : memref<2048x8192xf32, #tpu.memory_space<hbm>> -> memref<1x8192xf32, #tpu.memory_space<hbm>>
      %dma_wait3A_422 = tpu.memref_squeeze %dma_wait3A_421 : memref<1x8192xf32, #tpu.memory_space<hbm>> -> memref<8192xf32, #tpu.memory_space<hbm>>
      %dma_wait3A_423 = arith.constant 0 : i32
      %dma_wait3A_424 = tpu.memref_slice %arg2[%mul3A_2, %dma_wait3A_423] : memref<2048x8192xf32, #tpu.memory_space<hbm>> -> memref<1x8192xf32, #tpu.memory_space<hbm>>
      %dma_wait3A_425 = tpu.memref_squeeze %dma_wait3A_424 : memref<1x8192xf32, #tpu.memory_space<hbm>> -> memref<8192xf32, #tpu.memory_space<hbm>>
      tpu.wait_dma2 semaphore(%arg30 : memref<!tpu.dma_semaphore, #tpu.memory_space<semaphore_mem>>) src(%dma_wait3A_425 : memref<8192xf32, #tpu.memory_space<hbm>>) dst(%arg19 : memref<8192xf32, #tpu.memory_space<vmem>>)
      %dma_wait3A_426 = arith.constant 0 : i32
      %dma_wait3A_427 = tpu.memref_slice %arg2[%mul3A_2, %dma_wait3A_426] : memref<2048x8192xf32, #tpu.memory_space<hbm>> -> memref<1x8192xf32, #tpu.memory_space<hbm>>
      %dma_wait3A_428 = tpu.memref_squeeze %dma_wait3A_427 : memref<1x8192xf32, #tpu.memory_space<hbm>> -> memref<8192xf32, #tpu.memory_space<hbm>>
      %dma_wait3A_429 = arith.constant 0 : i32
      %dma_wait3A_430 = tpu.memref_slice %arg2[%mul3A_2, %dma_wait3A_429] : memref<2048x8192xf32, #tpu.memory_space<hbm>> -> memref<1x8192xf32, #tpu.memory_space<hbm>>
      %dma_wait3A_431 = tpu.memref_squeeze %dma_wait3A_430 : memref<1x8192xf32, #tpu.memory_space<hbm>> -> memref<8192xf32, #tpu.memory_space<hbm>>
      tpu.wait_dma2 semaphore(%arg30 : memref<!tpu.dma_semaphore, #tpu.memory_space<semaphore_mem>>) src(%dma_wait3A_431 : memref<8192xf32, #tpu.memory_space<hbm>>) dst(%arg20 : memref<8192xf32, #tpu.memory_space<vmem>>)
      %parallel_loop3A_432 = arith.constant 0 : i32
      %parallel_loop3A_433 = arith.constant 512 : i32
      %parallel_loop3A_434 = arith.constant 1 : i32
      scf.for %parallel_loop3A_594 = %parallel_loop3A_432 to %parallel_loop3A_433 step %parallel_loop3A_434  : i32 {
        %parallel_loop3A_595 = arith.constant 16 : i32
        %parallel_loop3A_596 = arith.muli %parallel_loop3A_594, %parallel_loop3A_595 : i32
        %parallel_loop3A_597 = arith.index_cast %parallel_loop3A_596 : i32 to index
        %parallel_loop3A_598 = tpu.vector_load %arg7[%parallel_loop3A_597] {strides = array<i32>} : memref<8192xi32, #tpu.memory_space<vmem>>, vector<16xi32>,
        %parallel_loop3A_599 = arith.constant 65535 : i32
        %parallel_loop3A_600 = vector.broadcast %parallel_loop3A_599 : i32 to vector<16xi32>
        %parallel_loop3A_601 = arith.andi %parallel_loop3A_598, %parallel_loop3A_600 : vector<16xi32>
        %parallel_loop3A_602 = arith.constant 16 : i32
        %parallel_loop3A_603 = vector.broadcast %parallel_loop3A_602 : i32 to vector<16xi32>
        %parallel_loop3A_604 = arith.shrui %parallel_loop3A_598, %parallel_loop3A_603 : vector<16xi32>
        %parallel_loop3A_605 = arith.index_cast %parallel_loop3A_596 : i32 to index
        %parallel_loop3A_606 = tpu.vector_load %arg8[%parallel_loop3A_605] {strides = array<i32>} : memref<8192xi32, #tpu.memory_space<vmem>>, vector<16xi32>,
        %parallel_loop3A_607 = arith.index_cast %parallel_loop3A_596 : i32 to index
        %parallel_loop3A_608 = tpu.vector_load %arg9[%parallel_loop3A_607] {strides = array<i32>} : memref<8192xi32, #tpu.memory_space<vmem>>, vector<16xi32>,
        %parallel_loop3A_609 = arith.constant 16 : i32
        %parallel_loop3A_610 = vector.broadcast %parallel_loop3A_609 : i32 to vector<16xi32>
        %parallel_loop3A_611 = arith.shli %parallel_loop3A_606, %parallel_loop3A_610 : vector<16xi32>
        %parallel_loop3A_612 = vector.bitcast %parallel_loop3A_611 : vector<16xi32> to vector<16xf32>
        %parallel_loop3A_613 = vector.bitcast %parallel_loop3A_606 : vector<16xi32> to vector<16xf32>
        %parallel_loop3A_614 = arith.constant 16 : i32
        %parallel_loop3A_615 = vector.broadcast %parallel_loop3A_614 : i32 to vector<16xi32>
        %parallel_loop3A_616 = arith.shli %parallel_loop3A_608, %parallel_loop3A_615 : vector<16xi32>
        %parallel_loop3A_617 = vector.bitcast %parallel_loop3A_616 : vector<16xi32> to vector<16xf32>
        %parallel_loop3A_618 = vector.bitcast %parallel_loop3A_608 : vector<16xi32> to vector<16xf32>
        %parallel_loop3A_619 = tpu.vector_load_idx %arg18[%parallel_loop3A_601] : memref<8192xf32, #tpu.memory_space<vmem>>[vector<16xi32>], vector<16xf32>,
        %parallel_loop3A_620 = tpu.vector_load_idx %arg18[%parallel_loop3A_604] : memref<8192xf32, #tpu.memory_space<vmem>>[vector<16xi32>], vector<16xf32>,
        %parallel_loop3A_621 = arith.mulf %parallel_loop3A_617, %parallel_loop3A_620 : vector<16xf32>
        %parallel_loop3A_622 = arith.addf %parallel_loop3A_612, %parallel_loop3A_621 : vector<16xf32>
        %parallel_loop3A_623 = arith.mulf %parallel_loop3A_618, %parallel_loop3A_620 : vector<16xf32>
        %parallel_loop3A_624 = arith.addf %parallel_loop3A_613, %parallel_loop3A_623 : vector<16xf32>
        %parallel_loop3A_625 = arith.mulf %parallel_loop3A_619, %parallel_loop3A_624 : vector<16xf32>
        %parallel_loop3A_626 = arith.addf %parallel_loop3A_622, %parallel_loop3A_625 : vector<16xf32>
        %parallel_loop3A_627 = arith.index_cast %parallel_loop3A_596 : i32 to index
        %parallel_loop3A_628 = tpu.vector_load %arg24[%parallel_loop3A_627] {strides = array<i32>} : memref<8192xf32, #tpu.memory_space<vmem>>, vector<16xf32>,
        tpu.vector_store %arg24[%parallel_loop3A_627], %parallel_loop3A_626 {strides = array<i32>} : memref<8192xf32, #tpu.memory_space<vmem>>, vector<16xf32>,
        %parallel_loop3A_629 = tpu.vector_load_idx %arg19[%parallel_loop3A_601] : memref<8192xf32, #tpu.memory_space<vmem>>[vector<16xi32>], vector<16xf32>,
        %parallel_loop3A_630 = tpu.vector_load_idx %arg19[%parallel_loop3A_604] : memref<8192xf32, #tpu.memory_space<vmem>>[vector<16xi32>], vector<16xf32>,
        %parallel_loop3A_631 = arith.mulf %parallel_loop3A_617, %parallel_loop3A_630 : vector<16xf32>
        %parallel_loop3A_632 = arith.addf %parallel_loop3A_612, %parallel_loop3A_631 : vector<16xf32>
        %parallel_loop3A_633 = arith.mulf %parallel_loop3A_618, %parallel_loop3A_630 : vector<16xf32>
        %parallel_loop3A_634 = arith.addf %parallel_loop3A_613, %parallel_loop3A_633 : vector<16xf32>
        %parallel_loop3A_635 = arith.mulf %parallel_loop3A_629, %parallel_loop3A_634 : vector<16xf32>
        %parallel_loop3A_636 = arith.addf %parallel_loop3A_632, %parallel_loop3A_635 : vector<16xf32>
        %parallel_loop3A_637 = arith.index_cast %parallel_loop3A_596 : i32 to index
        %parallel_loop3A_638 = tpu.vector_load %arg25[%parallel_loop3A_637] {strides = array<i32>} : memref<8192xf32, #tpu.memory_space<vmem>>, vector<16xf32>,
        tpu.vector_store %arg25[%parallel_loop3A_637], %parallel_loop3A_636 {strides = array<i32>} : memref<8192xf32, #tpu.memory_space<vmem>>, vector<16xf32>,
        %parallel_loop3A_639 = tpu.vector_load_idx %arg20[%parallel_loop3A_601] : memref<8192xf32, #tpu.memory_space<vmem>>[vector<16xi32>], vector<16xf32>,
        %parallel_loop3A_640 = tpu.vector_load_idx %arg20[%parallel_loop3A_604] : memref<8192xf32, #tpu.memory_space<vmem>>[vector<16xi32>], vector<16xf32>,
        %parallel_loop3A_641 = arith.mulf %parallel_loop3A_617, %parallel_loop3A_640 : vector<16xf32>
        %parallel_loop3A_642 = arith.addf %parallel_loop3A_612, %parallel_loop3A_641 : vector<16xf32>
        %parallel_loop3A_643 = arith.mulf %parallel_loop3A_618, %parallel_loop3A_640 : vector<16xf32>
        %parallel_loop3A_644 = arith.addf %parallel_loop3A_613, %parallel_loop3A_643 : vector<16xf32>
        %parallel_loop3A_645 = arith.mulf %parallel_loop3A_639, %parallel_loop3A_644 : vector<16xf32>
        %parallel_loop3A_646 = arith.addf %parallel_loop3A_642, %parallel_loop3A_645 : vector<16xf32>
        %parallel_loop3A_647 = arith.index_cast %parallel_loop3A_596 : i32 to index
        %parallel_loop3A_648 = tpu.vector_load %arg26[%parallel_loop3A_647] {strides = array<i32>} : memref<8192xf32, #tpu.memory_space<vmem>>, vector<16xf32>,
        tpu.vector_store %arg26[%parallel_loop3A_647], %parallel_loop3A_646 {strides = array<i32>} : memref<8192xf32, #tpu.memory_space<vmem>>, vector<16xf32>,
      } {sc.loop_unroll_factor = 4 : i64, sc.parallel_access}
      %add3A_435 = arith.addi %mul3A_2, %mul3A_395 : i32
      %add3A_436 = arith.constant 0 : i32
      %add3A_437 = arith.addi %add3A_435, %add3A_436 : i32
      %dma_start3A_438 = arith.constant 0 : i32
      %dma_start3A_439 = tpu.memref_slice %arg6[%add3A_437, %dma_start3A_438] : memref<2048x8192xf32, #tpu.memory_space<hbm>> -> memref<1x8192xf32, #tpu.memory_space<hbm>>
      %dma_start3A_440 = tpu.memref_squeeze %dma_start3A_439 : memref<1x8192xf32, #tpu.memory_space<hbm>> -> memref<8192xf32, #tpu.memory_space<hbm>>
      %dma_start3A_441 = arith.constant 0 : i32
      %dma_start3A_442 = tpu.memref_slice %arg6[%add3A_437, %dma_start3A_441] : memref<2048x8192xf32, #tpu.memory_space<hbm>> -> memref<1x8192xf32, #tpu.memory_space<hbm>>
      %dma_start3A_443 = tpu.memref_squeeze %dma_start3A_442 : memref<1x8192xf32, #tpu.memory_space<hbm>> -> memref<8192xf32, #tpu.memory_space<hbm>>
      tpu.enqueue_dma source(%arg24 : memref<8192xf32, #tpu.memory_space<vmem>>) target(%dma_start3A_443 : memref<8192xf32, #tpu.memory_space<hbm>>) target_semaphore(%arg32 : memref<!tpu.dma_semaphore, #tpu.memory_space<semaphore_mem>>)
      %add3A_444 = arith.addi %mul3A_2, %mul3A_395 : i32
      %add3A_445 = arith.constant 1 : i32
      %add3A_446 = arith.addi %add3A_444, %add3A_445 : i32
      %dma_start3A_447 = arith.constant 0 : i32
      %dma_start3A_448 = tpu.memref_slice %arg6[%add3A_446, %dma_start3A_447] : memref<2048x8192xf32, #tpu.memory_space<hbm>> -> memref<1x8192xf32, #tpu.memory_space<hbm>>
      %dma_start3A_449 = tpu.memref_squeeze %dma_start3A_448 : memref<1x8192xf32, #tpu.memory_space<hbm>> -> memref<8192xf32, #tpu.memory_space<hbm>>
      %dma_start3A_450 = arith.constant 0 : i32
      %dma_start3A_451 = tpu.memref_slice %arg6[%add3A_446, %dma_start3A_450] : memref<2048x8192xf32, #tpu.memory_space<hbm>> -> memref<1x8192xf32, #tpu.memory_space<hbm>>
      %dma_start3A_452 = tpu.memref_squeeze %dma_start3A_451 : memref<1x8192xf32, #tpu.memory_space<hbm>> -> memref<8192xf32, #tpu.memory_space<hbm>>
      tpu.enqueue_dma source(%arg25 : memref<8192xf32, #tpu.memory_space<vmem>>) target(%dma_start3A_452 : memref<8192xf32, #tpu.memory_space<hbm>>) target_semaphore(%arg32 : memref<!tpu.dma_semaphore, #tpu.memory_space<semaphore_mem>>)
      %add3A_453 = arith.addi %mul3A_2, %mul3A_395 : i32
      %add3A_454 = arith.constant 2 : i32
      %add3A_455 = arith.addi %add3A_453, %add3A_454 : i32
      %dma_start3A_456 = arith.constant 0 : i32
      %dma_start3A_457 = tpu.memref_slice %arg6[%add3A_455, %dma_start3A_456] : memref<2048x8192xf32, #tpu.memory_space<hbm>> -> memref<1x8192xf32, #tpu.memory_space<hbm>>
      %dma_start3A_458 = tpu.memref_squeeze %dma_start3A_457 : memref<1x8192xf32, #tpu.memory_space<hbm>> -> memref<8192xf32, #tpu.memory_space<hbm>>
      %dma_start3A_459 = arith.constant 0 : i32
      %dma_start3A_460 = tpu.memref_slice %arg6[%add3A_455, %dma_start3A_459] : memref<2048x8192xf32, #tpu.memory_space<hbm>> -> memref<1x8192xf32, #tpu.memory_space<hbm>>
      %dma_start3A_461 = tpu.memref_squeeze %dma_start3A_460 : memref<1x8192xf32, #tpu.memory_space<hbm>> -> memref<8192xf32, #tpu.memory_space<hbm>>
      tpu.enqueue_dma source(%arg26 : memref<8192xf32, #tpu.memory_space<vmem>>) target(%dma_start3A_461 : memref<8192xf32, #tpu.memory_space<hbm>>) target_semaphore(%arg32 : memref<!tpu.dma_semaphore, #tpu.memory_space<semaphore_mem>>)
      %add3A_462 = arith.constant 6 : i32
      %add3A_463 = arith.addi %mul3A_395, %add3A_462 : i32
      %add3A_464 = arith.addi %mul3A_2, %add3A_463 : i32
      %add3A_465 = arith.constant 0 : i32
      %add3A_466 = arith.addi %add3A_464, %add3A_465 : i32
      %min3A_467 = arith.minsi %add3A_466, %sub3A_5 : i32
      %dma_start3A_468 = arith.constant 0 : i32
      %dma_start3A_469 = tpu.memref_slice %arg2[%min3A_467, %dma_start3A_468] : memref<2048x8192xf32, #tpu.memory_space<hbm>> -> memref<1x8192xf32, #tpu.memory_space<hbm>>
      %dma_start3A_470 = tpu.memref_squeeze %dma_start3A_469 : memref<1x8192xf32, #tpu.memory_space<hbm>> -> memref<8192xf32, #tpu.memory_space<hbm>>
      %dma_start3A_471 = arith.constant 0 : i32
      %dma_start3A_472 = tpu.memref_slice %arg2[%min3A_467, %dma_start3A_471] : memref<2048x8192xf32, #tpu.memory_space<hbm>> -> memref<1x8192xf32, #tpu.memory_space<hbm>>
      %dma_start3A_473 = tpu.memref_squeeze %dma_start3A_472 : memref<1x8192xf32, #tpu.memory_space<hbm>> -> memref<8192xf32, #tpu.memory_space<hbm>>
      tpu.enqueue_dma source(%dma_start3A_473 : memref<8192xf32, #tpu.memory_space<hbm>>) target(%arg18 : memref<8192xf32, #tpu.memory_space<vmem>>) target_semaphore(%arg30 : memref<!tpu.dma_semaphore, #tpu.memory_space<semaphore_mem>>)
      %add3A_474 = arith.addi %mul3A_2, %add3A_463 : i32
      %add3A_475 = arith.constant 1 : i32
      %add3A_476 = arith.addi %add3A_474, %add3A_475 : i32
      %min3A_477 = arith.minsi %add3A_476, %sub3A_5 : i32
      %dma_start3A_478 = arith.constant 0 : i32
      %dma_start3A_479 = tpu.memref_slice %arg2[%min3A_477, %dma_start3A_478] : memref<2048x8192xf32, #tpu.memory_space<hbm>> -> memref<1x8192xf32, #tpu.memory_space<hbm>>
      %dma_start3A_480 = tpu.memref_squeeze %dma_start3A_479 : memref<1x8192xf32, #tpu.memory_space<hbm>> -> memref<8192xf32, #tpu.memory_space<hbm>>
      %dma_start3A_481 = arith.constant 0 : i32
      %dma_start3A_482 = tpu.memref_slice %arg2[%min3A_477, %dma_start3A_481] : memref<2048x8192xf32, #tpu.memory_space<hbm>> -> memref<1x8192xf32, #tpu.memory_space<hbm>>
      %dma_start3A_483 = tpu.memref_squeeze %dma_start3A_482 : memref<1x8192xf32, #tpu.memory_space<hbm>> -> memref<8192xf32, #tpu.memory_space<hbm>>
      tpu.enqueue_dma source(%dma_start3A_483 : memref<8192xf32, #tpu.memory_space<hbm>>) target(%arg19 : memref<8192xf32, #tpu.memory_space<vmem>>) target_semaphore(%arg30 : memref<!tpu.dma_semaphore, #tpu.memory_space<semaphore_mem>>)
      %add3A_484 = arith.addi %mul3A_2, %add3A_463 : i32
      %add3A_485 = arith.constant 2 : i32
      %add3A_486 = arith.addi %add3A_484, %add3A_485 : i32
      %min3A_487 = arith.minsi %add3A_486, %sub3A_5 : i32
      %dma_start3A_488 = arith.constant 0 : i32
      %dma_start3A_489 = tpu.memref_slice %arg2[%min3A_487, %dma_start3A_488] : memref<2048x8192xf32, #tpu.memory_space<hbm>> -> memref<1x8192xf32, #tpu.memory_space<hbm>>
      %dma_start3A_490 = tpu.memref_squeeze %dma_start3A_489 : memref<1x8192xf32, #tpu.memory_space<hbm>> -> memref<8192xf32, #tpu.memory_space<hbm>>
      %dma_start3A_491 = arith.constant 0 : i32
      %dma_start3A_492 = tpu.memref_slice %arg2[%min3A_487, %dma_start3A_491] : memref<2048x8192xf32, #tpu.memory_space<hbm>> -> memref<1x8192xf32, #tpu.memory_space<hbm>>
      %dma_start3A_493 = tpu.memref_squeeze %dma_start3A_492 : memref<1x8192xf32, #tpu.memory_space<hbm>> -> memref<8192xf32, #tpu.memory_space<hbm>>
      tpu.enqueue_dma source(%dma_start3A_493 : memref<8192xf32, #tpu.memory_space<hbm>>) target(%arg20 : memref<8192xf32, #tpu.memory_space<vmem>>) target_semaphore(%arg30 : memref<!tpu.dma_semaphore, #tpu.memory_space<semaphore_mem>>)
      %dma_wait3A_494 = arith.constant 0 : i32
      %dma_wait3A_495 = tpu.memref_slice %arg6[%mul3A_2, %dma_wait3A_494] : memref<2048x8192xf32, #tpu.memory_space<hbm>> -> memref<1x8192xf32, #tpu.memory_space<hbm>>
      %dma_wait3A_496 = tpu.memref_squeeze %dma_wait3A_495 : memref<1x8192xf32, #tpu.memory_space<hbm>> -> memref<8192xf32, #tpu.memory_space<hbm>>
      %dma_wait3A_497 = arith.constant 0 : i32
      %dma_wait3A_498 = tpu.memref_slice %arg6[%mul3A_2, %dma_wait3A_497] : memref<2048x8192xf32, #tpu.memory_space<hbm>> -> memref<1x8192xf32, #tpu.memory_space<hbm>>
      %dma_wait3A_499 = tpu.memref_squeeze %dma_wait3A_498 : memref<1x8192xf32, #tpu.memory_space<hbm>> -> memref<8192xf32, #tpu.memory_space<hbm>>
      tpu.wait_dma2 semaphore(%arg33 : memref<!tpu.dma_semaphore, #tpu.memory_space<semaphore_mem>>) src(%arg27 : memref<8192xf32, #tpu.memory_space<vmem>>) dst(%dma_wait3A_499 : memref<8192xf32, #tpu.memory_space<hbm>>)
      %dma_wait3A_500 = arith.constant 0 : i32
      %dma_wait3A_501 = tpu.memref_slice %arg6[%mul3A_2, %dma_wait3A_500] : memref<2048x8192xf32, #tpu.memory_space<hbm>> -> memref<1x8192xf32, #tpu.memory_space<hbm>>
      %dma_wait3A_502 = tpu.memref_squeeze %dma_wait3A_501 : memref<1x8192xf32, #tpu.memory_space<hbm>> -> memref<8192xf32, #tpu.memory_space<hbm>>
      %dma_wait3A_503 = arith.constant 0 : i32
      %dma_wait3A_504 = tpu.memref_slice %arg6[%mul3A_2, %dma_wait3A_503] : memref<2048x8192xf32, #tpu.memory_space<hbm>> -> memref<1x8192xf32, #tpu.memory_space<hbm>>
      %dma_wait3A_505 = tpu.memref_squeeze %dma_wait3A_504 : memref<1x8192xf32, #tpu.memory_space<hbm>> -> memref<8192xf32, #tpu.memory_space<hbm>>
      tpu.wait_dma2 semaphore(%arg33 : memref<!tpu.dma_semaphore, #tpu.memory_space<semaphore_mem>>) src(%arg28 : memref<8192xf32, #tpu.memory_space<vmem>>) dst(%dma_wait3A_505 : memref<8192xf32, #tpu.memory_space<hbm>>)
      %dma_wait3A_506 = arith.constant 0 : i32
      %dma_wait3A_507 = tpu.memref_slice %arg6[%mul3A_2, %dma_wait3A_506] : memref<2048x8192xf32, #tpu.memory_space<hbm>> -> memref<1x8192xf32, #tpu.memory_space<hbm>>
      %dma_wait3A_508 = tpu.memref_squeeze %dma_wait3A_507 : memref<1x8192xf32, #tpu.memory_space<hbm>> -> memref<8192xf32, #tpu.memory_space<hbm>>
      %dma_wait3A_509 = arith.constant 0 : i32
      %dma_wait3A_510 = tpu.memref_slice %arg6[%mul3A_2, %dma_wait3A_509] : memref<2048x8192xf32, #tpu.memory_space<hbm>> -> memref<1x8192xf32, #tpu.memory_space<hbm>>
      %dma_wait3A_511 = tpu.memref_squeeze %dma_wait3A_510 : memref<1x8192xf32, #tpu.memory_space<hbm>> -> memref<8192xf32, #tpu.memory_space<hbm>>
      tpu.wait_dma2 semaphore(%arg33 : memref<!tpu.dma_semaphore, #tpu.memory_space<semaphore_mem>>) src(%arg29 : memref<8192xf32, #tpu.memory_space<vmem>>) dst(%dma_wait3A_511 : memref<8192xf32, #tpu.memory_space<hbm>>)
      %dma_wait3A_512 = arith.constant 0 : i32
      %dma_wait3A_513 = tpu.memref_slice %arg2[%mul3A_2, %dma_wait3A_512] : memref<2048x8192xf32, #tpu.memory_space<hbm>> -> memref<1x8192xf32, #tpu.memory_space<hbm>>
      %dma_wait3A_514 = tpu.memref_squeeze %dma_wait3A_513 : memref<1x8192xf32, #tpu.memory_space<hbm>> -> memref<8192xf32, #tpu.memory_space<hbm>>
      %dma_wait3A_515 = arith.constant 0 : i32
      %dma_wait3A_516 = tpu.memref_slice %arg2[%mul3A_2, %dma_wait3A_515] : memref<2048x8192xf32, #tpu.memory_space<hbm>> -> memref<1x8192xf32, #tpu.memory_space<hbm>>
      %dma_wait3A_517 = tpu.memref_squeeze %dma_wait3A_516 : memref<1x8192xf32, #tpu.memory_space<hbm>> -> memref<8192xf32, #tpu.memory_space<hbm>>
      tpu.wait_dma2 semaphore(%arg31 : memref<!tpu.dma_semaphore, #tpu.memory_space<semaphore_mem>>) src(%dma_wait3A_517 : memref<8192xf32, #tpu.memory_space<hbm>>) dst(%arg21 : memref<8192xf32, #tpu.memory_space<vmem>>)
      %dma_wait3A_518 = arith.constant 0 : i32
      %dma_wait3A_519 = tpu.memref_slice %arg2[%mul3A_2, %dma_wait3A_518] : memref<2048x8192xf32, #tpu.memory_space<hbm>> -> memref<1x8192xf32, #tpu.memory_space<hbm>>
      %dma_wait3A_520 = tpu.memref_squeeze %dma_wait3A_519 : memref<1x8192xf32, #tpu.memory_space<hbm>> -> memref<8192xf32, #tpu.memory_space<hbm>>
      %dma_wait3A_521 = arith.constant 0 : i32
      %dma_wait3A_522 = tpu.memref_slice %arg2[%mul3A_2, %dma_wait3A_521] : memref<2048x8192xf32, #tpu.memory_space<hbm>> -> memref<1x8192xf32, #tpu.memory_space<hbm>>
      %dma_wait3A_523 = tpu.memref_squeeze %dma_wait3A_522 : memref<1x8192xf32, #tpu.memory_space<hbm>> -> memref<8192xf32, #tpu.memory_space<hbm>>
      tpu.wait_dma2 semaphore(%arg31 : memref<!tpu.dma_semaphore, #tpu.memory_space<semaphore_mem>>) src(%dma_wait3A_523 : memref<8192xf32, #tpu.memory_space<hbm>>) dst(%arg22 : memref<8192xf32, #tpu.memory_space<vmem>>)
      %dma_wait3A_524 = arith.constant 0 : i32
      %dma_wait3A_525 = tpu.memref_slice %arg2[%mul3A_2, %dma_wait3A_524] : memref<2048x8192xf32, #tpu.memory_space<hbm>> -> memref<1x8192xf32, #tpu.memory_space<hbm>>
      %dma_wait3A_526 = tpu.memref_squeeze %dma_wait3A_525 : memref<1x8192xf32, #tpu.memory_space<hbm>> -> memref<8192xf32, #tpu.memory_space<hbm>>
      %dma_wait3A_527 = arith.constant 0 : i32
      %dma_wait3A_528 = tpu.memref_slice %arg2[%mul3A_2, %dma_wait3A_527] : memref<2048x8192xf32, #tpu.memory_space<hbm>> -> memref<1x8192xf32, #tpu.memory_space<hbm>>
      %dma_wait3A_529 = tpu.memref_squeeze %dma_wait3A_528 : memref<1x8192xf32, #tpu.memory_space<hbm>> -> memref<8192xf32, #tpu.memory_space<hbm>>
      tpu.wait_dma2 semaphore(%arg31 : memref<!tpu.dma_semaphore, #tpu.memory_space<semaphore_mem>>) src(%dma_wait3A_529 : memref<8192xf32, #tpu.memory_space<hbm>>) dst(%arg23 : memref<8192xf32, #tpu.memory_space<vmem>>)
      %parallel_loop3A_530 = arith.constant 0 : i32
      %parallel_loop3A_531 = arith.constant 512 : i32
      %parallel_loop3A_532 = arith.constant 1 : i32
      scf.for %parallel_loop3A_594 = %parallel_loop3A_530 to %parallel_loop3A_531 step %parallel_loop3A_532  : i32 {
        %parallel_loop3A_595 = arith.constant 16 : i32
        %parallel_loop3A_596 = arith.muli %parallel_loop3A_594, %parallel_loop3A_595 : i32
        %parallel_loop3A_597 = arith.index_cast %parallel_loop3A_596 : i32 to index
        %parallel_loop3A_598 = tpu.vector_load %arg7[%parallel_loop3A_597] {strides = array<i32>} : memref<8192xi32, #tpu.memory_space<vmem>>, vector<16xi32>,
        %parallel_loop3A_599 = arith.constant 65535 : i32
        %parallel_loop3A_600 = vector.broadcast %parallel_loop3A_599 : i32 to vector<16xi32>
        %parallel_loop3A_601 = arith.andi %parallel_loop3A_598, %parallel_loop3A_600 : vector<16xi32>
        %parallel_loop3A_602 = arith.constant 16 : i32
        %parallel_loop3A_603 = vector.broadcast %parallel_loop3A_602 : i32 to vector<16xi32>
        %parallel_loop3A_604 = arith.shrui %parallel_loop3A_598, %parallel_loop3A_603 : vector<16xi32>
        %parallel_loop3A_605 = arith.index_cast %parallel_loop3A_596 : i32 to index
        %parallel_loop3A_606 = tpu.vector_load %arg8[%parallel_loop3A_605] {strides = array<i32>} : memref<8192xi32, #tpu.memory_space<vmem>>, vector<16xi32>,
        %parallel_loop3A_607 = arith.index_cast %parallel_loop3A_596 : i32 to index
        %parallel_loop3A_608 = tpu.vector_load %arg9[%parallel_loop3A_607] {strides = array<i32>} : memref<8192xi32, #tpu.memory_space<vmem>>, vector<16xi32>,
        %parallel_loop3A_609 = arith.constant 16 : i32
        %parallel_loop3A_610 = vector.broadcast %parallel_loop3A_609 : i32 to vector<16xi32>
        %parallel_loop3A_611 = arith.shli %parallel_loop3A_606, %parallel_loop3A_610 : vector<16xi32>
        %parallel_loop3A_612 = vector.bitcast %parallel_loop3A_611 : vector<16xi32> to vector<16xf32>
        %parallel_loop3A_613 = vector.bitcast %parallel_loop3A_606 : vector<16xi32> to vector<16xf32>
        %parallel_loop3A_614 = arith.constant 16 : i32
        %parallel_loop3A_615 = vector.broadcast %parallel_loop3A_614 : i32 to vector<16xi32>
        %parallel_loop3A_616 = arith.shli %parallel_loop3A_608, %parallel_loop3A_615 : vector<16xi32>
        %parallel_loop3A_617 = vector.bitcast %parallel_loop3A_616 : vector<16xi32> to vector<16xf32>
        %parallel_loop3A_618 = vector.bitcast %parallel_loop3A_608 : vector<16xi32> to vector<16xf32>
        %parallel_loop3A_619 = tpu.vector_load_idx %arg21[%parallel_loop3A_601] : memref<8192xf32, #tpu.memory_space<vmem>>[vector<16xi32>], vector<16xf32>,
        %parallel_loop3A_620 = tpu.vector_load_idx %arg21[%parallel_loop3A_604] : memref<8192xf32, #tpu.memory_space<vmem>>[vector<16xi32>], vector<16xf32>,
        %parallel_loop3A_621 = arith.mulf %parallel_loop3A_617, %parallel_loop3A_620 : vector<16xf32>
        %parallel_loop3A_622 = arith.addf %parallel_loop3A_612, %parallel_loop3A_621 : vector<16xf32>
        %parallel_loop3A_623 = arith.mulf %parallel_loop3A_618, %parallel_loop3A_620 : vector<16xf32>
        %parallel_loop3A_624 = arith.addf %parallel_loop3A_613, %parallel_loop3A_623 : vector<16xf32>
        %parallel_loop3A_625 = arith.mulf %parallel_loop3A_619, %parallel_loop3A_624 : vector<16xf32>
        %parallel_loop3A_626 = arith.addf %parallel_loop3A_622, %parallel_loop3A_625 : vector<16xf32>
        %parallel_loop3A_627 = arith.index_cast %parallel_loop3A_596 : i32 to index
        %parallel_loop3A_628 = tpu.vector_load %arg27[%parallel_loop3A_627] {strides = array<i32>} : memref<8192xf32, #tpu.memory_space<vmem>>, vector<16xf32>,
        tpu.vector_store %arg27[%parallel_loop3A_627], %parallel_loop3A_626 {strides = array<i32>} : memref<8192xf32, #tpu.memory_space<vmem>>, vector<16xf32>,
        %parallel_loop3A_629 = tpu.vector_load_idx %arg22[%parallel_loop3A_601] : memref<8192xf32, #tpu.memory_space<vmem>>[vector<16xi32>], vector<16xf32>,
        %parallel_loop3A_630 = tpu.vector_load_idx %arg22[%parallel_loop3A_604] : memref<8192xf32, #tpu.memory_space<vmem>>[vector<16xi32>], vector<16xf32>,
        %parallel_loop3A_631 = arith.mulf %parallel_loop3A_617, %parallel_loop3A_630 : vector<16xf32>
        %parallel_loop3A_632 = arith.addf %parallel_loop3A_612, %parallel_loop3A_631 : vector<16xf32>
        %parallel_loop3A_633 = arith.mulf %parallel_loop3A_618, %parallel_loop3A_630 : vector<16xf32>
        %parallel_loop3A_634 = arith.addf %parallel_loop3A_613, %parallel_loop3A_633 : vector<16xf32>
        %parallel_loop3A_635 = arith.mulf %parallel_loop3A_629, %parallel_loop3A_634 : vector<16xf32>
        %parallel_loop3A_636 = arith.addf %parallel_loop3A_632, %parallel_loop3A_635 : vector<16xf32>
        %parallel_loop3A_637 = arith.index_cast %parallel_loop3A_596 : i32 to index
        %parallel_loop3A_638 = tpu.vector_load %arg28[%parallel_loop3A_637] {strides = array<i32>} : memref<8192xf32, #tpu.memory_space<vmem>>, vector<16xf32>,
        tpu.vector_store %arg28[%parallel_loop3A_637], %parallel_loop3A_636 {strides = array<i32>} : memref<8192xf32, #tpu.memory_space<vmem>>, vector<16xf32>,
        %parallel_loop3A_639 = tpu.vector_load_idx %arg23[%parallel_loop3A_601] : memref<8192xf32, #tpu.memory_space<vmem>>[vector<16xi32>], vector<16xf32>,
        %parallel_loop3A_640 = tpu.vector_load_idx %arg23[%parallel_loop3A_604] : memref<8192xf32, #tpu.memory_space<vmem>>[vector<16xi32>], vector<16xf32>,
        %parallel_loop3A_641 = arith.mulf %parallel_loop3A_617, %parallel_loop3A_640 : vector<16xf32>
        %parallel_loop3A_642 = arith.addf %parallel_loop3A_612, %parallel_loop3A_641 : vector<16xf32>
        %parallel_loop3A_643 = arith.mulf %parallel_loop3A_618, %parallel_loop3A_640 : vector<16xf32>
        %parallel_loop3A_644 = arith.addf %parallel_loop3A_613, %parallel_loop3A_643 : vector<16xf32>
        %parallel_loop3A_645 = arith.mulf %parallel_loop3A_639, %parallel_loop3A_644 : vector<16xf32>
        %parallel_loop3A_646 = arith.addf %parallel_loop3A_642, %parallel_loop3A_645 : vector<16xf32>
        %parallel_loop3A_647 = arith.index_cast %parallel_loop3A_596 : i32 to index
        %parallel_loop3A_648 = tpu.vector_load %arg29[%parallel_loop3A_647] {strides = array<i32>} : memref<8192xf32, #tpu.memory_space<vmem>>, vector<16xf32>,
        tpu.vector_store %arg29[%parallel_loop3A_647], %parallel_loop3A_646 {strides = array<i32>} : memref<8192xf32, #tpu.memory_space<vmem>>, vector<16xf32>,
      } {sc.loop_unroll_factor = 4 : i64, sc.parallel_access}
      %add3A_533 = arith.constant 3 : i32
      %add3A_534 = arith.addi %mul3A_395, %add3A_533 : i32
      %add3A_535 = arith.addi %mul3A_2, %add3A_534 : i32
      %add3A_536 = arith.constant 0 : i32
      %add3A_537 = arith.addi %add3A_535, %add3A_536 : i32
      %dma_start3A_538 = arith.constant 0 : i32
      %dma_start3A_539 = tpu.memref_slice %arg6[%add3A_537, %dma_start3A_538] : memref<2048x8192xf32, #tpu.memory_space<hbm>> -> memref<1x8192xf32, #tpu.memory_space<hbm>>
      %dma_start3A_540 = tpu.memref_squeeze %dma_start3A_539 : memref<1x8192xf32, #tpu.memory_space<hbm>> -> memref<8192xf32, #tpu.memory_space<hbm>>
      %dma_start3A_541 = arith.constant 0 : i32
      %dma_start3A_542 = tpu.memref_slice %arg6[%add3A_537, %dma_start3A_541] : memref<2048x8192xf32, #tpu.memory_space<hbm>> -> memref<1x8192xf32, #tpu.memory_space<hbm>>
      %dma_start3A_543 = tpu.memref_squeeze %dma_start3A_542 : memref<1x8192xf32, #tpu.memory_space<hbm>> -> memref<8192xf32, #tpu.memory_space<hbm>>
      tpu.enqueue_dma source(%arg27 : memref<8192xf32, #tpu.memory_space<vmem>>) target(%dma_start3A_543 : memref<8192xf32, #tpu.memory_space<hbm>>) target_semaphore(%arg33 : memref<!tpu.dma_semaphore, #tpu.memory_space<semaphore_mem>>)
      %add3A_544 = arith.addi %mul3A_2, %add3A_534 : i32
      %add3A_545 = arith.constant 1 : i32
      %add3A_546 = arith.addi %add3A_544, %add3A_545 : i32
      %dma_start3A_547 = arith.constant 0 : i32
      %dma_start3A_548 = tpu.memref_slice %arg6[%add3A_546, %dma_start3A_547] : memref<2048x8192xf32, #tpu.memory_space<hbm>> -> memref<1x8192xf32, #tpu.memory_space<hbm>>
      %dma_start3A_549 = tpu.memref_squeeze %dma_start3A_548 : memref<1x8192xf32, #tpu.memory_space<hbm>> -> memref<8192xf32, #tpu.memory_space<hbm>>
      %dma_start3A_550 = arith.constant 0 : i32
      %dma_start3A_551 = tpu.memref_slice %arg6[%add3A_546, %dma_start3A_550] : memref<2048x8192xf32, #tpu.memory_space<hbm>> -> memref<1x8192xf32, #tpu.memory_space<hbm>>
      %dma_start3A_552 = tpu.memref_squeeze %dma_start3A_551 : memref<1x8192xf32, #tpu.memory_space<hbm>> -> memref<8192xf32, #tpu.memory_space<hbm>>
      tpu.enqueue_dma source(%arg28 : memref<8192xf32, #tpu.memory_space<vmem>>) target(%dma_start3A_552 : memref<8192xf32, #tpu.memory_space<hbm>>) target_semaphore(%arg33 : memref<!tpu.dma_semaphore, #tpu.memory_space<semaphore_mem>>)
      %add3A_553 = arith.addi %mul3A_2, %add3A_534 : i32
      %add3A_554 = arith.constant 2 : i32
      %add3A_555 = arith.addi %add3A_553, %add3A_554 : i32
      %dma_start3A_556 = arith.constant 0 : i32
      %dma_start3A_557 = tpu.memref_slice %arg6[%add3A_555, %dma_start3A_556] : memref<2048x8192xf32, #tpu.memory_space<hbm>> -> memref<1x8192xf32, #tpu.memory_space<hbm>>
      %dma_start3A_558 = tpu.memref_squeeze %dma_start3A_557 : memref<1x8192xf32, #tpu.memory_space<hbm>> -> memref<8192xf32, #tpu.memory_space<hbm>>
      %dma_start3A_559 = arith.constant 0 : i32
      %dma_start3A_560 = tpu.memref_slice %arg6[%add3A_555, %dma_start3A_559] : memref<2048x8192xf32, #tpu.memory_space<hbm>> -> memref<1x8192xf32, #tpu.memory_space<hbm>>
      %dma_start3A_561 = tpu.memref_squeeze %dma_start3A_560 : memref<1x8192xf32, #tpu.memory_space<hbm>> -> memref<8192xf32, #tpu.memory_space<hbm>>
      tpu.enqueue_dma source(%arg29 : memref<8192xf32, #tpu.memory_space<vmem>>) target(%dma_start3A_561 : memref<8192xf32, #tpu.memory_space<hbm>>) target_semaphore(%arg33 : memref<!tpu.dma_semaphore, #tpu.memory_space<semaphore_mem>>)
      %add3A_562 = arith.constant 9 : i32
      %add3A_563 = arith.addi %mul3A_395, %add3A_562 : i32
      %add3A_564 = arith.addi %mul3A_2, %add3A_563 : i32
      %add3A_565 = arith.constant 0 : i32
      %add3A_566 = arith.addi %add3A_564, %add3A_565 : i32
      %min3A_567 = arith.minsi %add3A_566, %sub3A_5 : i32
      %dma_start3A_568 = arith.constant 0 : i32
      %dma_start3A_569 = tpu.memref_slice %arg2[%min3A_567, %dma_start3A_568] : memref<2048x8192xf32, #tpu.memory_space<hbm>> -> memref<1x8192xf32, #tpu.memory_space<hbm>>
      %dma_start3A_570 = tpu.memref_squeeze %dma_start3A_569 : memref<1x8192xf32, #tpu.memory_space<hbm>> -> memref<8192xf32, #tpu.memory_space<hbm>>
      %dma_start3A_571 = arith.constant 0 : i32
      %dma_start3A_572 = tpu.memref_slice %arg2[%min3A_567, %dma_start3A_571] : memref<2048x8192xf32, #tpu.memory_space<hbm>> -> memref<1x8192xf32, #tpu.memory_space<hbm>>
      %dma_start3A_573 = tpu.memref_squeeze %dma_start3A_572 : memref<1x8192xf32, #tpu.memory_space<hbm>> -> memref<8192xf32, #tpu.memory_space<hbm>>
      tpu.enqueue_dma source(%dma_start3A_573 : memref<8192xf32, #tpu.memory_space<hbm>>) target(%arg21 : memref<8192xf32, #tpu.memory_space<vmem>>) target_semaphore(%arg31 : memref<!tpu.dma_semaphore, #tpu.memory_space<semaphore_mem>>)
      %add3A_574 = arith.addi %mul3A_2, %add3A_563 : i32
      %add3A_575 = arith.constant 1 : i32
      %add3A_576 = arith.addi %add3A_574, %add3A_575 : i32
      %min3A_577 = arith.minsi %add3A_576, %sub3A_5 : i32
      %dma_start3A_578 = arith.constant 0 : i32
      %dma_start3A_579 = tpu.memref_slice %arg2[%min3A_577, %dma_start3A_578] : memref<2048x8192xf32, #tpu.memory_space<hbm>> -> memref<1x8192xf32, #tpu.memory_space<hbm>>
      %dma_start3A_580 = tpu.memref_squeeze %dma_start3A_579 : memref<1x8192xf32, #tpu.memory_space<hbm>> -> memref<8192xf32, #tpu.memory_space<hbm>>
      %dma_start3A_581 = arith.constant 0 : i32
      %dma_start3A_582 = tpu.memref_slice %arg2[%min3A_577, %dma_start3A_581] : memref<2048x8192xf32, #tpu.memory_space<hbm>> -> memref<1x8192xf32, #tpu.memory_space<hbm>>
      %dma_start3A_583 = tpu.memref_squeeze %dma_start3A_582 : memref<1x8192xf32, #tpu.memory_space<hbm>> -> memref<8192xf32, #tpu.memory_space<hbm>>
      tpu.enqueue_dma source(%dma_start3A_583 : memref<8192xf32, #tpu.memory_space<hbm>>) target(%arg22 : memref<8192xf32, #tpu.memory_space<vmem>>) target_semaphore(%arg31 : memref<!tpu.dma_semaphore, #tpu.memory_space<semaphore_mem>>)
      %add3A_584 = arith.addi %mul3A_2, %add3A_563 : i32
      %add3A_585 = arith.constant 2 : i32
      %add3A_586 = arith.addi %add3A_584, %add3A_585 : i32
      %min3A_587 = arith.minsi %add3A_586, %sub3A_5 : i32
      %dma_start3A_588 = arith.constant 0 : i32
      %dma_start3A_589 = tpu.memref_slice %arg2[%min3A_587, %dma_start3A_588] : memref<2048x8192xf32, #tpu.memory_space<hbm>> -> memref<1x8192xf32, #tpu.memory_space<hbm>>
      %dma_start3A_590 = tpu.memref_squeeze %dma_start3A_589 : memref<1x8192xf32, #tpu.memory_space<hbm>> -> memref<8192xf32, #tpu.memory_space<hbm>>
      %dma_start3A_591 = arith.constant 0 : i32
      %dma_start3A_592 = tpu.memref_slice %arg2[%min3A_587, %dma_start3A_591] : memref<2048x8192xf32, #tpu.memory_space<hbm>> -> memref<1x8192xf32, #tpu.memory_space<hbm>>
      %dma_start3A_593 = tpu.memref_squeeze %dma_start3A_592 : memref<1x8192xf32, #tpu.memory_space<hbm>> -> memref<8192xf32, #tpu.memory_space<hbm>>
      tpu.enqueue_dma source(%dma_start3A_593 : memref<8192xf32, #tpu.memory_space<hbm>>) target(%arg23 : memref<8192xf32, #tpu.memory_space<vmem>>) target_semaphore(%arg31 : memref<!tpu.dma_semaphore, #tpu.memory_space<semaphore_mem>>)
    }
    %scan3A_250 = arith.constant 9 : i32
    %dma_wait3A_251 = arith.constant 0 : i32
    %dma_wait3A_252 = tpu.memref_slice %arg6[%mul3A_2, %dma_wait3A_251] : memref<2048x8192xf32, #tpu.memory_space<hbm>> -> memref<1x8192xf32, #tpu.memory_space<hbm>>
    %dma_wait3A_253 = tpu.memref_squeeze %dma_wait3A_252 : memref<1x8192xf32, #tpu.memory_space<hbm>> -> memref<8192xf32, #tpu.memory_space<hbm>>
    %dma_wait3A_254 = arith.constant 0 : i32
    %dma_wait3A_255 = tpu.memref_slice %arg6[%mul3A_2, %dma_wait3A_254] : memref<2048x8192xf32, #tpu.memory_space<hbm>> -> memref<1x8192xf32, #tpu.memory_space<hbm>>
    %dma_wait3A_256 = tpu.memref_squeeze %dma_wait3A_255 : memref<1x8192xf32, #tpu.memory_space<hbm>> -> memref<8192xf32, #tpu.memory_space<hbm>>
    tpu.wait_dma2 semaphore(%arg32 : memref<!tpu.dma_semaphore, #tpu.memory_space<semaphore_mem>>) src(%arg24 : memref<8192xf32, #tpu.memory_space<vmem>>) dst(%dma_wait3A_256 : memref<8192xf32, #tpu.memory_space<hbm>>)
    %dma_wait3A_257 = arith.constant 0 : i32
    %dma_wait3A_258 = tpu.memref_slice %arg6[%mul3A_2, %dma_wait3A_257] : memref<2048x8192xf32, #tpu.memory_space<hbm>> -> memref<1x8192xf32, #tpu.memory_space<hbm>>
    %dma_wait3A_259 = tpu.memref_squeeze %dma_wait3A_258 : memref<1x8192xf32, #tpu.memory_space<hbm>> -> memref<8192xf32, #tpu.memory_space<hbm>>
    %dma_wait3A_260 = arith.constant 0 : i32
    %dma_wait3A_261 = tpu.memref_slice %arg6[%mul3A_2, %dma_wait3A_260] : memref<2048x8192xf32, #tpu.memory_space<hbm>> -> memref<1x8192xf32, #tpu.memory_space<hbm>>
    %dma_wait3A_262 = tpu.memref_squeeze %dma_wait3A_261 : memref<1x8192xf32, #tpu.memory_space<hbm>> -> memref<8192xf32, #tpu.memory_space<hbm>>
    tpu.wait_dma2 semaphore(%arg32 : memref<!tpu.dma_semaphore, #tpu.memory_space<semaphore_mem>>) src(%arg25 : memref<8192xf32, #tpu.memory_space<vmem>>) dst(%dma_wait3A_262 : memref<8192xf32, #tpu.memory_space<hbm>>)
    %dma_wait3A_263 = arith.constant 0 : i32
    %dma_wait3A_264 = tpu.memref_slice %arg6[%mul3A_2, %dma_wait3A_263] : memref<2048x8192xf32, #tpu.memory_space<hbm>> -> memref<1x8192xf32, #tpu.memory_space<hbm>>
    %dma_wait3A_265 = tpu.memref_squeeze %dma_wait3A_264 : memref<1x8192xf32, #tpu.memory_space<hbm>> -> memref<8192xf32, #tpu.memory_space<hbm>>
    %dma_wait3A_266 = arith.constant 0 : i32
    %dma_wait3A_267 = tpu.memref_slice %arg6[%mul3A_2, %dma_wait3A_266] : memref<2048x8192xf32, #tpu.memory_space<hbm>> -> memref<1x8192xf32, #tpu.memory_space<hbm>>
    %dma_wait3A_268 = tpu.memref_squeeze %dma_wait3A_267 : memref<1x8192xf32, #tpu.memory_space<hbm>> -> memref<8192xf32, #tpu.memory_space<hbm>>
    tpu.wait_dma2 semaphore(%arg32 : memref<!tpu.dma_semaphore, #tpu.memory_space<semaphore_mem>>) src(%arg26 : memref<8192xf32, #tpu.memory_space<vmem>>) dst(%dma_wait3A_268 : memref<8192xf32, #tpu.memory_space<hbm>>)
    %dma_wait3A_269 = arith.constant 0 : i32
    %dma_wait3A_270 = tpu.memref_slice %arg2[%mul3A_2, %dma_wait3A_269] : memref<2048x8192xf32, #tpu.memory_space<hbm>> -> memref<1x8192xf32, #tpu.memory_space<hbm>>
    %dma_wait3A_271 = tpu.memref_squeeze %dma_wait3A_270 : memref<1x8192xf32, #tpu.memory_space<hbm>> -> memref<8192xf32, #tpu.memory_space<hbm>>
    %dma_wait3A_272 = arith.constant 0 : i32
    %dma_wait3A_273 = tpu.memref_slice %arg2[%mul3A_2, %dma_wait3A_272] : memref<2048x8192xf32, #tpu.memory_space<hbm>> -> memref<1x8192xf32, #tpu.memory_space<hbm>>
    %dma_wait3A_274 = tpu.memref_squeeze %dma_wait3A_273 : memref<1x8192xf32, #tpu.memory_space<hbm>> -> memref<8192xf32, #tpu.memory_space<hbm>>
    tpu.wait_dma2 semaphore(%arg30 : memref<!tpu.dma_semaphore, #tpu.memory_space<semaphore_mem>>) src(%dma_wait3A_274 : memref<8192xf32, #tpu.memory_space<hbm>>) dst(%arg18 : memref<8192xf32, #tpu.memory_space<vmem>>)
    %dma_wait3A_275 = arith.constant 0 : i32
    %dma_wait3A_276 = tpu.memref_slice %arg2[%mul3A_2, %dma_wait3A_275] : memref<2048x8192xf32, #tpu.memory_space<hbm>> -> memref<1x8192xf32, #tpu.memory_space<hbm>>
    %dma_wait3A_277 = tpu.memref_squeeze %dma_wait3A_276 : memref<1x8192xf32, #tpu.memory_space<hbm>> -> memref<8192xf32, #tpu.memory_space<hbm>>
    %dma_wait3A_278 = arith.constant 0 : i32
    %dma_wait3A_279 = tpu.memref_slice %arg2[%mul3A_2, %dma_wait3A_278] : memref<2048x8192xf32, #tpu.memory_space<hbm>> -> memref<1x8192xf32, #tpu.memory_space<hbm>>
    %dma_wait3A_280 = tpu.memref_squeeze %dma_wait3A_279 : memref<1x8192xf32, #tpu.memory_space<hbm>> -> memref<8192xf32, #tpu.memory_space<hbm>>
    tpu.wait_dma2 semaphore(%arg30 : memref<!tpu.dma_semaphore, #tpu.memory_space<semaphore_mem>>) src(%dma_wait3A_280 : memref<8192xf32, #tpu.memory_space<hbm>>) dst(%arg19 : memref<8192xf32, #tpu.memory_space<vmem>>)
    %dma_wait3A_281 = arith.constant 0 : i32
    %dma_wait3A_282 = tpu.memref_slice %arg2[%mul3A_2, %dma_wait3A_281] : memref<2048x8192xf32, #tpu.memory_space<hbm>> -> memref<1x8192xf32, #tpu.memory_space<hbm>>
    %dma_wait3A_283 = tpu.memref_squeeze %dma_wait3A_282 : memref<1x8192xf32, #tpu.memory_space<hbm>> -> memref<8192xf32, #tpu.memory_space<hbm>>
    %dma_wait3A_284 = arith.constant 0 : i32
    %dma_wait3A_285 = tpu.memref_slice %arg2[%mul3A_2, %dma_wait3A_284] : memref<2048x8192xf32, #tpu.memory_space<hbm>> -> memref<1x8192xf32, #tpu.memory_space<hbm>>
    %dma_wait3A_286 = tpu.memref_squeeze %dma_wait3A_285 : memref<1x8192xf32, #tpu.memory_space<hbm>> -> memref<8192xf32, #tpu.memory_space<hbm>>
    tpu.wait_dma2 semaphore(%arg30 : memref<!tpu.dma_semaphore, #tpu.memory_space<semaphore_mem>>) src(%dma_wait3A_286 : memref<8192xf32, #tpu.memory_space<hbm>>) dst(%arg20 : memref<8192xf32, #tpu.memory_space<vmem>>)
    %parallel_loop3A_287 = arith.constant 0 : i32
    %parallel_loop3A_288 = arith.constant 512 : i32
    %parallel_loop3A_289 = arith.constant 1 : i32
    scf.for %parallel_loop3A_393 = %parallel_loop3A_287 to %parallel_loop3A_288 step %parallel_loop3A_289  : i32 {
      %parallel_loop3A_394 = arith.constant 16 : i32
      %parallel_loop3A_395 = arith.muli %parallel_loop3A_393, %parallel_loop3A_394 : i32
      %parallel_loop3A_396 = arith.index_cast %parallel_loop3A_395 : i32 to index
      %parallel_loop3A_397 = tpu.vector_load %arg7[%parallel_loop3A_396] {strides = array<i32>} : memref<8192xi32, #tpu.memory_space<vmem>>, vector<16xi32>,
      %parallel_loop3A_398 = arith.constant 65535 : i32
      %parallel_loop3A_399 = vector.broadcast %parallel_loop3A_398 : i32 to vector<16xi32>
      %parallel_loop3A_400 = arith.andi %parallel_loop3A_397, %parallel_loop3A_399 : vector<16xi32>
      %parallel_loop3A_401 = arith.constant 16 : i32
      %parallel_loop3A_402 = vector.broadcast %parallel_loop3A_401 : i32 to vector<16xi32>
      %parallel_loop3A_403 = arith.shrui %parallel_loop3A_397, %parallel_loop3A_402 : vector<16xi32>
      %parallel_loop3A_404 = arith.index_cast %parallel_loop3A_395 : i32 to index
      %parallel_loop3A_405 = tpu.vector_load %arg8[%parallel_loop3A_404] {strides = array<i32>} : memref<8192xi32, #tpu.memory_space<vmem>>, vector<16xi32>,
      %parallel_loop3A_406 = arith.index_cast %parallel_loop3A_395 : i32 to index
      %parallel_loop3A_407 = tpu.vector_load %arg9[%parallel_loop3A_406] {strides = array<i32>} : memref<8192xi32, #tpu.memory_space<vmem>>, vector<16xi32>,
      %parallel_loop3A_408 = arith.constant 16 : i32
      %parallel_loop3A_409 = vector.broadcast %parallel_loop3A_408 : i32 to vector<16xi32>
      %parallel_loop3A_410 = arith.shli %parallel_loop3A_405, %parallel_loop3A_409 : vector<16xi32>
      %parallel_loop3A_411 = vector.bitcast %parallel_loop3A_410 : vector<16xi32> to vector<16xf32>
      %parallel_loop3A_412 = vector.bitcast %parallel_loop3A_405 : vector<16xi32> to vector<16xf32>
      %parallel_loop3A_413 = arith.constant 16 : i32
      %parallel_loop3A_414 = vector.broadcast %parallel_loop3A_413 : i32 to vector<16xi32>
      %parallel_loop3A_415 = arith.shli %parallel_loop3A_407, %parallel_loop3A_414 : vector<16xi32>
      %parallel_loop3A_416 = vector.bitcast %parallel_loop3A_415 : vector<16xi32> to vector<16xf32>
      %parallel_loop3A_417 = vector.bitcast %parallel_loop3A_407 : vector<16xi32> to vector<16xf32>
      %parallel_loop3A_418 = tpu.vector_load_idx %arg18[%parallel_loop3A_400] : memref<8192xf32, #tpu.memory_space<vmem>>[vector<16xi32>], vector<16xf32>,
      %parallel_loop3A_419 = tpu.vector_load_idx %arg18[%parallel_loop3A_403] : memref<8192xf32, #tpu.memory_space<vmem>>[vector<16xi32>], vector<16xf32>,
      %parallel_loop3A_420 = arith.mulf %parallel_loop3A_416, %parallel_loop3A_419 : vector<16xf32>
      %parallel_loop3A_421 = arith.addf %parallel_loop3A_411, %parallel_loop3A_420 : vector<16xf32>
      %parallel_loop3A_422 = arith.mulf %parallel_loop3A_417, %parallel_loop3A_419 : vector<16xf32>
      %parallel_loop3A_423 = arith.addf %parallel_loop3A_412, %parallel_loop3A_422 : vector<16xf32>
      %parallel_loop3A_424 = arith.mulf %parallel_loop3A_418, %parallel_loop3A_423 : vector<16xf32>
      %parallel_loop3A_425 = arith.addf %parallel_loop3A_421, %parallel_loop3A_424 : vector<16xf32>
      %parallel_loop3A_426 = arith.index_cast %parallel_loop3A_395 : i32 to index
      %parallel_loop3A_427 = tpu.vector_load %arg24[%parallel_loop3A_426] {strides = array<i32>} : memref<8192xf32, #tpu.memory_space<vmem>>, vector<16xf32>,
      tpu.vector_store %arg24[%parallel_loop3A_426], %parallel_loop3A_425 {strides = array<i32>} : memref<8192xf32, #tpu.memory_space<vmem>>, vector<16xf32>,
      %parallel_loop3A_428 = tpu.vector_load_idx %arg19[%parallel_loop3A_400] : memref<8192xf32, #tpu.memory_space<vmem>>[vector<16xi32>], vector<16xf32>,
      %parallel_loop3A_429 = tpu.vector_load_idx %arg19[%parallel_loop3A_403] : memref<8192xf32, #tpu.memory_space<vmem>>[vector<16xi32>], vector<16xf32>,
      %parallel_loop3A_430 = arith.mulf %parallel_loop3A_416, %parallel_loop3A_429 : vector<16xf32>
      %parallel_loop3A_431 = arith.addf %parallel_loop3A_411, %parallel_loop3A_430 : vector<16xf32>
      %parallel_loop3A_432 = arith.mulf %parallel_loop3A_417, %parallel_loop3A_429 : vector<16xf32>
      %parallel_loop3A_433 = arith.addf %parallel_loop3A_412, %parallel_loop3A_432 : vector<16xf32>
      %parallel_loop3A_434 = arith.mulf %parallel_loop3A_428, %parallel_loop3A_433 : vector<16xf32>
      %parallel_loop3A_435 = arith.addf %parallel_loop3A_431, %parallel_loop3A_434 : vector<16xf32>
      %parallel_loop3A_436 = arith.index_cast %parallel_loop3A_395 : i32 to index
      %parallel_loop3A_437 = tpu.vector_load %arg25[%parallel_loop3A_436] {strides = array<i32>} : memref<8192xf32, #tpu.memory_space<vmem>>, vector<16xf32>,
      tpu.vector_store %arg25[%parallel_loop3A_436], %parallel_loop3A_435 {strides = array<i32>} : memref<8192xf32, #tpu.memory_space<vmem>>, vector<16xf32>,
      %parallel_loop3A_438 = tpu.vector_load_idx %arg20[%parallel_loop3A_400] : memref<8192xf32, #tpu.memory_space<vmem>>[vector<16xi32>], vector<16xf32>,
      %parallel_loop3A_439 = tpu.vector_load_idx %arg20[%parallel_loop3A_403] : memref<8192xf32, #tpu.memory_space<vmem>>[vector<16xi32>], vector<16xf32>,
      %parallel_loop3A_440 = arith.mulf %parallel_loop3A_416, %parallel_loop3A_439 : vector<16xf32>
      %parallel_loop3A_441 = arith.addf %parallel_loop3A_411, %parallel_loop3A_440 : vector<16xf32>
      %parallel_loop3A_442 = arith.mulf %parallel_loop3A_417, %parallel_loop3A_439 : vector<16xf32>
      %parallel_loop3A_443 = arith.addf %parallel_loop3A_412, %parallel_loop3A_442 : vector<16xf32>
      %parallel_loop3A_444 = arith.mulf %parallel_loop3A_438, %parallel_loop3A_443 : vector<16xf32>
      %parallel_loop3A_445 = arith.addf %parallel_loop3A_441, %parallel_loop3A_444 : vector<16xf32>
      %parallel_loop3A_446 = arith.index_cast %parallel_loop3A_395 : i32 to index
      %parallel_loop3A_447 = tpu.vector_load %arg26[%parallel_loop3A_446] {strides = array<i32>} : memref<8192xf32, #tpu.memory_space<vmem>>, vector<16xf32>,
      tpu.vector_store %arg26[%parallel_loop3A_446], %parallel_loop3A_445 {strides = array<i32>} : memref<8192xf32, #tpu.memory_space<vmem>>, vector<16xf32>,
    } {sc.loop_unroll_factor = 4 : i64, sc.parallel_access}
    %add3A_290 = arith.constant 60 : i32
    %add3A_291 = arith.addi %mul3A_2, %add3A_290 : i32
    %add3A_292 = arith.constant 0 : i32
    %add3A_293 = arith.addi %add3A_291, %add3A_292 : i32
    %dma_start3A_294 = arith.constant 0 : i32
    %dma_start3A_295 = tpu.memref_slice %arg6[%add3A_293, %dma_start3A_294] : memref<2048x8192xf32, #tpu.memory_space<hbm>> -> memref<1x8192xf32, #tpu.memory_space<hbm>>
    %dma_start3A_296 = tpu.memref_squeeze %dma_start3A_295 : memref<1x8192xf32, #tpu.memory_space<hbm>> -> memref<8192xf32, #tpu.memory_space<hbm>>
    %dma_start3A_297 = arith.constant 0 : i32
    %dma_start3A_298 = tpu.memref_slice %arg6[%add3A_293, %dma_start3A_297] : memref<2048x8192xf32, #tpu.memory_space<hbm>> -> memref<1x8192xf32, #tpu.memory_space<hbm>>
    %dma_start3A_299 = tpu.memref_squeeze %dma_start3A_298 : memref<1x8192xf32, #tpu.memory_space<hbm>> -> memref<8192xf32, #tpu.memory_space<hbm>>
    tpu.enqueue_dma source(%arg24 : memref<8192xf32, #tpu.memory_space<vmem>>) target(%dma_start3A_299 : memref<8192xf32, #tpu.memory_space<hbm>>) target_semaphore(%arg32 : memref<!tpu.dma_semaphore, #tpu.memory_space<semaphore_mem>>)
    %add3A_300 = arith.constant 60 : i32
    %add3A_301 = arith.addi %mul3A_2, %add3A_300 : i32
    %add3A_302 = arith.constant 1 : i32
    %add3A_303 = arith.addi %add3A_301, %add3A_302 : i32
    %dma_start3A_304 = arith.constant 0 : i32
    %dma_start3A_305 = tpu.memref_slice %arg6[%add3A_303, %dma_start3A_304] : memref<2048x8192xf32, #tpu.memory_space<hbm>> -> memref<1x8192xf32, #tpu.memory_space<hbm>>
    %dma_start3A_306 = tpu.memref_squeeze %dma_start3A_305 : memref<1x8192xf32, #tpu.memory_space<hbm>> -> memref<8192xf32, #tpu.memory_space<hbm>>
    %dma_start3A_307 = arith.constant 0 : i32
    %dma_start3A_308 = tpu.memref_slice %arg6[%add3A_303, %dma_start3A_307] : memref<2048x8192xf32, #tpu.memory_space<hbm>> -> memref<1x8192xf32, #tpu.memory_space<hbm>>
    %dma_start3A_309 = tpu.memref_squeeze %dma_start3A_308 : memref<1x8192xf32, #tpu.memory_space<hbm>> -> memref<8192xf32, #tpu.memory_space<hbm>>
    tpu.enqueue_dma source(%arg25 : memref<8192xf32, #tpu.memory_space<vmem>>) target(%dma_start3A_309 : memref<8192xf32, #tpu.memory_space<hbm>>) target_semaphore(%arg32 : memref<!tpu.dma_semaphore, #tpu.memory_space<semaphore_mem>>)
    %add3A_310 = arith.constant 60 : i32
    %add3A_311 = arith.addi %mul3A_2, %add3A_310 : i32
    %add3A_312 = arith.constant 2 : i32
    %add3A_313 = arith.addi %add3A_311, %add3A_312 : i32
    %dma_start3A_314 = arith.constant 0 : i32
    %dma_start3A_315 = tpu.memref_slice %arg6[%add3A_313, %dma_start3A_314] : memref<2048x8192xf32, #tpu.memory_space<hbm>> -> memref<1x8192xf32, #tpu.memory_space<hbm>>
    %dma_start3A_316 = tpu.memref_squeeze %dma_start3A_315 : memref<1x8192xf32, #tpu.memory_space<hbm>> -> memref<8192xf32, #tpu.memory_space<hbm>>
    %dma_start3A_317 = arith.constant 0 : i32
    %dma_start3A_318 = tpu.memref_slice %arg6[%add3A_313, %dma_start3A_317] : memref<2048x8192xf32, #tpu.memory_space<hbm>> -> memref<1x8192xf32, #tpu.memory_space<hbm>>
    %dma_start3A_319 = tpu.memref_squeeze %dma_start3A_318 : memref<1x8192xf32, #tpu.memory_space<hbm>> -> memref<8192xf32, #tpu.memory_space<hbm>>
    tpu.enqueue_dma source(%arg26 : memref<8192xf32, #tpu.memory_space<vmem>>) target(%dma_start3A_319 : memref<8192xf32, #tpu.memory_space<hbm>>) target_semaphore(%arg32 : memref<!tpu.dma_semaphore, #tpu.memory_space<semaphore_mem>>)
    %dma_wait3A_320 = arith.constant 0 : i32
    %dma_wait3A_321 = tpu.memref_slice %arg6[%mul3A_2, %dma_wait3A_320] : memref<2048x8192xf32, #tpu.memory_space<hbm>> -> memref<1x8192xf32, #tpu.memory_space<hbm>>
    %dma_wait3A_322 = tpu.memref_squeeze %dma_wait3A_321 : memref<1x8192xf32, #tpu.memory_space<hbm>> -> memref<8192xf32, #tpu.memory_space<hbm>>
    %dma_wait3A_323 = arith.constant 0 : i32
    %dma_wait3A_324 = tpu.memref_slice %arg6[%mul3A_2, %dma_wait3A_323] : memref<2048x8192xf32, #tpu.memory_space<hbm>> -> memref<1x8192xf32, #tpu.memory_space<hbm>>
    %dma_wait3A_325 = tpu.memref_squeeze %dma_wait3A_324 : memref<1x8192xf32, #tpu.memory_space<hbm>> -> memref<8192xf32, #tpu.memory_space<hbm>>
    tpu.wait_dma2 semaphore(%arg33 : memref<!tpu.dma_semaphore, #tpu.memory_space<semaphore_mem>>) src(%arg27 : memref<8192xf32, #tpu.memory_space<vmem>>) dst(%dma_wait3A_325 : memref<8192xf32, #tpu.memory_space<hbm>>)
    %dma_wait3A_326 = arith.constant 0 : i32
    %dma_wait3A_327 = tpu.memref_slice %arg6[%mul3A_2, %dma_wait3A_326] : memref<2048x8192xf32, #tpu.memory_space<hbm>> -> memref<1x8192xf32, #tpu.memory_space<hbm>>
    %dma_wait3A_328 = tpu.memref_squeeze %dma_wait3A_327 : memref<1x8192xf32, #tpu.memory_space<hbm>> -> memref<8192xf32, #tpu.memory_space<hbm>>
    %dma_wait3A_329 = arith.constant 0 : i32
    %dma_wait3A_330 = tpu.memref_slice %arg6[%mul3A_2, %dma_wait3A_329] : memref<2048x8192xf32, #tpu.memory_space<hbm>> -> memref<1x8192xf32, #tpu.memory_space<hbm>>
    %dma_wait3A_331 = tpu.memref_squeeze %dma_wait3A_330 : memref<1x8192xf32, #tpu.memory_space<hbm>> -> memref<8192xf32, #tpu.memory_space<hbm>>
    tpu.wait_dma2 semaphore(%arg33 : memref<!tpu.dma_semaphore, #tpu.memory_space<semaphore_mem>>) src(%arg28 : memref<8192xf32, #tpu.memory_space<vmem>>) dst(%dma_wait3A_331 : memref<8192xf32, #tpu.memory_space<hbm>>)
    %dma_wait3A_332 = arith.constant 0 : i32
    %dma_wait3A_333 = tpu.memref_slice %arg6[%mul3A_2, %dma_wait3A_332] : memref<2048x8192xf32, #tpu.memory_space<hbm>> -> memref<1x8192xf32, #tpu.memory_space<hbm>>
    %dma_wait3A_334 = tpu.memref_squeeze %dma_wait3A_333 : memref<1x8192xf32, #tpu.memory_space<hbm>> -> memref<8192xf32, #tpu.memory_space<hbm>>
    %dma_wait3A_335 = arith.constant 0 : i32
    %dma_wait3A_336 = tpu.memref_slice %arg6[%mul3A_2, %dma_wait3A_335] : memref<2048x8192xf32, #tpu.memory_space<hbm>> -> memref<1x8192xf32, #tpu.memory_space<hbm>>
    %dma_wait3A_337 = tpu.memref_squeeze %dma_wait3A_336 : memref<1x8192xf32, #tpu.memory_space<hbm>> -> memref<8192xf32, #tpu.memory_space<hbm>>
    tpu.wait_dma2 semaphore(%arg33 : memref<!tpu.dma_semaphore, #tpu.memory_space<semaphore_mem>>) src(%arg29 : memref<8192xf32, #tpu.memory_space<vmem>>) dst(%dma_wait3A_337 : memref<8192xf32, #tpu.memory_space<hbm>>)
    %dma_wait3A_338 = arith.constant 0 : i32
    %dma_wait3A_339 = tpu.memref_slice %arg2[%mul3A_2, %dma_wait3A_338] : memref<2048x8192xf32, #tpu.memory_space<hbm>> -> memref<1x8192xf32, #tpu.memory_space<hbm>>
    %dma_wait3A_340 = tpu.memref_squeeze %dma_wait3A_339 : memref<1x8192xf32, #tpu.memory_space<hbm>> -> memref<8192xf32, #tpu.memory_space<hbm>>
    %dma_wait3A_341 = arith.constant 0 : i32
    %dma_wait3A_342 = tpu.memref_slice %arg2[%mul3A_2, %dma_wait3A_341] : memref<2048x8192xf32, #tpu.memory_space<hbm>> -> memref<1x8192xf32, #tpu.memory_space<hbm>>
    %dma_wait3A_343 = tpu.memref_squeeze %dma_wait3A_342 : memref<1x8192xf32, #tpu.memory_space<hbm>> -> memref<8192xf32, #tpu.memory_space<hbm>>
    tpu.wait_dma2 semaphore(%arg31 : memref<!tpu.dma_semaphore, #tpu.memory_space<semaphore_mem>>) src(%dma_wait3A_343 : memref<8192xf32, #tpu.memory_space<hbm>>) dst(%arg21 : memref<8192xf32, #tpu.memory_space<vmem>>)
    %dma_wait3A_344 = arith.constant 0 : i32
    %dma_wait3A_345 = tpu.memref_slice %arg2[%mul3A_2, %dma_wait3A_344] : memref<2048x8192xf32, #tpu.memory_space<hbm>> -> memref<1x8192xf32, #tpu.memory_space<hbm>>
    %dma_wait3A_346 = tpu.memref_squeeze %dma_wait3A_345 : memref<1x8192xf32, #tpu.memory_space<hbm>> -> memref<8192xf32, #tpu.memory_space<hbm>>
    %dma_wait3A_347 = arith.constant 0 : i32
    %dma_wait3A_348 = tpu.memref_slice %arg2[%mul3A_2, %dma_wait3A_347] : memref<2048x8192xf32, #tpu.memory_space<hbm>> -> memref<1x8192xf32, #tpu.memory_space<hbm>>
    %dma_wait3A_349 = tpu.memref_squeeze %dma_wait3A_348 : memref<1x8192xf32, #tpu.memory_space<hbm>> -> memref<8192xf32, #tpu.memory_space<hbm>>
    tpu.wait_dma2 semaphore(%arg31 : memref<!tpu.dma_semaphore, #tpu.memory_space<semaphore_mem>>) src(%dma_wait3A_349 : memref<8192xf32, #tpu.memory_space<hbm>>) dst(%arg22 : memref<8192xf32, #tpu.memory_space<vmem>>)
    %dma_wait3A_350 = arith.constant 0 : i32
    %dma_wait3A_351 = tpu.memref_slice %arg2[%mul3A_2, %dma_wait3A_350] : memref<2048x8192xf32, #tpu.memory_space<hbm>> -> memref<1x8192xf32, #tpu.memory_space<hbm>>
    %dma_wait3A_352 = tpu.memref_squeeze %dma_wait3A_351 : memref<1x8192xf32, #tpu.memory_space<hbm>> -> memref<8192xf32, #tpu.memory_space<hbm>>
    %dma_wait3A_353 = arith.constant 0 : i32
    %dma_wait3A_354 = tpu.memref_slice %arg2[%mul3A_2, %dma_wait3A_353] : memref<2048x8192xf32, #tpu.memory_space<hbm>> -> memref<1x8192xf32, #tpu.memory_space<hbm>>
    %dma_wait3A_355 = tpu.memref_squeeze %dma_wait3A_354 : memref<1x8192xf32, #tpu.memory_space<hbm>> -> memref<8192xf32, #tpu.memory_space<hbm>>
    tpu.wait_dma2 semaphore(%arg31 : memref<!tpu.dma_semaphore, #tpu.memory_space<semaphore_mem>>) src(%dma_wait3A_355 : memref<8192xf32, #tpu.memory_space<hbm>>) dst(%arg23 : memref<8192xf32, #tpu.memory_space<vmem>>)
    %parallel_loop3A_356 = arith.constant 0 : i32
    %parallel_loop3A_357 = arith.constant 512 : i32
    %parallel_loop3A_358 = arith.constant 1 : i32
    scf.for %parallel_loop3A_393 = %parallel_loop3A_356 to %parallel_loop3A_357 step %parallel_loop3A_358  : i32 {
      %parallel_loop3A_394 = arith.constant 16 : i32
      %parallel_loop3A_395 = arith.muli %parallel_loop3A_393, %parallel_loop3A_394 : i32
      %parallel_loop3A_396 = arith.index_cast %parallel_loop3A_395 : i32 to index
      %parallel_loop3A_397 = tpu.vector_load %arg7[%parallel_loop3A_396] {strides = array<i32>} : memref<8192xi32, #tpu.memory_space<vmem>>, vector<16xi32>,
      %parallel_loop3A_398 = arith.constant 65535 : i32
      %parallel_loop3A_399 = vector.broadcast %parallel_loop3A_398 : i32 to vector<16xi32>
      %parallel_loop3A_400 = arith.andi %parallel_loop3A_397, %parallel_loop3A_399 : vector<16xi32>
      %parallel_loop3A_401 = arith.constant 16 : i32
      %parallel_loop3A_402 = vector.broadcast %parallel_loop3A_401 : i32 to vector<16xi32>
      %parallel_loop3A_403 = arith.shrui %parallel_loop3A_397, %parallel_loop3A_402 : vector<16xi32>
      %parallel_loop3A_404 = arith.index_cast %parallel_loop3A_395 : i32 to index
      %parallel_loop3A_405 = tpu.vector_load %arg8[%parallel_loop3A_404] {strides = array<i32>} : memref<8192xi32, #tpu.memory_space<vmem>>, vector<16xi32>,
      %parallel_loop3A_406 = arith.index_cast %parallel_loop3A_395 : i32 to index
      %parallel_loop3A_407 = tpu.vector_load %arg9[%parallel_loop3A_406] {strides = array<i32>} : memref<8192xi32, #tpu.memory_space<vmem>>, vector<16xi32>,
      %parallel_loop3A_408 = arith.constant 16 : i32
      %parallel_loop3A_409 = vector.broadcast %parallel_loop3A_408 : i32 to vector<16xi32>
      %parallel_loop3A_410 = arith.shli %parallel_loop3A_405, %parallel_loop3A_409 : vector<16xi32>
      %parallel_loop3A_411 = vector.bitcast %parallel_loop3A_410 : vector<16xi32> to vector<16xf32>
      %parallel_loop3A_412 = vector.bitcast %parallel_loop3A_405 : vector<16xi32> to vector<16xf32>
      %parallel_loop3A_413 = arith.constant 16 : i32
      %parallel_loop3A_414 = vector.broadcast %parallel_loop3A_413 : i32 to vector<16xi32>
      %parallel_loop3A_415 = arith.shli %parallel_loop3A_407, %parallel_loop3A_414 : vector<16xi32>
      %parallel_loop3A_416 = vector.bitcast %parallel_loop3A_415 : vector<16xi32> to vector<16xf32>
      %parallel_loop3A_417 = vector.bitcast %parallel_loop3A_407 : vector<16xi32> to vector<16xf32>
      %parallel_loop3A_418 = tpu.vector_load_idx %arg21[%parallel_loop3A_400] : memref<8192xf32, #tpu.memory_space<vmem>>[vector<16xi32>], vector<16xf32>,
      %parallel_loop3A_419 = tpu.vector_load_idx %arg21[%parallel_loop3A_403] : memref<8192xf32, #tpu.memory_space<vmem>>[vector<16xi32>], vector<16xf32>,
      %parallel_loop3A_420 = arith.mulf %parallel_loop3A_416, %parallel_loop3A_419 : vector<16xf32>
      %parallel_loop3A_421 = arith.addf %parallel_loop3A_411, %parallel_loop3A_420 : vector<16xf32>
      %parallel_loop3A_422 = arith.mulf %parallel_loop3A_417, %parallel_loop3A_419 : vector<16xf32>
      %parallel_loop3A_423 = arith.addf %parallel_loop3A_412, %parallel_loop3A_422 : vector<16xf32>
      %parallel_loop3A_424 = arith.mulf %parallel_loop3A_418, %parallel_loop3A_423 : vector<16xf32>
      %parallel_loop3A_425 = arith.addf %parallel_loop3A_421, %parallel_loop3A_424 : vector<16xf32>
      %parallel_loop3A_426 = arith.index_cast %parallel_loop3A_395 : i32 to index
      %parallel_loop3A_427 = tpu.vector_load %arg27[%parallel_loop3A_426] {strides = array<i32>} : memref<8192xf32, #tpu.memory_space<vmem>>, vector<16xf32>,
      tpu.vector_store %arg27[%parallel_loop3A_426], %parallel_loop3A_425 {strides = array<i32>} : memref<8192xf32, #tpu.memory_space<vmem>>, vector<16xf32>,
    } {sc.loop_unroll_factor = 4 : i64, sc.parallel_access}
    %add3A_359 = arith.constant 63 : i32
    %add3A_360 = arith.addi %mul3A_2, %add3A_359 : i32
    %add3A_361 = arith.constant 0 : i32
    %add3A_362 = arith.addi %add3A_360, %add3A_361 : i32
    %dma_start3A_363 = arith.constant 0 : i32
    %dma_start3A_364 = tpu.memref_slice %arg6[%add3A_362, %dma_start3A_363] : memref<2048x8192xf32, #tpu.memory_space<hbm>> -> memref<1x8192xf32, #tpu.memory_space<hbm>>
    %dma_start3A_365 = tpu.memref_squeeze %dma_start3A_364 : memref<1x8192xf32, #tpu.memory_space<hbm>> -> memref<8192xf32, #tpu.memory_space<hbm>>
    %dma_start3A_366 = arith.constant 0 : i32
    %dma_start3A_367 = tpu.memref_slice %arg6[%add3A_362, %dma_start3A_366] : memref<2048x8192xf32, #tpu.memory_space<hbm>> -> memref<1x8192xf32, #tpu.memory_space<hbm>>
    %dma_start3A_368 = tpu.memref_squeeze %dma_start3A_367 : memref<1x8192xf32, #tpu.memory_space<hbm>> -> memref<8192xf32, #tpu.memory_space<hbm>>
    tpu.enqueue_dma source(%arg27 : memref<8192xf32, #tpu.memory_space<vmem>>) target(%dma_start3A_368 : memref<8192xf32, #tpu.memory_space<hbm>>) target_semaphore(%arg33 : memref<!tpu.dma_semaphore, #tpu.memory_space<semaphore_mem>>)
    %dma_wait3A_369 = arith.constant 0 : i32
    %dma_wait3A_370 = tpu.memref_slice %arg6[%mul3A_2, %dma_wait3A_369] : memref<2048x8192xf32, #tpu.memory_space<hbm>> -> memref<1x8192xf32, #tpu.memory_space<hbm>>
    %dma_wait3A_371 = tpu.memref_squeeze %dma_wait3A_370 : memref<1x8192xf32, #tpu.memory_space<hbm>> -> memref<8192xf32, #tpu.memory_space<hbm>>
    %dma_wait3A_372 = arith.constant 0 : i32
    %dma_wait3A_373 = tpu.memref_slice %arg6[%mul3A_2, %dma_wait3A_372] : memref<2048x8192xf32, #tpu.memory_space<hbm>> -> memref<1x8192xf32, #tpu.memory_space<hbm>>
    %dma_wait3A_374 = tpu.memref_squeeze %dma_wait3A_373 : memref<1x8192xf32, #tpu.memory_space<hbm>> -> memref<8192xf32, #tpu.memory_space<hbm>>
    tpu.wait_dma2 semaphore(%arg32 : memref<!tpu.dma_semaphore, #tpu.memory_space<semaphore_mem>>) src(%arg24 : memref<8192xf32, #tpu.memory_space<vmem>>) dst(%dma_wait3A_374 : memref<8192xf32, #tpu.memory_space<hbm>>)
    %dma_wait3A_375 = arith.constant 0 : i32
    %dma_wait3A_376 = tpu.memref_slice %arg6[%mul3A_2, %dma_wait3A_375] : memref<2048x8192xf32, #tpu.memory_space<hbm>> -> memref<1x8192xf32, #tpu.memory_space<hbm>>
    %dma_wait3A_377 = tpu.memref_squeeze %dma_wait3A_376 : memref<1x8192xf32, #tpu.memory_space<hbm>> -> memref<8192xf32, #tpu.memory_space<hbm>>
    %dma_wait3A_378 = arith.constant 0 : i32
    %dma_wait3A_379 = tpu.memref_slice %arg6[%mul3A_2, %dma_wait3A_378] : memref<2048x8192xf32, #tpu.memory_space<hbm>> -> memref<1x8192xf32, #tpu.memory_space<hbm>>
    %dma_wait3A_380 = tpu.memref_squeeze %dma_wait3A_379 : memref<1x8192xf32, #tpu.memory_space<hbm>> -> memref<8192xf32, #tpu.memory_space<hbm>>
    tpu.wait_dma2 semaphore(%arg32 : memref<!tpu.dma_semaphore, #tpu.memory_space<semaphore_mem>>) src(%arg25 : memref<8192xf32, #tpu.memory_space<vmem>>) dst(%dma_wait3A_380 : memref<8192xf32, #tpu.memory_space<hbm>>)
    %dma_wait3A_381 = arith.constant 0 : i32
    %dma_wait3A_382 = tpu.memref_slice %arg6[%mul3A_2, %dma_wait3A_381] : memref<2048x8192xf32, #tpu.memory_space<hbm>> -> memref<1x8192xf32, #tpu.memory_space<hbm>>
    %dma_wait3A_383 = tpu.memref_squeeze %dma_wait3A_382 : memref<1x8192xf32, #tpu.memory_space<hbm>> -> memref<8192xf32, #tpu.memory_space<hbm>>
    %dma_wait3A_384 = arith.constant 0 : i32
    %dma_wait3A_385 = tpu.memref_slice %arg6[%mul3A_2, %dma_wait3A_384] : memref<2048x8192xf32, #tpu.memory_space<hbm>> -> memref<1x8192xf32, #tpu.memory_space<hbm>>
    %dma_wait3A_386 = tpu.memref_squeeze %dma_wait3A_385 : memref<1x8192xf32, #tpu.memory_space<hbm>> -> memref<8192xf32, #tpu.memory_space<hbm>>
    tpu.wait_dma2 semaphore(%arg32 : memref<!tpu.dma_semaphore, #tpu.memory_space<semaphore_mem>>) src(%arg26 : memref<8192xf32, #tpu.memory_space<vmem>>) dst(%dma_wait3A_386 : memref<8192xf32, #tpu.memory_space<hbm>>)
    %dma_wait3A_387 = arith.constant 0 : i32
    %dma_wait3A_388 = tpu.memref_slice %arg6[%mul3A_2, %dma_wait3A_387] : memref<2048x8192xf32, #tpu.memory_space<hbm>> -> memref<1x8192xf32, #tpu.memory_space<hbm>>
    %dma_wait3A_389 = tpu.memref_squeeze %dma_wait3A_388 : memref<1x8192xf32, #tpu.memory_space<hbm>> -> memref<8192xf32, #tpu.memory_space<hbm>>
    %dma_wait3A_390 = arith.constant 0 : i32
    %dma_wait3A_391 = tpu.memref_slice %arg6[%mul3A_2, %dma_wait3A_390] : memref<2048x8192xf32, #tpu.memory_space<hbm>> -> memref<1x8192xf32, #tpu.memory_space<hbm>>
    %dma_wait3A_392 = tpu.memref_squeeze %dma_wait3A_391 : memref<1x8192xf32, #tpu.memory_space<hbm>> -> memref<8192xf32, #tpu.memory_space<hbm>>
    tpu.wait_dma2 semaphore(%arg33 : memref<!tpu.dma_semaphore, #tpu.memory_space<semaphore_mem>>) src(%arg27 : memref<8192xf32, #tpu.memory_space<vmem>>) dst(%dma_wait3A_392 : memref<8192xf32, #tpu.memory_space<hbm>>)
    return
  }
}

</mosaic_0001>

<sc_bundles>
// kernel: _logic_sc.3.cloned.1.call-start
scs
__scs_entry_jumppad:
0x0: {  	(pc) =	sbr.rel $0x88, $3  }
0x1: {  	(tag) =	ssettag $0x0;
	lr =	simm.s32 $0x1  }
0x2: {  	[smem:$0x3F9D] =	sst lr;
	_ =	strace $0xD0000000  }
0x3: {  	_ = 	snop  }
0x4: {  	_ = 	snop  }
0x5: {  	_ = 	snop  }
0x6: {  	_ = 	snop  }
0x7: {  	_ = 	snop  }
__scs_overlays_trampoline_lowered:
0x8: {  	[smem:$0x3FAC] =	sst s0  }
0x9: {  	[smem:$0x3FAD] =	sst s1  }
0xa: {  	[smem:$0x3FAE] =	sst s2  }
0xb: {  	[smem:$0x3FAF] =	sst s3  }
0xc: {  	[smem:$0x3FB0] =	sst s4  }
0xd: {  	[smem:$0x3FB1] =	sst s5  }
0xe: {  	[smem:$0x3FB2] =	sst s6  }
0xf: {  	[smem:$0x3FB3] =	sst s7  }
0x10: {  	[smem:$0x3FB4] =	sst s8  }
0x11: {  	[smem:$0x3FB5] =	sst s9;
	s0 =	simm.s32 @!p0 $0x0  }
0x12: {  	s1 =	sld [smem:$0x3F9B];
	s0 =	simm.s32 @p0 $0x1  }
0x13: {  	[smem:$0x3FB6] =	sst s0;
	s0 =	simm.s32 @!p1 $0x0  }
0x14: {  	s2 =	sld [smem:$0x3F9A];
	s0 =	simm.s32 @p1 $0x1  }
0x15: {  	[smem:$0x3FB7] =	sst s0;
	s0 =	simm.s32 @!p2 $0x0  }
0x16: {  	s3 =	sld [smem:$0x3FDB];
	s0 =	simm.s32 @p2 $0x1  }
0x17: {  	s4 =	simm.s32 $0x1BF5;
	[smem:$0x3FB9] =	sst s0  }
0x18: {  	s0 =	sld [smem:$0x3F9C];
	_ =	swait.ge [sflag:s4], $0x0  }
0x19: {  	s7 =	sld [smem:$0x3F9D]  }
0x1a: {  	s8 =	sadd.s32 $0xFFFFE003, lr  }
0x1b: {  	s9 =	sadd.s32 $0xFFFFFEF7, lr;
	s5 =	simm.s32 $0xFFFFFFFF;
	p2 =	slt.u32 s8, $0xFFFFF086  }
0x1c: {  	p1 =	slt.u32 s9, $0xF7A;
	s5 =	simm.s32 @!p2 $0x0  }
0x1d: {  	s5 =	simm.s32 @p1 $0x1;
	p0 =	seq.s32 s7, s2  }
0x1e: {  	s7 =	smul.u32 @!p0 $0xF7A, s2;
	p2 =	seq.s32 @!p0 s5, $0x0  }
0x1f: {  	s9 =	smul.u32 $0xF7A, s1;
	s8 =	simm.s32 @!p0 $0x1BF5;
	p2 =	por !p2, p0  }
0x20: {  	[sflag:s8] =	ssyncset.s32 @!p0 $0xFFFFF086;
	s6 =	sadd.s32 @!p0 s3, s7;
	s7 =	simm.s32 @!p0 $0x108  }
0x21: {  	s3 =	sadd.s32 s3, s9;
	s6 =	sadd.s32 @!p0 $0x88, s6;
	s7 =	simm.s32 @p2 $0x1082  }
0x22: {  	[simem:s7], [sflag:s8] =	dma.local @!p0 [hbm:s6], $0xF7A  }
0x23: {  	s9 =	sor.u32 $0xD0000000, s2;
	s6 =	simm.s32 $0x108;
	_ =	swait.ge @!p0 [sflag:s8], $0x0  }
0x24: {  	s3 =	sadd.s32 $0x88, s3;
	s6 =	simm.s32 @!p1 $0x1082;
	[sflag:s4] =	ssyncset.s32 $0xFFFFF086  }
0x25: {  	[simem:s6], [sflag:s4] =	dma.local [hbm:s3], $0xF7A  }
0x26: {  	[smem:$0x3F9D] =	sst s1;
	(tag) =	ssettag s2;
	_ =	strace s9  }
0x27: {  	s1 =	sld [smem:$0x3FAD]  }
0x28: {  	s2 =	sld [smem:$0x3FAE]  }
0x29: {  	s4 =	sld [smem:$0x3FB0]  }
0x2a: {  	p0 =	seq.s32 s5, $0x0;
	s5 =	sld [smem:$0x3FB1]  }
0x2b: {  	s6 =	sld [smem:$0x3FB2]  }
0x2c: {  	s7 =	sld [smem:$0x3FB3]  }
0x2d: {  	s3 =	simm.s32 $0x108;
	s8 =	sld [smem:$0x3FB4]  }
0x2e: {  	s3 =	simm.s32 @!p0 $0x1082;
	s9 =	sld [smem:$0x3FB5]  }
0x2f: {  	lr =	sadd.s32 s0, s3;
	s0 =	sld [smem:$0x3FAC]  }
0x30: {  	s3 =	sld [smem:$0x3FAF]  }
0x31: {  	[smem:$0x3FB8] =	sst s10  }
0x32: {  	s10 =	sld [smem:$0x3FB6];
	_ =	sdelay $0x3  }
0x33: {  	p0 =	seq.s32 s10, $0x1;
	s10 =	sld [smem:$0x3FB8];
	_ =	sdelay $0x3  }
0x34: {  	[smem:$0x3FB8] =	sst s10  }
0x35: {  	s10 =	sld [smem:$0x3FB7];
	_ =	sdelay $0x3  }
0x36: {  	p1 =	seq.s32 s10, $0x1;
	s10 =	sld [smem:$0x3FB8];
	_ =	sdelay $0x3  }
0x37: {  	[smem:$0x3FB8] =	sst s10  }
0x38: {  	s10 =	sld [smem:$0x3FB9]  }
0x39: {  	_ = 	snop;
	(pc) =	sbr.ind lr, $3  }
0x3a: {  	_ = 	snop  }
0x3b: {  	_ = 	snop  }
0x3c: {  	p2 =	seq.s32 s10, $0x1;
	s10 =	sld [smem:$0x3FB8]  }
0x3d: {  	_ =	shalt  }
0x3e: {  	_ =	shalt  }
0x3f: {  	_ =	shalt  }
0x40: {  	_ =	shalt  }
0x41: {  	_ =	shalt  }
0x42: {  	_ =	shalt  }
0x43: {  	_ =	shalt  }
0x44: {  	_ =	shalt  }
0x45: {  	_ =	shalt  }
0x46: {  	_ =	shalt  }
0x47: {  	_ =	shalt  }
0x48: {  	_ =	shalt  }
0x49: {  	_ =	shalt  }
0x4a: {  	_ =	shalt  }
0x4b: {  	_ =	shalt  }
0x4c: {  	_ =	shalt  }
0x4d: {  	_ =	shalt  }
0x4e: {  	_ =	shalt  }
0x4f: {  	_ =	shalt  }
0x50: {  	_ =	shalt  }
0x51: {  	_ =	shalt  }
0x52: {  	_ =	shalt  }
0x53: {  	_ =	shalt  }
0x54: {  	_ =	shalt  }
0x55: {  	_ =	shalt  }
0x56: {  	_ =	shalt  }
0x57: {  	_ =	shalt  }
0x58: {  	_ =	shalt  }
0x59: {  	_ =	shalt  }
0x5a: {  	_ =	shalt  }
0x5b: {  	_ =	shalt  }
0x5c: {  	_ =	shalt  }
0x5d: {  	_ =	shalt  }
0x5e: {  	_ =	shalt  }
0x5f: {  	_ =	shalt  }
0x60: {  	_ =	shalt  }
0x61: {  	_ =	shalt  }
0x62: {  	_ =	shalt  }
0x63: {  	_ =	shalt  }
0x64: {  	_ =	shalt  }
0x65: {  	_ =	shalt  }
0x66: {  	_ =	shalt  }
0x67: {  	_ =	shalt  }
0x68: {  	_ =	shalt  }
0x69: {  	_ =	shalt  }
0x6a: {  	_ =	shalt  }
0x6b: {  	_ =	shalt  }
0x6c: {  	_ =	shalt  }
0x6d: {  	_ =	shalt  }
0x6e: {  	_ =	shalt  }
0x6f: {  	_ =	shalt  }
0x70: {  	_ =	shalt  }
0x71: {  	_ =	shalt  }
0x72: {  	_ =	shalt  }
0x73: {  	_ =	shalt  }
0x74: {  	_ =	shalt  }
0x75: {  	_ =	shalt  }
0x76: {  	_ =	shalt  }
0x77: {  	_ =	shalt  }
0x78: {  	_ =	shalt  }
0x79: {  	_ =	shalt  }
0x7a: {  	_ =	shalt  }
0x7b: {  	_ =	shalt  }
0x7c: {  	_ =	shalt  }
0x7d: {  	_ =	shalt  }
0x7e: {  	_ =	shalt  }
0x7f: {  	_ =	shalt  }
0x80: {  	_ =	shalt  }
0x81: {  	_ =	shalt  }
0x82: {  	_ =	shalt  }
0x83: {  	_ =	shalt  }
0x84: {  	_ =	shalt  }
0x85: {  	_ =	shalt  }
0x86: {  	_ =	shalt  }
0x87: {  	_ =	shalt  }
.Lfunc_end0:
.L_simem_size_0:
called_computation_lowered:
.L_overlay_start_0:
0x88: {  	s2 =	sld [smem:$0x3FD9]  }
0x89: {  	s3 =	sld [smem:$0x3FFE];
	_ =	sdelay $0x1  }
0x8a: {  	s1 =	srdreg.scid  }
0x8b: {  	s0 =	sand.u32 $0x1, s1  }
0x8c: {  	s17 =	sshll.u32 s0, $0xA;
	s2 =	sadd.s32 s3, s2  }
0x8d: {  	s2 =	sadd.s32 s2, s17  }
0x8e: {  	[smem:$0x3FC4] =	sst s2  }
0x8f: {  	_ = 	snop  }
0x90: {  	s2 =	sld [smem:$0x3FC9]  }
0x91: {  	s18 =	sld [smem:$0x3FC7]  }
0x92: {  	s4 =	sld [smem:$0x3FC6]  }
0x93: {  	s5 =	sld [smem:$0x3FD0];
	(tm) =	ssettm $0x1  }
0x94: {  	s6 =	sld [smem:$0x3FFB];
	_ =	sdelay $0x3  }
0x95: {  	_ =	strace s6  }
0x96: {  	s6 =	sld [smem:$0x3FFC];
	_ =	sdelay $0x3  }
0x97: {  	_ =	strace s6  }
0x98: {  	s6 =	sld [smem:$0x3FFD];
	_ =	sdelay $0x3  }
0x99: {  	_ =	strace s6  }
0x9a: {  	_ =	strace $0x8FFFFFFF  }
0x9b: {  	s19 =	sld [smem:$0x3FDB];
	_ =	sdelay $0x1  }
0x9c: {  	s7 =	simm.s32 $_scs_section_size  }
0x9d: {  	s8 =	simm.s32 $_size__tile_overlayer_lowered;
	s9 =	simm.s32 $_tile_overlayer_lowered  }
0x9e: {  	s22 =	simm.s32 $0x1BFF;
	s21 =	sshll.u32 s9, $0x1;
	s6 =	sadd.s32 s7, s19  }
0x9f: {  	s10 =	simm.s32 $0x0;
	s20 =	sshll.u32 s8, $0x1;
	s8 =	sadd.s32 s21, s6  }
0xa0: {  	[timem:s10], [sflag:s22] =	dma.local [hbm:s8], s20  }
0xa1: {  	_ =	swait.ge [sflag:s22], s20  }
0xa2: {  	s7 =	ssub.s32 $0x0, s20;
	[sflag:s22] =	ssyncset.done $0x0  }
0xa3: {  	[sflag:s22] =	ssyncadd.s32 s7;
	_ =	sdelay $0x1  }
0xa4: {  	s23 =	simm.s32 $0x1B8B  }
0xa5: {  	_ =	swait.ge [sflag:s23], $0x1  }
0xa6: {  	[sflag:s23] =	ssyncset.done $0x0  }
0xa7: {  	s25 =	simm.s32 $0x1B8E;
	s24 =	sld [smem:$0x3FFE];
	[sflag:s23] =	ssyncadd.s32 $0xFFFFFFFF  }
0xa8: {  	s26 =	simm.s32 $execute0_lowered;
	[smem:$0x3FD2] =	sst s25  }
0xa9: {  	s8 =	sshll.u32 s26, $0x1;
	_ =	strace $0x80000046;
	[dreg:$0x1] =	wrdreg $0xFFFFFFFF  }
0xaa: {  	s28 =	simm.s32 $_size_execute0_lowered;
	s6 =	sadd.s32 s6, s8;
	[dreg:$0x0] =	wrdreg $0x0  }
0xab: {  	s8 =	sshll.u32 s28, $0x1;
	[dreg:$0x2] =	wrdreg s6  }
0xac: {  	[dreg:$0x3] =	wrdreg s8  }
0xad: {  	[dreg:$0x4] =	wrdreg $0xC0  }
0xae: {  	_ =	task [dreg:s10], $0x5FFFF  }
0xaf: {  	[dreg:$0x1] =	wrdreg $0xFFFFFFFF  }
0xb0: {  	[dreg:$0x0] =	wrdreg $0x60  }
0xb1: {  	[dreg:$0x2] =	wrdreg s2  }
0xb2: {  	[dreg:$0x3] =	wrdreg s24  }
0xb3: {  	[dreg:$0x4] =	wrdreg s18  }
0xb4: {  	[dreg:$0x5] =	wrdreg s4  }
0xb5: {  	[dreg:$0x6] =	wrdreg s5  }
0xb6: {  	[dreg:$0x7] =	wrdreg $0x6A000  }
0xb7: {  	[dreg:$0x8] =	wrdreg $0x6C000  }
0xb8: {  	[dreg:$0x9] =	wrdreg $0x6E000  }
0xb9: {  	[dreg:$0xa] =	wrdreg $0x9  }
0xba: {  	_ =	task.clear_ibuf [dreg:s10], $0xBFFFF;
	_ =	strace $0x90000046  }
0xbb: {  	s29 =	simm.s32 $0x9;
	_ =	strace $0x80000048  }
0xbc: {  	_ =	swait.ge [sflag:s29], $0x1  }
0xbd: {  	[sflag:s29] =	ssyncadd.s32 $0xFFFFFFFF  }
0xbe: {  	_ =	strace $0x90000048  }
0xbf: {  	_ =	sfence  }
0xc0: {  	s30 =	sld [smem:$0x0];
	_ =	sdelay $0x2  }
0xc1: {  	s31 =	sshll.u32 s1, $0xD;
	s1 =	sshrl.u32 s1, $0x2  }
0xc2: {  	s3 =	sand.u32 $0x4000, s31;
	s1 =	sadd.s32 s1, s30  }
0xc3: {  	s0 =	sor.u32 s3, s0;
	s1 =	sshll.u32 s1, $0x11  }
0xc4: {  	s0 =	sor.u32 s1, s0  }
0xc5: {  	s0 =	sadd.s32 $0x8F2B, s0  }
0xc6: {  	[sflag:s0] =	ssyncadd.remote.s32 $0x1  }
0xc7: {  	_ =	sfence.sel $0xFFFF  }
0xc8: {  	[dreg:$0x0] =	wrdreg $0xFFFFFFFF;
	(pc) =	sbr.abs _section_cstart, $3  }
0xc9: {  	[dreg:$0x1] =	wrdreg $0xFFFFFFFF  }
0xca: {  	_ =	task.clear_ibuf [dreg:s10], $0x2FFFF;
	_ =	strace $0x9FFFFFFF  }
0xcb: {  	(tm) =	ssettm $0x7FFFFFFF  }
tec
execute0_lowered:
.L_overlay_start_1:
0x0: {  	(tag) =	ssettag $0x1  }
0x1: {  	s11 =	rddreg [dreg:$0x0]  }
0x2: {  	s0 =	rddreg [dreg:$0x1]  }
0x3: {  	s1 =	rddreg [dreg:$0x2]  }
0x4: {  	s2 =	rddreg [dreg:$0x3]  }
0x5: {  	s12 =	rddreg [dreg:$0x4]  }
0x6: {  	s13 =	rddreg [dreg:$0x5]  }
0x7: {  	s14 =	rddreg [dreg:$0x6]  }
0x8: {  	s15 =	rddreg [dreg:$0x7];
	s16 =	simm.s32 $0x0;
	s10 =	stileid.u32  }
0x9: {  	s3 =	srdreg.scid;
	[smem:$0x7FF] =	sst s16;
	s5 =	sshll.u32 s10, $0x7  }
0xa: {  	s6 =	sshll.u32 s10, $0xA;
	s31 =	sshll.u32 s10, $0x9;
	s10 =	sshll.u32 s10, $0x6  }
0xb: {  	s3 =	sand.u32 $0x1, s3;
	_ =	strace $0x80000047;
	s1 =	sadd.s32 s1, s10  }
0xc: {  	s4 =	ssub.s32 $0x2, s3;
	s10 =	sadd.s32 s2, s10;
	[dreg:$0x17] =	wrdreg s1  }
0xd: {  	s3 =	sshll.u32 s3, $0x6;
	s19 =	sadd.s32 s31, s13;
	[dreg:$0x18] =	wrdreg s10  }
0xe: {  	s0 =	sadd.s32 s6, s0;
	s20 =	sadd.s32 s31, s14;
	[dreg:$0x19] =	wrdreg s19  }
0xf: {  	s7 =	sshrl.u32 s4, $0x1;
	s0 =	sadd.s32 $0x400, s0;
	[dreg:$0x1a] =	wrdreg s20  }
0x10: {  	s17 =	sor.u32 s3, s5;
	s3 =	ssub.s32 s4, s7;
	[dreg:$0x16] =	wrdreg s0  }
0x11: {  	s21 =	sshll.u32 s17, $0xA;
	s0 =	sadd.s32 s31, s15;
	[dreg:$0x11] =	wrdreg s17  }
0x12: {  	s25 =	sor.u32 $0x3F, s17;
	s15 =	sor.u32 $0x6, s17;
	[dreg:$0x1b] =	wrdreg s0  }
0x13: {  	s19 =	sor.u32 $0x9, s17;
	s22 =	sor.u32 $0x10, s21;
	[dreg:$0x12] =	wrdreg s25  }
0x14: {  	s23 =	sor.u32 $0x20, s21;
	s18 =	sadd.s32 s11, s21;
	[smem:$0x7FC] =	sst s15  }
0x15: {  	s7 =	sor.u32 $0x30, s21;
	s8 =	sor.u32 $0x40, s21;
	[smem:$0x7FD] =	sst s19  }
0x16: {  	s9 =	sor.u32 $0x50, s21;
	s21 =	sadd.s32 s12, s21;
	[dreg:$0x13] =	wrdreg s18  }
0x17: {  	s24 =	sadd.s32 s11, s22;
	[dreg:$0x1c] =	wrdreg s21  }
0x18: {  	s26 =	sadd.s32 s11, s23;
	[dreg:$0x14] =	wrdreg s24  }
0x19: {  	s22 =	sadd.s32 s12, s22;
	[dreg:$0x15] =	wrdreg s26  }
0x1a: {  	s23 =	sadd.s32 s12, s23;
	[dreg:$0x1d] =	wrdreg s22  }
0x1b: {  	s31 =	sadd.s32 s12, s7;
	[dreg:$0x1e] =	wrdreg s23  }
0x1c: {  	s4 =	sadd.s32 s11, s8;
	[smem:$0x7EC] =	sst s31  }
0x1d: {  	s5 =	sadd.s32 s12, s8;
	[smem:$0x7ED] =	sst s4  }
0x1e: {  	s6 =	sadd.s32 s11, s9;
	[smem:$0x7EE] =	sst s5  }
0x1f: {  	s8 =	smax.u32 s3, $0x1;
	[smem:$0x7EF] =	sst s6  }
0x20: {  	s28 =	simm.s32 $0x400;
	s10 =	sadd.s32 $0x70, s18;
	[smem:$0x7F2] =	sst s8  }
0x21: {  	s29 =	simm.s32 $0x15000;
	s13 =	sadd.s32 $0x2020, s18;
	[smem:$0x7F4] =	sst s10  }
0x22: {  	s30 =	simm.s32 $0x5;
	s14 =	sadd.s32 $0x2030, s18;
	[smem:$0x7F7] =	sst s13  }
0x23: {  	s2 =	simm.s32 $0x0;
	s26 =	sadd.s32 s11, s7;
	[smem:$0x7F8] =	sst s14  }
0x24: {  	s20 =	simm.s32 $0x9000;
	s7 =	sadd.s32 s12, s9;
	[dreg:$0x1f] =	wrdreg s26  }
0x25: {  	s24 =	sshll.u32 s25, $0xA;
	s9 =	sadd.s32 $0x60, s18;
	[smem:$0x7F0] =	sst s7  }
0x26: {  	s11 =	sadd.s32 $0x2000, s18;
	s31 =	sadd.s32 $0xE060, s21;
	[smem:$0x7F3] =	sst s9  }
0x27: {  	s22 =	simm.s32 $0xD000;
	s23 =	simm.s32 $0xF000;
	[smem:$0x7F5] =	sst s11  }
0x28: {  	s0 =	sand.u32 $0x1FE000, s24;
	s24 =	sadd.s32 $0xE040, s21;
	[smem:$0x7FB] =	sst s31  }
0x29: {  	s26 =	sadd.s32 $0xE050, s21;
	s21 =	simm.s32 $0xB000;
	[smem:$0x7F9] =	sst s24  }
0x2a: {  	s0 =	sadd.s32 s0, s12;
	s12 =	sadd.s32 $0x2010, s18;
	[smem:$0x7FA] =	sst s26  }
0x2b: {  	v0 =	vlaneseq.u32;
	s26 =	simm.s32 $0x80;
	s0 =	sadd.s32 $0x70, s0;
	[smem:$0x7F6] =	sst s12  }
0x2c: {  	v0 =	vmul.u32 $0x10, v0;
	s18 =	simm.s32 $0x7000;
	s24 =	simm.s32 $0x11000;
	[smem:$0x7F1] =	sst s0  }
.LBB2_1:
0x2d: {  	s0 =	rddreg [dreg:$0x13]  }
0x2e: {  	s8 =	rddreg [dreg:$0x14]  }
0x2f: {  	[tilespmem:s18], [sflag:$0x1] =	stream.strided.gather [hbm4b:s0+s26], $0x2000, s28, s26, $0x38;
	[tilespmem:$0x1F000] =	vst v63  }
0x30: {  	s9 =	rddreg [dreg:$0x15]  }
0x31: {  	[tilespmem:s20], [sflag:$0x1] =	stream.strided.gather [hbm4b:s8+s26], $0x2000, s28, s26, $0x38;
	[tilespmem:$0x1F000] =	vst v63  }
0x32: {  	s10 =	rddreg [dreg:$0x1f]  }
0x33: {  	[tilespmem:s21], [sflag:$0x1] =	stream.strided.gather [hbm4b:s9+s26], $0x2000, s28, s26, $0x38;
	[tilespmem:$0x1F000] =	vst v63  }
0x34: {  	s11 =	sld [smem:$0x7ED]  }
0x35: {  	[tilespmem:s22], [sflag:$0x2] =	stream.strided.gather [hbm4b:s10+s26], $0x2000, s28, s26, $0x38;
	[tilespmem:$0x1F000] =	vst v63  }
0x36: {  	s12 =	sld [smem:$0x7EF]  }
0x37: {  	[tilespmem:s23], [sflag:$0x2] =	stream.strided.gather [hbm4b:s11+s26], $0x2000, s28, s26, $0x38;
	[tilespmem:$0x1F000] =	vst v63  }
0x38: {  	[smem:$0x7EB] =	sst s2  }
0x39: {  	[tilespmem:s24], [sflag:$0x2] =	stream.strided.gather [hbm4b:s12+s26], $0x2000, s28, s26, $0x38;
	[tilespmem:$0x1F000] =	vst v63  }
0x3a: {  	s13 =	rddreg [dreg:$0x16]  }
0x3b: {  	[tilespmem:s29], [sflag:$0x5] =	stream.linear.gather [hbm4b:s13+s16], $0x2000, $0x38;
	[tilespmem:$0x1F000] =	vst v63  }
0x3c: {  	_ =	swait.ge [sflag:s30], $0x2000  }
0x3d: {  	[sflag:s30] =	ssyncset.done $0x0  }
0x3e: {  	s1 =	simm.s32 $0x6000;
	s14 =	rddreg [dreg:$0x17];
	[sflag:s30] =	ssyncadd.s32 $0xFFFFE000  }
0x3f: {  	[tilespmem:s1], [sflag:$0x5] =	stream.linear.gather [hbm4b:s14+s16], $0x200, $0x38;
	[tilespmem:$0x1F000] =	vst v63  }
0x40: {  	s17 =	simm.s32 $0x6200;
	_ =	swait.ge [sflag:s30], $0x200  }
0x41: {  	s19 =	simm.s32 $0x100;
	s25 =	simm.s32 $0x101;
	[sflag:s30] =	ssyncset.done $0x0  }
0x42: {  	v1 =	vor.u32 s19, v0;
	s26 =	simm.s32 $0x102;
	s15 =	rddreg [dreg:$0x18];
	[sflag:s30] =	ssyncadd.s32 $0xFFFFFE00  }
0x43: {  	v2 =	vor.u32 s25, v0;
	[tilespmem:s17], [sflag:$0x5] =	stream.linear.gather [hbm4b:s15+s16], $0x200, $0x38;
	[tilespmem:$0x1F000] =	vst v63  }
0x44: {  	s28 =	simm.s32 $0x103;
	v3 =	vor.u32 s26, v0;
	_ =	swait.ge [sflag:s30], $0x200  }
0x45: {  	s31 =	simm.s32 $0x104;
	v4 =	vor.u32 s28, v0;
	[sflag:s30] =	ssyncset.done $0x0  }
0x46: {  	v5 =	vor.u32 s31, v0;
	s1 =	simm.s32 $0x105;
	[sflag:s30] =	ssyncadd.s32 $0xFFFFFE00  }
0x47: {  	s2 =	simm.s32 $0x106;
	v6 =	vor.u32 s1, v0;
	v1 =	vld.idx.msk [tilespmem:v1+s29+$0x0], $0xffff  }
0x48: {  	s3 =	simm.s32 $0x107;
	v7 =	vor.u32 s2, v0;
	v2 =	vld.idx.msk [tilespmem:v2+s29+$0x0], $0xffff  }
0x49: {  	s4 =	simm.s32 $0x108;
	v8 =	vor.u32 s3, v0;
	v3 =	vld.idx.msk [tilespmem:v3+s29+$0x0], $0xffff  }
0x4a: {  	s5 =	simm.s32 $0x109;
	v9 =	vor.u32 s4, v0;
	v4 =	vld.idx.msk [tilespmem:v4+s29+$0x0], $0xffff  }
0x4b: {  	s6 =	simm.s32 $0x10A;
	v10 =	vor.u32 s5, v0;
	v5 =	vld.idx.msk [tilespmem:v5+s29+$0x0], $0xffff  }
0x4c: {  	s7 =	simm.s32 $0x10B;
	v11 =	vor.u32 s6, v0;
	v6 =	vld.idx.msk [tilespmem:v6+s29+$0x0], $0xffff  }
0x4d: {  	v12 =	vor.u32 s7, v0;
	s8 =	simm.s32 $0x10C;
	v7 =	vld.idx.msk [tilespmem:v7+s29+$0x0], $0xffff;
	v13 =	vmax.f32 v1, v2  }
0x4e: {  	v14 =	vor.u32 s8, v0;
	s9 =	simm.s32 $0x10D;
	v8 =	vld.idx.msk [tilespmem:v8+s29+$0x0], $0xffff;
	v13 =	vmax.f32 v13, v3  }
0x4f: {  	v15 =	vor.u32 s9, v0;
	s10 =	simm.s32 $0x10E;
	v9 =	vld.idx.msk [tilespmem:v9+s29+$0x0], $0xffff;
	v13 =	vmax.f32 v13, v4  }
0x50: {  	s11 =	simm.s32 $0x10F;
	v16 =	vld.idx.msk [tilespmem:v10+s29+$0x0], $0xffff;
	v10 =	vor.u32 s10, v0;
	v13 =	vmax.f32 v13, v5  }
0x51: {  	v17 =	vld.idx.msk [tilespmem:v11+s29+$0x0], $0xffff;
	v11 =	vor.u32 s11, v0;
	v13 =	vmax.f32 v13, v6  }
0x52: {  	v12 =	vld.idx.msk [tilespmem:v12+s29+$0x0], $0xffff;
	v13 =	vmax.f32 v13, v7  }
0x53: {  	s12 =	simm.s32 $0x0;
	v14 =	vld.idx.msk [tilespmem:v14+s29+$0x0], $0xffff;
	v13 =	vmax.f32 v13, v8  }
0x54: {  	v18 =	vor.u32 s12, v0;
	s13 =	simm.s32 $0x1;
	v15 =	vld.idx.msk [tilespmem:v15+s29+$0x0], $0xffff;
	v13 =	vmax.f32 v13, v9  }
0x55: {  	v19 =	vor.u32 s13, v0;
	v20 =	vld.idx.msk [tilespmem:v10+s29+$0x0], $0xffff;
	v10 =	vmax.f32 v13, v16  }
0x56: {  	s14 =	simm.s32 $0x2;
	v21 =	vld.idx.msk [tilespmem:v11+s29+$0x0], $0xffff;
	v10 =	vmax.f32 v10, v17  }
0x57: {  	s15 =	simm.s32 $0x3;
	v13 =	vor.u32 s14, v0;
	v10 =	vmax.f32 v10, v12  }
0x58: {  	v11 =	vor.u32 s15, v0;
	v10 =	vmax.f32 v10, v14  }
0x59: {  	v18 =	vld.idx.msk [tilespmem:v18+s29+$0x0], $0xffff;
	v10 =	vmax.f32 v10, v15  }
0x5a: {  	s16 =	simm.s32 $0x4;
	v19 =	vld.idx.msk [tilespmem:v19+s29+$0x0], $0xffff;
	v10 =	vmax.f32 v10, v20  }
0x5b: {  	s17 =	simm.s32 $0x5;
	v22 =	vor.u32 s16, v0;
	v23 =	vmax.f32 v10, v21  }
0x5c: {  	s19 =	simm.s32 $0x6;
	v13 =	vld.idx.msk [tilespmem:v13+s29+$0x0], $0xffff;
	v10 =	vor.u32 s17, v0;
	v1 =	vsub.f32 v1, v23  }
0x5d: {  	v24 =	vld.idx.msk [tilespmem:v11+s29+$0x0], $0xffff;
	v11 =	vor.u32 s19, v0;
	v2 =	vsub.f32 v2, v23  }
0x5e: {  	s25 =	simm.s32 $0x7;
	v3 =	vsub.f32 v3, v23;
	v1 =	vmul.f32 $1.442695020e+00, v1  }
0x5f: {  	v26 =	vor.u32 s25, v0;
	v25 =	vmax.f32 v18, v19;
	v2 =	vmul.f32 $1.442695020e+00, v2  }
0x60: {  	s26 =	simm.s32 $0x8;
	v22 =	vld.idx.msk [tilespmem:v22+s29+$0x0], $0xffff;
	v4 =	vsub.f32 v4, v23;
	v3 =	vmul.f32 $1.442695020e+00, v3;
	(erf) = vpow2.f32 v1  }
0x61: {  	v25 =	vmax.f32 v25, v13;
	v1 =	vld.idx.msk [tilespmem:v10+s29+$0x0], $0xffff;
	(erf) = vpow2.f32 v2;
	v2 =	vor.u32 s26, v0  }
0x62: {  	s31 =	simm.s32 $0xA;
	v5 =	vsub.f32 v5, v23;
	v10 =	vmax.f32 v25, v24;
	v25 =	vld.idx.msk [tilespmem:v11+s29+$0x0], $0xffff  }
0x63: {  	s28 =	simm.s32 $0x9;
	v4 =	vmul.f32 $1.442695020e+00, v4;
	v11 =	vor.u32 s31, v0;
	(erf) = vpow2.f32 v3  }
0x64: {  	v26 =	vld.idx.msk [tilespmem:v26+s29+$0x0], $0xffff;
	v6 =	vsub.f32 v6, v23;
	v3 =	vor.u32 s28, v0  }
0x65: {  	v5 =	vmul.f32 $1.442695020e+00, v5;
	v10 =	vmax.f32 v10, v22;
	(erf) = vpow2.f32 v4  }
0x66: {  	v7 =	vsub.f32 v7, v23;
	v10 =	vmax.f32 v10, v1;
	v2 =	vld.idx.msk [tilespmem:v2+s29+$0x0], $0xffff  }
0x67: {  	s2 =	simm.s32 $0xC;
	v6 =	vmul.f32 $1.442695020e+00, v6;
	(erf) = vpow2.f32 v5;
	v10 =	vmax.f32 v10, v25  }
0x68: {  	v27 =	vor.u32 s2, v0;
	s1 =	simm.s32 $0xB;
	v8 =	vsub.f32 v8, v23;
	v7 =	vmul.f32 $1.442695020e+00, v7;
	v29 =	vld.idx.msk [tilespmem:v11+s29+$0x0], $0xffff  }
0x69: {  	s3 =	simm.s32 $0xD;
	v4 =	vor.u32 s1, v0;
	(erf) = vpow2.f32 v6;
	v3 =	vld.idx.msk [tilespmem:v3+s29+$0x0], $0xffff;
	v11 =	vmax.f32 v10, v26;
	v28 =	vpop (erf)  }
0x6a: {  	v9 =	vsub.f32 v9, v23;
	v8 =	vmul.f32 $1.442695020e+00, v8;
	v5 =	vor.u32 s3, v0;
	v10 =	vpop (erf)  }
0x6b: {  	s4 =	simm.s32 $0xE;
	(erf) = vpow2.f32 v7;
	v28 =	vadd.f32 v10, v28;
	v30 =	vmax.f32 v11, v2  }
0x6c: {  	s5 =	simm.s32 $0xF;
	v16 =	vsub.f32 v16, v23;
	v9 =	vmul.f32 $1.442695020e+00, v9;
	v6 =	vor.u32 s4, v0;
	v11 =	vpop (erf)  }
0x6d: {  	v7 =	vor.u32 s5, v0;
	(erf) = vpow2.f32 v8;
	v28 =	vadd.f32 v28, v11  }
0x6e: {  	v16 =	vmul.f32 $1.442695020e+00, v16;
	v4 =	vld.idx.msk [tilespmem:v4+s29+$0x0], $0xffff;
	v8 =	vmax.f32 v30, v3;
	v30 =	vpop (erf)  }
0x6f: {  	v27 =	vld.idx.msk [tilespmem:v27+s29+$0x0], $0xffff;
	(erf) = vpow2.f32 v9;
	v9 =	vsub.f32 v17, v23;
	v28 =	vadd.f32 v28, v30  }
0x70: {  	v12 =	vsub.f32 v12, v23;
	v14 =	vsub.f32 v14, v23;
	v5 =	vld.idx.msk [tilespmem:v5+s29+$0x0], $0xffff;
	v17 =	vpop (erf)  }
0x71: {  	(erf) = vpow2.f32 v16;
	v6 =	vld.idx.msk [tilespmem:v6+s29+$0x0], $0xffff;
	v9 =	vmul.f32 $1.442695020e+00, v9;
	v28 =	vadd.f32 v28, v17  }
0x72: {  	v15 =	vsub.f32 v15, v23;
	v12 =	vmul.f32 $1.442695020e+00, v12;
	v7 =	vld.idx.msk [tilespmem:v7+s29+$0x0], $0xffff;
	v8 =	vmax.f32 v8, v29;
	v16 =	vpop (erf)  }
0x73: {  	(erf) = vpow2.f32 v9;
	v8 =	vmax.f32 v8, v4;
	v28 =	vadd.f32 v28, v16  }
0x74: {  	v20 =	vsub.f32 v20, v23;
	v14 =	vmul.f32 $1.442695020e+00, v14;
	v8 =	vmax.f32 v8, v27;
	v31 =	vpop (erf)  }
0x75: {  	(erf) = vpow2.f32 v12;
	v8 =	vmax.f32 v8, v5;
	v9 =	vadd.f32 v28, v31  }
0x76: {  	v15 =	vmul.f32 $1.442695020e+00, v15;
	v20 =	vmul.f32 $1.442695020e+00, v20;
	v8 =	vmax.f32 v8, v6;
	v12 =	vpop (erf)  }
0x77: {  	(erf) = vpow2.f32 v14;
	v8 =	vmax.f32 v8, v7;
	v9 =	vadd.f32 v9, v12  }
0x78: {  	(erf) = vpow2.f32 v15;
	v14 =	vsub.f32 v18, v8;
	v18 =	vpop (erf);
	v15 =	vsub.f32 v19, v8  }
0x79: {  	v21 =	vsub.f32 v21, v23;
	v9 =	vadd.f32 v9, v18  }
0x7a: {  	v19 =	vpop (erf);
	v14 =	vmul.f32 $1.442695020e+00, v14;
	v15 =	vmul.f32 $1.442695020e+00, v15  }
0x7b: {  	v21 =	vmul.f32 $1.442695020e+00, v21;
	(erf) = vpow2.f32 v20;
	v9 =	vadd.f32 v9, v19  }
0x7c: {  	v13 =	vsub.f32 v13, v8;
	v20 =	vpop (erf);
	(erf) = vpow2.f32 v14  }
0x7d: {  	v14 =	vsub.f32 v24, v8;
	(erf) = vpow2.f32 v21;
	v9 =	vadd.f32 v9, v20  }
0x7e: {  	v13 =	vmul.f32 $1.442695020e+00, v13;
	v21 =	vsub.f32 v22, v8;
	(erf) = vpow2.f32 v15;
	v15 =	vpop (erf)  }
0x7f: {  	v1 =	vsub.f32 v1, v8;
	v14 =	vmul.f32 $1.442695020e+00, v14;
	v9 =	vadd.f32 v9, v15  }
0x80: {  	v2 =	vsub.f32 v2, v8;
	(erf) = vpow2.f32 v13;
	v22 =	vpop (erf);
	v21 =	vmul.f32 $1.442695020e+00, v21  }
0x81: {  	v1 =	vmul.f32 $1.442695020e+00, v1;
	v13 =	vsub.f32 v25, v8;
	v9 =	vadd.f32 v9, v22  }
0x82: {  	v2 =	vmul.f32 $1.442695020e+00, v2;
	(erf) = vpow2.f32 v14;
	v14 =	vsub.f32 v26, v8;
	v23 =	vpop (erf)  }
0x83: {  	v13 =	vmul.f32 $1.442695020e+00, v13;
	(erf) = vpow2.f32 v21;
	v9 =	vadd.f32 v9, v23  }
0x84: {  	v14 =	vmul.f32 $1.442695020e+00, v14;
	(erf) = vpow2.f32 v1;
	v21 =	vpop (erf)  }
0x85: {  	v1 =	vsub.f32 v3, v8;
	(erf) = vpow2.f32 v13;
	v3 =	vpop (erf);
	v13 =	vadd.f32 v9, v21  }
0x86: {  	(erf) = vpow2.f32 v14;
	v24 =	vpop (erf)  }
0x87: {  	(erf) = vpow2.f32 v2;
	v9 =	vpop (erf);
	v2 =	vadd.f32 v13, v24  }
0x88: {  	v14 =	vmul.f32 $1.442695020e+00, v1;
	v3 =	vadd.f32 v9, v3  }
0x89: {  	v4 =	vsub.f32 v4, v8;
	v1 =	vpop (erf)  }
0x8a: {  	(erf) = vpow2.f32 v14;
	v13 =	vsub.f32 v29, v8;
	v3 =	vadd.f32 v3, v1  }
0x8b: {  	(erf) = vrcp.f32 v2;
	v2 =	vpop (erf)  }
0x8c: {  	v14 =	vsub.f32 v27, v8;
	v13 =	vmul.f32 $1.442695020e+00, v13;
	v3 =	vadd.f32 v3, v2  }
0x8d: {  	v6 =	vsub.f32 v6, v8;
	v25 =	vmul.f32 $1.442695020e+00, v4;
	v26 =	vsub.f32 v5, v8  }
0x8e: {  	v7 =	vsub.f32 v7, v8;
	v14 =	vmul.f32 $1.442695020e+00, v14;
	(erf) = vpow2.f32 v13;
	v4 =	vpop (erf)  }
0x8f: {  	v26 =	vmul.f32 $1.442695020e+00, v26;
	(erf) = vpow2.f32 v25;
	v5 =	vpop (erf)  }
0x90: {  	s6 =	simm.s32 $0x300;
	v13 =	vadd.f32 v3, v4;
	v3 =	vpop (erf);
	(erf) = vpow2.f32 v14;
	v14 =	vmul.f32 $1.442695020e+00, v7  }
0x91: {  	v27 =	vor.u32 s6, v0;
	v25 =	vmul.f32 $1.442695020e+00, v6;
	v8 =	vpop (erf)  }
0x92: {  	s2 =	simm.s32 $0x201;
	s10 =	simm.s32 $0x304;
	(erf) = vpow2.f32 v26;
	v6 =	vpop (erf)  }
0x93: {  	s7 =	simm.s32 $0x301;
	v43 =	vor.u32 s2, v0;
	v32 =	vor.u32 s10, v0;
	s31 =	simm.s32 $0x200;
	(erf) = vpow2.f32 v25;
	v7 =	vpop (erf)  }
0x94: {  	v42 =	vor.u32 s31, v0;
	v28 =	vor.u32 s7, v0;
	(erf) = vpow2.f32 v14;
	v14 =	vpop (erf)  }
0x95: {  	s11 =	simm.s32 $0x305;
	v13 =	vadd.f32 v13, v5;
	v25 =	vmul.f32 v14, v30;
	v16 =	vmul.f32 v14, v16  }
0x96: {  	v34 =	vld.idx.msk [tilespmem:v27+s29+$0x0], $0xffff;
	v27 =	vor.u32 s11, v0;
	v20 =	vmul.f32 v14, v20;
	v15 =	vmul.f32 v14, v15  }
0x97: {  	s8 =	simm.s32 $0x302;
	v13 =	vadd.f32 v13, v3;
	v22 =	vmul.f32 v14, v22;
	v11 =	vmul.f32 v14, v11  }
0x98: {  	v29 =	vor.u32 s8, v0;
	v26 =	vmul.f32 v14, v31;
	v17 =	vmul.f32 v14, v17  }
0x99: {  	s9 =	simm.s32 $0x303;
	v13 =	vadd.f32 v13, v8;
	v12 =	vmul.f32 v14, v12;
	v18 =	vmul.f32 v14, v18  }
0x9a: {  	v19 =	vmul.f32 v14, v19;
	v10 =	vmul.f32 v14, v10;
	v30 =	vor.u32 s9, v0  }
0x9b: {  	v23 =	vmul.f32 v14, v23;
	v35 =	vmul.f32 v14, v21;
	v13 =	vadd.f32 v13, v6  }
0x9c: {  	s12 =	simm.s32 $0x306;
	v14 =	vmul.f32 v14, v24;
	v25 =	vadd.f32 v25, v11;
	v16 =	vadd.f32 v16, v17  }
0x9d: {  	s13 =	simm.s32 $0x307;
	v28 =	vld.idx.msk [tilespmem:v28+s29+$0x0], $0xffff;
	v31 =	vadd.f32 v12, v26;
	v10 =	vsub.f32 v10, v11;
	v11 =	vor.u32 s12, v0  }
0x9e: {  	s14 =	simm.s32 $0x308;
	v36 =	vld.idx.msk [tilespmem:v29+s29+$0x0], $0xffff;
	v33 =	vadd.f32 v19, v18;
	v12 =	vadd.f32 v12, v17;
	v17 =	vor.u32 s13, v0  }
0x9f: {  	s15 =	simm.s32 $0x309;
	v24 =	vor.u32 s14, v0;
	v20 =	vadd.f32 v15, v20;
	v21 =	vadd.f32 v26, v26;
	v37 =	vld.idx.msk [tilespmem:v30+s29+$0x0], $0xffff  }
0xa0: {  	s16 =	simm.s32 $0x30A;
	v26 =	vor.u32 s15, v0;
	v10 =	vsub.f32 v10, v12;
	v12 =	vadd.f32 v19, v19;
	v19 =	vld.idx.msk [tilespmem:v32+s29+$0x0], $0xffff  }
0xa1: {  	s17 =	simm.s32 $0x30B;
	v38 =	vld.idx.msk [tilespmem:v27+s29+$0x0], $0xffff;
	v27 =	vor.u32 s16, v0;
	v22 =	vadd.f32 v23, v22;
	v14 =	vadd.f32 v14, v35  }
0xa2: {  	v21 =	vsub.f32 v10, v21;
	v10 =	vor.u32 s17, v0;
	v39 =	vld.idx.msk [tilespmem:v11+s29+$0x0], $0xffff;
	v11 =	vmax.f32 v34, v28  }
0xa3: {  	s19 =	simm.s32 $0x30C;
	v15 =	vadd.f32 v23, v15;
	v13 =	vadd.f32 v13, v7;
	v40 =	vld.idx.msk [tilespmem:v17+s29+$0x0], $0xffff;
	v11 =	vmax.f32 v11, v36  }
0xa4: {  	s25 =	simm.s32 $0x30D;
	v59 =	vadd.f32 v20, v33;
	v41 =	vld.idx.msk [tilespmem:v24+s29+$0x0], $0xffff;
	v17 =	vor.u32 s19, v0;
	v11 =	vmax.f32 v11, v37  }
0xa5: {  	s26 =	simm.s32 $0x30E;
	v20 =	vor.u32 s25, v0;
	v25 =	vadd.f32 v31, v25;
	v23 =	vld.idx.msk [tilespmem:v26+s29+$0x0], $0xffff;
	v11 =	vmax.f32 v11, v19  }
0xa6: {  	s28 =	simm.s32 $0x30F;
	v27 =	vld.idx.msk [tilespmem:v27+s29+$0x0], $0xffff;
	v30 =	vadd.f32 v14, v22;
	v26 =	vor.u32 s26, v0;
	v11 =	vmax.f32 v11, v38  }
0xa7: {  	v14 =	vor.u32 s28, v0;
	v12 =	vadd.f32 v12, v18;
	v18 =	vpop (erf);
	v24 =	vld.idx.msk [tilespmem:v10+s29+$0x0], $0xffff;
	v10 =	vmax.f32 v11, v39  }
0xa8: {  	s3 =	simm.s32 $0x202;
	s4 =	simm.s32 $0x203;
	v60 =	vadd.f32 v31, v16;
	v31 =	vld.idx.msk [tilespmem:v42+s29+$0x0], $0xffff;
	v13 =	vadd.f32 v13, v18;
	v10 =	vmax.f32 v10, v40  }
0xa9: {  	v44 =	vor.u32 s3, v0;
	v46 =	vor.u32 s4, v0;
	v29 =	vld.idx.msk [tilespmem:v17+s29+$0x0], $0xffff;
	v11 =	vpop (erf);
	v17 =	vmax.f32 v10, v41  }
0xaa: {  	v45 =	vadd.f32 v21, v12;
	v20 =	vld.idx.msk [tilespmem:v20+s29+$0x0], $0xffff;
	v13 =	vadd.f32 v13, v11;
	v12 =	vmax.f32 v17, v23  }
0xab: {  	s5 =	simm.s32 $0x204;
	v21 =	vld.idx.msk [tilespmem:v26+s29+$0x0], $0xffff;
	v10 =	vpop (erf)  }
0xac: {  	s10 =	simm.s32 $0x209;
	v47 =	vor.u32 s5, v0;
	s7 =	simm.s32 $0x206;
	v14 =	vld.idx.msk [tilespmem:v14+s29+$0x0], $0xffff;
	v17 =	vmax.f32 v12, v27;
	v13 =	vadd.f32 v13, v10  }
0xad: {  	v57 =	vor.u32 s10, v0;
	v63 =	vor.u32 s7, v0;
	s6 =	simm.s32 $0x205;
	v16 =	vld.idx.msk [tilespmem:v43+s29+$0x0], $0xffff;
	v17 =	vmax.f32 v17, v24;
	v12 =	vpop (erf)  }
0xae: {  	v61 =	vor.u32 s6, v0;
	v26 =	vld.idx.msk [tilespmem:v44+s29+$0x0], $0xffff;
	v62 =	vmax.f32 v17, v29;
	v13 =	vadd.f32 v13, v12  }
0xaf: {  	s8 =	simm.s32 $0x207;
	s9 =	simm.s32 $0x208;
	v22 =	vadd.f32 v22, v33;
	v48 =	vadd.f32 v30, v59;
	v30 =	vld.idx.msk [tilespmem:v46+s29+$0x0], $0xffff;
	v43 =	vmax.f32 v62, v20  }
0xb0: {  	v54 =	vor.u32 s8, v0;
	v55 =	vor.u32 s9, v0;
	v17 =	vpop (erf);
	v43 =	vmax.f32 v43, v21  }
0xb1: {  	v22 =	vsub.f32 v25, v22;
	v25 =	vld.idx.msk [tilespmem:v47+s29+$0x0], $0xffff;
	v52 =	vadd.f32 v13, v17;
	v43 =	vmax.f32 v43, v14  }
0xb2: {  	v56 =	vmax.f32 v31, v16;
	v15 =	vadd.f32 v45, v15;
	v34 =	vsub.f32 v34, v43;
	v13 =	vpop (erf)  }
0xb3: {  	s13 =	simm.s32 $0x20C;
	v32 =	vld.idx.msk [tilespmem:v61+s29+$0x0], $0xffff;
	v42 =	vmax.f32 v56, v26;
	v28 =	vsub.f32 v28, v43;
	v45 =	vadd.f32 v52, v13  }
0xb4: {  	v61 =	vor.u32 s13, v0;
	v42 =	vmax.f32 v42, v30;
	v49 =	vmul.f32 $1.442695020e+00, v34  }
0xb5: {  	v36 =	vsub.f32 v36, v43;
	v28 =	vmul.f32 $1.442695020e+00, v28;
	(erf) = vrcp.f32 v45  }
0xb6: {  	v53 =	vsub.f32 v60, v59;
	v42 =	vmax.f32 v42, v25;
	v34 =	vld.idx.msk [tilespmem:v63+s29+$0x0], $0xffff;
	(erf) = vpow2.f32 v49  }
0xb7: {  	s12 =	simm.s32 $0x20B;
	v33 =	vld.idx.msk [tilespmem:v54+s29+$0x0], $0xffff;
	v37 =	vsub.f32 v37, v43;
	v36 =	vmul.f32 $1.442695020e+00, v36;
	(erf) = vpow2.f32 v28  }
0xb8: {  	v59 =	vor.u32 s12, v0;
	v19 =	vsub.f32 v19, v43;
	v28 =	vmax.f32 v42, v32;
	v42 =	vld.idx.msk [tilespmem:v55+s29+$0x0], $0xffff  }
0xb9: {  	s11 =	simm.s32 $0x20A;
	v60 =	vadd.s32 $0x8000, v22;
	v37 =	vmul.f32 $1.442695020e+00, v37;
	(erf) = vpow2.f32 v36  }
0xba: {  	v35 =	vsub.f32 v15, v35;
	v15 =	vor.u32 s11, v0;
	v19 =	vmul.f32 $1.442695020e+00, v19  }
0xbb: {  	s14 =	simm.s32 $0x20D;
	v44 =	vld.idx.msk [tilespmem:v57+s29+$0x0], $0xffff;
	v38 =	vsub.f32 v38, v43;
	v28 =	vmax.f32 v28, v34;
	(erf) = vpow2.f32 v37  }
0xbc: {  	v62 =	vor.u32 s14, v0;
	v39 =	vsub.f32 v39, v43;
	v22 =	vmax.f32 v28, v33  }
0xbd: {  	s16 =	simm.s32 $0x20F;
	v38 =	vmul.f32 $1.442695020e+00, v38;
	(erf) = vpow2.f32 v19;
	v22 =	vmax.f32 v22, v42  }
0xbe: {  	v54 =	vor.u32 s16, v0;
	v46 =	vadd.s32 $0x8000, v53;
	v58 =	vadd.s32 $0x8000, v48;
	v19 =	vpop (erf)  }
0xbf: {  	s15 =	simm.s32 $0x20E;
	v15 =	vld.idx.msk [tilespmem:v15+s29+$0x0], $0xffff;
	v40 =	vsub.f32 v40, v43;
	v39 =	vmul.f32 $1.442695020e+00, v39;
	(erf) = vpow2.f32 v38;
	v63 =	vpop (erf)  }
0xc0: {  	v41 =	vsub.f32 v41, v43;
	v52 =	vor.u32 s15, v0;
	v28 =	vld.idx.msk [tilespmem:v59+s29+$0x0], $0xffff;
	v53 =	vmax.f32 v22, v44;
	v22 =	vpop (erf)  }
0xc1: {  	v47 =	vld.idx.msk [tilespmem:v61+s29+$0x0], $0xffff;
	v40 =	vmul.f32 $1.442695020e+00, v40;
	(erf) = vpow2.f32 v39;
	v45 =	vadd.f32 v22, v63  }
0xc2: {  	v35 =	vadd.s32 $0x8000, v35;
	v50 =	vsub.f32 v23, v43;
	v56 =	vsub.f32 v27, v43;
	v48 =	vld.idx.msk [tilespmem:v62+s29+$0x0], $0xffff;
	v23 =	vpop (erf)  }
0xc3: {  	v41 =	vmul.f32 $1.442695020e+00, v41;
	(erf) = vpow2.f32 v40;
	v45 =	vadd.f32 v45, v23  }
0xc4: {  	v57 =	vsub.f32 v24, v43;
	v50 =	vmul.f32 $1.442695020e+00, v50;
	v49 =	vmax.f32 v53, v15;
	v27 =	vpop (erf)  }
0xc5: {  	v38 =	vld.idx.msk [tilespmem:v52+s29+$0x0], $0xffff;
	(erf) = vpow2.f32 v41;
	v55 =	vmax.f32 v49, v28;
	v45 =	vadd.f32 v45, v27  }
0xc6: {  	v29 =	vsub.f32 v29, v43;
	v39 =	vld.idx.msk [tilespmem:v54+s29+$0x0], $0xffff;
	v49 =	vmul.f32 $1.442695020e+00, v56;
	v40 =	vmax.f32 v55, v47;
	v24 =	vpop (erf)  }
0xc7: {  	(erf) = vpow2.f32 v50;
	v40 =	vmax.f32 v40, v48;
	v45 =	vadd.f32 v45, v24  }
0xc8: {  	v20 =	vsub.f32 v20, v43;
	v36 =	vshrl.u32 v58, $0x10;
	v37 =	vand.u32 $0xFFFF0000, v60;
	v50 =	vpop (erf)  }
0xc9: {  	v41 =	vmul.f32 $1.442695020e+00, v57;
	(erf) = vpow2.f32 v49;
	v45 =	vadd.f32 v45, v50  }
0xca: {  	v29 =	vmul.f32 $1.442695020e+00, v29;
	v36 =	vor.u32 v37, v36;
	v58 =	vmax.f32 v40, v38;
	v40 =	vpop (erf)  }
0xcb: {  	(erf) = vpow2.f32 v41;
	v37 =	vmax.f32 v58, v39;
	v45 =	vadd.f32 v45, v40  }
0xcc: {  	v21 =	vsub.f32 v21, v43;
	v31 =	vsub.f32 v31, v37;
	v60 =	vpop (erf)  }
0xcd: {  	v20 =	vmul.f32 $1.442695020e+00, v20;
	(erf) = vpow2.f32 v29;
	v45 =	vadd.f32 v45, v60  }
0xce: {  	v14 =	vsub.f32 v14, v43;
	v29 =	vand.u32 $0xFFFF0000, v35;
	v35 =	vpop (erf)  }
0xcf: {  	v21 =	vmul.f32 $1.442695020e+00, v21;
	(erf) = vpow2.f32 v20;
	v61 =	vadd.f32 v45, v35  }
0xd0: {  	v14 =	vmul.f32 $1.442695020e+00, v14;
	v16 =	vsub.f32 v16, v37;
	v20 =	vmul.f32 $1.442695020e+00, v31;
	v31 =	vpop (erf)  }
0xd1: {  	v25 =	vsub.f32 v25, v37;
	(erf) = vpow2.f32 v21;
	v43 =	vadd.f32 v61, v31  }
0xd2: {  	v21 =	vsub.f32 v26, v37;
	v26 =	vsub.f32 v30, v37;
	(erf) = vpow2.f32 v20;
	v30 =	vpop (erf)  }
0xd3: {  	v16 =	vmul.f32 $1.442695020e+00, v16;
	(erf) = vpow2.f32 v14;
	v20 =	vadd.f32 v43, v30  }
0xd4: {  	s8 =	simm.s32 $0x6610;
	v59 =	vshrl.u32 v46, $0x10;
	v25 =	vmul.f32 $1.442695020e+00, v25;
	v21 =	vmul.f32 $1.442695020e+00, v21;
	v62 =	vpop (erf)  }
0xd5: {  	s6 =	simm.s32 $0x6810;
	[tilespmem:s8+$0x0] =	vst v36;
	v14 =	vor.u32 v59, v29;
	(erf) = vpow2.f32 v16;
	v16 =	vadd.f32 v20, v62  }
0xd6: {  	v26 =	vmul.f32 $1.442695020e+00, v26;
	[tilespmem:s6+$0x0] =	vst v14;
	v14 =	vsub.f32 v42, v37;
	v63 =	vpop (erf);
	v20 =	vsub.f32 v32, v37  }
0xd7: {  	(erf) = vpow2.f32 v21;
	v21 =	vsub.f32 v34, v37;
	v16 =	vadd.f32 v16, v63  }
0xd8: {  	(erf) = vpow2.f32 v26;
	v26 =	vsub.f32 v33, v37;
	v49 =	vpop (erf);
	v20 =	vmul.f32 $1.442695020e+00, v20  }
0xd9: {  	s9 =	simm.s32 $0x6210;
	v21 =	vmul.f32 $1.442695020e+00, v21;
	(erf) = vpow2.f32 v25;
	v16 =	vadd.f32 v16, v49  }
0xda: {  	s10 =	simm.s32 $0x6010;
	v25 =	vld [tilespmem:s9+$0x0];
	v26 =	vmul.f32 $1.442695020e+00, v26;
	v34 =	vpop (erf);
	(erf) = vpow2.f32 v20;
	v20 =	vsub.f32 v44, v37  }
0xdb: {  	v29 =	vld [tilespmem:s10+$0x0];
	v14 =	vmul.f32 $1.442695020e+00, v14;
	v51 =	vpop (erf);
	(erf) = vpow2.f32 v21;
	v16 =	vadd.f32 v16, v34  }
0xdc: {  	v42 =	vpop (erf);
	(erf) = vpow2.f32 v26;
	v20 =	vmul.f32 $1.442695020e+00, v20  }
0xdd: {  	v43 =	vmul.f32 v19, v1;
	(erf) = vpow2.f32 v14;
	v1 =	vadd.f32 v16, v42  }
0xde: {  	v9 =	vmul.f32 v19, v9;
	(erf) = vpow2.f32 v20  }
0xdf: {  	v26 =	vmul.f32 v19, v4;
	v4 =	vshll.u32 v25, $0x10;
	v16 =	vpop (erf);
	(erf) = vrcp.f32 v1  }
0xe0: {  	v1 =	vor.u32 v29, v4;
	v29 =	vmul.f32 v19, v3;
	v3 =	vsub.f32 v15, v37  }
0xe1: {  	v52 =	vsub.f32 v9, v43;
	v20 =	vmul.f32 v19, v7;
	v7 =	vsub.f32 v28, v37;
	v14 =	vpop (erf)  }
0xe2: {  	v25 =	vmul.f32 v19, v8;
	v8 =	vsub.f32 v47, v37;
	v4 =	vpop (erf);
	v9 =	vmul.f32 $1.442695020e+00, v3  }
0xe3: {  	v54 =	vsub.f32 v48, v37;
	v7 =	vmul.f32 $1.442695020e+00, v7;
	v15 =	vpop (erf)  }
0xe4: {  	v2 =	vmul.f32 v19, v2;
	v38 =	vsub.f32 v38, v37;
	v8 =	vmul.f32 $1.442695020e+00, v8;
	v3 =	vpop (erf)  }
0xe5: {  	v36 =	vmul.f32 $1.442695020e+00, v54;
	v21 =	vmul.f32 v19, v6;
	v53 =	vadd.f32 v25, v26;
	v6 =	vpop (erf)  }
0xe6: {  	v38 =	vmul.f32 $1.442695020e+00, v38;
	(erf) = vpow2.f32 v9;
	v9 =	vpop (erf)  }
0xe7: {  	v37 =	vsub.f32 v39, v37;
	v55 =	vsub.f32 v52, v53;
	(erf) = vpow2.f32 v7;
	v7 =	vpop (erf)  }
0xe8: {  	v58 =	vadd.f32 v20, v20;
	v53 =	vmul.f32 v19, v5;
	(erf) = vpow2.f32 v8;
	v8 =	vpop (erf)  }
0xe9: {  	v5 =	vmul.f32 v19, v18;
	v28 =	vadd.f32 v16, v51;
	v57 =	vadd.f32 v29, v29;
	v56 =	vpop (erf)  }
0xea: {  	v44 =	vadd.f32 v58, v21;
	v26 =	vadd.f32 v53, v26;
	v27 =	vmul.f32 v56, v27  }
0xeb: {  	v29 =	vadd.f32 v25, v29;
	v59 =	vmul.f32 v56, v50;
	v30 =	vmul.f32 v56, v30  }
0xec: {  	v28 =	vadd.f32 v28, v14;
	v41 =	vmul.f32 v56, v62;
	v32 =	vmul.f32 v56, v63  }
0xed: {  	v39 =	vsub.f32 v55, v57;
	v23 =	vmul.f32 v56, v23;
	v40 =	vmul.f32 v56, v40  }
0xee: {  	v28 =	vadd.f32 v28, v4;
	v24 =	vmul.f32 v56, v24;
	v60 =	vmul.f32 v56, v60  }
0xef: {  	v35 =	vmul.f32 v56, v35;
	v31 =	vmul.f32 v56, v31;
	v27 =	vadd.f32 v27, v23  }
0xf0: {  	v22 =	vmul.f32 v56, v22;
	v61 =	vadd.f32 v59, v24;
	v62 =	vadd.f32 v60, v40  }
0xf1: {  	v33 =	vmul.f32 v56, v49;
	v63 =	vadd.f32 v31, v35;
	v30 =	vadd.f32 v41, v30  }
0xf2: {  	v34 =	vmul.f32 v56, v34;
	v22 =	vsub.f32 v22, v23;
	v23 =	vadd.f32 v60, v24  }
0xf3: {  	v24 =	vmul.f32 v56, v42;
	v32 =	vadd.f32 v33, v32;
	v52 =	vadd.f32 v40, v40  }
0xf4: {  	s19 =	simm.s32 $0x502;
	v37 =	vmul.f32 $1.442695020e+00, v37;
	v22 =	vsub.f32 v22, v23;
	v23 =	vadd.f32 v31, v31  }
0xf5: {  	v55 =	vor.u32 s19, v0;
	s19 =	simm.s32 $0x50D;
	v24 =	vadd.f32 v24, v34;
	v31 =	vadd.f32 v33, v41  }
0xf6: {  	v25 =	vor.u32 s19, v0;
	v30 =	vadd.f32 v30, v63;
	v18 =	vadd.f32 v62, v27  }
0xf7: {  	(erf) = vpow2.f32 v36;
	v22 =	vsub.f32 v22, v52;
	v23 =	vadd.f32 v23, v35  }
0xf8: {  	s2 =	simm.s32 $0x507;
	v42 =	vmul.f32 v19, v10;
	v27 =	vadd.f32 v32, v63;
	v54 =	vadd.f32 v62, v61  }
0xf9: {  	s17 =	simm.s32 $0x503;
	v10 =	vor.u32 s2, v0;
	v24 =	vadd.f32 v24, v32;
	v22 =	vadd.f32 v22, v23  }
0xfa: {  	s26 =	simm.s32 $0x501;
	v18 =	vsub.f32 v18, v27;
	v27 =	vsub.f32 v54, v30;
	v23 =	vor.u32 s17, v0  }
0xfb: {  	s25 =	simm.s32 $0x500;
	v24 =	vadd.f32 v24, v30;
	v30 =	vor.u32 s26, v0;
	v22 =	vadd.f32 v22, v31  }
0xfc: {  	s4 =	simm.s32 $0x509;
	s28 =	simm.s32 $0x504;
	v28 =	vadd.f32 v28, v15;
	(erf) = vpow2.f32 v38;
	v31 =	vor.u32 s25, v0  }
0xfd: {  	v56 =	vor.u32 s28, v0;
	v60 =	vor.u32 s4, v0;
	v33 =	vld.idx.msk [tilespmem:v25+s29+$0x0], $0xffff;
	v22 =	vsub.f32 v22, v34  }
0xfe: {  	v46 =	vld.idx.msk [tilespmem:v10+s29+$0x0], $0xffff;
	v57 =	vadd.s32 $0x8000, v18;
	v58 =	vadd.s32 $0x8000, v27;
	v24 =	vadd.s32 $0x8000, v24  }
0xff: {  	s31 =	simm.s32 $0x505;
	v18 =	vld.idx.msk [tilespmem:v23+s29+$0x0], $0xffff;
	v23 =	vshrl.u32 v24, $0x10;
	v24 =	vand.u32 $0xFFFF0000, v57;
	v22 =	vadd.s32 $0x8000, v22  }
0x100: {  	s1 =	simm.s32 $0x506;
	v41 =	vld.idx.msk [tilespmem:v30+s29+$0x0], $0xffff;
	v24 =	vor.u32 v24, v23;
	v23 =	vmul.f32 v19, v11;
	v11 =	vor.u32 s31, v0  }
0x101: {  	s13 =	simm.s32 $0x6630;
	s14 =	simm.s32 $0x400;
	v59 =	vshrl.u32 v58, $0x10;
	v22 =	vand.u32 $0xFFFF0000, v22;
	v40 =	vld.idx.msk [tilespmem:v31+s29+$0x0], $0xffff;
	v31 =	vor.u32 s1, v0  }
0x102: {  	s3 =	simm.s32 $0x508;
	s11 =	simm.s32 $0x6830;
	v28 =	vadd.f32 v28, v3;
	v61 =	vor.u32 s14, v0;
	v27 =	vld.idx.msk [tilespmem:v55+s29+$0x0], $0xffff;
	[tilespmem:s13+$0x0] =	vst v24;
	v22 =	vor.u32 v59, v22  }
0x103: {  	s16 =	simm.s32 $0x50C;
	v49 =	vld.idx.msk [tilespmem:v60+s29+$0x0], $0xffff;
	v30 =	vadd.f32 v39, v44;
	[tilespmem:s11+$0x0] =	vst v22;
	v22 =	vmul.f32 v19, v17;
	v17 =	vor.u32 s3, v0  }
0x104: {  	s5 =	simm.s32 $0x50A;
	s7 =	simm.s32 $0x50B;
	v10 =	vor.u32 s16, v0;
	v39 =	vld.idx.msk [tilespmem:v56+s29+$0x0], $0xffff;
	v24 =	vadd.f32 v2, v43;
	v2 =	vadd.f32 v28, v6  }
0x105: {  	v44 =	vmul.f32 v19, v13;
	v13 =	vor.u32 s7, v0;
	v43 =	vld.idx.msk [tilespmem:v11+s29+$0x0], $0xffff;
	v11 =	vor.u32 s5, v0  }
0x106: {  	v28 =	vmul.f32 v19, v12;
	v2 =	vadd.f32 v2, v9;
	v45 =	vld.idx.msk [tilespmem:v31+s29+$0x0], $0xffff;
	v19 =	vmax.f32 v40, v41  }
0x107: {  	v26 =	vadd.f32 v29, v26;
	(erf) = vpow2.f32 v37;
	s28 =	simm.s32 $0x402;
	v38 =	vld.idx.msk [tilespmem:v61+s29+$0x0], $0xffff;
	v19 =	vmax.f32 v19, v27  }
0x108: {  	v50 =	vor.u32 s28, v0;
	s17 =	simm.s32 $0x401;
	s25 =	simm.s32 $0x50E;
	v2 =	vadd.f32 v2, v7;
	v48 =	vld.idx.msk [tilespmem:v17+s29+$0x0], $0xffff;
	v17 =	vmax.f32 v19, v18  }
0x109: {  	s26 =	simm.s32 $0x50F;
	v62 =	vor.u32 s17, v0;
	v63 =	vor.u32 s25, v0;
	v36 =	vld.idx.msk [tilespmem:v10+s29+$0x0], $0xffff;
	v19 =	vmax.f32 v17, v39  }
0x10a: {  	s4 =	simm.s32 $0x405;
	s17 =	simm.s32 $0x40A;
	v2 =	vadd.f32 v2, v8;
	v32 =	vld.idx.msk [tilespmem:v11+s29+$0x0], $0xffff;
	v11 =	vor.u32 s26, v0;
	v19 =	vmax.f32 v19, v43  }
0x10b: {  	s12 =	simm.s32 $0x6230;
	v53 =	vor.u32 s4, v0;
	v58 =	vor.u32 s17, v0;
	s25 =	simm.s32 $0x40C;
	v31 =	vld.idx.msk [tilespmem:v13+s29+$0x0], $0xffff;
	v17 =	vpop (erf);
	v13 =	vmax.f32 v19, v45  }
0x10c: {  	s15 =	simm.s32 $0x6030;
	s14 =	simm.s32 $0x408;
	s16 =	simm.s32 $0x409;
	v61 =	vor.u32 s25, v0;
	v12 =	vld [tilespmem:s12+$0x0];
	v2 =	vadd.f32 v2, v17;
	v10 =	vmax.f32 v13, v46  }
0x10d: {  	v56 =	vor.u32 s14, v0;
	v57 =	vor.u32 s16, v0;
	s31 =	simm.s32 $0x403;
	v37 =	vld [tilespmem:s15+$0x0];
	v19 =	vpop (erf);
	v13 =	vmax.f32 v10, v48  }
0x10e: {  	s7 =	simm.s32 $0x407;
	v51 =	vor.u32 s31, v0;
	v34 =	vld.idx.msk [tilespmem:v63+s29+$0x0], $0xffff;
	v2 =	vadd.f32 v2, v19;
	v13 =	vmax.f32 v13, v49  }
0x10f: {  	v55 =	vor.u32 s7, v0;
	v63 =	vadd.f32 v20, v21;
	v10 =	vpop (erf);
	v25 =	vld.idx.msk [tilespmem:v11+s29+$0x0], $0xffff;
	v13 =	vmax.f32 v13, v32  }
0x110: {  	v5 =	vadd.f32 v23, v5;
	s3 =	simm.s32 $0x404;
	v2 =	vadd.f32 v2, v10;
	v13 =	vmax.f32 v13, v31  }
0x111: {  	v35 =	vld.idx.msk [tilespmem:v62+s29+$0x0], $0xffff;
	v52 =	vor.u32 s3, v0;
	v12 =	vshll.u32 v12, $0x10;
	v11 =	vpop (erf);
	v47 =	vmax.f32 v13, v36  }
0x112: {  	s28 =	simm.s32 $0x40E;
	v60 =	vadd.f32 v2, v11;
	v2 =	vor.u32 v37, v12;
	v37 =	vld.idx.msk [tilespmem:v50+s29+$0x0], $0xffff;
	v12 =	vmax.f32 v47, v33  }
0x113: {  	v62 =	vor.u32 s28, v0;
	v42 =	vadd.f32 v28, v42;
	v50 =	vld.idx.msk [tilespmem:v51+s29+$0x0], $0xffff;
	v13 =	vpop (erf);
	v51 =	vmax.f32 v12, v34  }
0x114: {  	s19 =	simm.s32 $0x40B;
	v5 =	vadd.f32 v5, v63;
	v60 =	vadd.f32 v60, v13;
	v51 =	vmax.f32 v51, v25  }
0x115: {  	v59 =	vor.u32 s19, v0;
	s5 =	simm.s32 $0x406;
	v21 =	vsub.f32 v40, v51;
	v41 =	vsub.f32 v41, v51  }
0x116: {  	s31 =	simm.s32 $0x40F;
	v54 =	vor.u32 s5, v0;
	v27 =	vsub.f32 v27, v51;
	v18 =	vsub.f32 v18, v51  }
0x117: {  	v20 =	vld.idx.msk [tilespmem:v52+s29+$0x0], $0xffff;
	v52 =	vor.u32 s31, v0;
	s26 =	simm.s32 $0x40D;
	v12 =	vpop (erf);
	v39 =	vsub.f32 v39, v51;
	v33 =	vsub.f32 v33, v51  }
0x118: {  	v47 =	vor.u32 s26, v0;
	v25 =	vsub.f32 v25, v51;
	v40 =	vadd.f32 v60, v12  }
0x119: {  	v53 =	vld.idx.msk [tilespmem:v53+s29+$0x0], $0xffff;
	v60 =	vmax.f32 v38, v35;
	v21 =	vmul.f32 $1.442695020e+00, v21;
	v41 =	vmul.f32 $1.442695020e+00, v41  }
0x11a: {  	v60 =	vmax.f32 v60, v37;
	v18 =	vmul.f32 $1.442695020e+00, v18;
	v39 =	vmul.f32 $1.442695020e+00, v39  }
0x11b: {  	v25 =	vmul.f32 $1.442695020e+00, v25;
	(erf) = vrcp.f32 v40;
	v40 =	vld.idx.msk [tilespmem:v54+s29+$0x0], $0xffff;
	v60 =	vmax.f32 v60, v50  }
0x11c: {  	(erf) = vpow2.f32 v21;
	v21 =	vmul.f32 $1.442695020e+00, v27;
	v27 =	vadd.f32 v44, v22  }
0x11d: {  	v54 =	vmax.f32 v60, v20;
	v44 =	vld.idx.msk [tilespmem:v56+s29+$0x0], $0xffff;
	v56 =	vsub.f32 v43, v51;
	v43 =	vadd.f32 v29, v24  }
0x11e: {  	v55 =	vld.idx.msk [tilespmem:v55+s29+$0x0], $0xffff;
	v60 =	vsub.f32 v46, v51;
	(erf) = vpow2.f32 v41;
	v54 =	vmax.f32 v54, v53  }
0x11f: {  	(erf) = vpow2.f32 v21;
	v21 =	vadd.f32 v28, v23;
	v23 =	vadd.f32 v27, v42  }
0x120: {  	v28 =	vld.idx.msk [tilespmem:v57+s29+$0x0], $0xffff;
	v57 =	vsub.f32 v45, v51;
	(erf) = vpow2.f32 v18;
	v27 =	vmax.f32 v54, v40  }
0x121: {  	v30 =	vadd.f32 v30, v21;
	v21 =	vld.idx.msk [tilespmem:v58+s29+$0x0], $0xffff;
	(erf) = vpow2.f32 v39;
	v58 =	vadd.f32 v42, v63  }
0x122: {  	v41 =	vmul.f32 $1.442695020e+00, v57;
	v54 =	vsub.f32 v48, v51;
	v42 =	vmul.f32 $1.442695020e+00, v60  }
0x123: {  	v23 =	vadd.f32 v23, v5;
	v24 =	vmax.f32 v27, v55;
	v27 =	vmul.f32 $1.442695020e+00, v56  }
0x124: {  	v5 =	vsub.f32 v26, v5;
	v29 =	vmax.f32 v24, v44;
	v22 =	vsub.f32 v30, v22  }
0x125: {  	v24 =	vld.idx.msk [tilespmem:v59+s29+$0x0], $0xffff;
	v46 =	vmul.f32 $1.442695020e+00, v54;
	v39 =	vsub.f32 v43, v58;
	(erf) = vpow2.f32 v27;
	v18 =	vpop (erf)  }
0x126: {  	v56 =	vld.idx.msk [tilespmem:v61+s29+$0x0], $0xffff;
	v23 =	vadd.s32 $0x8000, v23;
	v27 =	vmax.f32 v29, v28;
	(erf) = vpow2.f32 v41;
	v63 =	vpop (erf)  }
0x127: {  	v57 =	vadd.s32 $0x8000, v22;
	(erf) = vpow2.f32 v42;
	v16 =	vmul.f32 v18, v16;
	v29 =	vpop (erf)  }
0x128: {  	v47 =	vld.idx.msk [tilespmem:v47+s29+$0x0], $0xffff;
	v4 =	vmul.f32 v18, v4;
	v19 =	vmul.f32 v18, v19;
	v45 =	vadd.f32 v29, v63  }
0x129: {  	v43 =	vld.idx.msk [tilespmem:v62+s29+$0x0], $0xffff;
	v27 =	vmax.f32 v27, v21;
	v11 =	vmul.f32 v18, v11;
	v12 =	vmul.f32 v18, v12;
	v30 =	vpop (erf)  }
0x12a: {  	v54 =	vld.idx.msk [tilespmem:v52+s29+$0x0], $0xffff;
	v63 =	vsub.f32 v49, v51;
	v27 =	vmax.f32 v27, v24;
	v45 =	vadd.f32 v45, v30  }
0x12b: {  	(erf) = vpow2.f32 v46;
	v49 =	vsub.f32 v32, v51;
	v32 =	vpop (erf);
	v26 =	vmax.f32 v27, v56  }
0x12c: {  	v27 =	vsub.f32 v31, v51;
	v41 =	vmul.f32 $1.442695020e+00, v63;
	v45 =	vadd.f32 v45, v32  }
0x12d: {  	v31 =	vpop (erf);
	v42 =	vmul.f32 $1.442695020e+00, v49;
	v22 =	vmax.f32 v26, v47;
	v26 =	vsub.f32 v36, v51  }
0x12e: {  	v22 =	vmax.f32 v22, v43;
	(erf) = vpow2.f32 v41;
	v45 =	vadd.f32 v45, v31  }
0x12f: {  	v27 =	vmul.f32 $1.442695020e+00, v27;
	v58 =	vmax.f32 v22, v54;
	v22 =	vsub.f32 v34, v51;
	v36 =	vpop (erf)  }
0x130: {  	(erf) = vpow2.f32 v42;
	v60 =	vsub.f32 v50, v58;
	v45 =	vadd.f32 v45, v36  }
0x131: {  	v26 =	vmul.f32 $1.442695020e+00, v26;
	v20 =	vsub.f32 v20, v58;
	v61 =	vsub.f32 v44, v58;
	v42 =	vpop (erf)  }
0x132: {  	v56 =	vsub.f32 v56, v58;
	(erf) = vpow2.f32 v27;
	v45 =	vadd.f32 v45, v42  }
0x133: {  	v43 =	vsub.f32 v43, v58;
	v27 =	vmul.f32 $1.442695020e+00, v33;
	v34 =	vpop (erf);
	(erf) = vpow2.f32 v26  }
0x134: {  	v59 =	vadd.f32 v45, v34;
	v45 =	vmul.f32 v18, v14;
	v14 =	vsub.f32 v38, v58  }
0x135: {  	v26 =	vmul.f32 $1.442695020e+00, v22;
	v22 =	vmul.f32 v18, v15;
	v15 =	vsub.f32 v35, v58;
	v38 =	vpop (erf)  }
0x136: {  	(erf) = vpow2.f32 v27;
	v33 =	vadd.f32 v59, v38;
	v14 =	vmul.f32 $1.442695020e+00, v14  }
0x137: {  	v20 =	vmul.f32 $1.442695020e+00, v20;
	(erf) = vpow2.f32 v26;
	v26 =	vsub.f32 v37, v58;
	v35 =	vpop (erf)  }
0x138: {  	v27 =	vadd.f32 v33, v35;
	(erf) = vpow2.f32 v14;
	v14 =	vmul.f32 $1.442695020e+00, v15  }
0x139: {  	v46 =	vsub.f32 v54, v58;
	v26 =	vmul.f32 $1.442695020e+00, v26;
	v37 =	vpop (erf);
	(erf) = vpow2.f32 v25  }
0x13a: {  	v25 =	vadd.s32 $0x8000, v39;
	v15 =	vadd.f32 v27, v37;
	(erf) = vpow2.f32 v14  }
0x13b: {  	v39 =	vpop (erf);
	v27 =	vmul.f32 $1.442695020e+00, v60;
	(erf) = vpow2.f32 v26;
	v26 =	vsub.f32 v40, v58  }
0x13c: {  	v43 =	vmul.f32 $1.442695020e+00, v43;
	v14 =	vadd.f32 v15, v39;
	v15 =	vsub.f32 v53, v58  }
0x13d: {  	v46 =	vmul.f32 $1.442695020e+00, v46;
	v40 =	vpop (erf);
	(erf) = vpow2.f32 v27;
	v27 =	vsub.f32 v55, v58  }
0x13e: {  	v26 =	vmul.f32 $1.442695020e+00, v26;
	v14 =	vadd.f32 v14, v40;
	v15 =	vmul.f32 $1.442695020e+00, v15  }
0x13f: {  	v16 =	vsub.f32 v16, v45;
	v50 =	vpop (erf);
	(erf) = vpow2.f32 v20;
	v20 =	vmul.f32 $1.442695020e+00, v27  }
0x140: {  	v27 =	vmul.f32 $1.442695020e+00, v61;
	v14 =	vadd.f32 v14, v50;
	(erf) = vpow2.f32 v15  }
0x141: {  	v44 =	vpop (erf);
	v15 =	vsub.f32 v28, v58;
	v28 =	vadd.s32 $0x8000, v5;
	(erf) = vpow2.f32 v26  }
0x142: {  	v62 =	vpop (erf);
	v26 =	vmul.f32 v18, v9;
	v14 =	vadd.f32 v14, v44;
	(erf) = vpow2.f32 v20  }
0x143: {  	v5 =	vmul.f32 $1.442695020e+00, v15;
	v51 =	vpop (erf);
	v20 =	vand.u32 $0xFFFF0000, v25;
	v25 =	vand.u32 $0xFFFF0000, v57  }
0x144: {  	(erf) = vpow2.f32 v27;
	v9 =	vadd.f32 v14, v51;
	v14 =	vshrl.u32 v23, $0x10  }
0x145: {  	(erf) = vpow2.f32 v5;
	v23 =	vadd.f32 v26, v22;
	v15 =	vpop (erf);
	v5 =	vor.u32 v20, v14  }
0x146: {  	v14 =	vadd.f32 v15, v62;
	(erf) = vrcp.f32 v9;
	v9 =	vsub.f32 v21, v58  }
0x147: {  	v20 =	vpop (erf);
	v63 =	vsub.f32 v16, v23;
	v23 =	vmul.f32 v18, v8;
	v8 =	vsub.f32 v24, v58  }
0x148: {  	v27 =	vshrl.u32 v28, $0x10;
	v28 =	vmul.f32 v18, v6;
	v6 =	vpop (erf);
	v21 =	vmul.f32 $1.442695020e+00, v9  }
0x149: {  	v16 =	vpop (erf);
	v14 =	vadd.f32 v14, v20;
	v57 =	vmul.f32 $1.442695020e+00, v8;
	v8 =	vsub.f32 v47, v58  }
0x14a: {  	v4 =	vadd.f32 v4, v45;
	v59 =	vadd.f32 v28, v28;
	v24 =	vmul.f32 v18, v7;
	v7 =	vpop (erf)  }
0x14b: {  	v33 =	vmul.f32 $1.442695020e+00, v56;
	v60 =	vadd.f32 v23, v23;
	v58 =	vadd.f32 v14, v6;
	v9 =	vpop (erf)  }
0x14c: {  	v26 =	vadd.f32 v26, v28;
	(erf) = vpow2.f32 v21;
	v47 =	vmul.f32 $1.442695020e+00, v8;
	v21 =	vpop (erf)  }
0x14d: {  	s2 =	simm.s32 $0x703;
	s3 =	simm.s32 $0x702;
	v48 =	vadd.f32 v60, v24;
	v49 =	vadd.f32 v58, v16;
	(erf) = vpow2.f32 v57;
	v8 =	vpop (erf)  }
0x14e: {  	v58 =	vor.u32 s3, v0;
	s3 =	simm.s32 $0x602;
	v57 =	vor.u32 s2, v0;
	(erf) = vpow2.f32 v33;
	v14 =	vpop (erf)  }
0x14f: {  	v45 =	vor.u32 s3, v0;
	v33 =	vsub.f32 v63, v59;
	(erf) = vpow2.f32 v47;
	v61 =	vpop (erf)  }
0x150: {  	s4 =	simm.s32 $0x700;
	v62 =	vadd.f32 v49, v7;
	(erf) = vpow2.f32 v43;
	v32 =	vmul.f32 v61, v32  }
0x151: {  	s26 =	simm.s32 $0x707;
	v59 =	vor.u32 s4, v0;
	v36 =	vmul.f32 v61, v36;
	v37 =	vmul.f32 v61, v37  }
0x152: {  	s4 =	simm.s32 $0x604;
	v47 =	vor.u32 s26, v0;
	v39 =	vmul.f32 v61, v39;
	v40 =	vmul.f32 v61, v40  }
0x153: {  	v49 =	vor.u32 s4, v0;
	v30 =	vmul.f32 v61, v30;
	v42 =	vmul.f32 v61, v42  }
0x154: {  	v41 =	vadd.f32 v62, v9;
	v31 =	vmul.f32 v61, v31;
	v34 =	vmul.f32 v61, v34  }
0x155: {  	v33 =	vadd.f32 v33, v48;
	v38 =	vmul.f32 v61, v38;
	v35 =	vmul.f32 v61, v35  }
0x156: {  	v29 =	vmul.f32 v61, v29;
	v32 =	vadd.f32 v32, v30;
	v36 =	vadd.f32 v36, v31  }
0x157: {  	s17 =	simm.s32 $0x601;
	v52 =	vmul.f32 v61, v50;
	v63 =	vadd.f32 v34, v42;
	v54 =	vadd.f32 v35, v38  }
0x158: {  	v43 =	vor.u32 s17, v0;
	v37 =	vadd.f32 v39, v37;
	v29 =	vsub.f32 v29, v30  }
0x159: {  	v55 =	vmul.f32 v61, v51;
	v30 =	vadd.f32 v34, v31;
	v40 =	vadd.f32 v52, v40  }
0x15a: {  	v31 =	vmul.f32 v61, v44;
	v42 =	vadd.f32 v42, v42;
	v56 =	vadd.f32 v52, v39  }
0x15b: {  	s25 =	simm.s32 $0x603;
	(erf) = vpow2.f32 v46;
	v29 =	vsub.f32 v29, v30;
	v30 =	vadd.f32 v35, v35  }
0x15c: {  	v46 =	vor.u32 s25, v0;
	v34 =	vadd.f32 v55, v31;
	v37 =	vadd.f32 v37, v54  }
0x15d: {  	v39 =	vmul.f32 v18, v3;
	v29 =	vsub.f32 v29, v42;
	v3 =	vadd.f32 v30, v38  }
0x15e: {  	s1 =	simm.s32 $0x708;
	v32 =	vadd.f32 v63, v32;
	v30 =	vmul.f32 v18, v17;
	v17 =	vadd.f32 v34, v40  }
0x15f: {  	s5 =	simm.s32 $0x701;
	v50 =	vor.u32 s1, v0;
	v3 =	vadd.f32 v29, v3;
	v29 =	vadd.f32 v40, v54  }
0x160: {  	s19 =	simm.s32 $0x706;
	v61 =	vor.u32 s5, v0;
	v36 =	vadd.f32 v63, v36;
	v17 =	vadd.f32 v17, v37  }
0x161: {  	s16 =	simm.s32 $0x705;
	v44 =	vor.u32 s19, v0;
	s5 =	simm.s32 $0x607;
	v3 =	vadd.f32 v3, v56;
	v29 =	vsub.f32 v32, v29  }
0x162: {  	v52 =	vor.u32 s5, v0;
	v60 =	vsub.f32 v36, v37;
	v42 =	vor.u32 s16, v0  }
0x163: {  	s7 =	simm.s32 $0x704;
	v17 =	vadd.s32 $0x8000, v17;
	v3 =	vsub.f32 v3, v31;
	v29 =	vadd.s32 $0x8000, v29  }
0x164: {  	s28 =	simm.s32 $0x605;
	v53 =	vld.idx.msk [tilespmem:v59+s29+$0x0], $0xffff;
	v37 =	vor.u32 s7, v0;
	v17 =	vshrl.u32 v17, $0x10;
	v29 =	vand.u32 $0xFFFF0000, v29  }
0x165: {  	s31 =	simm.s32 $0x606;
	s2 =	simm.s32 $0x70C;
	s5 =	simm.s32 $0x6650;
	v36 =	vld.idx.msk [tilespmem:v61+s29+$0x0], $0xffff;
	v31 =	vadd.s32 $0x8000, v60;
	v62 =	vadd.s32 $0x8000, v3;
	v17 =	vor.u32 v29, v17  }
0x166: {  	s25 =	simm.s32 $0x6850;
	s19 =	simm.s32 $0x60B;
	v38 =	vor.u32 s28, v0;
	s28 =	simm.s32 $0x6850;
	v29 =	vshrl.u32 v31, $0x10;
	v3 =	vld.idx.msk [tilespmem:v57+s29+$0x0], $0xffff;
	v63 =	vand.u32 $0xFFFF0000, v62;
	[tilespmem:s5+$0x0] =	vst v17  }
0x167: {  	v51 =	vor.u32 s31, v0;
	v59 =	vor.u32 s2, v0;
	s16 =	simm.s32 $0x609;
	s7 =	simm.s32 $0x608;
	v31 =	vld.idx.msk [tilespmem:v58+s29+$0x0], $0xffff;
	v17 =	vor.u32 v29, v63;
	[dreg:$0xa] =	wrdreg s28  }
0x168: {  	s14 =	simm.s32 $0x600;
	v35 =	vor.u32 s19, v0;
	v34 =	vor.u32 s16, v0;
	s16 =	simm.s32 $0x6050;
	v55 =	vor.u32 s7, v0;
	s7 =	simm.s32 $0x6250;
	[tilespmem:s25+$0x0] =	vst v17  }
0x169: {  	v39 =	vadd.f32 v39, v22;
	s19 =	simm.s32 $0x60D;
	v61 =	vmul.f32 v18, v13;
	v40 =	vor.u32 s14, v0;
	s14 =	simm.s32 $0x709;
	v17 =	vld [tilespmem:s7+$0x0];
	[dreg:$0x9] =	wrdreg s16  }
0x16a: {  	s26 =	simm.s32 $0x70A;
	v13 =	vor.u32 s19, v0;
	v54 =	vor.u32 s14, v0;
	v29 =	vadd.f32 v41, v21;
	v37 =	vld.idx.msk [tilespmem:v37+s29+$0x0], $0xffff  }
0x16b: {  	s31 =	simm.s32 $0x70B;
	v30 =	vadd.f32 v19, v30;
	v19 =	vadd.f32 v11, v19;
	v56 =	vor.u32 s26, v0;
	v42 =	vld.idx.msk [tilespmem:v42+s29+$0x0], $0xffff  }
0x16c: {  	s17 =	simm.s32 $0x60A;
	v58 =	vor.u32 s31, v0;
	v22 =	vadd.f32 v29, v8;
	v29 =	vmax.f32 v53, v36;
	v28 =	vld.idx.msk [tilespmem:v44+s29+$0x0], $0xffff  }
0x16d: {  	s4 =	simm.s32 $0x70D;
	v32 =	vor.u32 s17, v0;
	s17 =	simm.s32 $0x70E;
	v57 =	vmul.f32 v18, v10;
	v47 =	vld.idx.msk [tilespmem:v47+s29+$0x0], $0xffff;
	v18 =	vmax.f32 v29, v31  }
0x16e: {  	v48 =	vor.u32 s17, v0;
	v41 =	vor.u32 s4, v0;
	v50 =	vld.idx.msk [tilespmem:v50+s29+$0x0], $0xffff;
	v18 =	vmax.f32 v18, v3  }
0x16f: {  	s25 =	simm.s32 $0x70F;
	v29 =	vor.u32 v27, v25;
	v54 =	vld.idx.msk [tilespmem:v54+s29+$0x0], $0xffff;
	v25 =	vadd.f32 v22, v14;
	v18 =	vmax.f32 v18, v37  }
0x170: {  	v19 =	vadd.f32 v33, v19;
	v44 =	vor.u32 s25, v0;
	v56 =	vld.idx.msk [tilespmem:v56+s29+$0x0], $0xffff;
	v22 =	vpop (erf);
	v18 =	vmax.f32 v18, v42  }
0x171: {  	v12 =	vadd.f32 v12, v61;
	v58 =	vld.idx.msk [tilespmem:v58+s29+$0x0], $0xffff;
	v25 =	vadd.f32 v25, v22;
	v18 =	vmax.f32 v18, v28  }
0x172: {  	s14 =	simm.s32 $0x60C;
	v19 =	vsub.f32 v19, v61;
	v27 =	vadd.f32 v23, v24;
	v59 =	vld.idx.msk [tilespmem:v59+s29+$0x0], $0xffff;
	v23 =	vpop (erf);
	v18 =	vmax.f32 v18, v47  }
0x173: {  	v10 =	vor.u32 s14, v0;
	v41 =	vld.idx.msk [tilespmem:v41+s29+$0x0], $0xffff;
	v25 =	vadd.f32 v25, v23;
	v63 =	vmax.f32 v18, v50  }
0x174: {  	s26 =	simm.s32 $0x60E;
	v19 =	vadd.s32 $0x8000, v19;
	v57 =	vadd.f32 v11, v57;
	v18 =	vld.idx.msk [tilespmem:v48+s29+$0x0], $0xffff;
	v48 =	vmax.f32 v63, v54  }
0x175: {  	s3 =	simm.s32 $0x6050;
	v62 =	vor.u32 s26, v0;
	v24 =	vpop (erf);
	v11 =	vld.idx.msk [tilespmem:v44+s29+$0x0], $0xffff;
	v63 =	vadd.f32 v30, v27;
	v30 =	vmax.f32 v48, v56  }
0x176: {  	v12 =	vadd.f32 v12, v57;
	v60 =	vld [tilespmem:s3+$0x0];
	v44 =	vadd.f32 v25, v24;
	v30 =	vmax.f32 v30, v58  }
0x177: {  	v17 =	vshll.u32 v17, $0x10;
	v25 =	vpop (erf);
	v48 =	vld.idx.msk [tilespmem:v40+s29+$0x0], $0xffff;
	v40 =	vadd.f32 v26, v4;
	v30 =	vmax.f32 v30, v59  }
0x178: {  	v4 =	vld.idx.msk [tilespmem:v43+s29+$0x0], $0xffff;
	v33 =	vadd.f32 v44, v25;
	v43 =	vadd.f32 v57, v27;
	v30 =	vmax.f32 v30, v41  }
0x179: {  	v27 =	vpop (erf);
	v26 =	vadd.f32 v26, v39;
	v61 =	vadd.f32 v12, v63;
	v57 =	vmax.f32 v30, v18  }
0x17a: {  	v12 =	vld.idx.msk [tilespmem:v49+s29+$0x0], $0xffff;
	v33 =	vadd.f32 v33, v27;
	v39 =	vsub.f32 v40, v43;
	v49 =	vmax.f32 v57, v11  }
0x17b: {  	s28 =	simm.s32 $0x60F;
	v17 =	vor.u32 v60, v17;
	v44 =	vld.idx.msk [tilespmem:v45+s29+$0x0], $0xffff;
	v26 =	vsub.f32 v26, v63;
	v30 =	vpop (erf);
	v53 =	vsub.f32 v53, v49  }
0x17c: {  	v60 =	vor.u32 s28, v0;
	v36 =	vsub.f32 v36, v49;
	v33 =	vadd.f32 v33, v30  }
0x17d: {  	v45 =	vld.idx.msk [tilespmem:v46+s29+$0x0], $0xffff;
	v46 =	vadd.s32 $0x8000, v61;
	v63 =	vadd.s32 $0x8000, v39;
	v40 =	vmul.f32 $1.442695020e+00, v53  }
0x17e: {  	v31 =	vsub.f32 v31, v49;
	v36 =	vmul.f32 $1.442695020e+00, v36;
	(erf) = vrcp.f32 v33  }
0x17f: {  	v26 =	vadd.s32 $0x8000, v26;
	v57 =	vmax.f32 v48, v4;
	(erf) = vpow2.f32 v40  }
0x180: {  	v43 =	vld.idx.msk [tilespmem:v38+s29+$0x0], $0xffff;
	v38 =	vmax.f32 v57, v44;
	v53 =	vmul.f32 $1.442695020e+00, v31;
	(erf) = vpow2.f32 v36  }
0x181: {  	v51 =	vld.idx.msk [tilespmem:v51+s29+$0x0], $0xffff;
	v3 =	vsub.f32 v3, v49;
	v57 =	vshrl.u32 v46, $0x10;
	v28 =	vsub.f32 v28, v49  }
0x182: {  	v52 =	vld.idx.msk [tilespmem:v52+s29+$0x0], $0xffff;
	v47 =	vsub.f32 v47, v49;
	v61 =	vmax.f32 v38, v45;
	(erf) = vpow2.f32 v53  }
0x183: {  	v31 =	vand.u32 $0xFFFF0000, v19;
	v19 =	vld.idx.msk [tilespmem:v55+s29+$0x0], $0xffff;
	v3 =	vmul.f32 $1.442695020e+00, v3;
	v55 =	vsub.f32 v37, v49  }
0x184: {  	v46 =	vld.idx.msk [tilespmem:v34+s29+$0x0], $0xffff;
	v41 =	vsub.f32 v41, v49;
	v33 =	vmax.f32 v61, v12;
	v61 =	vsub.f32 v42, v49  }
0x185: {  	v33 =	vmax.f32 v33, v43;
	v36 =	vmul.f32 $1.442695020e+00, v55;
	(erf) = vpow2.f32 v3  }
0x186: {  	v38 =	vand.u32 $0xFFFF0000, v63;
	v33 =	vmax.f32 v33, v51;
	v63 =	vmul.f32 $1.442695020e+00, v61  }
0x187: {  	v3 =	vmax.f32 v33, v52;
	v33 =	vshrl.u32 v26, $0x10;
	v26 =	vld.idx.msk [tilespmem:v32+s29+$0x0], $0xffff;
	(erf) = vpow2.f32 v36;
	v32 =	vpop (erf)  }
0x188: {  	v34 =	vor.u32 v38, v57;
	v28 =	vmul.f32 $1.442695020e+00, v28;
	v3 =	vmax.f32 v3, v19;
	v53 =	vpop (erf)  }
0x189: {  	v42 =	vld.idx.msk [tilespmem:v35+s29+$0x0], $0xffff;
	v55 =	vsub.f32 v50, v49;
	(erf) = vpow2.f32 v63;
	v3 =	vmax.f32 v3, v46;
	v36 =	vpop (erf)  }
0x18a: {  	(erf) = vpow2.f32 v28;
	v15 =	vmul.f32 v32, v15;
	v39 =	vadd.f32 v36, v53  }
0x18b: {  	v28 =	vsub.f32 v54, v49;
	v35 =	vmul.f32 v32, v16;
	v16 =	vld.idx.msk [tilespmem:v10+s29+$0x0], $0xffff;
	v10 =	vmul.f32 $1.442695020e+00, v47;
	v38 =	vpop (erf)  }
0x18c: {  	v20 =	vmul.f32 v32, v20;
	v37 =	vmul.f32 v32, v21;
	v39 =	vadd.f32 v39, v38  }
0x18d: {  	v3 =	vmax.f32 v3, v26;
	v21 =	vld.idx.msk [tilespmem:v13+s29+$0x0], $0xffff;
	v13 =	vmul.f32 $1.442695020e+00, v55;
	(erf) = vpow2.f32 v10  }
0x18e: {  	v28 =	vmul.f32 $1.442695020e+00, v28;
	v3 =	vmax.f32 v3, v42;
	v10 =	vsub.f32 v56, v49;
	v40 =	vpop (erf)  }
0x18f: {  	v47 =	vld.idx.msk [tilespmem:v62+s29+$0x0], $0xffff;
	v15 =	vsub.f32 v15, v20;
	(erf) = vpow2.f32 v13;
	v57 =	vadd.f32 v39, v40  }
0x190: {  	v61 =	vadd.f32 v37, v35;
	v13 =	vsub.f32 v58, v49;
	v10 =	vmul.f32 $1.442695020e+00, v10;
	v39 =	vpop (erf)  }
0x191: {  	v62 =	vld.idx.msk [tilespmem:v60+s29+$0x0], $0xffff;
	(erf) = vpow2.f32 v28;
	v28 =	vsub.f32 v59, v49;
	v50 =	vadd.f32 v57, v39  }
0x192: {  	v53 =	vsub.f32 v15, v61;
	v3 =	vmax.f32 v3, v16;
	v13 =	vmul.f32 $1.442695020e+00, v13;
	v55 =	vpop (erf)  }
0x193: {  	v3 =	vmax.f32 v3, v21;
	(erf) = vpow2.f32 v10;
	v50 =	vadd.f32 v50, v55  }
0x194: {  	v10 =	vmul.f32 v32, v14;
	v14 =	vmul.f32 $1.442695020e+00, v28;
	v3 =	vmax.f32 v3, v47;
	v56 =	vpop (erf)  }
0x195: {  	(erf) = vpow2.f32 v13;
	v13 =	vmul.f32 $1.442695020e+00, v41;
	v28 =	vadd.f32 v50, v56  }
0x196: {  	v63 =	vmax.f32 v3, v62;
	v3 =	vsub.f32 v18, v49;
	(erf) = vpow2.f32 v14;
	v57 =	vpop (erf)  }
0x197: {  	v14 =	vmul.f32 v32, v8;
	v18 =	vsub.f32 v48, v63;
	v15 =	vadd.f32 v28, v57  }
0x198: {  	v11 =	vsub.f32 v11, v49;
	(erf) = vpow2.f32 v13;
	v3 =	vmul.f32 $1.442695020e+00, v3;
	v41 =	vpop (erf)  }
0x199: {  	v4 =	vsub.f32 v4, v63;
	v13 =	vmul.f32 $1.442695020e+00, v18;
	v8 =	vadd.f32 v15, v41  }
0x19a: {  	v11 =	vmul.f32 $1.442695020e+00, v11;
	(erf) = vpow2.f32 v3;
	v15 =	vsub.f32 v44, v63;
	v44 =	vpop (erf)  }
0x19b: {  	v3 =	vmul.f32 $1.442695020e+00, v4;
	(erf) = vpow2.f32 v13;
	v8 =	vadd.f32 v8, v44  }
0x19c: {  	v4 =	vsub.f32 v45, v63;
	(erf) = vpow2.f32 v11;
	v11 =	vsub.f32 v12, v63;
	v45 =	vpop (erf)  }
0x19d: {  	(erf) = vpow2.f32 v3;
	v13 =	vmul.f32 $1.442695020e+00, v15;
	v8 =	vadd.f32 v8, v45  }
0x19e: {  	v4 =	vmul.f32 $1.442695020e+00, v4;
	v12 =	vsub.f32 v51, v63;
	v3 =	vsub.f32 v43, v63;
	v60 =	vpop (erf)  }
0x19f: {  	v11 =	vmul.f32 $1.442695020e+00, v11;
	(erf) = vpow2.f32 v13;
	v8 =	vadd.f32 v8, v60  }
0x1a0: {  	v61 =	vpop (erf);
	v3 =	vmul.f32 $1.442695020e+00, v3;
	(erf) = vpow2.f32 v4;
	v4 =	vsub.f32 v52, v63  }
0x1a1: {  	v12 =	vmul.f32 $1.442695020e+00, v12;
	(erf) = vpow2.f32 v11;
	v8 =	vadd.f32 v8, v61  }
0x1a2: {  	v13 =	vsub.f32 v19, v63;
	v49 =	vpop (erf);
	v4 =	vmul.f32 $1.442695020e+00, v4;
	(erf) = vpow2.f32 v3  }
0x1a3: {  	v11 =	vsub.f32 v46, v63;
	v46 =	vpop (erf);
	(erf) = vpow2.f32 v12;
	v8 =	vadd.f32 v8, v49  }
0x1a4: {  	v3 =	vmul.f32 $1.442695020e+00, v13;
	v15 =	vpop (erf);
	v12 =	vsub.f32 v26, v63;
	(erf) = vpow2.f32 v4  }
0x1a5: {  	v4 =	vmul.f32 $1.442695020e+00, v11;
	v11 =	vsub.f32 v42, v63;
	v42 =	vpop (erf);
	v8 =	vadd.f32 v8, v46  }
0x1a6: {  	(erf) = vpow2.f32 v3;
	v3 =	vmul.f32 $1.442695020e+00, v12;
	v12 =	vsub.f32 v16, v63;
	v13 =	vpop (erf)  }
0x1a7: {  	v16 =	vadd.f32 v13, v15;
	v8 =	vadd.f32 v8, v42  }
0x1a8: {  	(erf) = vpow2.f32 v4;
	v4 =	vmul.f32 $1.442695020e+00, v12;
	v12 =	vsub.f32 v21, v63  }
0x1a9: {  	v9 =	vmul.f32 v32, v9;
	v15 =	vpop (erf);
	(erf) = vrcp.f32 v8  }
0x1aa: {  	v11 =	vmul.f32 $1.442695020e+00, v11;
	v16 =	vadd.f32 v16, v15;
	v12 =	vmul.f32 $1.442695020e+00, v12  }
0x1ab: {  	v6 =	vmul.f32 v32, v6;
	v19 =	vsub.f32 v62, v63;
	v58 =	vpop (erf);
	(erf) = vpow2.f32 v3  }
0x1ac: {  	v18 =	vpop (erf);
	v8 =	vsub.f32 v47, v63;
	(erf) = vpow2.f32 v11;
	v11 =	vadd.f32 v16, v58  }
0x1ad: {  	v21 =	vadd.f32 v9, v9;
	v16 =	vmul.f32 $1.442695020e+00, v19;
	(erf) = vpow2.f32 v4;
	v4 =	vpop (erf)  }
0x1ae: {  	v8 =	vmul.f32 $1.442695020e+00, v8;
	(erf) = vpow2.f32 v12;
	v12 =	vpop (erf)  }
0x1af: {  	v7 =	vmul.f32 v32, v7;
	v62 =	vsub.f32 v53, v21;
	v26 =	vadd.f32 v11, v18;
	v19 =	vpop (erf)  }
0x1b0: {  	v21 =	vadd.f32 v6, v20;
	(erf) = vpow2.f32 v8;
	v8 =	vadd.f32 v10, v10;
	v11 =	vpop (erf)  }
0x1b1: {  	v20 =	vmul.f32 v32, v27;
	(erf) = vpow2.f32 v16;
	v28 =	vadd.f32 v26, v4;
	v16 =	vpop (erf)  }
0x1b2: {  	v26 =	vmul.f32 v32, v22;
	v22 =	vmul.f32 v32, v23;
	v8 =	vadd.f32 v8, v14;
	v63 =	vpop (erf)  }
0x1b3: {  	v6 =	vadd.f32 v28, v12;
	v28 =	vmul.f32 v32, v24;
	v40 =	vmul.f32 v63, v40  }
0x1b4: {  	v23 =	vadd.f32 v62, v8;
	v8 =	vmul.f32 v63, v55;
	v45 =	vmul.f32 v63, v45  }
0x1b5: {  	v47 =	vmul.f32 v63, v60;
	v43 =	vmul.f32 v63, v61  }
0x1b6: {  	v24 =	vadd.f32 v7, v35;
	v7 =	vmul.f32 v63, v56;
	v56 =	vmul.f32 v63, v39  }
0x1b7: {  	[tilespmem:s8+$0xFFFFFFF0] =	vst v5;
	v6 =	vadd.f32 v6, v19;
	v59 =	vmul.f32 v63, v57;
	v60 =	vmul.f32 v63, v41  }
0x1b8: {  	[tilespmem:s6+$0xFFFFFFF0] =	vst v29;
	v27 =	vadd.f32 v37, v9;
	v9 =	vmul.f32 v63, v44;
	v29 =	vmul.f32 v63, v36  }
0x1b9: {  	v35 =	vadd.f32 v6, v11;
	v6 =	vmul.f32 v63, v38;
	v37 =	vadd.f32 v8, v56  }
0x1ba: {  	s6 =	simm.s32 $0x6410;
	v49 =	vmul.f32 v63, v49;
	v38 =	vadd.f32 v59, v7;
	v45 =	vadd.f32 v47, v45  }
0x1bb: {  	s31 =	simm.s32 $0x6430;
	[tilespmem:s6+$0x0] =	vst v1;
	v61 =	vld [tilespmem:s9+$0xFFFFFFF0];
	v36 =	vmul.f32 v63, v46;
	v8 =	vsub.f32 v29, v6;
	v29 =	vadd.f32 v59, v56  }
0x1bc: {  	s29 =	simm.s32 $0x6430;
	v62 =	vld [tilespmem:s10+$0xFFFFFFF0];
	v5 =	vpop (erf);
	v1 =	vmul.f32 v63, v42;
	[dreg:$0xb] =	wrdreg s31;
	v41 =	vadd.f32 v49, v43;
	v63 =	vadd.f32 v7, v7  }
0x1bd: {  	v25 =	vmul.f32 v32, v25;
	[tilespmem:s29+$0x0] =	vst v2;
	v39 =	vadd.f32 v40, v6;
	v6 =	vpop (erf);
	v2 =	vsub.f32 v8, v29  }
0x1be: {  	v32 =	vmul.f32 v32, v30;
	v1 =	vadd.f32 v1, v36;
	v29 =	vadd.f32 v9, v9;
	v7 =	vpop (erf)  }
0x1bf: {  	s0 =	simm.s32 $0x6650;
	v30 =	vor.u32 v33, v31;
	[tilespmem:s13+$0xFFFFFFF0] =	vst v34;
	v34 =	vadd.f32 v49, v47;
	v40 =	vadd.f32 v9, v60;
	v8 =	vpop (erf)  }
0x1c0: {  	s30 =	simm.s32 $0x15000;
	s1 =	simm.s32 $0x6;
	s26 =	simm.s32 $0x6450;
	[tilespmem:s11+$0xFFFFFFF0] =	vst v30;
	v31 =	vadd.f32 v1, v41;
	v42 =	vadd.f32 v29, v60;
	v29 =	vshll.u32 v61, $0x10;
	v9 =	vpop (erf)  }
0x1c1: {  	s4 =	simm.s32 $0x6850;
	s3 =	simm.s32 $0x6250;
	[tilespmem:s26+$0x0] =	vst v17;
	s11 =	simm.s32 $0x90F;
	v1 =	vld [tilespmem:s12+$0xFFFFFFF0];
	v30 =	vadd.f32 v45, v40;
	v33 =	vsub.f32 v2, v63;
	v29 =	vor.u32 v62, v29;
	v2 =	vpop (erf)  }
.LBB2_2:
0x1c2: {  	v40 =	vadd.f32 v41, v40  }
0x1c3: {  	v35 =	vadd.f32 v35, v16;
	v17 =	vadd.f32 v10, v14  }
0x1c4: {  	[dreg:$0xe] =	wrdreg s0;
	s9 =	sadd.s32 $0xFFFFFFF4, s11;
	s2 =	sadd.s32 $0xFFFFFFF3, s11;
	v39 =	vadd.f32 v38, v39;
	v33 =	vadd.f32 v33, v42  }
0x1c5: {  	[dreg:$0xc] =	wrdreg s3;
	v3 =	vld [tilespmem:s15+$0xFFFFFFF0];
	[tilespmem:s6+$0xFFFFFFF0] =	vst v29;
	s10 =	sadd.s32 $0xFFFFFFF1, s11;
	s29 =	sadd.s32 $0xFFFFFF00, s11;
	v29 =	vor.u32 s9, v0;
	v37 =	vadd.f32 v38, v37;
	v57 =	vor.u32 s2, v0  }
0x1c6: {  	[tilespmem:$0x1FFE0] =	vst v58;
	s12 =	sadd.s32 $0xFFFFFFF2, s11;
	v31 =	vadd.f32 v31, v30;
	v58 =	vor.u32 s10, v0;
	[dreg:$0x10] =	wrdreg s29;
	s29 =	sadd.s32 $0xFFFFFFF6, s11;
	v33 =	vadd.f32 v33, v34  }
0x1c7: {  	s3 =	sadd.s32 $0xFFFFFEF1, s11;
	s13 =	sadd.s32 $0xFFFFFEF2, s11;
	s14 =	sadd.s32 $0xFFFFFFF5, s11;
	v59 =	vor.u32 s12, v0;
	v63 =	vor.u32 s29, v0;
	v39 =	vsub.f32 v39, v40  }
0x1c8: {  	s15 =	sadd.s32 $0xFFFFFEFF, s11;
	s6 =	rddreg [dreg:$0xa];
	s0 =	smov.u32 s1;
	v30 =	vsub.f32 v37, v30;
	v31 =	vadd.s32 $0x8000, v31;
	v33 =	vsub.f32 v33, v36  }
0x1c9: {  	s1 =	smov.u32 s26;
	s26 =	smov.u32 s7;
	s7 =	rddreg [dreg:$0xb];
	v40 =	vor.u32 s14, v0;
	v31 =	vshrl.u32 v31, $0x10;
	v60 =	vadd.s32 $0x8000, v39  }
0x1ca: {  	s8 =	sadd.s32 $0xFFFFFEF3, s11;
	s16 =	sadd.s32 $0xFFFFFEF4, s11;
	[dreg:$0xf] =	wrdreg s15;
	v61 =	vadd.s32 $0x8000, v30;
	v29 =	vld.idx.msk [tilespmem:v29+s30+$0x0], $0xffff;
	v36 =	vand.u32 $0xFFFF0000, v60;
	v33 =	vadd.s32 $0x8000, v33  }
0x1cb: {  	s10 =	sadd.s32 $0x20, s5;
	s5 =	rddreg [dreg:$0x9];
	s29 =	sadd.s32 $0x20, s6;
	v30 =	vld.idx.msk [tilespmem:v57+s30+$0x0], $0xffff;
	v62 =	vshrl.u32 v61, $0x10;
	v31 =	vor.u32 v36, v31;
	v33 =	vand.u32 $0xFFFF0000, v33  }
0x1cc: {  	v26 =	vadd.f32 v22, v26;
	s6 =	smov.u32 s7;
	s7 =	smov.u32 s26;
	v39 =	vor.u32 s3, v0;
	s3 =	sadd.s32 $0xFFFFFFF7, s11;
	v41 =	vld.idx.msk [tilespmem:v58+s30+$0x0], $0xffff;
	[tilespmem:s10+$0x0] =	vst v31;
	v31 =	vor.u32 v62, v33  }
0x1cd: {  	v28 =	vadd.f32 v25, v28;
	v42 =	vor.u32 s13, v0;
	s13 =	smov.u32 s1;
	s7 =	sadd.s32 $0x20, s7;
	v53 =	vld.idx.msk [tilespmem:v59+s30+$0x0], $0xffff;
	v33 =	vor.u32 s3, v0;
	s3 =	sadd.s32 $0xFFFFFFF8, s11;
	[tilespmem:s29+$0x0] =	vst v31  }
0x1ce: {  	v32 =	vadd.f32 v32, v20;
	v44 =	vor.u32 s16, v0;
	s16 =	sadd.s32 $0xFFFFFFF9, s11;
	s15 =	smov.u32 s5;
	s5 =	sadd.s32 $0x20, s5;
	v36 =	vor.u32 s3, v0;
	v38 =	vld [tilespmem:s7+$0x0]  }
0x1cf: {  	v22 =	vadd.f32 v25, v22;
	v21 =	vadd.f32 v27, v21;
	s26 =	smov.u32 s1;
	s1 =	sadd.s32 $0x2, s0;
	v43 =	vor.u32 s16, v0;
	s0 =	sadd.s32 $0xFFFFFFFA, s11;
	v45 =	vld [tilespmem:s5+$0x0]  }
0x1d0: {  	s19 =	sadd.s32 $0xFFFFFEF5, s11;
	v24 =	vadd.f32 v27, v24;
	s9 =	sadd.s32 $0xFFFFFEFA, s11;
	v37 =	vor.u32 s8, v0;
	s8 =	sadd.s32 $0xFFFFFFFB, s11;
	v52 =	vld.idx.msk [tilespmem:v40+s30+$0x0], $0xffff;
	v40 =	vor.u32 s0, v0  }
0x1d1: {  	v50 =	vor.u32 s19, v0;
	s14 =	sadd.s32 $0xFFFFFEFB, s11;
	v34 =	vor.u32 s8, v0;
	v58 =	vor.u32 s9, v0;
	s9 =	sadd.s32 $0xFFFFFFFC, s11;
	v51 =	vld.idx.msk [tilespmem:v63+s30+$0x0], $0xffff  }
0x1d2: {  	[dreg:$0xb] =	wrdreg s13;
	s13 =	sadd.s32 $0xFFFFFFFD, s11;
	v46 =	vor.u32 s9, v0;
	v59 =	vor.u32 s14, v0;
	v31 =	vld.idx.msk [tilespmem:v33+s30+$0x0], $0xffff;
	v47 =	vmax.f32 v41, v53  }
0x1d3: {  	s14 =	sadd.s32 $0xFFFFFFFE, s11;
	v33 =	vld.idx.msk [tilespmem:v36+s30+$0x0], $0xffff;
	v36 =	vor.u32 s13, v0;
	v47 =	vmax.f32 v47, v30;
	v38 =	vshll.u32 v38, $0x10  }
0x1d4: {  	s28 =	sadd.s32 $0xFFFFFEF6, s11;
	s16 =	sadd.s32 $0xFFFFFFFF, s11;
	s26 =	sadd.s32 $0x20, s26;
	v49 =	vld.idx.msk [tilespmem:v43+s30+$0x0], $0xffff;
	v43 =	vor.u32 s14, v0;
	v38 =	vor.u32 v45, v38;
	v45 =	vmax.f32 v47, v29  }
0x1d5: {  	s31 =	sadd.s32 $0xFFFFFEF7, s11;
	v54 =	vor.u32 s28, v0;
	v48 =	vld.idx.msk [tilespmem:v40+s30+$0x0], $0xffff;
	v40 =	vor.u32 s16, v0;
	[tilespmem:s26+$0x0] =	vst v38;
	v45 =	vmax.f32 v45, v52  }
0x1d6: {  	[dreg:$0xd] =	wrdreg s4;
	s4 =	sadd.s32 $0xFFFFFEF8, s11;
	v55 =	vor.u32 s31, v0;
	v47 =	vor.u32 s11, v0;
	v38 =	vld.idx.msk [tilespmem:v34+s30+$0x0], $0xffff;
	v45 =	vmax.f32 v45, v51  }
0x1d7: {  	v56 =	vor.u32 s4, v0;
	v35 =	vadd.f32 v35, v5;
	v34 =	vld.idx.msk [tilespmem:v46+s30+$0x0], $0xffff;
	v45 =	vmax.f32 v45, v31  }
0x1d8: {  	v26 =	vadd.f32 v26, v17;
	v22 =	vadd.f32 v23, v22;
	v36 =	vld.idx.msk [tilespmem:v36+s30+$0x0], $0xffff;
	v14 =	vmax.f32 v45, v33  }
0x1d9: {  	v17 =	vadd.f32 v28, v17;
	v35 =	vadd.f32 v35, v6;
	v10 =	vld.idx.msk [tilespmem:v43+s30+$0x0], $0xffff;
	v46 =	vmax.f32 v14, v49  }
0x1da: {  	v32 =	vadd.f32 v32, v28;
	v20 =	vsub.f32 v22, v20;
	v45 =	vld.idx.msk [tilespmem:v40+s30+$0x0], $0xffff;
	v40 =	vmax.f32 v46, v48  }
0x1db: {  	s19 =	rddreg [dreg:$0x10];
	v17 =	vsub.f32 v21, v17;
	v35 =	vadd.f32 v35, v7;
	v14 =	vld.idx.msk [tilespmem:v47+s30+$0x0], $0xffff;
	v25 =	vmax.f32 v40, v38  }
0x1dc: {  	s17 =	sadd.s32 $0xFFFFFEF9, s11;
	v21 =	vsub.f32 v24, v26;
	[tilespmem:$0x1FFF0] =	vst v3;
	v3 =	vor.u32 s19, v0;
	v43 =	vld.idx.msk [tilespmem:v42+s30+$0x0], $0xffff;
	v25 =	vmax.f32 v25, v34  }
0x1dd: {  	s25 =	sadd.s32 $0xFFFFFEFC, s11;
	s2 =	sadd.s32 $0xFFFFFEFD, s11;
	v57 =	vor.u32 s17, v0;
	v47 =	vld.idx.msk [tilespmem:v39+s30+$0x0], $0xffff;
	v23 =	vmax.f32 v25, v36;
	v25 =	vadd.f32 v35, v8  }
0x1de: {  	v60 =	vor.u32 s25, v0;
	v61 =	vor.u32 s2, v0;
	v46 =	vld.idx.msk [tilespmem:v37+s30+$0x0], $0xffff;
	v23 =	vmax.f32 v23, v10  }
0x1df: {  	v44 =	vld.idx.msk [tilespmem:v44+s30+$0x0], $0xffff;
	v17 =	vadd.s32 $0x8000, v17;
	v22 =	vmax.f32 v23, v45;
	v23 =	vadd.f32 v25, v9  }
0x1e0: {  	s12 =	sadd.s32 $0xFFFFFEFE, s11;
	v20 =	vadd.s32 $0x8000, v20;
	v17 =	vand.u32 $0xFFFF0000, v17;
	v39 =	vld.idx.msk [tilespmem:v54+s30+$0x0], $0xffff;
	v54 =	vmax.f32 v22, v14  }
0x1e1: {  	v62 =	vor.u32 s12, v0;
	v22 =	vsub.f32 v41, v54;
	v23 =	vadd.f32 v23, v2  }
0x1e2: {  	v55 =	vld.idx.msk [tilespmem:v55+s30+$0x0], $0xffff;
	v24 =	vmax.f32 v47, v43;
	v25 =	vadd.f32 v32, v26;
	v26 =	vsub.f32 v53, v54  }
0x1e3: {  	v37 =	vld.idx.msk [tilespmem:v50+s30+$0x0], $0xffff;
	v24 =	vmax.f32 v24, v46;
	v22 =	vmul.f32 $1.442695020e+00, v22;
	(erf) = vrcp.f32 v23  }
0x1e4: {  	s17 =	rddreg [dreg:$0xf];
	v56 =	vld.idx.msk [tilespmem:v56+s30+$0x0], $0xffff;
	v28 =	vsub.f32 v30, v54;
	v23 =	vmax.f32 v24, v44;
	v24 =	vmul.f32 $1.442695020e+00, v26  }
0x1e5: {  	v63 =	vor.u32 s17, v0;
	v57 =	vld.idx.msk [tilespmem:v57+s30+$0x0], $0xffff;
	v30 =	vsub.f32 v29, v54;
	(erf) = vpow2.f32 v22  }
0x1e6: {  	v59 =	vld.idx.msk [tilespmem:v59+s30+$0x0], $0xffff;
	v27 =	vadd.s32 $0x8000, v25;
	v22 =	vmul.f32 $1.442695020e+00, v28;
	(erf) = vpow2.f32 v24  }
0x1e7: {  	v25 =	vld.idx.msk [tilespmem:v58+s30+$0x0], $0xffff;
	v29 =	vand.u32 $0xFFFF0000, v20;
	v51 =	vsub.f32 v51, v54;
	v20 =	vmul.f32 $1.442695020e+00, v30  }
0x1e8: {  	v26 =	vld.idx.msk [tilespmem:v60+s30+$0x0], $0xffff;
	v30 =	vsub.f32 v52, v54;
	v23 =	vmax.f32 v23, v37;
	(erf) = vpow2.f32 v22  }
0x1e9: {  	v27 =	vshrl.u32 v27, $0x10;
	v28 =	vld.idx.msk [tilespmem:v61+s30+$0x0], $0xffff;
	v23 =	vmax.f32 v23, v39;
	v24 =	vadd.s32 $0x8000, v21  }
0x1ea: {  	v61 =	vmax.f32 v23, v55;
	v23 =	vld.idx.msk [tilespmem:v3+s30+$0x0], $0xffff;
	v3 =	vmul.f32 $1.442695020e+00, v30;
	(erf) = vpow2.f32 v20  }
0x1eb: {  	v17 =	vor.u32 v17, v27;
	v21 =	vld.idx.msk [tilespmem:v62+s30+$0x0], $0xffff;
	v62 =	vsub.f32 v31, v54;
	v30 =	vshrl.u32 v24, $0x10  }
0x1ec: {  	s25 =	rddreg [dreg:$0xe];
	v22 =	vld.idx.msk [tilespmem:v63+s30+$0x0], $0xffff;
	v24 =	vmul.f32 $1.442695020e+00, v51;
	v20 =	vmax.f32 v61, v56;
	(erf) = vpow2.f32 v3;
	v31 =	vpop (erf)  }
0x1ed: {  	[tilespmem:s25+$0xFFFFFFF0] =	vst v17;
	v17 =	vsub.f32 v33, v54;
	v3 =	vmax.f32 v20, v57;
	v20 =	vmul.f32 v31, v15  }
0x1ee: {  	v3 =	vmax.f32 v3, v25;
	v15 =	vmul.f32 $1.442695020e+00, v62;
	v27 =	vpop (erf);
	(erf) = vpow2.f32 v24  }
0x1ef: {  	v49 =	vsub.f32 v49, v54;
	v17 =	vmul.f32 $1.442695020e+00, v17;
	v3 =	vmax.f32 v3, v59;
	v32 =	vpop (erf)  }
0x1f0: {  	v24 =	vmul.f32 v31, v18;
	(erf) = vpow2.f32 v15;
	v18 =	vadd.f32 v32, v27  }
0x1f1: {  	v3 =	vmax.f32 v3, v26;
	v15 =	vsub.f32 v48, v54;
	v33 =	vpop (erf);
	v27 =	vmul.f32 v31, v19  }
0x1f2: {  	v19 =	vmul.f32 $1.442695020e+00, v49;
	(erf) = vpow2.f32 v17;
	v18 =	vadd.f32 v18, v33  }
0x1f3: {  	v13 =	vmul.f32 v31, v13;
	v3 =	vmax.f32 v3, v28;
	v17 =	vsub.f32 v38, v54;
	v38 =	vpop (erf)  }
0x1f4: {  	v15 =	vmul.f32 $1.442695020e+00, v15;
	(erf) = vpow2.f32 v19;
	v18 =	vadd.f32 v18, v38  }
0x1f5: {  	v3 =	vmax.f32 v3, v21;
	v13 =	vsub.f32 v13, v20;
	v19 =	vsub.f32 v34, v54;
	v34 =	vpop (erf)  }
0x1f6: {  	v17 =	vmul.f32 $1.442695020e+00, v17;
	(erf) = vpow2.f32 v15;
	v18 =	vadd.f32 v18, v34  }
0x1f7: {  	v3 =	vmax.f32 v3, v22;
	v15 =	vsub.f32 v36, v54;
	v36 =	vmul.f32 v31, v12;
	v49 =	vpop (erf)  }
0x1f8: {  	v12 =	vmul.f32 $1.442695020e+00, v19;
	(erf) = vpow2.f32 v17;
	v18 =	vadd.f32 v18, v49  }
0x1f9: {  	v63 =	vadd.f32 v27, v24;
	v15 =	vmul.f32 $1.442695020e+00, v15;
	v17 =	vsub.f32 v10, v54;
	v48 =	vpop (erf)  }
0x1fa: {  	v10 =	vmul.f32 v31, v16;
	(erf) = vpow2.f32 v12;
	v16 =	vadd.f32 v18, v48  }
0x1fb: {  	v3 =	vmax.f32 v3, v23;
	v51 =	vsub.f32 v13, v63;
	v12 =	vsub.f32 v45, v54;
	v45 =	vpop (erf)  }
0x1fc: {  	v13 =	vmul.f32 $1.442695020e+00, v17;
	(erf) = vpow2.f32 v15;
	v16 =	vadd.f32 v16, v45  }
0x1fd: {  	v15 =	vsub.f32 v47, v3;
	v17 =	vsub.f32 v14, v54;
	v14 =	vmul.f32 v31, v11;
	v47 =	vpop (erf)  }
0x1fe: {  	v11 =	vmul.f32 $1.442695020e+00, v12;
	(erf) = vpow2.f32 v13;
	v12 =	vadd.f32 v16, v47  }
0x1ff: {  	v13 =	vmul.f32 $1.442695020e+00, v15;
	v15 =	vsub.f32 v43, v3;
	v18 =	vmul.f32 $1.442695020e+00, v17;
	v43 =	vpop (erf)  }
0x200: {  	(erf) = vpow2.f32 v11;
	v16 =	vsub.f32 v46, v3;
	v12 =	vadd.f32 v12, v43  }
0x201: {  	v11 =	vmul.f32 $1.442695020e+00, v15;
	v15 =	vsub.f32 v44, v3;
	(erf) = vpow2.f32 v13;
	v52 =	vpop (erf)  }
0x202: {  	v13 =	vmul.f32 $1.442695020e+00, v16;
	(erf) = vpow2.f32 v18;
	v12 =	vadd.f32 v12, v52  }
0x203: {  	v15 =	vmul.f32 $1.442695020e+00, v15;
	v16 =	vsub.f32 v37, v3;
	(erf) = vpow2.f32 v11;
	v17 =	vpop (erf)  }
0x204: {  	v11 =	vsub.f32 v39, v3;
	(erf) = vpow2.f32 v13;
	v12 =	vadd.f32 v12, v17  }
0x205: {  	v13 =	vmul.f32 $1.442695020e+00, v16;
	v16 =	vsub.f32 v55, v3;
	v53 =	vpop (erf);
	(erf) = vpow2.f32 v15  }
0x206: {  	v15 =	vsub.f32 v56, v3;
	v12 =	vadd.f32 v12, v53  }
0x207: {  	v19 =	vsub.f32 v57, v3;
	v11 =	vmul.f32 $1.442695020e+00, v11;
	v16 =	vmul.f32 $1.442695020e+00, v16;
	v60 =	vpop (erf)  }
0x208: {  	(erf) = vpow2.f32 v13;
	v13 =	vmul.f32 $1.442695020e+00, v15;
	v12 =	vadd.f32 v12, v60  }
0x209: {  	(erf) = vpow2.f32 v11;
	v15 =	vsub.f32 v25, v3;
	v61 =	vpop (erf)  }
0x20a: {  	v11 =	vmul.f32 $1.442695020e+00, v19;
	(erf) = vpow2.f32 v16;
	v18 =	vpop (erf);
	v12 =	vadd.f32 v12, v61  }
0x20b: {  	v16 =	vsub.f32 v59, v3;
	(erf) = vpow2.f32 v13;
	v19 =	vmul.f32 $1.442695020e+00, v15;
	v62 =	vpop (erf)  }
0x20c: {  	(erf) = vpow2.f32 v11;
	v13 =	vpop (erf);
	v12 =	vadd.f32 v12, v62  }
0x20d: {  	v26 =	vsub.f32 v26, v3;
	v11 =	vmul.f32 $1.442695020e+00, v16;
	v15 =	vpop (erf);
	(erf) = vpow2.f32 v19  }
0x20e: {  	v16 =	vsub.f32 v28, v3;
	v19 =	vsub.f32 v21, v3;
	v21 =	vpop (erf);
	(erf) = vrcp.f32 v12  }
0x20f: {  	v25 =	vmul.f32 $1.442695020e+00, v26;
	v28 =	vsub.f32 v22, v3;
	v26 =	vadd.f32 v13, v18  }
0x210: {  	v16 =	vmul.f32 $1.442695020e+00, v16;
	v3 =	vsub.f32 v23, v3;
	(erf) = vpow2.f32 v11  }
0x211: {  	v22 =	vadd.f32 v26, v15;
	v18 =	vpop (erf);
	v11 =	vmul.f32 $1.442695020e+00, v19;
	(erf) = vpow2.f32 v25  }
0x212: {  	v23 =	vmul.f32 $1.442695020e+00, v28;
	v63 =	vpop (erf);
	(erf) = vpow2.f32 v16;
	v16 =	vadd.f32 v36, v36  }
0x213: {  	v3 =	vmul.f32 $1.442695020e+00, v3;
	v25 =	vadd.f32 v22, v21;
	v12 =	vpop (erf);
	(erf) = vpow2.f32 v11  }
0x214: {  	v19 =	vpop (erf);
	(erf) = vpow2.f32 v23  }
0x215: {  	v22 =	vadd.f32 v25, v18;
	v11 =	vpop (erf);
	(erf) = vpow2.f32 v3;
	v3 =	vld [tilespmem:$0x1FFE0]  }
0x216: {  	v4 =	vmul.f32 v31, v4;
	v28 =	vmul.f32 v31, v7;
	v54 =	vsub.f32 v51, v16;
	v16 =	vpop (erf)  }
0x217: {  	v26 =	vmul.f32 v31, v5;
	v25 =	vadd.f32 v22, v63;
	v22 =	vmul.f32 v31, v6;
	v55 =	vpop (erf)  }
0x218: {  	v24 =	vadd.f32 v4, v24;
	v38 =	vmul.f32 v55, v38;
	v49 =	vmul.f32 v55, v49  }
0x219: {  	v23 =	vadd.f32 v10, v10;
	v44 =	vmul.f32 v55, v52;
	v17 =	vmul.f32 v55, v17  }
0x21a: {  	v27 =	vadd.f32 v27, v36;
	v56 =	vmul.f32 v55, v53;
	v3 =	vmul.f32 v31, v3  }
0x21b: {  	v23 =	vadd.f32 v23, v14;
	v57 =	vmul.f32 v55, v48;
	v34 =	vmul.f32 v55, v34  }
0x21c: {  	v58 =	vmovc v21;
	v45 =	vmul.f32 v55, v45;
	v21 =	vadd.f32 v3, v20;
	v3 =	vadd.f32 v25, v12  }
0x21d: {  	v23 =	vadd.f32 v54, v23;
	v47 =	vmul.f32 v55, v47;
	v43 =	vmul.f32 v55, v43  }
0x21e: {  	v32 =	vmul.f32 v55, v32;
	v60 =	vmul.f32 v55, v60;
	v3 =	vadd.f32 v3, v19  }
0x21f: {  	v36 =	vmul.f32 v55, v61;
	v37 =	vadd.f32 v49, v34;
	v40 =	vadd.f32 v43, v47  }
0x220: {  	v4 =	vmovc v63;
	v44 =	vadd.f32 v17, v44;
	v35 =	vadd.f32 v3, v11;
	v3 =	vmul.f32 v55, v33  }
0x221: {  	s28 =	rddreg [dreg:$0xd];
	v5 =	vpop (erf);
	v61 =	vadd.f32 v45, v34;
	v34 =	vadd.f32 v60, v17;
	v17 =	vor.u32 v30, v29  }
0x222: {  	p0 =	slt.u32 s1, $0x1E;
	v62 =	vmul.f32 v55, v62;
	v6 =	vpop (erf);
	[tilespmem:s28+$0xFFFFFFF0] =	vst v17;
	v17 =	vld [tilespmem:$0x1FFF0];
	v39 =	vadd.f32 v38, v3;
	v3 =	vsub.f32 v32, v3  }
.Ltmp0:
0x223: {  	v7 =	vpop (erf);
	v41 =	vadd.f32 v60, v56;
	v63 =	vadd.f32 v43, v43;
	v25 =	vmul.f32 v31, v8;
	(pc) =	sbr.rel @p0 .LBB2_2-.Ltmp0, $4  }
0x224: {  	s31 =	rddreg [dreg:$0xc];
	v20 =	vmul.f32 v31, v9;
	v8 =	vpop (erf);
	v33 =	vadd.f32 v57, v57;
	v3 =	vsub.f32 v3, v61  }
0x225: {  	[dreg:$0x9] =	wrdreg s5;
	v9 =	vpop (erf);
	v42 =	vadd.f32 v63, v47;
	v32 =	vmul.f32 v31, v2;
	v31 =	vadd.f32 v62, v36  }
0x226: {  	[dreg:$0xa] =	wrdreg s29;
	s4 =	smov.u32 s29;
	s3 =	smov.u32 s7;
	v30 =	vadd.f32 v44, v40;
	v59 =	vpop (erf);
	v33 =	vsub.f32 v3, v33;
	v3 =	vshll.u32 v1, $0x10  }
0x227: {  	s5 =	smov.u32 s10;
	s0 =	smov.u32 s10;
	s11 =	sadd.s32 $0x200, s11;
	v38 =	vadd.f32 v45, v57;
	v2 =	vmovc v59;
	v31 =	vadd.f32 v31, v41;
	v1 =	vld [tilespmem:s31+$0xFFFFFFF0];
	v29 =	vor.u32 v17, v3  }
0x228: {  	v3 =	vadd.f32 v35, v16;
	_ =	sdelay $0x1  }
0x229: {  	v3 =	vadd.f32 v3, v5;
	_ =	sdelay $0x1  }
0x22a: {  	v3 =	vadd.f32 v3, v6;
	_ =	sdelay $0x1  }
0x22b: {  	v3 =	vadd.f32 v3, v7;
	_ =	sdelay $0x1  }
0x22c: {  	v3 =	vadd.f32 v3, v8;
	_ =	sdelay $0x1  }
0x22d: {  	v33 =	vadd.f32 v33, v42;
	v3 =	vadd.f32 v3, v9  }
0x22e: {  	v10 =	vadd.f32 v10, v14;
	v14 =	vadd.f32 v22, v26  }
0x22f: {  	v26 =	vadd.f32 v25, v28;
	v3 =	vadd.f32 v3, v2  }
0x230: {  	v28 =	vadd.f32 v32, v20;
	v22 =	vadd.f32 v25, v22  }
0x231: {  	v21 =	vadd.f32 v27, v21;
	v24 =	vadd.f32 v27, v24;
	(erf) = vrcp.f32 v3  }
0x232: {  	v17 =	vadd.f32 v38, v39;
	v60 =	vadd.f32 v38, v37  }
0x233: {  	v31 =	vadd.f32 v31, v30;
	v14 =	vadd.f32 v14, v10  }
0x234: {  	v28 =	vadd.f32 v28, v26;
	v22 =	vadd.f32 v23, v22  }
0x235: {  	v33 =	vadd.f32 v33, v34;
	v10 =	vadd.f32 v26, v10  }
0x236: {  	v20 =	vsub.f32 v22, v20;
	v22 =	vadd.f32 v28, v14  }
0x237: {  	v31 =	vadd.s32 $0x8000, v31;
	v10 =	vsub.f32 v21, v10;
	v3 =	vadd.f32 v41, v40  }
0x238: {  	v31 =	vshrl.u32 v31, $0x10;
	v14 =	vsub.f32 v24, v14;
	v20 =	vadd.s32 $0x8000, v20  }
0x239: {  	v22 =	vadd.s32 $0x8000, v22;
	v10 =	vadd.s32 $0x8000, v10;
	v3 =	vsub.f32 v17, v3  }
0x23a: {  	v14 =	vadd.s32 $0x8000, v14;
	v10 =	vand.u32 $0xFFFF0000, v10;
	v17 =	vsub.f32 v60, v30;
	v23 =	vpop (erf)  }
0x23b: {  	v30 =	vsub.f32 v33, v36;
	v3 =	vadd.s32 $0x8000, v3;
	v13 =	vmul.f32 v23, v13  }
0x23c: {  	v17 =	vadd.s32 $0x8000, v17;
	v15 =	vmul.f32 v23, v15;
	v18 =	vmul.f32 v23, v18  }
0x23d: {  	v25 =	vadd.s32 $0x8000, v30;
	v19 =	vmul.f32 v23, v19;
	v12 =	vmul.f32 v23, v12  }
0x23e: {  	v3 =	vand.u32 $0xFFFF0000, v3;
	v16 =	vmul.f32 v23, v16;
	v4 =	vmul.f32 v23, v4  }
0x23f: {  	v21 =	vand.u32 $0xFFFF0000, v25;
	v5 =	vmul.f32 v23, v5;
	v6 =	vmul.f32 v23, v6  }
0x240: {  	v7 =	vmul.f32 v23, v7;
	v8 =	vmul.f32 v23, v8;
	v13 =	vsub.f32 v13, v15  }
0x241: {  	v9 =	vmul.f32 v23, v9;
	v26 =	vadd.f32 v19, v18;
	v24 =	vadd.f32 v12, v12  }
0x242: {  	v2 =	vmul.f32 v23, v2;
	v25 =	vadd.f32 v16, v16;
	v4 =	vadd.f32 v4, v18  }
0x243: {  	v11 =	vmul.f32 v23, v11;
	v5 =	vadd.f32 v6, v5;
	v13 =	vsub.f32 v13, v26  }
0x244: {  	v17 =	vshrl.u32 v17, $0x10;
	v7 =	vadd.f32 v8, v7;
	v2 =	vadd.f32 v2, v9  }
0x245: {  	v3 =	vor.u32 v3, v31;
	v13 =	vsub.f32 v13, v24;
	v24 =	vadd.f32 v25, v11  }
0x246: {  	v6 =	vadd.f32 v8, v6;
	v12 =	vadd.f32 v19, v12;
	v26 =	vmul.f32 v23, v58  }
0x247: {  	s29 =	sadd.s32 $0x20, s5;
	v11 =	vadd.f32 v16, v11;
	v16 =	vshrl.u32 v22, $0x10;
	v13 =	vadd.f32 v13, v24  }
0x248: {  	[tilespmem:s29+$0x0] =	vst v3;
	v2 =	vadd.f32 v2, v7;
	v15 =	vadd.f32 v26, v15;
	v10 =	vor.u32 v10, v16  }
0x249: {  	v3 =	vor.u32 v17, v21;
	v5 =	vadd.f32 v5, v11;
	[tilespmem:s0+$0xFFFFFFF0] =	vst v10;
	v6 =	vadd.f32 v13, v6  }
0x24a: {  	v8 =	vand.u32 $0xFFFF0000, v20;
	v7 =	vadd.f32 v7, v11;
	s1 =	rddreg [dreg:$0xa];
	v13 =	vadd.f32 v12, v15  }
0x24b: {  	v4 =	vadd.f32 v12, v4;
	s1 =	sadd.s32 $0x20, s1;
	v6 =	vsub.f32 v6, v9;
	v9 =	vshrl.u32 v14, $0x10  }
0x24c: {  	v2 =	vadd.f32 v2, v5;
	[tilespmem:s1+$0x0] =	vst v3;
	v7 =	vsub.f32 v13, v7;
	v8 =	vor.u32 v9, v8  }
0x24d: {  	v4 =	vsub.f32 v4, v5;
	[tilespmem:s4+$0xFFFFFFF0] =	vst v8  }
0x24e: {  	s2 =	sadd.s32 $0x20, s7;
	v5 =	vld [tilespmem:s15+$0xFFFFFFF0];
	v2 =	vadd.s32 $0x8000, v2;
	v3 =	vadd.s32 $0x8000, v6;
	v6 =	vadd.s32 $0x8000, v7;
	s4 =	rddreg [dreg:$0x9]  }
0x24f: {  	v4 =	vadd.s32 $0x8000, v4;
	v2 =	vshrl.u32 v2, $0x10;
	v7 =	vld [tilespmem:s2+$0x0];
	v6 =	vand.u32 $0xFFFF0000, v6;
	s5 =	sadd.s32 $0x20, s4  }
0x250: {  	v4 =	vshrl.u32 v4, $0x10;
	v3 =	vand.u32 $0xFFFF0000, v3;
	v2 =	vor.u32 v6, v2;
	v6 =	vld [tilespmem:s5+$0x0]  }
0x251: {  	v8 =	vld [tilespmem:s3+$0xFFFFFFF0];
	[tilespmem:s29+$0xFFFFFFF0] =	vst v2;
	v2 =	vor.u32 v4, v3  }
0x252: {  	v3 =	vld [tilespmem:s4+$0xFFFFFFF0];
	[tilespmem:s1+$0xFFFFFFF0] =	vst v2  }
0x253: {  	v2 =	vld [tilespmem:s2+$0xFFFFFFF0]  }
0x254: {  	v4 =	vld [tilespmem:s5+$0xFFFFFFF0];
	v7 =	vshll.u32 v7, $0x10  }
0x255: {  	[tilespmem:s6+$0xFFFFFFF0] =	vst v29;
	s6 =	sadd.s32 $0x20, s26;
	v6 =	vor.u32 v6, v7  }
0x256: {  	v1 =	vshll.u32 v1, $0x10;
	[tilespmem:s6+$0x0] =	vst v6  }
0x257: {  	v1 =	vor.u32 v5, v1;
	v5 =	vshll.u32 v8, $0x10;
	s1 =	rddreg [dreg:$0xb]  }
0x258: {  	v2 =	vshll.u32 v2, $0x10;
	[tilespmem:s1+$0xFFFFFFF0] =	vst v1;
	v1 =	vor.u32 v3, v5  }
0x259: {  	[tilespmem:s26+$0xFFFFFFF0] =	vst v1;
	v1 =	vor.u32 v4, v2  }
0x25a: {  	[tilespmem:s6+$0xFFFFFFF0] =	vst v1  }
0x25b: {  	s7 =	simm.s32 $0x6400;
	s30 =	simm.s32 $0x5;
	s0 =	rddreg [dreg:$0x19]  }
0x25c: {  	[spmem:s0] =	stream.linear.scatter [tilespmem:s7], [sflag:$0x5], $0x200, $0x38;
	[tilespmem:$0x1F000] =	vst v63  }
0x25d: {  	_ =	swait.ge [sflag:s30], $0x200  }
0x25e: {  	[sflag:s30] =	ssyncset.done $0x0  }
0x25f: {  	s9 =	simm.s32 $0x6600;
	s8 =	rddreg [dreg:$0x1a];
	[sflag:s30] =	ssyncadd.s32 $0xFFFFFE00  }
0x260: {  	[spmem:s8] =	stream.linear.scatter [tilespmem:s9], [sflag:$0x5], $0x200, $0x38;
	[tilespmem:$0x1F000] =	vst v63  }
0x261: {  	_ =	swait.ge [sflag:s30], $0x200  }
0x262: {  	[sflag:s30] =	ssyncset.done $0x0  }
0x263: {  	s11 =	simm.s32 $0x6800;
	s10 =	rddreg [dreg:$0x1b];
	[sflag:s30] =	ssyncadd.s32 $0xFFFFFE00  }
0x264: {  	[spmem:s10] =	stream.linear.scatter [tilespmem:s11], [sflag:$0x5], $0x200, $0x38;
	[tilespmem:$0x1F000] =	vst v63  }
0x265: {  	_ =	swait.ge [sflag:s30], $0x200  }
0x266: {  	[sflag:s30] =	ssyncset.done $0x0  }
0x267: {  	[sflag:s30] =	ssyncadd.s32 $0xFFFFFE00  }
0x268: {  	[bflag:$0x0] =	sbarrier.arrive $0xFFFF  }
0x269: {  	s16 =	simm.s32 $0x0;
	s12 =	rddreg [dreg:$0x5]  }
0x26a: {  	[tilespmem:s16], [sflag:$0x5] =	stream.linear.gather [spmem:s12], $0x2000, $0x38;
	[tilespmem:$0x1F000] =	vst v63  }
0x26b: {  	_ =	swait.ge [sflag:s30], $0x2000  }
0x26c: {  	[sflag:s30] =	ssyncset.done $0x0  }
0x26d: {  	[sflag:s30] =	ssyncadd.s32 $0xFFFFE000  }
0x26e: {  	s14 =	simm.s32 $0x2000;
	s13 =	rddreg [dreg:$0x6]  }
0x26f: {  	[tilespmem:s14], [sflag:$0x5] =	stream.linear.gather [spmem:s13], $0x2000, $0x38;
	[tilespmem:$0x1F000] =	vst v63  }
0x270: {  	_ =	swait.ge [sflag:s30], $0x2000  }
0x271: {  	[sflag:s30] =	ssyncset.done $0x0  }
0x272: {  	[sflag:s30] =	ssyncadd.s32 $0xFFFFE000  }
0x273: {  	s17 =	simm.s32 $0x4000;
	s15 =	rddreg [dreg:$0x7]  }
0x274: {  	[tilespmem:s17], [sflag:$0x5] =	stream.linear.gather [spmem:s15], $0x2000, $0x38;
	[tilespmem:$0x1F000] =	vst v63  }
0x275: {  	_ =	swait.ge [sflag:s30], $0x2000  }
0x276: {  	[sflag:s30] =	ssyncset.done $0x0  }
0x277: {  	s31 =	simm.s32 $0x1;
	[sflag:s30] =	ssyncadd.s32 $0xFFFFE000  }
0x278: {  	_ =	swait.ge [sflag:s31], $0x2000  }
0x279: {  	[sflag:s31] =	ssyncset.done $0x0  }
0x27a: {  	[sflag:s31] =	ssyncadd.s32 $0xFFFFE000  }
0x27b: {  	_ =	swait.ge [sflag:s31], $0x2000  }
0x27c: {  	[sflag:s31] =	ssyncset.done $0x0  }
0x27d: {  	[sflag:s31] =	ssyncadd.s32 $0xFFFFE000  }
0x27e: {  	_ =	swait.ge [sflag:s31], $0x2000  }
0x27f: {  	[sflag:s31] =	ssyncset.done $0x0  }
0x280: {  	s19 =	simm.s32 $0x20;
	[sflag:s31] =	ssyncadd.s32 $0xFFFFE000  }
0x281: {  	v1 =	vld [tilespmem:s19+$0x10];
	_ =	sdelay $0x4  }
0x282: {  	v7 =	vshrl.u32 v1, $0x10  }
0x283: {  	v2 =	vld [tilespmem:s19+$0xFFFFFFF0]  }
0x284: {  	v3 =	vld [tilespmem:s19+$0xFFFFFFE0]  }
0x285: {  	s25 =	simm.s32 $0x4020;
	v4 =	vld [tilespmem:s19+$0x0]  }
0x286: {  	v20 =	vld [tilespmem:s25+$0x10];
	v8 =	vand.u32 $0xFFFF, v1  }
0x287: {  	v1 =	vld.idx.msk [tilespmem:v7+s18+$0x0], $0xffff  }
0x288: {  	s26 =	simm.s32 $0x2020  }
0x289: {  	v24 =	vld [tilespmem:s26+$0x10];
	v32 =	vshrl.u32 v3, $0x10  }
0x28a: {  	v36 =	vld [tilespmem:s25+$0xFFFFFFE0];
	v34 =	vshrl.u32 v2, $0x10  }
0x28b: {  	v5 =	vld.idx.msk [tilespmem:v8+s18+$0x0], $0xffff  }
0x28c: {  	v35 =	vld [tilespmem:s25+$0xFFFFFFF0];
	v33 =	vshrl.u32 v4, $0x10;
	v9 =	vmul.f32 v20, v1  }
0x28d: {  	v23 =	vshll.u32 v20, $0x10;
	v38 =	vand.u32 $0xFFFF, v3;
	v37 =	vand.u32 $0xFFFF, v2;
	v2 =	vld [tilespmem:s26+$0xFFFFFFF0]  }
0x28e: {  	v11 =	vld.idx.msk [tilespmem:v32+s18+$0x0], $0xffff;
	v1 =	vmul.f32 v23, v1;
	v3 =	vadd.f32 v24, v9  }
0x28f: {  	v29 =	vshll.u32 v24, $0x10;
	v6 =	vld.idx.msk [tilespmem:v34+s18+$0x0], $0xffff  }
0x290: {  	v1 =	vadd.f32 v29, v1;
	v5 =	vmul.f32 v3, v5;
	v3 =	vld [tilespmem:s26+$0xFFFFFFE0]  }
0x291: {  	v12 =	vld.idx.msk [tilespmem:v33+s18+$0x0], $0xffff  }
0x292: {  	v9 =	vld.idx.msk [tilespmem:v38+s18+$0x0], $0xffff;
	v1 =	vadd.f32 v5, v1  }
0x293: {  	s28 =	simm.s32 $0x13020;
	v39 =	vand.u32 $0xFFFF, v4;
	v13 =	vld.idx.msk [tilespmem:v37+s18+$0x0], $0xffff;
	v5 =	vmul.f32 v36, v11  }
0x294: {  	v10 =	vshll.u32 v36, $0x10;
	v14 =	vmul.f32 v35, v6;
	[tilespmem:s28+$0x10] =	vst v1;
	v1 =	vld [tilespmem:s25+$0x0]  }
0x295: {  	s29 =	simm.s32 $0x60;
	v16 =	vmul.f32 v10, v11;
	v11 =	vshll.u32 v35, $0x10;
	v15 =	vld.idx.msk [tilespmem:v7+s20+$0x0], $0xffff;
	v17 =	vadd.f32 v3, v5  }
0x296: {  	v25 =	vld [tilespmem:s29+$0xFFFFFFF0];
	v14 =	vadd.f32 v2, v14;
	v18 =	vmul.f32 v11, v6;
	v4 =	vshll.u32 v3, $0x10  }
0x297: {  	v6 =	vshll.u32 v2, $0x10;
	v5 =	vld [tilespmem:s26+$0x0];
	v16 =	vadd.f32 v4, v16;
	v9 =	vmul.f32 v17, v9  }
0x298: {  	v13 =	vmul.f32 v14, v13;
	v14 =	vld.idx.msk [tilespmem:v39+s18+$0x0], $0xffff;
	v17 =	vadd.f32 v6, v18  }
0x299: {  	v19 =	vld.idx.msk [tilespmem:v8+s20+$0x0], $0xffff;
	v9 =	vadd.f32 v9, v16  }
0x29a: {  	v26 =	vld [tilespmem:s29+$0x0];
	v18 =	vmul.f32 v1, v12;
	v17 =	vadd.f32 v13, v17;
	v16 =	vmul.f32 v20, v15  }
0x29b: {  	v27 =	vld [tilespmem:s29+$0xFFFFFFE0];
	[tilespmem:s28+$0xFFFFFFE0] =	vst v9;
	v9 =	vmul.f32 v23, v15  }
0x29c: {  	v13 =	vshll.u32 v1, $0x10;
	[tilespmem:s28+$0xFFFFFFF0] =	vst v17;
	v15 =	vadd.f32 v24, v16;
	v16 =	vadd.f32 v5, v18;
	v22 =	vld.idx.msk [tilespmem:v32+s20+$0x0], $0xffff  }
0x29d: {  	v12 =	vmul.f32 v13, v12;
	v18 =	vshll.u32 v5, $0x10;
	v17 =	vld.idx.msk [tilespmem:v34+s20+$0x0], $0xffff  }
0x29e: {  	v9 =	vadd.f32 v29, v9;
	v15 =	vmul.f32 v15, v19;
	v14 =	vmul.f32 v16, v14;
	v16 =	vld [tilespmem:s29+$0x10]  }
0x29f: {  	v31 =	vld.idx.msk [tilespmem:v38+s20+$0x0], $0xffff;
	v12 =	vadd.f32 v18, v12  }
0x2a0: {  	s3 =	simm.s32 $0x4060;
	v61 =	vld.idx.msk [tilespmem:v37+s20+$0x0], $0xffff;
	v9 =	vadd.f32 v15, v9  }
0x2a1: {  	s1 =	simm.s32 $0x15020;
	s7 =	simm.s32 $0x2060;
	v19 =	vld [tilespmem:s3+$0x10];
	v12 =	vadd.f32 v14, v12  }
0x2a2: {  	v14 =	vld [tilespmem:s7+$0x10];
	[tilespmem:s1+$0x10] =	vst v9  }
0x2a3: {  	[tilespmem:s28+$0x0] =	vst v12;
	v9 =	vmul.f32 v36, v22;
	v30 =	vld.idx.msk [tilespmem:v7+s21+$0x0], $0xffff;
	v21 =	vshrl.u32 v16, $0x10  }
0x2a4: {  	v45 =	vmul.f32 v35, v17;
	v46 =	vmul.f32 v11, v17;
	v17 =	vand.u32 $0xFFFF, v27;
	v28 =	vld.idx.msk [tilespmem:v33+s20+$0x0], $0xffff  }
0x2a5: {  	v7 =	vshrl.u32 v25, $0x10;
	v62 =	vld.idx.msk [tilespmem:v8+s21+$0x0], $0xffff;
	v8 =	vand.u32 $0xFFFF, v25;
	v25 =	vadd.f32 v3, v9  }
0x2a6: {  	v12 =	vshrl.u32 v26, $0x10;
	v15 =	vand.u32 $0xFFFF, v16;
	v63 =	vld.idx.msk [tilespmem:v39+s20+$0x0], $0xffff  }
0x2a7: {  	v9 =	vand.u32 $0xFFFF, v26;
	v26 =	vadd.f32 v2, v45;
	v31 =	vmul.f32 v25, v31;
	v25 =	vld [tilespmem:s7+$0xFFFFFFE0]  }
0x2a8: {  	v43 =	vld.idx.msk [tilespmem:v21+s18+$0x0], $0xffff  }
0x2a9: {  	v16 =	vshrl.u32 v27, $0x10;
	v40 =	vmul.f32 v26, v61;
	v26 =	vld [tilespmem:s7+$0xFFFFFFF0]  }
0x2aa: {  	v60 =	vld.idx.msk [tilespmem:v17+s18+$0x0], $0xffff  }
0x2ab: {  	v22 =	vmul.f32 v10, v22;
	v49 =	vld.idx.msk [tilespmem:v12+s18+$0x0], $0xffff  }
0x2ac: {  	v46 =	vadd.f32 v6, v46;
	v47 =	vld.idx.msk [tilespmem:v15+s18+$0x0], $0xffff  }
0x2ad: {  	v48 =	vadd.f32 v4, v22;
	v22 =	vshll.u32 v19, $0x10;
	v44 =	vld.idx.msk [tilespmem:v7+s18+$0x0], $0xffff;
	v27 =	vmul.f32 v19, v43  }
0x2ae: {  	v56 =	vld.idx.msk [tilespmem:v16+s18+$0x0], $0xffff;
	v50 =	vmul.f32 v20, v30;
	v51 =	vmul.f32 v13, v28;
	v40 =	vadd.f32 v40, v46  }
0x2af: {  	v20 =	vld [tilespmem:s3+$0xFFFFFFE0];
	v52 =	vmul.f32 v1, v28;
	v43 =	vmul.f32 v22, v43;
	v53 =	vadd.f32 v14, v27  }
0x2b0: {  	v28 =	vld [tilespmem:s3+$0xFFFFFFF0];
	v30 =	vmul.f32 v23, v30;
	v23 =	vshll.u32 v14, $0x10;
	v24 =	vadd.f32 v24, v50;
	[tilespmem:s1+$0xFFFFFFF0] =	vst v40  }
0x2b1: {  	v31 =	vadd.f32 v31, v48;
	v41 =	vld.idx.msk [tilespmem:v34+s21+$0x0], $0xffff;
	v43 =	vadd.f32 v23, v43;
	v47 =	vmul.f32 v53, v47  }
0x2b2: {  	v58 =	vadd.f32 v5, v52;
	v29 =	vadd.f32 v29, v30;
	v30 =	vmul.f32 v24, v62;
	v24 =	vld [tilespmem:s7+$0x0]  }
0x2b3: {  	v57 =	vadd.f32 v18, v51;
	v27 =	vld [tilespmem:s3+$0x0];
	v59 =	vadd.f32 v47, v43  }
0x2b4: {  	s11 =	simm.s32 $0x13060;
	v34 =	vshll.u32 v26, $0x10;
	v42 =	vmul.f32 v58, v63;
	v63 =	vld.idx.msk [tilespmem:v9+s18+$0x0], $0xffff;
	v61 =	vmul.f32 v20, v56  }
0x2b5: {  	v62 =	vmul.f32 v28, v44;
	v46 =	vadd.f32 v30, v29;
	v29 =	vshll.u32 v20, $0x10;
	v47 =	vld.idx.msk [tilespmem:v8+s18+$0x0], $0xffff;
	[tilespmem:s11+$0x10] =	vst v59  }
0x2b6: {  	[tilespmem:s1+$0xFFFFFFE0] =	vst v31;
	v30 =	vshll.u32 v28, $0x10;
	v50 =	vadd.f32 v42, v57;
	v45 =	vmul.f32 v29, v56;
	v48 =	vld.idx.msk [tilespmem:v21+s20+$0x0], $0xffff  }
0x2b7: {  	v42 =	vld.idx.msk [tilespmem:v32+s21+$0x0], $0xffff;
	v32 =	vshll.u32 v25, $0x10;
	v44 =	vmul.f32 v30, v44;
	v58 =	vadd.f32 v25, v61  }
0x2b8: {  	v51 =	vadd.f32 v26, v62;
	[tilespmem:s1+$0x0] =	vst v50;
	v45 =	vadd.f32 v32, v45;
	v57 =	vmul.f32 v27, v49  }
0x2b9: {  	v40 =	vld.idx.msk [tilespmem:v33+s21+$0x0], $0xffff;
	v43 =	vmul.f32 v58, v60;
	v60 =	vadd.f32 v34, v44;
	v31 =	vshll.u32 v27, $0x10  }
0x2ba: {  	s6 =	simm.s32 $0x17020;
	v49 =	vmul.f32 v31, v49;
	v59 =	vld.idx.msk [tilespmem:v15+s20+$0x0], $0xffff;
	v54 =	vadd.f32 v24, v57;
	v47 =	vmul.f32 v51, v47  }
0x2bb: {  	[tilespmem:s6+$0x10] =	vst v46;
	v33 =	vshll.u32 v24, $0x10;
	v44 =	vld.idx.msk [tilespmem:v38+s21+$0x0], $0xffff;
	v45 =	vadd.f32 v43, v45;
	v61 =	vmul.f32 v19, v48  }
0x2bc: {  	v43 =	vld.idx.msk [tilespmem:v37+s21+$0x0], $0xffff;
	v49 =	vadd.f32 v33, v49;
	v62 =	vmul.f32 v54, v63;
	v47 =	vadd.f32 v47, v60  }
0x2bd: {  	v37 =	vld.idx.msk [tilespmem:v39+s21+$0x0], $0xffff;
	[tilespmem:s11+$0xFFFFFFE0] =	vst v45;
	v63 =	vmul.f32 v22, v48;
	v46 =	vadd.f32 v14, v61  }
0x2be: {  	v39 =	vmul.f32 v36, v42;
	v38 =	vld.idx.msk [tilespmem:v16+s20+$0x0], $0xffff;
	[tilespmem:s11+$0xFFFFFFF0] =	vst v47;
	v47 =	vadd.f32 v62, v49  }
0x2bf: {  	s10 =	simm.s32 $0x17020;
	s13 =	simm.s32 $0x4;
	s14 =	simm.s32 $0xA0;
	v35 =	vmul.f32 v35, v41;
	v36 =	vld.idx.msk [tilespmem:v7+s20+$0x0], $0xffff;
	v45 =	vadd.f32 v23, v63;
	v46 =	vmul.f32 v46, v59  }
.LBB2_4:
0x2c0: {  	v48 =	vld [tilespmem:s14+$0x10];
	s13 =	sadd.s32 $0x4, s13;
	[tilespmem:s11+$0x0] =	vst v47;
	v10 =	vmul.f32 v10, v42;
	v3 =	vadd.f32 v3, v39;
	v47 =	vmul.f32 v1, v40  }
0x2c1: {  	v11 =	vmul.f32 v11, v41;
	v39 =	vld [tilespmem:s14+$0xFFFFFFF0];
	p0 =	slt.u32 s13, $0x1FC;
	v42 =	vadd.f32 v46, v45;
	v2 =	vadd.f32 v2, v35;
	v35 =	vmovc v28  }
0x2c2: {  	s1 =	sadd.s32 $0x40, s1;
	v1 =	vmovc v27;
	v46 =	vmul.f32 v13, v40;
	v28 =	vld [tilespmem:s14+$0x0];
	v41 =	vmul.f32 v3, v44;
	v40 =	vadd.f32 v5, v47  }
0x2c3: {  	v27 =	vadd.f32 v4, v10;
	v13 =	vld [tilespmem:s14+$0xFFFFFFE0];
	[tilespmem:s1+$0x10] =	vst v42;
	v42 =	vadd.f32 v6, v11;
	v43 =	vmul.f32 v2, v43  }
0x2c4: {  	v4 =	vmul.f32 v29, v38;
	v50 =	vmul.f32 v20, v38;
	v18 =	vadd.f32 v18, v46;
	v44 =	vld.idx.msk [tilespmem:v21+s21+$0x0], $0xffff  }
0x2c5: {  	v6 =	vmul.f32 v30, v36;
	v49 =	vmul.f32 v35, v36;
	v3 =	vmovc v25;
	v21 =	vshrl.u32 v48, $0x10;
	v45 =	vld.idx.msk [tilespmem:v12+s20+$0x0], $0xffff  }
0x2c6: {  	v10 =	vmovc v29;
	v2 =	vmovc v26;
	v46 =	vshrl.u32 v39, $0x10;
	v36 =	vand.u32 $0xFFFF, v39;
	v25 =	vld.idx.msk [tilespmem:v17+s20+$0x0], $0xffff;
	v39 =	vadd.f32 v3, v50  }
0x2c7: {  	v5 =	vmovc v24;
	v11 =	vmovc v30;
	v47 =	vshrl.u32 v28, $0x10;
	v38 =	vand.u32 $0xFFFF, v28;
	v26 =	vld.idx.msk [tilespmem:v8+s20+$0x0], $0xffff;
	v28 =	vadd.f32 v2, v49  }
0x2c8: {  	v24 =	vadd.f32 v32, v4;
	v4 =	vmovc v32;
	v49 =	vshrl.u32 v13, $0x10;
	v50 =	vand.u32 $0xFFFF, v13;
	v29 =	vld.idx.msk [tilespmem:v15+s21+$0x0], $0xffff;
	v13 =	vmovc v31  }
0x2c9: {  	v30 =	vadd.f32 v34, v6;
	v32 =	vmul.f32 v40, v37;
	v15 =	vand.u32 $0xFFFF, v48;
	v6 =	vmovc v34;
	v31 =	vld.idx.msk [tilespmem:v9+s20+$0x0], $0xffff  }
0x2ca: {  	s3 =	sadd.s32 $0x40, s3;
	v27 =	vadd.f32 v41, v27;
	v40 =	vadd.f32 v43, v42;
	v37 =	vmul.f32 v19, v44;
	v34 =	vld.idx.msk [tilespmem:v21+s18+$0x0], $0xffff  }
0x2cb: {  	v32 =	vadd.f32 v32, v18;
	v18 =	vmovc v33;
	v41 =	vmul.f32 v13, v45;
	v42 =	vmul.f32 v1, v45;
	v19 =	vld [tilespmem:s3+$0x10]  }
0x2cc: {  	s7 =	sadd.s32 $0x40, s7;
	v22 =	vmul.f32 v22, v44;
	v25 =	vmul.f32 v39, v25;
	v37 =	vadd.f32 v14, v37;
	v33 =	vld.idx.msk [tilespmem:v46+s18+$0x0], $0xffff  }
0x2cd: {  	v26 =	vmul.f32 v28, v26;
	v28 =	vadd.f32 v18, v41;
	v39 =	vadd.f32 v5, v42;
	v14 =	vld [tilespmem:s7+$0x10];
	[tilespmem:s6+$0xFFFFFFE0] =	vst v27  }
0x2ce: {  	v22 =	vadd.f32 v23, v22;
	v24 =	vadd.f32 v25, v24;
	v23 =	vmul.f32 v37, v29;
	v41 =	vld.idx.msk [tilespmem:v15+s18+$0x0], $0xffff  }
0x2cf: {  	v25 =	vadd.f32 v26, v30;
	v26 =	vmul.f32 v39, v31;
	v37 =	vld.idx.msk [tilespmem:v49+s18+$0x0], $0xffff;
	[tilespmem:s6+$0xFFFFFFF0] =	vst v40  }
0x2d0: {  	v23 =	vadd.f32 v23, v22;
	v39 =	vld.idx.msk [tilespmem:v47+s18+$0x0], $0xffff;
	v27 =	vmul.f32 v19, v34;
	[tilespmem:s1+$0xFFFFFFE0] =	vst v24  }
0x2d1: {  	s6 =	sadd.s32 $0x40, s6;
	v22 =	vshll.u32 v19, $0x10;
	v24 =	vadd.f32 v26, v28;
	v45 =	vld [tilespmem:s3+$0xFFFFFFE0];
	[tilespmem:s1+$0xFFFFFFF0] =	vst v25  }
0x2d2: {  	v26 =	vmul.f32 v22, v34;
	v28 =	vld [tilespmem:s3+$0xFFFFFFF0];
	v29 =	vadd.f32 v14, v27;
	[tilespmem:s6+$0x10] =	vst v23  }
0x2d3: {  	v23 =	vshll.u32 v14, $0x10;
	v27 =	vld [tilespmem:s3+$0x0];
	[tilespmem:s1+$0x0] =	vst v24  }
0x2d4: {  	v30 =	vadd.f32 v23, v26;
	v25 =	vld [tilespmem:s7+$0xFFFFFFE0];
	v31 =	vmul.f32 v29, v41;
	[tilespmem:s10+$0x0] =	vst v32;
	s10 =	smov.u32 s6  }
0x2d5: {  	v26 =	vld [tilespmem:s7+$0xFFFFFFF0]  }
0x2d6: {  	v29 =	vshll.u32 v45, $0x10;
	v34 =	vmul.f32 v45, v37;
	v24 =	vld [tilespmem:s7+$0x0];
	v32 =	vadd.f32 v31, v30  }
0x2d7: {  	s11 =	sadd.s32 $0x40, s11;
	v40 =	vld.idx.msk [tilespmem:v50+s18+$0x0], $0xffff;
	v37 =	vmul.f32 v29, v37;
	v30 =	vshll.u32 v28, $0x10;
	v41 =	vmul.f32 v28, v33  }
0x2d8: {  	v43 =	vld.idx.msk [tilespmem:v36+s18+$0x0], $0xffff;
	v33 =	vmul.f32 v30, v33;
	v31 =	vshll.u32 v27, $0x10;
	v42 =	vmul.f32 v27, v39;
	[tilespmem:s11+$0x10] =	vst v32  }
0x2d9: {  	v32 =	vshll.u32 v25, $0x10;
	v44 =	vadd.f32 v25, v34;
	v39 =	vmul.f32 v31, v39;
	v48 =	vld.idx.msk [tilespmem:v21+s20+$0x0], $0xffff  }
0x2da: {  	v37 =	vadd.f32 v32, v37;
	v34 =	vshll.u32 v26, $0x10;
	v51 =	vadd.f32 v26, v41;
	v52 =	vld.idx.msk [tilespmem:v38+s18+$0x0], $0xffff  }
0x2db: {  	v53 =	vadd.f32 v34, v33;
	v33 =	vshll.u32 v24, $0x10;
	v54 =	vadd.f32 v24, v42;
	v42 =	vld.idx.msk [tilespmem:v16+s21+$0x0], $0xffff;
	v16 =	vmovc v49  }
0x2dc: {  	v39 =	vadd.f32 v33, v39;
	v41 =	vld.idx.msk [tilespmem:v7+s21+$0x0], $0xffff;
	v7 =	vmov v46  }
0x2dd: {  	v44 =	vmul.f32 v44, v40;
	v46 =	vld.idx.msk [tilespmem:v15+s20+$0x0], $0xffff  }
0x2de: {  	v43 =	vmul.f32 v51, v43;
	v40 =	vld.idx.msk [tilespmem:v12+s21+$0x0], $0xffff;
	v12 =	vmov v47  }
.Ltmp1:
0x2df: {  	v37 =	vadd.f32 v44, v37;
	v47 =	vmul.f32 v19, v48;
	v44 =	vld.idx.msk [tilespmem:v17+s21+$0x0], $0xffff;
	v17 =	vmov v50;
	(pc) =	sbr.rel @p0 .LBB2_4-.Ltmp1, $4  }
0x2e0: {  	v49 =	vadd.f32 v43, v53;
	v50 =	vmul.f32 v54, v52;
	v43 =	vld.idx.msk [tilespmem:v8+s21+$0x0], $0xffff;
	v8 =	vmov v36  }
0x2e1: {  	v48 =	vmul.f32 v22, v48;
	v51 =	vadd.f32 v14, v47;
	[tilespmem:s11+$0xFFFFFFE0] =	vst v37;
	v37 =	vld.idx.msk [tilespmem:v9+s21+$0x0], $0xffff;
	v9 =	vmov v38  }
0x2e2: {  	v47 =	vadd.f32 v50, v39;
	v39 =	vmul.f32 v20, v42;
	v20 =	vmov v45;
	v38 =	vld.idx.msk [tilespmem:v16+s20+$0x0], $0xffff;
	[tilespmem:s11+$0xFFFFFFF0] =	vst v49  }
0x2e3: {  	s14 =	sadd.s32 $0x40, s14;
	v45 =	vadd.f32 v23, v48;
	v35 =	vmul.f32 v35, v41;
	v46 =	vmul.f32 v51, v46;
	v36 =	vld.idx.msk [tilespmem:v7+s20+$0x0], $0xffff  }
0x2e4: {  	_ =	sdelay $0x2  }
0x2e5: {  	[tilespmem:s11+$0x0] =	vst v47  }
0x2e6: {  	v47 =	vld.idx.msk [tilespmem:v12+s20+$0x0], $0xffff;
	_ =	sdelay $0x1  }
0x2e7: {  	v48 =	vld.idx.msk [tilespmem:v17+s20+$0x0], $0xffff  }
0x2e8: {  	v50 =	vld.idx.msk [tilespmem:v8+s20+$0x0], $0xffff;
	v49 =	vmul.f32 v20, v38  }
0x2e9: {  	v52 =	vld.idx.msk [tilespmem:v9+s20+$0x0], $0xffff;
	v45 =	vadd.f32 v46, v45;
	v61 =	vmul.f32 v29, v38;
	v51 =	vmul.f32 v28, v36  }
0x2ea: {  	s0 =	sadd.s32 $0x40, s1;
	v10 =	vmul.f32 v10, v42;
	v49 =	vadd.f32 v25, v49;
	v63 =	vmul.f32 v27, v47  }
0x2eb: {  	[tilespmem:s0+$0x10] =	vst v45;
	v62 =	vmul.f32 v30, v36;
	v38 =	vadd.f32 v32, v61;
	v51 =	vadd.f32 v26, v51  }
0x2ec: {  	v21 =	vld.idx.msk [tilespmem:v21+s21+$0x0], $0xffff;
	v54 =	vmul.f32 v31, v47;
	v48 =	vmul.f32 v49, v48;
	v46 =	vadd.f32 v24, v63  }
0x2ed: {  	v3 =	vadd.f32 v3, v39;
	v36 =	vadd.f32 v34, v62;
	v55 =	vmul.f32 v51, v50  }
0x2ee: {  	v45 =	vadd.f32 v33, v54;
	v38 =	vadd.f32 v48, v38;
	v46 =	vmul.f32 v46, v52  }
0x2ef: {  	v1 =	vmul.f32 v1, v40;
	v11 =	vmul.f32 v11, v41;
	v36 =	vadd.f32 v55, v36  }
0x2f0: {  	v2 =	vadd.f32 v2, v35;
	v15 =	vld.idx.msk [tilespmem:v15+s21+$0x0], $0xffff;
	[tilespmem:s0+$0xFFFFFFE0] =	vst v38;
	v56 =	vadd.f32 v46, v45  }
0x2f1: {  	v1 =	vadd.f32 v5, v1;
	v5 =	vmul.f32 v19, v21;
	v16 =	vld.idx.msk [tilespmem:v16+s21+$0x0], $0xffff;
	[tilespmem:s0+$0xFFFFFFF0] =	vst v36  }
0x2f2: {  	v3 =	vmul.f32 v3, v44;
	v4 =	vadd.f32 v4, v10;
	v7 =	vld.idx.msk [tilespmem:v7+s21+$0x0], $0xffff;
	[tilespmem:s0+$0x0] =	vst v56  }
0x2f3: {  	v6 =	vadd.f32 v6, v11;
	v11 =	vmul.f32 v22, v21;
	v5 =	vadd.f32 v14, v5;
	v10 =	vld.idx.msk [tilespmem:v12+s21+$0x0], $0xffff  }
0x2f4: {  	v13 =	vmul.f32 v13, v40;
	v2 =	vmul.f32 v2, v43  }
0x2f5: {  	v3 =	vadd.f32 v3, v4;
	v4 =	vadd.f32 v23, v11;
	v5 =	vmul.f32 v5, v15;
	v12 =	vld.idx.msk [tilespmem:v17+s21+$0x0], $0xffff  }
0x2f6: {  	v13 =	vadd.f32 v18, v13;
	v2 =	vadd.f32 v2, v6;
	v8 =	vld.idx.msk [tilespmem:v8+s21+$0x0], $0xffff;
	v14 =	vmul.f32 v20, v16  }
0x2f7: {  	v6 =	vld.idx.msk [tilespmem:v9+s21+$0x0], $0xffff;
	v4 =	vadd.f32 v5, v4;
	v5 =	vmul.f32 v29, v16;
	v9 =	vmul.f32 v28, v7  }
0x2f8: {  	v1 =	vmul.f32 v1, v37;
	v11 =	vadd.f32 v25, v14;
	v14 =	vmul.f32 v27, v10  }
0x2f9: {  	v7 =	vmul.f32 v30, v7;
	v5 =	vadd.f32 v32, v5;
	v9 =	vadd.f32 v26, v9  }
0x2fa: {  	[tilespmem:s6+$0xFFFFFFE0] =	vst v3;
	v3 =	vmul.f32 v31, v10;
	v11 =	vmul.f32 v11, v12;
	v10 =	vadd.f32 v24, v14  }
0x2fb: {  	v1 =	vadd.f32 v1, v13;
	[tilespmem:s6+$0xFFFFFFF0] =	vst v2;
	s6 =	sadd.s32 $0x40, s6;
	v2 =	vadd.f32 v34, v7;
	v7 =	vmul.f32 v9, v8  }
0x2fc: {  	[tilespmem:s6+$0x10] =	vst v4;
	v3 =	vadd.f32 v33, v3;
	v5 =	vadd.f32 v11, v5;
	v4 =	vmul.f32 v10, v6  }
0x2fd: {  	[tilespmem:s10+$0x0] =	vst v1;
	v1 =	vadd.f32 v7, v2  }
0x2fe: {  	[tilespmem:s6+$0xFFFFFFE0] =	vst v5;
	v2 =	vadd.f32 v4, v3  }
0x2ff: {  	[tilespmem:s6+$0xFFFFFFF0] =	vst v1  }
0x300: {  	[tilespmem:s6+$0x0] =	vst v2  }
0x301: {  	s26 =	simm.s32 $0x80;
	s0 =	rddreg [dreg:$0x1c]  }
0x302: {  	s28 =	simm.s32 $0x400;
	s7 =	simm.s32 $0x13000;
	s8 =	rddreg [dreg:$0x1d]  }
0x303: {  	[hbm4b:s0+s26] =	stream.strided.scatter [tilespmem:s7], [sflag:$0x3], $0x2000, s28, s26, $0x38;
	[tilespmem:$0x1F000] =	vst v63  }
0x304: {  	s29 =	simm.s32 $0x15000;
	s9 =	rddreg [dreg:$0x1e]  }
0x305: {  	[hbm4b:s8+s26] =	stream.strided.scatter [tilespmem:s29], [sflag:$0x3], $0x2000, s28, s26, $0x38;
	[tilespmem:$0x1F000] =	vst v63  }
0x306: {  	s10 =	simm.s32 $0x17000;
	s11 =	sld [smem:$0x7F3]  }
0x307: {  	[hbm4b:s9+s26] =	stream.strided.scatter [tilespmem:s10], [sflag:$0x3], $0x2000, s28, s26, $0x38;
	[tilespmem:$0x1F000] =	vst v63  }
0x308: {  	s12 =	sld [smem:$0x7F4]  }
0x309: {  	[tilespmem:s18], [sflag:$0x1] =	stream.strided.gather [hbm4b:s11+s26], $0x2000, s28, s26, $0x38;
	[tilespmem:$0x1F000] =	vst v63  }
0x30a: {  	s13 =	sld [smem:$0x7F5]  }
0x30b: {  	[tilespmem:s20], [sflag:$0x1] =	stream.strided.gather [hbm4b:s12+s26], $0x2000, s28, s26, $0x38;
	[tilespmem:$0x1F000] =	vst v63  }
0x30c: {  	s14 =	simm.s32 $0x2  }
0x30d: {  	[tilespmem:s21], [sflag:$0x1] =	stream.strided.gather [hbm4b:s13+s26], $0x2000, s28, s26, $0x38;
	[tilespmem:$0x1F000] =	vst v63  }
0x30e: {  	_ =	swait.ge [sflag:s14], $0x2000  }
0x30f: {  	[sflag:s14] =	ssyncset.done $0x0  }
0x310: {  	[sflag:s14] =	ssyncadd.s32 $0xFFFFE000  }
0x311: {  	_ =	swait.ge [sflag:s14], $0x2000  }
0x312: {  	[sflag:s14] =	ssyncset.done $0x0  }
0x313: {  	[sflag:s14] =	ssyncadd.s32 $0xFFFFE000  }
0x314: {  	_ =	swait.ge [sflag:s14], $0x2000  }
0x315: {  	[sflag:s14] =	ssyncset.done $0x0  }
0x316: {  	s15 =	simm.s32 $0x20;
	[sflag:s14] =	ssyncadd.s32 $0xFFFFE000  }
0x317: {  	v1 =	vld [tilespmem:s15+$0x10];
	_ =	sdelay $0x4  }
0x318: {  	v7 =	vshrl.u32 v1, $0x10  }
0x319: {  	v2 =	vld [tilespmem:s15+$0xFFFFFFF0]  }
0x31a: {  	v3 =	vld [tilespmem:s15+$0xFFFFFFE0]  }
0x31b: {  	s17 =	simm.s32 $0x4020;
	v4 =	vld [tilespmem:s15+$0x0]  }
0x31c: {  	v21 =	vld [tilespmem:s17+$0x10];
	v8 =	vand.u32 $0xFFFF, v1  }
0x31d: {  	v1 =	vld.idx.msk [tilespmem:v7+s22+$0x0], $0xffff  }
0x31e: {  	s19 =	simm.s32 $0x2020  }
0x31f: {  	v24 =	vld [tilespmem:s19+$0x10];
	v32 =	vshrl.u32 v3, $0x10  }
0x320: {  	v36 =	vld [tilespmem:s17+$0xFFFFFFE0];
	v34 =	vshrl.u32 v2, $0x10  }
0x321: {  	v5 =	vld.idx.msk [tilespmem:v8+s22+$0x0], $0xffff  }
0x322: {  	v35 =	vld [tilespmem:s17+$0xFFFFFFF0];
	v33 =	vshrl.u32 v4, $0x10;
	v9 =	vmul.f32 v21, v1  }
0x323: {  	v23 =	vshll.u32 v21, $0x10;
	v38 =	vand.u32 $0xFFFF, v3;
	v37 =	vand.u32 $0xFFFF, v2;
	v2 =	vld [tilespmem:s19+$0xFFFFFFF0]  }
0x324: {  	v11 =	vld.idx.msk [tilespmem:v32+s22+$0x0], $0xffff;
	v1 =	vmul.f32 v23, v1;
	v3 =	vadd.f32 v24, v9  }
0x325: {  	v29 =	vshll.u32 v24, $0x10;
	v6 =	vld.idx.msk [tilespmem:v34+s22+$0x0], $0xffff  }
0x326: {  	v1 =	vadd.f32 v29, v1;
	v5 =	vmul.f32 v3, v5;
	v3 =	vld [tilespmem:s19+$0xFFFFFFE0]  }
0x327: {  	v12 =	vld.idx.msk [tilespmem:v33+s22+$0x0], $0xffff  }
0x328: {  	v9 =	vld.idx.msk [tilespmem:v38+s22+$0x0], $0xffff;
	v1 =	vadd.f32 v5, v1  }
0x329: {  	s2 =	simm.s32 $0x19020;
	v39 =	vand.u32 $0xFFFF, v4;
	v13 =	vld.idx.msk [tilespmem:v37+s22+$0x0], $0xffff;
	v5 =	vmul.f32 v36, v11  }
0x32a: {  	v10 =	vshll.u32 v36, $0x10;
	v14 =	vmul.f32 v35, v6;
	[tilespmem:s2+$0x10] =	vst v1;
	v1 =	vld [tilespmem:s17+$0x0]  }
0x32b: {  	s25 =	simm.s32 $0x60;
	v16 =	vmul.f32 v10, v11;
	v11 =	vshll.u32 v35, $0x10;
	v15 =	vld.idx.msk [tilespmem:v7+s23+$0x0], $0xffff;
	v17 =	vadd.f32 v3, v5  }
0x32c: {  	v25 =	vld [tilespmem:s25+$0xFFFFFFF0];
	v14 =	vadd.f32 v2, v14;
	v18 =	vmul.f32 v11, v6;
	v4 =	vshll.u32 v3, $0x10  }
0x32d: {  	v6 =	vshll.u32 v2, $0x10;
	v5 =	vld [tilespmem:s19+$0x0];
	v16 =	vadd.f32 v4, v16;
	v9 =	vmul.f32 v17, v9  }
0x32e: {  	v13 =	vmul.f32 v14, v13;
	v14 =	vld.idx.msk [tilespmem:v39+s22+$0x0], $0xffff;
	v17 =	vadd.f32 v6, v18  }
0x32f: {  	v19 =	vld.idx.msk [tilespmem:v8+s23+$0x0], $0xffff;
	v9 =	vadd.f32 v9, v16  }
0x330: {  	v26 =	vld [tilespmem:s25+$0x0];
	v18 =	vmul.f32 v1, v12;
	v17 =	vadd.f32 v13, v17;
	v16 =	vmul.f32 v21, v15  }
0x331: {  	v27 =	vld [tilespmem:s25+$0xFFFFFFE0];
	[tilespmem:s2+$0xFFFFFFE0] =	vst v9;
	v9 =	vmul.f32 v23, v15  }
0x332: {  	v13 =	vshll.u32 v1, $0x10;
	[tilespmem:s2+$0xFFFFFFF0] =	vst v17;
	v15 =	vadd.f32 v24, v16;
	v16 =	vadd.f32 v5, v18;
	v22 =	vld.idx.msk [tilespmem:v32+s23+$0x0], $0xffff  }
0x333: {  	v12 =	vmul.f32 v13, v12;
	v18 =	vshll.u32 v5, $0x10;
	v17 =	vld.idx.msk [tilespmem:v34+s23+$0x0], $0xffff  }
0x334: {  	v9 =	vadd.f32 v29, v9;
	v15 =	vmul.f32 v15, v19;
	v14 =	vmul.f32 v16, v14;
	v16 =	vld [tilespmem:s25+$0x10]  }
0x335: {  	v31 =	vld.idx.msk [tilespmem:v38+s23+$0x0], $0xffff;
	v12 =	vadd.f32 v18, v12  }
0x336: {  	s3 =	simm.s32 $0x4060;
	v40 =	vld.idx.msk [tilespmem:v37+s23+$0x0], $0xffff;
	v9 =	vadd.f32 v15, v9  }
0x337: {  	s1 =	simm.s32 $0x1B020;
	s7 =	simm.s32 $0x2060;
	v19 =	vld [tilespmem:s3+$0x10];
	v12 =	vadd.f32 v14, v12  }
0x338: {  	v14 =	vld [tilespmem:s7+$0x10];
	[tilespmem:s1+$0x10] =	vst v9  }
0x339: {  	[tilespmem:s2+$0x0] =	vst v12;
	v9 =	vmul.f32 v36, v22;
	v30 =	vld.idx.msk [tilespmem:v7+s24+$0x0], $0xffff;
	v20 =	vshrl.u32 v16, $0x10  }
0x33a: {  	v58 =	vmul.f32 v35, v17;
	v12 =	vshrl.u32 v26, $0x10;
	v28 =	vld.idx.msk [tilespmem:v33+s23+$0x0], $0xffff  }
0x33b: {  	v7 =	vshrl.u32 v25, $0x10;
	v41 =	vld.idx.msk [tilespmem:v8+s24+$0x0], $0xffff;
	v8 =	vand.u32 $0xFFFF, v25;
	v25 =	vadd.f32 v3, v9  }
0x33c: {  	v15 =	vand.u32 $0xFFFF, v16;
	v42 =	vld.idx.msk [tilespmem:v39+s23+$0x0], $0xffff;
	v16 =	vshrl.u32 v27, $0x10  }
0x33d: {  	v9 =	vand.u32 $0xFFFF, v26;
	v26 =	vadd.f32 v2, v58;
	v31 =	vmul.f32 v25, v31;
	v25 =	vld [tilespmem:s7+$0xFFFFFFE0]  }
0x33e: {  	v57 =	vld.idx.msk [tilespmem:v20+s22+$0x0], $0xffff  }
0x33f: {  	v59 =	vmul.f32 v11, v17;
	v40 =	vmul.f32 v26, v40;
	v26 =	vld [tilespmem:s7+$0xFFFFFFF0]  }
0x340: {  	v22 =	vmul.f32 v10, v22;
	v49 =	vld.idx.msk [tilespmem:v12+s22+$0x0], $0xffff  }
0x341: {  	v17 =	vand.u32 $0xFFFF, v27;
	v46 =	vadd.f32 v6, v59;
	v60 =	vld.idx.msk [tilespmem:v15+s22+$0x0], $0xffff  }
0x342: {  	v61 =	vadd.f32 v4, v22;
	v45 =	vld.idx.msk [tilespmem:v16+s22+$0x0], $0xffff;
	v62 =	vmul.f32 v21, v30;
	v63 =	vmul.f32 v13, v28  }
0x343: {  	v22 =	vshll.u32 v19, $0x10;
	v21 =	vld [tilespmem:s3+$0xFFFFFFE0];
	v56 =	vmul.f32 v1, v28;
	v27 =	vmul.f32 v19, v57  }
0x344: {  	v44 =	vld.idx.msk [tilespmem:v7+s22+$0x0], $0xffff;
	v30 =	vmul.f32 v23, v30;
	v23 =	vshll.u32 v14, $0x10;
	v24 =	vadd.f32 v24, v62  }
0x345: {  	v28 =	vld [tilespmem:s3+$0xFFFFFFF0];
	v31 =	vadd.f32 v31, v61;
	v43 =	vmul.f32 v22, v57;
	v53 =	vadd.f32 v14, v27  }
0x346: {  	v58 =	vadd.f32 v5, v56;
	v29 =	vadd.f32 v29, v30;
	v30 =	vmul.f32 v24, v41;
	v24 =	vld [tilespmem:s7+$0x0]  }
0x347: {  	v40 =	vadd.f32 v40, v46;
	v27 =	vld [tilespmem:s3+$0x0];
	v43 =	vadd.f32 v23, v43;
	v47 =	vmul.f32 v53, v60  }
0x348: {  	v42 =	vmul.f32 v58, v42;
	v57 =	vadd.f32 v18, v63;
	v61 =	vmul.f32 v21, v45;
	v60 =	vld.idx.msk [tilespmem:v17+s22+$0x0], $0xffff  }
0x349: {  	[tilespmem:s1+$0xFFFFFFF0] =	vst v40;
	v46 =	vadd.f32 v30, v29;
	v29 =	vshll.u32 v21, $0x10;
	v59 =	vadd.f32 v47, v43;
	v47 =	vld.idx.msk [tilespmem:v8+s22+$0x0], $0xffff  }
0x34a: {  	s11 =	simm.s32 $0x19060;
	[tilespmem:s1+$0xFFFFFFE0] =	vst v31;
	v41 =	vld.idx.msk [tilespmem:v34+s24+$0x0], $0xffff;
	v62 =	vmul.f32 v28, v44;
	v45 =	vmul.f32 v29, v45  }
0x34b: {  	v30 =	vshll.u32 v28, $0x10;
	v50 =	vadd.f32 v42, v57;
	v58 =	vadd.f32 v25, v61;
	v42 =	vld.idx.msk [tilespmem:v32+s24+$0x0], $0xffff;
	[tilespmem:s11+$0x10] =	vst v59  }
0x34c: {  	v44 =	vmul.f32 v30, v44;
	v32 =	vshll.u32 v25, $0x10;
	v51 =	vadd.f32 v26, v62;
	v48 =	vld.idx.msk [tilespmem:v20+s23+$0x0], $0xffff  }
0x34d: {  	v34 =	vshll.u32 v26, $0x10;
	v63 =	vld.idx.msk [tilespmem:v9+s22+$0x0], $0xffff;
	v45 =	vadd.f32 v32, v45;
	v43 =	vmul.f32 v58, v60  }
0x34e: {  	s6 =	simm.s32 $0x1D020;
	[tilespmem:s1+$0x0] =	vst v50;
	v57 =	vmul.f32 v27, v49;
	v60 =	vadd.f32 v34, v44;
	v47 =	vmul.f32 v51, v47  }
0x34f: {  	[tilespmem:s6+$0x10] =	vst v46;
	v40 =	vld.idx.msk [tilespmem:v33+s24+$0x0], $0xffff;
	v31 =	vshll.u32 v27, $0x10;
	v45 =	vadd.f32 v43, v45  }
0x350: {  	v49 =	vmul.f32 v31, v49;
	v59 =	vld.idx.msk [tilespmem:v15+s23+$0x0], $0xffff;
	v54 =	vadd.f32 v24, v57;
	v47 =	vadd.f32 v47, v60  }
0x351: {  	s5 =	rddreg [dreg:$0x0];
	v33 =	vshll.u32 v24, $0x10;
	v44 =	vld.idx.msk [tilespmem:v38+s24+$0x0], $0xffff;
	[tilespmem:s11+$0xFFFFFFE0] =	vst v45;
	v61 =	vmul.f32 v19, v48  }
0x352: {  	s8 =	rddreg [dreg:$0x4];
	v49 =	vadd.f32 v33, v49;
	v62 =	vmul.f32 v54, v63;
	v43 =	vld.idx.msk [tilespmem:v37+s24+$0x0], $0xffff;
	[tilespmem:s11+$0xFFFFFFF0] =	vst v47  }
0x353: {  	v37 =	vld.idx.msk [tilespmem:v39+s24+$0x0], $0xffff;
	v63 =	vmul.f32 v22, v48;
	v46 =	vadd.f32 v14, v61;
	s17 =	rddreg [dreg:$0x11]  }
0x354: {  	s10 =	simm.s32 $0x1D020;
	v39 =	vmul.f32 v36, v42;
	v38 =	vld.idx.msk [tilespmem:v16+s23+$0x0], $0xffff;
	v47 =	vadd.f32 v62, v49;
	s25 =	rddreg [dreg:$0x12]  }
0x355: {  	s13 =	simm.s32 $0x4;
	s14 =	simm.s32 $0xA0;
	v35 =	vmul.f32 v35, v41;
	v36 =	vld.idx.msk [tilespmem:v7+s23+$0x0], $0xffff;
	v45 =	vadd.f32 v23, v63;
	s12 =	sld [smem:$0x7FD];
	v46 =	vmul.f32 v46, v59  }
.LBB2_6:
0x356: {  	v48 =	vld [tilespmem:s14+$0x10];
	s13 =	sadd.s32 $0x4, s13;
	[tilespmem:s11+$0x0] =	vst v47;
	v10 =	vmul.f32 v10, v42;
	v3 =	vadd.f32 v3, v39;
	v47 =	vmul.f32 v1, v40  }
0x357: {  	v11 =	vmul.f32 v11, v41;
	v39 =	vld [tilespmem:s14+$0xFFFFFFF0];
	p0 =	slt.u32 s13, $0x1FC;
	v42 =	vadd.f32 v46, v45;
	v2 =	vadd.f32 v2, v35;
	v35 =	vmovc v28  }
0x358: {  	s1 =	sadd.s32 $0x40, s1;
	v1 =	vmovc v27;
	v46 =	vmul.f32 v13, v40;
	v28 =	vld [tilespmem:s14+$0x0];
	v41 =	vmul.f32 v3, v44;
	v40 =	vadd.f32 v5, v47  }
0x359: {  	v27 =	vadd.f32 v4, v10;
	v13 =	vld [tilespmem:s14+$0xFFFFFFE0];
	[tilespmem:s1+$0x10] =	vst v42;
	v42 =	vadd.f32 v6, v11;
	v43 =	vmul.f32 v2, v43  }
0x35a: {  	v4 =	vmul.f32 v29, v38;
	v50 =	vmul.f32 v21, v38;
	v18 =	vadd.f32 v18, v46;
	v44 =	vld.idx.msk [tilespmem:v20+s24+$0x0], $0xffff  }
0x35b: {  	v6 =	vmul.f32 v30, v36;
	v49 =	vmul.f32 v35, v36;
	v3 =	vmovc v25;
	v20 =	vshrl.u32 v48, $0x10;
	v45 =	vld.idx.msk [tilespmem:v12+s23+$0x0], $0xffff  }
0x35c: {  	v10 =	vmovc v29;
	v2 =	vmovc v26;
	v46 =	vshrl.u32 v39, $0x10;
	v36 =	vand.u32 $0xFFFF, v39;
	v25 =	vld.idx.msk [tilespmem:v17+s23+$0x0], $0xffff;
	v39 =	vadd.f32 v3, v50  }
0x35d: {  	v5 =	vmovc v24;
	v11 =	vmovc v30;
	v47 =	vshrl.u32 v28, $0x10;
	v38 =	vand.u32 $0xFFFF, v28;
	v26 =	vld.idx.msk [tilespmem:v8+s23+$0x0], $0xffff;
	v28 =	vadd.f32 v2, v49  }
0x35e: {  	v24 =	vadd.f32 v32, v4;
	v4 =	vmovc v32;
	v49 =	vshrl.u32 v13, $0x10;
	v50 =	vand.u32 $0xFFFF, v13;
	v29 =	vld.idx.msk [tilespmem:v15+s24+$0x0], $0xffff;
	v13 =	vmovc v31  }
0x35f: {  	v30 =	vadd.f32 v34, v6;
	v32 =	vmul.f32 v40, v37;
	v15 =	vand.u32 $0xFFFF, v48;
	v6 =	vmovc v34;
	v31 =	vld.idx.msk [tilespmem:v9+s23+$0x0], $0xffff  }
0x360: {  	s3 =	sadd.s32 $0x40, s3;
	v27 =	vadd.f32 v41, v27;
	v40 =	vadd.f32 v43, v42;
	v37 =	vmul.f32 v19, v44;
	v34 =	vld.idx.msk [tilespmem:v20+s22+$0x0], $0xffff  }
0x361: {  	v32 =	vadd.f32 v32, v18;
	v18 =	vmovc v33;
	v41 =	vmul.f32 v13, v45;
	v42 =	vmul.f32 v1, v45;
	v19 =	vld [tilespmem:s3+$0x10]  }
0x362: {  	s7 =	sadd.s32 $0x40, s7;
	v22 =	vmul.f32 v22, v44;
	v25 =	vmul.f32 v39, v25;
	v37 =	vadd.f32 v14, v37;
	v33 =	vld.idx.msk [tilespmem:v46+s22+$0x0], $0xffff  }
0x363: {  	v26 =	vmul.f32 v28, v26;
	v28 =	vadd.f32 v18, v41;
	v39 =	vadd.f32 v5, v42;
	v14 =	vld [tilespmem:s7+$0x10];
	[tilespmem:s6+$0xFFFFFFE0] =	vst v27  }
0x364: {  	v22 =	vadd.f32 v23, v22;
	v24 =	vadd.f32 v25, v24;
	v23 =	vmul.f32 v37, v29;
	v41 =	vld.idx.msk [tilespmem:v15+s22+$0x0], $0xffff  }
0x365: {  	v25 =	vadd.f32 v26, v30;
	v26 =	vmul.f32 v39, v31;
	v37 =	vld.idx.msk [tilespmem:v49+s22+$0x0], $0xffff;
	[tilespmem:s6+$0xFFFFFFF0] =	vst v40  }
0x366: {  	v23 =	vadd.f32 v23, v22;
	v39 =	vld.idx.msk [tilespmem:v47+s22+$0x0], $0xffff;
	v27 =	vmul.f32 v19, v34;
	[tilespmem:s1+$0xFFFFFFE0] =	vst v24  }
0x367: {  	s6 =	sadd.s32 $0x40, s6;
	v22 =	vshll.u32 v19, $0x10;
	v24 =	vadd.f32 v26, v28;
	v45 =	vld [tilespmem:s3+$0xFFFFFFE0];
	[tilespmem:s1+$0xFFFFFFF0] =	vst v25  }
0x368: {  	v26 =	vmul.f32 v22, v34;
	v28 =	vld [tilespmem:s3+$0xFFFFFFF0];
	v29 =	vadd.f32 v14, v27;
	[tilespmem:s6+$0x10] =	vst v23  }
0x369: {  	v23 =	vshll.u32 v14, $0x10;
	v27 =	vld [tilespmem:s3+$0x0];
	[tilespmem:s1+$0x0] =	vst v24  }
0x36a: {  	v30 =	vadd.f32 v23, v26;
	v25 =	vld [tilespmem:s7+$0xFFFFFFE0];
	v31 =	vmul.f32 v29, v41;
	[tilespmem:s10+$0x0] =	vst v32;
	s10 =	smov.u32 s6  }
0x36b: {  	v26 =	vld [tilespmem:s7+$0xFFFFFFF0]  }
0x36c: {  	v29 =	vshll.u32 v45, $0x10;
	v34 =	vmul.f32 v45, v37;
	v24 =	vld [tilespmem:s7+$0x0];
	v32 =	vadd.f32 v31, v30  }
0x36d: {  	s11 =	sadd.s32 $0x40, s11;
	v40 =	vld.idx.msk [tilespmem:v50+s22+$0x0], $0xffff;
	v37 =	vmul.f32 v29, v37;
	v30 =	vshll.u32 v28, $0x10;
	v41 =	vmul.f32 v28, v33  }
0x36e: {  	v43 =	vld.idx.msk [tilespmem:v36+s22+$0x0], $0xffff;
	v33 =	vmul.f32 v30, v33;
	v31 =	vshll.u32 v27, $0x10;
	v42 =	vmul.f32 v27, v39;
	[tilespmem:s11+$0x10] =	vst v32  }
0x36f: {  	v32 =	vshll.u32 v25, $0x10;
	v44 =	vadd.f32 v25, v34;
	v39 =	vmul.f32 v31, v39;
	v48 =	vld.idx.msk [tilespmem:v20+s23+$0x0], $0xffff  }
0x370: {  	v37 =	vadd.f32 v32, v37;
	v34 =	vshll.u32 v26, $0x10;
	v51 =	vadd.f32 v26, v41;
	v52 =	vld.idx.msk [tilespmem:v38+s22+$0x0], $0xffff  }
0x371: {  	v53 =	vadd.f32 v34, v33;
	v33 =	vshll.u32 v24, $0x10;
	v54 =	vadd.f32 v24, v42;
	v42 =	vld.idx.msk [tilespmem:v16+s24+$0x0], $0xffff;
	v16 =	vmovc v49  }
0x372: {  	v39 =	vadd.f32 v33, v39;
	v41 =	vld.idx.msk [tilespmem:v7+s24+$0x0], $0xffff;
	v7 =	vmov v46  }
0x373: {  	v44 =	vmul.f32 v44, v40;
	v46 =	vld.idx.msk [tilespmem:v15+s23+$0x0], $0xffff  }
0x374: {  	v43 =	vmul.f32 v51, v43;
	v40 =	vld.idx.msk [tilespmem:v12+s24+$0x0], $0xffff;
	v12 =	vmov v47  }
.Ltmp2:
0x375: {  	v37 =	vadd.f32 v44, v37;
	v47 =	vmul.f32 v19, v48;
	v44 =	vld.idx.msk [tilespmem:v17+s24+$0x0], $0xffff;
	v17 =	vmov v50;
	(pc) =	sbr.rel @p0 .LBB2_6-.Ltmp2, $4  }
0x376: {  	v49 =	vadd.f32 v43, v53;
	v50 =	vmul.f32 v54, v52;
	v43 =	vld.idx.msk [tilespmem:v8+s24+$0x0], $0xffff;
	v8 =	vmov v36  }
0x377: {  	v48 =	vmul.f32 v22, v48;
	v51 =	vadd.f32 v14, v47;
	[tilespmem:s11+$0xFFFFFFE0] =	vst v37;
	v37 =	vld.idx.msk [tilespmem:v9+s24+$0x0], $0xffff;
	v9 =	vmov v38  }
0x378: {  	v47 =	vadd.f32 v50, v39;
	v39 =	vmul.f32 v21, v42;
	v21 =	vmov v45;
	v38 =	vld.idx.msk [tilespmem:v16+s23+$0x0], $0xffff;
	[tilespmem:s11+$0xFFFFFFF0] =	vst v49  }
0x379: {  	s14 =	sadd.s32 $0x40, s14;
	v45 =	vadd.f32 v23, v48;
	v35 =	vmul.f32 v35, v41;
	v46 =	vmul.f32 v51, v46;
	v36 =	vld.idx.msk [tilespmem:v7+s23+$0x0], $0xffff  }
0x37a: {  	_ =	sdelay $0x2  }
0x37b: {  	[tilespmem:s11+$0x0] =	vst v47  }
0x37c: {  	v47 =	vld.idx.msk [tilespmem:v12+s23+$0x0], $0xffff;
	_ =	sdelay $0x1  }
0x37d: {  	v48 =	vld.idx.msk [tilespmem:v17+s23+$0x0], $0xffff  }
0x37e: {  	v50 =	vld.idx.msk [tilespmem:v8+s23+$0x0], $0xffff;
	v10 =	vmul.f32 v10, v42;
	v49 =	vmul.f32 v21, v38  }
0x37f: {  	v52 =	vld.idx.msk [tilespmem:v9+s23+$0x0], $0xffff;
	v63 =	vmul.f32 v29, v38;
	v51 =	vmul.f32 v28, v36  }
0x380: {  	v45 =	vadd.f32 v46, v45;
	v49 =	vadd.f32 v25, v49;
	v57 =	vmul.f32 v27, v47  }
0x381: {  	s0 =	sadd.s32 $0x40, s1;
	v58 =	vmul.f32 v30, v36;
	v38 =	vadd.f32 v32, v63;
	v59 =	vadd.f32 v26, v51  }
0x382: {  	[tilespmem:s0+$0x10] =	vst v45;
	v60 =	vmul.f32 v31, v47;
	v56 =	vmul.f32 v49, v48;
	v61 =	vadd.f32 v24, v57  }
0x383: {  	v3 =	vadd.f32 v3, v39;
	v20 =	vld.idx.msk [tilespmem:v20+s24+$0x0], $0xffff;
	v36 =	vadd.f32 v34, v58;
	v62 =	vmul.f32 v59, v50  }
0x384: {  	v45 =	vadd.f32 v33, v60;
	v38 =	vadd.f32 v56, v38;
	v63 =	vmul.f32 v61, v52  }
0x385: {  	v1 =	vmul.f32 v1, v40;
	v11 =	vmul.f32 v11, v41;
	v36 =	vadd.f32 v62, v36  }
0x386: {  	v13 =	vmul.f32 v13, v40;
	v15 =	vld.idx.msk [tilespmem:v15+s24+$0x0], $0xffff;
	[tilespmem:s0+$0xFFFFFFE0] =	vst v38;
	v48 =	vadd.f32 v63, v45  }
0x387: {  	v2 =	vadd.f32 v2, v35;
	v3 =	vmul.f32 v3, v44;
	v16 =	vld.idx.msk [tilespmem:v16+s24+$0x0], $0xffff;
	[tilespmem:s0+$0xFFFFFFF0] =	vst v36  }
0x388: {  	v1 =	vadd.f32 v5, v1;
	v49 =	vmul.f32 v19, v20;
	v7 =	vld.idx.msk [tilespmem:v7+s24+$0x0], $0xffff;
	[tilespmem:s0+$0x0] =	vst v48  }
0x389: {  	v4 =	vadd.f32 v4, v10;
	v6 =	vadd.f32 v6, v11;
	v2 =	vmul.f32 v2, v43;
	v50 =	vld.idx.msk [tilespmem:v12+s24+$0x0], $0xffff  }
0x38a: {  	v13 =	vadd.f32 v18, v13;
	v51 =	vmul.f32 v22, v20;
	v5 =	vadd.f32 v14, v49  }
0x38b: {  	v1 =	vmul.f32 v1, v37;
	v3 =	vadd.f32 v3, v4;
	v2 =	vadd.f32 v2, v6;
	v52 =	vld.idx.msk [tilespmem:v17+s24+$0x0], $0xffff  }
0x38c: {  	v54 =	vadd.f32 v23, v51;
	v5 =	vmul.f32 v5, v15;
	v55 =	vld.idx.msk [tilespmem:v8+s24+$0x0], $0xffff;
	v53 =	vmul.f32 v21, v16  }
0x38d: {  	v1 =	vadd.f32 v1, v13;
	v56 =	vld.idx.msk [tilespmem:v9+s24+$0x0], $0xffff;
	v59 =	vmul.f32 v29, v16;
	v57 =	vmul.f32 v28, v7  }
0x38e: {  	v4 =	vadd.f32 v5, v54;
	v58 =	vadd.f32 v25, v53;
	v60 =	vmul.f32 v27, v50  }
0x38f: {  	v7 =	vmul.f32 v30, v7;
	v5 =	vadd.f32 v32, v59;
	v9 =	vadd.f32 v26, v57  }
0x390: {  	[tilespmem:s6+$0xFFFFFFE0] =	vst v3;
	v3 =	vmul.f32 v31, v50;
	v11 =	vmul.f32 v58, v52;
	v61 =	vadd.f32 v24, v60  }
0x391: {  	[tilespmem:s6+$0xFFFFFFF0] =	vst v2;
	v2 =	vadd.f32 v34, v7;
	v62 =	vmul.f32 v9, v55  }
0x392: {  	s6 =	sadd.s32 $0x40, s6;
	[tilespmem:s10+$0x0] =	vst v1;
	v3 =	vadd.f32 v33, v3;
	v5 =	vadd.f32 v11, v5;
	v63 =	vmul.f32 v61, v56  }
0x393: {  	[tilespmem:s6+$0x10] =	vst v4;
	v1 =	vadd.f32 v62, v2  }
0x394: {  	[tilespmem:s6+$0xFFFFFFE0] =	vst v5;
	v2 =	vadd.f32 v63, v3  }
0x395: {  	[tilespmem:s6+$0xFFFFFFF0] =	vst v1  }
0x396: {  	[tilespmem:s6+$0x0] =	vst v2  }
0x397: {  	s0 =	sld [smem:$0x7EC];
	_ =	sdelay $0x1  }
0x398: {  	s7 =	simm.s32 $0x19000;
	s9 =	sld [smem:$0x7EE]  }
0x399: {  	[hbm4b:s0+s26] =	stream.strided.scatter [tilespmem:s7], [sflag:$0x4], $0x2000, s28, s26, $0x38;
	[tilespmem:$0x1F000] =	vst v63  }
0x39a: {  	s10 =	simm.s32 $0x1B000;
	s11 =	sld [smem:$0x7F0]  }
0x39b: {  	[hbm4b:s9+s26] =	stream.strided.scatter [tilespmem:s10], [sflag:$0x4], $0x2000, s28, s26, $0x38;
	[tilespmem:$0x1F000] =	vst v63  }
0x39c: {  	s13 =	simm.s32 $0x1D000;
	s14 =	sld [smem:$0x7F6]  }
0x39d: {  	[hbm4b:s11+s26] =	stream.strided.scatter [tilespmem:s13], [sflag:$0x4], $0x2000, s28, s26, $0x38;
	[tilespmem:$0x1F000] =	vst v63  }
0x39e: {  	s15 =	sld [smem:$0x7F7]  }
0x39f: {  	[tilespmem:s22], [sflag:$0x2] =	stream.strided.gather [hbm4b:s14+s26], $0x2000, s28, s26, $0x38;
	[tilespmem:$0x1F000] =	vst v63  }
0x3a0: {  	s19 =	sld [smem:$0x7F8]  }
0x3a1: {  	[tilespmem:s23], [sflag:$0x2] =	stream.strided.gather [hbm4b:s15+s26], $0x2000, s28, s26, $0x38;
	[tilespmem:$0x1F000] =	vst v63  }
0x3a2: {  	s9 =	sld [smem:$0x7FC];
	s14 =	simm.s32 $0x1  }
0x3a3: {  	[tilespmem:s24], [sflag:$0x2] =	stream.strided.gather [hbm4b:s19+s26], $0x2000, s28, s26, $0x38;
	[tilespmem:$0x1F000] =	vst v63  }
.LBB2_8:
0x3a4: {  	s0 =	simm.s32 $0x3  }
0x3a5: {  	_ =	swait.ge [sflag:s0], $0x2000  }
0x3a6: {  	[sflag:s0] =	ssyncset.done $0x0  }
0x3a7: {  	[sflag:s0] =	ssyncadd.s32 $0xFFFFE000  }
0x3a8: {  	_ =	swait.ge [sflag:s0], $0x2000  }
0x3a9: {  	[sflag:s0] =	ssyncset.done $0x0  }
0x3aa: {  	[sflag:s0] =	ssyncadd.s32 $0xFFFFE000  }
0x3ab: {  	_ =	swait.ge [sflag:s0], $0x2000  }
0x3ac: {  	[sflag:s0] =	ssyncset.done $0x0  }
0x3ad: {  	[sflag:s0] =	ssyncadd.s32 $0xFFFFE000  }
0x3ae: {  	_ =	swait.ge [sflag:s31], $0x2000  }
0x3af: {  	[sflag:s31] =	ssyncset.done $0x0  }
0x3b0: {  	[sflag:s31] =	ssyncadd.s32 $0xFFFFE000  }
0x3b1: {  	_ =	swait.ge [sflag:s31], $0x2000  }
0x3b2: {  	[sflag:s31] =	ssyncset.done $0x0  }
0x3b3: {  	[sflag:s31] =	ssyncadd.s32 $0xFFFFE000  }
0x3b4: {  	_ =	swait.ge [sflag:s31], $0x2000  }
0x3b5: {  	[sflag:s31] =	ssyncset.done $0x0  }
0x3b6: {  	s13 =	simm.s32 $0x20;
	[sflag:s31] =	ssyncadd.s32 $0xFFFFE000  }
0x3b7: {  	v1 =	vld [tilespmem:s13+$0x10];
	_ =	sdelay $0x4  }
0x3b8: {  	v7 =	vshrl.u32 v1, $0x10  }
0x3b9: {  	v2 =	vld [tilespmem:s13+$0xFFFFFFF0]  }
0x3ba: {  	v3 =	vld [tilespmem:s13+$0xFFFFFFE0]  }
0x3bb: {  	s15 =	simm.s32 $0x4020;
	v4 =	vld [tilespmem:s13+$0x0]  }
0x3bc: {  	v20 =	vld [tilespmem:s15+$0x10];
	v8 =	vand.u32 $0xFFFF, v1  }
0x3bd: {  	v1 =	vld.idx.msk [tilespmem:v7+s18+$0x0], $0xffff  }
0x3be: {  	s1 =	simm.s32 $0x2020  }
0x3bf: {  	v24 =	vld [tilespmem:s1+$0x10];
	v33 =	vshrl.u32 v3, $0x10  }
0x3c0: {  	v36 =	vld [tilespmem:s15+$0xFFFFFFE0];
	v34 =	vshrl.u32 v2, $0x10  }
0x3c1: {  	v5 =	vld.idx.msk [tilespmem:v8+s18+$0x0], $0xffff  }
0x3c2: {  	v35 =	vld [tilespmem:s15+$0xFFFFFFF0];
	v32 =	vshrl.u32 v4, $0x10;
	v9 =	vmul.f32 v20, v1  }
0x3c3: {  	v23 =	vshll.u32 v20, $0x10;
	v38 =	vand.u32 $0xFFFF, v3;
	v37 =	vand.u32 $0xFFFF, v2;
	v2 =	vld [tilespmem:s1+$0xFFFFFFF0]  }
0x3c4: {  	v11 =	vld.idx.msk [tilespmem:v33+s18+$0x0], $0xffff;
	v1 =	vmul.f32 v23, v1;
	v3 =	vadd.f32 v24, v9  }
0x3c5: {  	v29 =	vshll.u32 v24, $0x10;
	v6 =	vld.idx.msk [tilespmem:v34+s18+$0x0], $0xffff  }
0x3c6: {  	v1 =	vadd.f32 v29, v1;
	v5 =	vmul.f32 v3, v5;
	v3 =	vld [tilespmem:s1+$0xFFFFFFE0]  }
0x3c7: {  	v12 =	vld.idx.msk [tilespmem:v32+s18+$0x0], $0xffff  }
0x3c8: {  	v9 =	vld.idx.msk [tilespmem:v38+s18+$0x0], $0xffff;
	v1 =	vadd.f32 v5, v1  }
0x3c9: {  	s2 =	simm.s32 $0x13020;
	v39 =	vand.u32 $0xFFFF, v4;
	v13 =	vld.idx.msk [tilespmem:v37+s18+$0x0], $0xffff;
	v5 =	vmul.f32 v36, v11  }
0x3ca: {  	v10 =	vshll.u32 v36, $0x10;
	v14 =	vmul.f32 v35, v6;
	[tilespmem:s2+$0x10] =	vst v1;
	v1 =	vld [tilespmem:s15+$0x0]  }
0x3cb: {  	s19 =	simm.s32 $0x60;
	v16 =	vmul.f32 v10, v11;
	v11 =	vshll.u32 v35, $0x10;
	v15 =	vld.idx.msk [tilespmem:v7+s20+$0x0], $0xffff;
	v17 =	vadd.f32 v3, v5  }
0x3cc: {  	v25 =	vld [tilespmem:s19+$0xFFFFFFF0];
	v14 =	vadd.f32 v2, v14;
	v18 =	vmul.f32 v11, v6;
	v4 =	vshll.u32 v3, $0x10  }
0x3cd: {  	v6 =	vshll.u32 v2, $0x10;
	v5 =	vld [tilespmem:s1+$0x0];
	v16 =	vadd.f32 v4, v16;
	v9 =	vmul.f32 v17, v9  }
0x3ce: {  	v13 =	vmul.f32 v14, v13;
	v14 =	vld.idx.msk [tilespmem:v39+s18+$0x0], $0xffff;
	v17 =	vadd.f32 v6, v18  }
0x3cf: {  	v19 =	vld.idx.msk [tilespmem:v8+s20+$0x0], $0xffff;
	v9 =	vadd.f32 v9, v16  }
0x3d0: {  	v26 =	vld [tilespmem:s19+$0x0];
	v18 =	vmul.f32 v1, v12;
	v17 =	vadd.f32 v13, v17;
	v16 =	vmul.f32 v20, v15  }
0x3d1: {  	v27 =	vld [tilespmem:s19+$0xFFFFFFE0];
	[tilespmem:s2+$0xFFFFFFE0] =	vst v9;
	v9 =	vmul.f32 v23, v15  }
0x3d2: {  	v13 =	vshll.u32 v1, $0x10;
	[tilespmem:s2+$0xFFFFFFF0] =	vst v17;
	v15 =	vadd.f32 v24, v16;
	v16 =	vadd.f32 v5, v18;
	v22 =	vld.idx.msk [tilespmem:v33+s20+$0x0], $0xffff  }
0x3d3: {  	v12 =	vmul.f32 v13, v12;
	v18 =	vshll.u32 v5, $0x10;
	v17 =	vld.idx.msk [tilespmem:v34+s20+$0x0], $0xffff  }
0x3d4: {  	v9 =	vadd.f32 v29, v9;
	v15 =	vmul.f32 v15, v19;
	v14 =	vmul.f32 v16, v14;
	v16 =	vld [tilespmem:s19+$0x10]  }
0x3d5: {  	v31 =	vld.idx.msk [tilespmem:v38+s20+$0x0], $0xffff;
	v12 =	vadd.f32 v18, v12  }
0x3d6: {  	s3 =	simm.s32 $0x4060;
	v40 =	vld.idx.msk [tilespmem:v37+s20+$0x0], $0xffff;
	v9 =	vadd.f32 v15, v9  }
0x3d7: {  	s7 =	simm.s32 $0x2060;
	s1 =	simm.s32 $0x15020;
	v19 =	vld [tilespmem:s3+$0x10];
	v12 =	vadd.f32 v14, v12  }
0x3d8: {  	v14 =	vld [tilespmem:s7+$0x10];
	[tilespmem:s1+$0x10] =	vst v9  }
0x3d9: {  	[tilespmem:s2+$0x0] =	vst v12;
	v9 =	vmul.f32 v36, v22;
	v30 =	vld.idx.msk [tilespmem:v7+s21+$0x0], $0xffff;
	v21 =	vshrl.u32 v16, $0x10  }
0x3da: {  	v45 =	vmul.f32 v35, v17;
	v46 =	vmul.f32 v11, v17;
	v17 =	vand.u32 $0xFFFF, v27;
	v28 =	vld.idx.msk [tilespmem:v32+s20+$0x0], $0xffff  }
0x3db: {  	v7 =	vshrl.u32 v25, $0x10;
	v41 =	vld.idx.msk [tilespmem:v8+s21+$0x0], $0xffff;
	v8 =	vand.u32 $0xFFFF, v25;
	v25 =	vadd.f32 v3, v9  }
0x3dc: {  	v12 =	vshrl.u32 v26, $0x10;
	v15 =	vand.u32 $0xFFFF, v16;
	v42 =	vld.idx.msk [tilespmem:v39+s20+$0x0], $0xffff  }
0x3dd: {  	v9 =	vand.u32 $0xFFFF, v26;
	v26 =	vadd.f32 v2, v45;
	v31 =	vmul.f32 v25, v31;
	v25 =	vld [tilespmem:s7+$0xFFFFFFE0]  }
0x3de: {  	v43 =	vld.idx.msk [tilespmem:v21+s18+$0x0], $0xffff  }
0x3df: {  	v16 =	vshrl.u32 v27, $0x10;
	v40 =	vmul.f32 v26, v40;
	v26 =	vld [tilespmem:s7+$0xFFFFFFF0]  }
0x3e0: {  	v60 =	vld.idx.msk [tilespmem:v17+s18+$0x0], $0xffff  }
0x3e1: {  	v22 =	vmul.f32 v10, v22;
	v49 =	vld.idx.msk [tilespmem:v12+s18+$0x0], $0xffff  }
0x3e2: {  	v46 =	vadd.f32 v6, v46;
	v47 =	vld.idx.msk [tilespmem:v15+s18+$0x0], $0xffff  }
0x3e3: {  	v48 =	vadd.f32 v4, v22;
	v44 =	vld.idx.msk [tilespmem:v7+s18+$0x0], $0xffff;
	v50 =	vmul.f32 v20, v30;
	v27 =	vmul.f32 v19, v43  }
0x3e4: {  	v22 =	vshll.u32 v19, $0x10;
	v56 =	vld.idx.msk [tilespmem:v16+s18+$0x0], $0xffff;
	v51 =	vmul.f32 v13, v28;
	v52 =	vmul.f32 v1, v28  }
0x3e5: {  	v20 =	vld [tilespmem:s3+$0xFFFFFFE0];
	v30 =	vmul.f32 v23, v30;
	v43 =	vmul.f32 v22, v43;
	v53 =	vadd.f32 v14, v27  }
0x3e6: {  	v28 =	vld [tilespmem:s3+$0xFFFFFFF0];
	v23 =	vshll.u32 v14, $0x10;
	v31 =	vadd.f32 v31, v48;
	v24 =	vadd.f32 v24, v50  }
0x3e7: {  	v40 =	vadd.f32 v40, v46;
	v63 =	vld.idx.msk [tilespmem:v9+s18+$0x0], $0xffff;
	v43 =	vadd.f32 v23, v43;
	v47 =	vmul.f32 v53, v47  }
0x3e8: {  	v58 =	vadd.f32 v5, v52;
	v29 =	vadd.f32 v29, v30;
	v30 =	vmul.f32 v24, v41;
	v24 =	vld [tilespmem:s7+$0x0]  }
0x3e9: {  	v57 =	vadd.f32 v18, v51;
	[tilespmem:s1+$0xFFFFFFF0] =	vst v40;
	v27 =	vld [tilespmem:s3+$0x0];
	v59 =	vadd.f32 v47, v43  }
0x3ea: {  	s11 =	simm.s32 $0x13060;
	v42 =	vmul.f32 v58, v42;
	v41 =	vld.idx.msk [tilespmem:v34+s21+$0x0], $0xffff;
	v34 =	vshll.u32 v26, $0x10;
	v61 =	vmul.f32 v20, v56  }
0x3eb: {  	v62 =	vmul.f32 v28, v44;
	v46 =	vadd.f32 v30, v29;
	v29 =	vshll.u32 v20, $0x10;
	v47 =	vld.idx.msk [tilespmem:v8+s18+$0x0], $0xffff;
	[tilespmem:s11+$0x10] =	vst v59  }
0x3ec: {  	[tilespmem:s1+$0xFFFFFFE0] =	vst v31;
	v30 =	vshll.u32 v28, $0x10;
	v50 =	vadd.f32 v42, v57;
	v45 =	vmul.f32 v29, v56;
	v48 =	vld.idx.msk [tilespmem:v21+s20+$0x0], $0xffff  }
0x3ed: {  	v42 =	vld.idx.msk [tilespmem:v33+s21+$0x0], $0xffff;
	v33 =	vshll.u32 v25, $0x10;
	v44 =	vmul.f32 v30, v44;
	v58 =	vadd.f32 v25, v61  }
0x3ee: {  	v51 =	vadd.f32 v26, v62;
	[tilespmem:s1+$0x0] =	vst v50;
	v45 =	vadd.f32 v33, v45;
	v57 =	vmul.f32 v27, v49  }
0x3ef: {  	v40 =	vld.idx.msk [tilespmem:v32+s21+$0x0], $0xffff;
	v43 =	vmul.f32 v58, v60;
	v60 =	vadd.f32 v34, v44;
	v31 =	vshll.u32 v27, $0x10  }
0x3f0: {  	s6 =	simm.s32 $0x17020;
	v49 =	vmul.f32 v31, v49;
	v59 =	vld.idx.msk [tilespmem:v15+s20+$0x0], $0xffff;
	v54 =	vadd.f32 v24, v57;
	v47 =	vmul.f32 v51, v47  }
0x3f1: {  	[tilespmem:s6+$0x10] =	vst v46;
	v32 =	vshll.u32 v24, $0x10;
	v44 =	vld.idx.msk [tilespmem:v38+s21+$0x0], $0xffff;
	v45 =	vadd.f32 v43, v45;
	v61 =	vmul.f32 v19, v48  }
0x3f2: {  	v43 =	vld.idx.msk [tilespmem:v37+s21+$0x0], $0xffff;
	v49 =	vadd.f32 v32, v49;
	v62 =	vmul.f32 v54, v63;
	v47 =	vadd.f32 v47, v60  }
0x3f3: {  	v37 =	vld.idx.msk [tilespmem:v39+s21+$0x0], $0xffff;
	[tilespmem:s11+$0xFFFFFFE0] =	vst v45;
	v63 =	vmul.f32 v22, v48;
	v46 =	vadd.f32 v14, v61  }
0x3f4: {  	v39 =	vmul.f32 v36, v42;
	v38 =	vld.idx.msk [tilespmem:v16+s20+$0x0], $0xffff;
	[tilespmem:s11+$0xFFFFFFF0] =	vst v47;
	v47 =	vadd.f32 v62, v49  }
0x3f5: {  	s10 =	simm.s32 $0x17020;
	s13 =	simm.s32 $0x4;
	s15 =	simm.s32 $0xA0;
	v35 =	vmul.f32 v35, v41;
	v36 =	vld.idx.msk [tilespmem:v7+s20+$0x0], $0xffff;
	v45 =	vadd.f32 v23, v63;
	v46 =	vmul.f32 v46, v59  }
.LBB2_9:
0x3f6: {  	v48 =	vld [tilespmem:s15+$0x10];
	s13 =	sadd.s32 $0x4, s13;
	[tilespmem:s11+$0x0] =	vst v47;
	v10 =	vmul.f32 v10, v42;
	v3 =	vadd.f32 v3, v39;
	v47 =	vmul.f32 v1, v40  }
0x3f7: {  	v11 =	vmul.f32 v11, v41;
	v39 =	vld [tilespmem:s15+$0xFFFFFFF0];
	p0 =	slt.u32 s13, $0x1FC;
	v42 =	vadd.f32 v46, v45;
	v2 =	vadd.f32 v2, v35;
	v35 =	vmovc v28  }
0x3f8: {  	s1 =	sadd.s32 $0x40, s1;
	v1 =	vmovc v27;
	v46 =	vmul.f32 v13, v40;
	v28 =	vld [tilespmem:s15+$0x0];
	v41 =	vmul.f32 v3, v44;
	v40 =	vadd.f32 v5, v47  }
0x3f9: {  	v27 =	vadd.f32 v4, v10;
	v13 =	vld [tilespmem:s15+$0xFFFFFFE0];
	[tilespmem:s1+$0x10] =	vst v42;
	v42 =	vadd.f32 v6, v11;
	v43 =	vmul.f32 v2, v43  }
0x3fa: {  	v4 =	vmul.f32 v29, v38;
	v50 =	vmul.f32 v20, v38;
	v18 =	vadd.f32 v18, v46;
	v44 =	vld.idx.msk [tilespmem:v21+s21+$0x0], $0xffff  }
0x3fb: {  	v6 =	vmul.f32 v30, v36;
	v49 =	vmul.f32 v35, v36;
	v3 =	vmovc v25;
	v21 =	vshrl.u32 v48, $0x10;
	v45 =	vld.idx.msk [tilespmem:v12+s20+$0x0], $0xffff  }
0x3fc: {  	v10 =	vmovc v29;
	v2 =	vmovc v26;
	v46 =	vshrl.u32 v39, $0x10;
	v36 =	vand.u32 $0xFFFF, v39;
	v25 =	vld.idx.msk [tilespmem:v17+s20+$0x0], $0xffff;
	v39 =	vadd.f32 v3, v50  }
0x3fd: {  	v5 =	vmovc v24;
	v11 =	vmovc v30;
	v47 =	vshrl.u32 v28, $0x10;
	v38 =	vand.u32 $0xFFFF, v28;
	v26 =	vld.idx.msk [tilespmem:v8+s20+$0x0], $0xffff;
	v28 =	vadd.f32 v2, v49  }
0x3fe: {  	v24 =	vadd.f32 v33, v4;
	v4 =	vmovc v33;
	v49 =	vshrl.u32 v13, $0x10;
	v50 =	vand.u32 $0xFFFF, v13;
	v29 =	vld.idx.msk [tilespmem:v15+s21+$0x0], $0xffff;
	v13 =	vmovc v31  }
0x3ff: {  	v30 =	vadd.f32 v34, v6;
	v33 =	vmul.f32 v40, v37;
	v15 =	vand.u32 $0xFFFF, v48;
	v6 =	vmovc v34;
	v31 =	vld.idx.msk [tilespmem:v9+s20+$0x0], $0xffff  }
0x400: {  	s3 =	sadd.s32 $0x40, s3;
	v27 =	vadd.f32 v41, v27;
	v40 =	vadd.f32 v43, v42;
	v37 =	vmul.f32 v19, v44;
	v34 =	vld.idx.msk [tilespmem:v21+s18+$0x0], $0xffff  }
0x401: {  	v33 =	vadd.f32 v33, v18;
	v18 =	vmovc v32;
	v41 =	vmul.f32 v13, v45;
	v42 =	vmul.f32 v1, v45;
	v19 =	vld [tilespmem:s3+$0x10]  }
0x402: {  	s7 =	sadd.s32 $0x40, s7;
	v22 =	vmul.f32 v22, v44;
	v25 =	vmul.f32 v39, v25;
	v37 =	vadd.f32 v14, v37;
	v32 =	vld.idx.msk [tilespmem:v46+s18+$0x0], $0xffff  }
0x403: {  	v26 =	vmul.f32 v28, v26;
	v28 =	vadd.f32 v18, v41;
	v39 =	vadd.f32 v5, v42;
	v14 =	vld [tilespmem:s7+$0x10];
	[tilespmem:s6+$0xFFFFFFE0] =	vst v27  }
0x404: {  	v22 =	vadd.f32 v23, v22;
	v24 =	vadd.f32 v25, v24;
	v23 =	vmul.f32 v37, v29;
	v41 =	vld.idx.msk [tilespmem:v15+s18+$0x0], $0xffff  }
0x405: {  	v25 =	vadd.f32 v26, v30;
	v26 =	vmul.f32 v39, v31;
	v37 =	vld.idx.msk [tilespmem:v49+s18+$0x0], $0xffff;
	[tilespmem:s6+$0xFFFFFFF0] =	vst v40  }
0x406: {  	v23 =	vadd.f32 v23, v22;
	v39 =	vld.idx.msk [tilespmem:v47+s18+$0x0], $0xffff;
	v27 =	vmul.f32 v19, v34;
	[tilespmem:s1+$0xFFFFFFE0] =	vst v24  }
0x407: {  	s6 =	sadd.s32 $0x40, s6;
	v22 =	vshll.u32 v19, $0x10;
	v24 =	vadd.f32 v26, v28;
	v45 =	vld [tilespmem:s3+$0xFFFFFFE0];
	[tilespmem:s1+$0xFFFFFFF0] =	vst v25  }
0x408: {  	v26 =	vmul.f32 v22, v34;
	v28 =	vld [tilespmem:s3+$0xFFFFFFF0];
	v29 =	vadd.f32 v14, v27;
	[tilespmem:s6+$0x10] =	vst v23  }
0x409: {  	v23 =	vshll.u32 v14, $0x10;
	v27 =	vld [tilespmem:s3+$0x0];
	[tilespmem:s1+$0x0] =	vst v24  }
0x40a: {  	v30 =	vadd.f32 v23, v26;
	v25 =	vld [tilespmem:s7+$0xFFFFFFE0];
	v31 =	vmul.f32 v29, v41;
	[tilespmem:s10+$0x0] =	vst v33;
	s10 =	smov.u32 s6  }
0x40b: {  	v26 =	vld [tilespmem:s7+$0xFFFFFFF0]  }
0x40c: {  	v29 =	vshll.u32 v45, $0x10;
	v34 =	vmul.f32 v45, v37;
	v24 =	vld [tilespmem:s7+$0x0];
	v33 =	vadd.f32 v31, v30  }
0x40d: {  	s11 =	sadd.s32 $0x40, s11;
	v40 =	vld.idx.msk [tilespmem:v50+s18+$0x0], $0xffff;
	v37 =	vmul.f32 v29, v37;
	v30 =	vshll.u32 v28, $0x10;
	v41 =	vmul.f32 v28, v32  }
0x40e: {  	v43 =	vld.idx.msk [tilespmem:v36+s18+$0x0], $0xffff;
	v32 =	vmul.f32 v30, v32;
	v31 =	vshll.u32 v27, $0x10;
	v42 =	vmul.f32 v27, v39;
	[tilespmem:s11+$0x10] =	vst v33  }
0x40f: {  	v33 =	vshll.u32 v25, $0x10;
	v44 =	vadd.f32 v25, v34;
	v39 =	vmul.f32 v31, v39;
	v48 =	vld.idx.msk [tilespmem:v21+s20+$0x0], $0xffff  }
0x410: {  	v37 =	vadd.f32 v33, v37;
	v34 =	vshll.u32 v26, $0x10;
	v51 =	vadd.f32 v26, v41;
	v52 =	vld.idx.msk [tilespmem:v38+s18+$0x0], $0xffff  }
0x411: {  	v53 =	vadd.f32 v34, v32;
	v32 =	vshll.u32 v24, $0x10;
	v54 =	vadd.f32 v24, v42;
	v42 =	vld.idx.msk [tilespmem:v16+s21+$0x0], $0xffff;
	v16 =	vmovc v49  }
0x412: {  	v39 =	vadd.f32 v32, v39;
	v41 =	vld.idx.msk [tilespmem:v7+s21+$0x0], $0xffff;
	v7 =	vmov v46  }
0x413: {  	v44 =	vmul.f32 v44, v40;
	v46 =	vld.idx.msk [tilespmem:v15+s20+$0x0], $0xffff  }
0x414: {  	v43 =	vmul.f32 v51, v43;
	v40 =	vld.idx.msk [tilespmem:v12+s21+$0x0], $0xffff;
	v12 =	vmov v47  }
.Ltmp3:
0x415: {  	v37 =	vadd.f32 v44, v37;
	v47 =	vmul.f32 v19, v48;
	v44 =	vld.idx.msk [tilespmem:v17+s21+$0x0], $0xffff;
	v17 =	vmov v50;
	(pc) =	sbr.rel @p0 .LBB2_9-.Ltmp3, $4  }
0x416: {  	v49 =	vadd.f32 v43, v53;
	v50 =	vmul.f32 v54, v52;
	v43 =	vld.idx.msk [tilespmem:v8+s21+$0x0], $0xffff;
	v8 =	vmov v36  }
0x417: {  	v48 =	vmul.f32 v22, v48;
	v51 =	vadd.f32 v14, v47;
	[tilespmem:s11+$0xFFFFFFE0] =	vst v37;
	v37 =	vld.idx.msk [tilespmem:v9+s21+$0x0], $0xffff;
	v9 =	vmov v38  }
0x418: {  	v47 =	vadd.f32 v50, v39;
	v39 =	vmul.f32 v20, v42;
	v20 =	vmov v45;
	v38 =	vld.idx.msk [tilespmem:v16+s20+$0x0], $0xffff;
	[tilespmem:s11+$0xFFFFFFF0] =	vst v49  }
0x419: {  	s15 =	sadd.s32 $0x40, s15;
	v45 =	vadd.f32 v23, v48;
	v35 =	vmul.f32 v35, v41;
	v46 =	vmul.f32 v51, v46;
	v36 =	vld.idx.msk [tilespmem:v7+s20+$0x0], $0xffff  }
0x41a: {  	_ =	sdelay $0x2  }
0x41b: {  	[tilespmem:s11+$0x0] =	vst v47  }
0x41c: {  	v47 =	vld.idx.msk [tilespmem:v12+s20+$0x0], $0xffff;
	_ =	sdelay $0x1  }
0x41d: {  	v48 =	vld.idx.msk [tilespmem:v17+s20+$0x0], $0xffff  }
0x41e: {  	v50 =	vld.idx.msk [tilespmem:v8+s20+$0x0], $0xffff;
	v49 =	vmul.f32 v20, v38  }
0x41f: {  	v52 =	vld.idx.msk [tilespmem:v9+s20+$0x0], $0xffff;
	v45 =	vadd.f32 v46, v45;
	v61 =	vmul.f32 v29, v38;
	v51 =	vmul.f32 v28, v36  }
0x420: {  	s0 =	sadd.s32 $0x40, s1;
	v10 =	vmul.f32 v10, v42;
	v49 =	vadd.f32 v25, v49;
	v63 =	vmul.f32 v27, v47  }
0x421: {  	[tilespmem:s0+$0x10] =	vst v45;
	v62 =	vmul.f32 v30, v36;
	v38 =	vadd.f32 v33, v61;
	v51 =	vadd.f32 v26, v51  }
0x422: {  	v21 =	vld.idx.msk [tilespmem:v21+s21+$0x0], $0xffff;
	v54 =	vmul.f32 v31, v47;
	v48 =	vmul.f32 v49, v48;
	v46 =	vadd.f32 v24, v63  }
0x423: {  	v3 =	vadd.f32 v3, v39;
	v36 =	vadd.f32 v34, v62;
	v55 =	vmul.f32 v51, v50  }
0x424: {  	v45 =	vadd.f32 v32, v54;
	v38 =	vadd.f32 v48, v38;
	v46 =	vmul.f32 v46, v52  }
0x425: {  	v1 =	vmul.f32 v1, v40;
	v11 =	vmul.f32 v11, v41;
	v36 =	vadd.f32 v55, v36  }
0x426: {  	v2 =	vadd.f32 v2, v35;
	v15 =	vld.idx.msk [tilespmem:v15+s21+$0x0], $0xffff;
	[tilespmem:s0+$0xFFFFFFE0] =	vst v38;
	v56 =	vadd.f32 v46, v45  }
0x427: {  	v1 =	vadd.f32 v5, v1;
	v5 =	vmul.f32 v19, v21;
	v16 =	vld.idx.msk [tilespmem:v16+s21+$0x0], $0xffff;
	[tilespmem:s0+$0xFFFFFFF0] =	vst v36  }
0x428: {  	v3 =	vmul.f32 v3, v44;
	v4 =	vadd.f32 v4, v10;
	v7 =	vld.idx.msk [tilespmem:v7+s21+$0x0], $0xffff;
	[tilespmem:s0+$0x0] =	vst v56  }
0x429: {  	v6 =	vadd.f32 v6, v11;
	v11 =	vmul.f32 v22, v21;
	v5 =	vadd.f32 v14, v5;
	v10 =	vld.idx.msk [tilespmem:v12+s21+$0x0], $0xffff  }
0x42a: {  	v13 =	vmul.f32 v13, v40;
	v2 =	vmul.f32 v2, v43  }
0x42b: {  	v3 =	vadd.f32 v3, v4;
	v4 =	vadd.f32 v23, v11;
	v5 =	vmul.f32 v5, v15;
	v12 =	vld.idx.msk [tilespmem:v17+s21+$0x0], $0xffff  }
0x42c: {  	v13 =	vadd.f32 v18, v13;
	v2 =	vadd.f32 v2, v6;
	v8 =	vld.idx.msk [tilespmem:v8+s21+$0x0], $0xffff;
	v14 =	vmul.f32 v20, v16  }
0x42d: {  	v6 =	vld.idx.msk [tilespmem:v9+s21+$0x0], $0xffff;
	v4 =	vadd.f32 v5, v4;
	v5 =	vmul.f32 v29, v16;
	v9 =	vmul.f32 v28, v7  }
0x42e: {  	v1 =	vmul.f32 v1, v37;
	v11 =	vadd.f32 v25, v14;
	v14 =	vmul.f32 v27, v10  }
0x42f: {  	s3 =	smul.u32 $0x6, s14;
	v7 =	vmul.f32 v30, v7;
	v5 =	vadd.f32 v33, v5;
	v9 =	vadd.f32 v26, v9  }
0x430: {  	[tilespmem:s6+$0xFFFFFFE0] =	vst v3;
	v3 =	vmul.f32 v31, v10;
	v11 =	vmul.f32 v11, v12;
	v10 =	vadd.f32 v24, v14  }
0x431: {  	s7 =	sadd.s32 $0x40, s6;
	s2 =	smul.u32 $0x300, s14;
	s11 =	sadd.s32 s17, s3;
	v1 =	vadd.f32 v1, v13;
	[tilespmem:s6+$0xFFFFFFF0] =	vst v2;
	v2 =	vadd.f32 v34, v7;
	v7 =	vmul.f32 v9, v8  }
0x432: {  	s4 =	sshll.u32 s11, $0xD;
	[tilespmem:s7+$0x10] =	vst v4;
	v3 =	vadd.f32 v32, v3;
	v5 =	vadd.f32 v11, v5;
	v4 =	vmul.f32 v10, v6  }
0x433: {  	s2 =	sand.u32 $0x300, s2;
	s4 =	sand.u32 $0x1FF0000, s4;
	[tilespmem:s10+$0x0] =	vst v1;
	v1 =	vadd.f32 v7, v2  }
0x434: {  	s2 =	sor.u32 s2, s4;
	[tilespmem:s7+$0xFFFFFFE0] =	vst v5;
	v2 =	vadd.f32 v4, v3  }
0x435: {  	s2 =	sshrl.u32 s2, $0x3;
	[tilespmem:s7+$0xFFFFFFF0] =	vst v1  }
0x436: {  	s15 =	simm.s32 $0x13000;
	s19 =	sadd.s32 $0x2, s11;
	s13 =	sadd.s32 s8, s2;
	[tilespmem:s7+$0x0] =	vst v2  }
0x437: {  	[hbm4b:s13+s26] =	stream.strided.scatter [tilespmem:s15], [sflag:$0x3], $0x2000, s28, s26, $0x38;
	[tilespmem:$0x1F000] =	vst v63  }
0x438: {  	s1 =	sshll.u32 s19, $0x4;
	s0 =	sadd.s32 $0x10, s13  }
0x439: {  	[hbm4b:s0+s26] =	stream.strided.scatter [tilespmem:s29], [sflag:$0x3], $0x2000, s28, s26, $0x38;
	[tilespmem:$0x1F000] =	vst v63  }
0x43a: {  	s1 =	sand.u32 $0x60, s1;
	s0 =	sshll.u32 s19, $0xA  }
0x43b: {  	s1 =	sadd.s32 s8, s1;
	s0 =	sand.u32 $0xFFFE000, s0  }
0x43c: {  	s2 =	simm.s32 $0x17000;
	s0 =	sadd.s32 s0, s1  }
0x43d: {  	[hbm4b:s0+s26] =	stream.strided.scatter [tilespmem:s2], [sflag:$0x3], $0x2000, s28, s26, $0x38;
	[tilespmem:$0x1F000] =	vst v63  }
0x43e: {  	s0 =	sadd.s32 s3, s9  }
0x43f: {  	s1 =	smov.u32 s25;
	p0 =	slt.s32 s0, s25  }
0x440: {  	s1 =	smov.u32 @p0 s0  }
0x441: {  	s4 =	sshll.u32 s1, $0x4  }
0x442: {  	s1 =	sshll.u32 s1, $0xA;
	s2 =	sand.u32 $0x70, s4  }
0x443: {  	s1 =	sand.u32 $0xFFFE000, s1;
	s2 =	sadd.s32 s5, s2  }
0x444: {  	s1 =	sadd.s32 s1, s2  }
0x445: {  	[tilespmem:s18], [sflag:$0x1] =	stream.strided.gather [hbm4b:s1+s26], $0x2000, s28, s26, $0x38;
	[tilespmem:$0x1F000] =	vst v63  }
0x446: {  	s1 =	sor.u32 $0x1, s0  }
0x447: {  	s2 =	smov.u32 s25;
	p0 =	slt.s32 s1, s25  }
0x448: {  	s2 =	smov.u32 @p0 s1  }
0x449: {  	s1 =	sshll.u32 s2, $0x4  }
0x44a: {  	s2 =	sshll.u32 s2, $0xA;
	s1 =	sand.u32 $0x70, s1  }
0x44b: {  	s2 =	sand.u32 $0xFFFE000, s2;
	s1 =	sadd.s32 s5, s1  }
0x44c: {  	s0 =	sadd.s32 $0x2, s0;
	s1 =	sadd.s32 s2, s1  }
0x44d: {  	[tilespmem:s20], [sflag:$0x1] =	stream.strided.gather [hbm4b:s1+s26], $0x2000, s28, s26, $0x38;
	[tilespmem:$0x1F000] =	vst v63  }
0x44e: {  	p0 =	slt.s32 s0, s25;
	s1 =	smov.u32 s25  }
0x44f: {  	s1 =	smov.u32 @p0 s0  }
0x450: {  	s0 =	sshll.u32 s1, $0x4  }
0x451: {  	s1 =	sshll.u32 s1, $0xA;
	s0 =	sand.u32 $0x70, s0  }
0x452: {  	s1 =	sand.u32 $0xFFFE000, s1;
	s0 =	sadd.s32 s5, s0  }
0x453: {  	s6 =	simm.s32 $0x4;
	s0 =	sadd.s32 s1, s0  }
0x454: {  	[tilespmem:s21], [sflag:$0x1] =	stream.strided.gather [hbm4b:s0+s26], $0x2000, s28, s26, $0x38;
	[tilespmem:$0x1F000] =	vst v63  }
0x455: {  	_ =	swait.ge [sflag:s6], $0x2000  }
0x456: {  	[sflag:s6] =	ssyncset.done $0x0  }
0x457: {  	[sflag:s6] =	ssyncadd.s32 $0xFFFFE000  }
0x458: {  	_ =	swait.ge [sflag:s6], $0x2000  }
0x459: {  	[sflag:s6] =	ssyncset.done $0x0  }
0x45a: {  	[sflag:s6] =	ssyncadd.s32 $0xFFFFE000  }
0x45b: {  	_ =	swait.ge [sflag:s6], $0x2000  }
0x45c: {  	[sflag:s6] =	ssyncset.done $0x0  }
0x45d: {  	s7 =	simm.s32 $0x2;
	[sflag:s6] =	ssyncadd.s32 $0xFFFFE000  }
0x45e: {  	_ =	swait.ge [sflag:s7], $0x2000  }
0x45f: {  	[sflag:s7] =	ssyncset.done $0x0  }
0x460: {  	[sflag:s7] =	ssyncadd.s32 $0xFFFFE000  }
0x461: {  	_ =	swait.ge [sflag:s7], $0x2000  }
0x462: {  	[sflag:s7] =	ssyncset.done $0x0  }
0x463: {  	[sflag:s7] =	ssyncadd.s32 $0xFFFFE000  }
0x464: {  	_ =	swait.ge [sflag:s7], $0x2000  }
0x465: {  	[sflag:s7] =	ssyncset.done $0x0  }
0x466: {  	s10 =	simm.s32 $0x20;
	[sflag:s7] =	ssyncadd.s32 $0xFFFFE000  }
0x467: {  	v1 =	vld [tilespmem:s10+$0x10];
	_ =	sdelay $0x4  }
0x468: {  	v7 =	vshrl.u32 v1, $0x10  }
0x469: {  	v2 =	vld [tilespmem:s10+$0xFFFFFFF0]  }
0x46a: {  	v3 =	vld [tilespmem:s10+$0xFFFFFFE0]  }
0x46b: {  	s11 =	simm.s32 $0x4020;
	v4 =	vld [tilespmem:s10+$0x0]  }
0x46c: {  	v21 =	vld [tilespmem:s11+$0x10];
	v8 =	vand.u32 $0xFFFF, v1  }
0x46d: {  	v1 =	vld.idx.msk [tilespmem:v7+s22+$0x0], $0xffff  }
0x46e: {  	s13 =	simm.s32 $0x2020  }
0x46f: {  	v24 =	vld [tilespmem:s13+$0x10];
	v32 =	vshrl.u32 v3, $0x10  }
0x470: {  	v36 =	vld [tilespmem:s11+$0xFFFFFFE0];
	v34 =	vshrl.u32 v2, $0x10  }
0x471: {  	v5 =	vld.idx.msk [tilespmem:v8+s22+$0x0], $0xffff  }
0x472: {  	v35 =	vld [tilespmem:s11+$0xFFFFFFF0];
	v33 =	vshrl.u32 v4, $0x10;
	v9 =	vmul.f32 v21, v1  }
0x473: {  	v23 =	vshll.u32 v21, $0x10;
	v38 =	vand.u32 $0xFFFF, v3;
	v37 =	vand.u32 $0xFFFF, v2;
	v2 =	vld [tilespmem:s13+$0xFFFFFFF0]  }
0x474: {  	v11 =	vld.idx.msk [tilespmem:v32+s22+$0x0], $0xffff;
	v1 =	vmul.f32 v23, v1;
	v3 =	vadd.f32 v24, v9  }
0x475: {  	v29 =	vshll.u32 v24, $0x10;
	v6 =	vld.idx.msk [tilespmem:v34+s22+$0x0], $0xffff  }
0x476: {  	v1 =	vadd.f32 v29, v1;
	v5 =	vmul.f32 v3, v5;
	v3 =	vld [tilespmem:s13+$0xFFFFFFE0]  }
0x477: {  	v12 =	vld.idx.msk [tilespmem:v33+s22+$0x0], $0xffff  }
0x478: {  	v9 =	vld.idx.msk [tilespmem:v38+s22+$0x0], $0xffff;
	v1 =	vadd.f32 v5, v1  }
0x479: {  	s15 =	simm.s32 $0x19020;
	v39 =	vand.u32 $0xFFFF, v4;
	v13 =	vld.idx.msk [tilespmem:v37+s22+$0x0], $0xffff;
	v5 =	vmul.f32 v36, v11  }
0x47a: {  	v10 =	vshll.u32 v36, $0x10;
	v14 =	vmul.f32 v35, v6;
	[tilespmem:s15+$0x10] =	vst v1;
	v1 =	vld [tilespmem:s11+$0x0]  }
0x47b: {  	s19 =	simm.s32 $0x60;
	v16 =	vmul.f32 v10, v11;
	v11 =	vshll.u32 v35, $0x10;
	v15 =	vld.idx.msk [tilespmem:v7+s23+$0x0], $0xffff;
	v17 =	vadd.f32 v3, v5  }
0x47c: {  	v25 =	vld [tilespmem:s19+$0xFFFFFFF0];
	v14 =	vadd.f32 v2, v14;
	v18 =	vmul.f32 v11, v6;
	v4 =	vshll.u32 v3, $0x10  }
0x47d: {  	v6 =	vshll.u32 v2, $0x10;
	v5 =	vld [tilespmem:s13+$0x0];
	v16 =	vadd.f32 v4, v16;
	v9 =	vmul.f32 v17, v9  }
0x47e: {  	v13 =	vmul.f32 v14, v13;
	v14 =	vld.idx.msk [tilespmem:v39+s22+$0x0], $0xffff;
	v17 =	vadd.f32 v6, v18  }
0x47f: {  	v19 =	vld.idx.msk [tilespmem:v8+s23+$0x0], $0xffff;
	v9 =	vadd.f32 v9, v16  }
0x480: {  	v26 =	vld [tilespmem:s19+$0x0];
	v18 =	vmul.f32 v1, v12;
	v17 =	vadd.f32 v13, v17;
	v16 =	vmul.f32 v21, v15  }
0x481: {  	v27 =	vld [tilespmem:s19+$0xFFFFFFE0];
	[tilespmem:s15+$0xFFFFFFE0] =	vst v9;
	v9 =	vmul.f32 v23, v15  }
0x482: {  	v13 =	vshll.u32 v1, $0x10;
	[tilespmem:s15+$0xFFFFFFF0] =	vst v17;
	v15 =	vadd.f32 v24, v16;
	v16 =	vadd.f32 v5, v18;
	v22 =	vld.idx.msk [tilespmem:v32+s23+$0x0], $0xffff  }
0x483: {  	v12 =	vmul.f32 v13, v12;
	v18 =	vshll.u32 v5, $0x10;
	v17 =	vld.idx.msk [tilespmem:v34+s23+$0x0], $0xffff  }
0x484: {  	v9 =	vadd.f32 v29, v9;
	v15 =	vmul.f32 v15, v19;
	v14 =	vmul.f32 v16, v14;
	v16 =	vld [tilespmem:s19+$0x10]  }
0x485: {  	v31 =	vld.idx.msk [tilespmem:v38+s23+$0x0], $0xffff;
	v12 =	vadd.f32 v18, v12  }
0x486: {  	s6 =	simm.s32 $0x4060;
	v40 =	vld.idx.msk [tilespmem:v37+s23+$0x0], $0xffff;
	v9 =	vadd.f32 v15, v9  }
0x487: {  	s1 =	simm.s32 $0x1B020;
	s10 =	simm.s32 $0x2060;
	v19 =	vld [tilespmem:s6+$0x10];
	v12 =	vadd.f32 v14, v12  }
0x488: {  	v14 =	vld [tilespmem:s10+$0x10];
	[tilespmem:s1+$0x10] =	vst v9  }
0x489: {  	[tilespmem:s15+$0x0] =	vst v12;
	v9 =	vmul.f32 v36, v22;
	v30 =	vld.idx.msk [tilespmem:v7+s24+$0x0], $0xffff;
	v20 =	vshrl.u32 v16, $0x10  }
0x48a: {  	v58 =	vmul.f32 v35, v17;
	v12 =	vshrl.u32 v26, $0x10;
	v28 =	vld.idx.msk [tilespmem:v33+s23+$0x0], $0xffff  }
0x48b: {  	v7 =	vshrl.u32 v25, $0x10;
	v41 =	vld.idx.msk [tilespmem:v8+s24+$0x0], $0xffff;
	v8 =	vand.u32 $0xFFFF, v25;
	v25 =	vadd.f32 v3, v9  }
0x48c: {  	v15 =	vand.u32 $0xFFFF, v16;
	v42 =	vld.idx.msk [tilespmem:v39+s23+$0x0], $0xffff  }
0x48d: {  	v9 =	vand.u32 $0xFFFF, v26;
	v26 =	vadd.f32 v2, v58;
	v31 =	vmul.f32 v25, v31;
	v25 =	vld [tilespmem:s10+$0xFFFFFFE0]  }
0x48e: {  	v16 =	vshrl.u32 v27, $0x10;
	v57 =	vld.idx.msk [tilespmem:v20+s22+$0x0], $0xffff  }
0x48f: {  	v40 =	vmul.f32 v26, v40;
	v26 =	vld [tilespmem:s10+$0xFFFFFFF0]  }
0x490: {  	v59 =	vmul.f32 v11, v17;
	v22 =	vmul.f32 v10, v22;
	v49 =	vld.idx.msk [tilespmem:v12+s22+$0x0], $0xffff  }
0x491: {  	v17 =	vand.u32 $0xFFFF, v27;
	v44 =	vld.idx.msk [tilespmem:v7+s22+$0x0], $0xffff  }
0x492: {  	v46 =	vadd.f32 v6, v59;
	v61 =	vadd.f32 v4, v22;
	v60 =	vld.idx.msk [tilespmem:v15+s22+$0x0], $0xffff;
	v62 =	vmul.f32 v21, v30  }
0x493: {  	v22 =	vshll.u32 v19, $0x10;
	v45 =	vld.idx.msk [tilespmem:v16+s22+$0x0], $0xffff;
	v63 =	vmul.f32 v13, v28;
	v27 =	vmul.f32 v19, v57  }
0x494: {  	v21 =	vld [tilespmem:s6+$0xFFFFFFE0];
	v30 =	vmul.f32 v23, v30;
	v40 =	vadd.f32 v40, v46;
	v24 =	vadd.f32 v24, v62  }
0x495: {  	v56 =	vmul.f32 v1, v28;
	v28 =	vld [tilespmem:s6+$0xFFFFFFF0];
	v43 =	vmul.f32 v22, v57;
	v53 =	vadd.f32 v14, v27  }
0x496: {  	v23 =	vshll.u32 v14, $0x10;
	v29 =	vadd.f32 v29, v30;
	[tilespmem:s1+$0xFFFFFFF0] =	vst v40;
	v30 =	vmul.f32 v24, v41;
	v24 =	vld [tilespmem:s10+$0x0]  }
0x497: {  	v41 =	vld.idx.msk [tilespmem:v34+s24+$0x0], $0xffff;
	v43 =	vadd.f32 v23, v43;
	v47 =	vmul.f32 v53, v60  }
0x498: {  	v58 =	vadd.f32 v5, v56;
	v57 =	vadd.f32 v18, v63;
	v63 =	vld.idx.msk [tilespmem:v9+s22+$0x0], $0xffff  }
0x499: {  	v31 =	vadd.f32 v31, v61;
	v27 =	vld [tilespmem:s6+$0x0];
	v59 =	vadd.f32 v47, v43  }
0x49a: {  	s13 =	simm.s32 $0x19060;
	v42 =	vmul.f32 v58, v42;
	v34 =	vshll.u32 v26, $0x10;
	v61 =	vmul.f32 v21, v45;
	v60 =	vld.idx.msk [tilespmem:v17+s22+$0x0], $0xffff  }
0x49b: {  	v62 =	vmul.f32 v28, v44;
	v46 =	vadd.f32 v30, v29;
	v29 =	vshll.u32 v21, $0x10;
	v47 =	vld.idx.msk [tilespmem:v8+s22+$0x0], $0xffff;
	[tilespmem:s13+$0x10] =	vst v59  }
0x49c: {  	[tilespmem:s1+$0xFFFFFFE0] =	vst v31;
	v30 =	vshll.u32 v28, $0x10;
	v45 =	vmul.f32 v29, v45;
	v50 =	vadd.f32 v42, v57;
	v48 =	vld.idx.msk [tilespmem:v20+s23+$0x0], $0xffff  }
0x49d: {  	v44 =	vmul.f32 v30, v44;
	v58 =	vadd.f32 v25, v61;
	v42 =	vld.idx.msk [tilespmem:v32+s24+$0x0], $0xffff;
	v32 =	vshll.u32 v25, $0x10  }
0x49e: {  	v51 =	vadd.f32 v26, v62;
	[tilespmem:s1+$0x0] =	vst v50;
	v31 =	vshll.u32 v27, $0x10;
	v57 =	vmul.f32 v27, v49  }
0x49f: {  	v45 =	vadd.f32 v32, v45;
	v40 =	vld.idx.msk [tilespmem:v33+s24+$0x0], $0xffff;
	v49 =	vmul.f32 v31, v49;
	v43 =	vmul.f32 v58, v60  }
0x4a0: {  	s7 =	simm.s32 $0x1D020;
	v59 =	vld.idx.msk [tilespmem:v15+s23+$0x0], $0xffff;
	v60 =	vadd.f32 v34, v44;
	v54 =	vadd.f32 v24, v57;
	v47 =	vmul.f32 v51, v47  }
0x4a1: {  	[tilespmem:s7+$0x10] =	vst v46;
	v33 =	vshll.u32 v24, $0x10;
	v44 =	vld.idx.msk [tilespmem:v38+s24+$0x0], $0xffff;
	v45 =	vadd.f32 v43, v45;
	v61 =	vmul.f32 v19, v48  }
0x4a2: {  	v49 =	vadd.f32 v33, v49;
	v62 =	vmul.f32 v54, v63;
	v43 =	vld.idx.msk [tilespmem:v37+s24+$0x0], $0xffff;
	v47 =	vadd.f32 v47, v60  }
0x4a3: {  	v37 =	vld.idx.msk [tilespmem:v39+s24+$0x0], $0xffff;
	[tilespmem:s13+$0xFFFFFFE0] =	vst v45;
	v63 =	vmul.f32 v22, v48;
	v46 =	vadd.f32 v14, v61  }
0x4a4: {  	v39 =	vmul.f32 v36, v42;
	v38 =	vld.idx.msk [tilespmem:v16+s23+$0x0], $0xffff;
	[tilespmem:s13+$0xFFFFFFF0] =	vst v47;
	v47 =	vadd.f32 v62, v49  }
0x4a5: {  	s11 =	simm.s32 $0x1D020;
	s19 =	simm.s32 $0xA0;
	s15 =	simm.s32 $0x4;
	v35 =	vmul.f32 v35, v41;
	v36 =	vld.idx.msk [tilespmem:v7+s23+$0x0], $0xffff;
	v45 =	vadd.f32 v23, v63;
	v46 =	vmul.f32 v46, v59  }
.LBB2_11:
0x4a6: {  	v48 =	vld [tilespmem:s19+$0x10];
	s15 =	sadd.s32 $0x4, s15;
	[tilespmem:s13+$0x0] =	vst v47;
	v10 =	vmul.f32 v10, v42;
	v3 =	vadd.f32 v3, v39;
	v47 =	vmul.f32 v1, v40  }
0x4a7: {  	v11 =	vmul.f32 v11, v41;
	v39 =	vld [tilespmem:s19+$0xFFFFFFF0];
	p0 =	slt.u32 s15, $0x1FC;
	v42 =	vadd.f32 v46, v45;
	v2 =	vadd.f32 v2, v35;
	v35 =	vmovc v28  }
0x4a8: {  	s1 =	sadd.s32 $0x40, s1;
	v1 =	vmovc v27;
	v46 =	vmul.f32 v13, v40;
	v28 =	vld [tilespmem:s19+$0x0];
	v41 =	vmul.f32 v3, v44;
	v40 =	vadd.f32 v5, v47  }
0x4a9: {  	v27 =	vadd.f32 v4, v10;
	v13 =	vld [tilespmem:s19+$0xFFFFFFE0];
	[tilespmem:s1+$0x10] =	vst v42;
	v42 =	vadd.f32 v6, v11;
	v43 =	vmul.f32 v2, v43  }
0x4aa: {  	v4 =	vmul.f32 v29, v38;
	v50 =	vmul.f32 v21, v38;
	v18 =	vadd.f32 v18, v46;
	v44 =	vld.idx.msk [tilespmem:v20+s24+$0x0], $0xffff  }
0x4ab: {  	v6 =	vmul.f32 v30, v36;
	v49 =	vmul.f32 v35, v36;
	v3 =	vmovc v25;
	v20 =	vshrl.u32 v48, $0x10;
	v45 =	vld.idx.msk [tilespmem:v12+s23+$0x0], $0xffff  }
0x4ac: {  	v10 =	vmovc v29;
	v2 =	vmovc v26;
	v46 =	vshrl.u32 v39, $0x10;
	v36 =	vand.u32 $0xFFFF, v39;
	v25 =	vld.idx.msk [tilespmem:v17+s23+$0x0], $0xffff;
	v39 =	vadd.f32 v3, v50  }
0x4ad: {  	v5 =	vmovc v24;
	v11 =	vmovc v30;
	v47 =	vshrl.u32 v28, $0x10;
	v38 =	vand.u32 $0xFFFF, v28;
	v26 =	vld.idx.msk [tilespmem:v8+s23+$0x0], $0xffff;
	v28 =	vadd.f32 v2, v49  }
0x4ae: {  	v24 =	vadd.f32 v32, v4;
	v4 =	vmovc v32;
	v49 =	vshrl.u32 v13, $0x10;
	v50 =	vand.u32 $0xFFFF, v13;
	v29 =	vld.idx.msk [tilespmem:v15+s24+$0x0], $0xffff;
	v13 =	vmovc v31  }
0x4af: {  	v30 =	vadd.f32 v34, v6;
	v32 =	vmul.f32 v40, v37;
	v15 =	vand.u32 $0xFFFF, v48;
	v6 =	vmovc v34;
	v31 =	vld.idx.msk [tilespmem:v9+s23+$0x0], $0xffff  }
0x4b0: {  	s6 =	sadd.s32 $0x40, s6;
	v27 =	vadd.f32 v41, v27;
	v40 =	vadd.f32 v43, v42;
	v37 =	vmul.f32 v19, v44;
	v34 =	vld.idx.msk [tilespmem:v20+s22+$0x0], $0xffff  }
0x4b1: {  	v32 =	vadd.f32 v32, v18;
	v18 =	vmovc v33;
	v41 =	vmul.f32 v13, v45;
	v42 =	vmul.f32 v1, v45;
	v19 =	vld [tilespmem:s6+$0x10]  }
0x4b2: {  	s10 =	sadd.s32 $0x40, s10;
	v22 =	vmul.f32 v22, v44;
	v25 =	vmul.f32 v39, v25;
	v37 =	vadd.f32 v14, v37;
	v33 =	vld.idx.msk [tilespmem:v46+s22+$0x0], $0xffff  }
0x4b3: {  	v26 =	vmul.f32 v28, v26;
	v28 =	vadd.f32 v18, v41;
	v39 =	vadd.f32 v5, v42;
	v14 =	vld [tilespmem:s10+$0x10];
	[tilespmem:s7+$0xFFFFFFE0] =	vst v27  }
0x4b4: {  	v22 =	vadd.f32 v23, v22;
	v24 =	vadd.f32 v25, v24;
	v23 =	vmul.f32 v37, v29;
	v41 =	vld.idx.msk [tilespmem:v15+s22+$0x0], $0xffff  }
0x4b5: {  	v25 =	vadd.f32 v26, v30;
	v26 =	vmul.f32 v39, v31;
	v37 =	vld.idx.msk [tilespmem:v49+s22+$0x0], $0xffff;
	[tilespmem:s7+$0xFFFFFFF0] =	vst v40  }
0x4b6: {  	v23 =	vadd.f32 v23, v22;
	v39 =	vld.idx.msk [tilespmem:v47+s22+$0x0], $0xffff;
	v27 =	vmul.f32 v19, v34;
	[tilespmem:s1+$0xFFFFFFE0] =	vst v24  }
0x4b7: {  	s7 =	sadd.s32 $0x40, s7;
	v22 =	vshll.u32 v19, $0x10;
	v24 =	vadd.f32 v26, v28;
	v45 =	vld [tilespmem:s6+$0xFFFFFFE0];
	[tilespmem:s1+$0xFFFFFFF0] =	vst v25  }
0x4b8: {  	v26 =	vmul.f32 v22, v34;
	v28 =	vld [tilespmem:s6+$0xFFFFFFF0];
	v29 =	vadd.f32 v14, v27;
	[tilespmem:s7+$0x10] =	vst v23  }
0x4b9: {  	v23 =	vshll.u32 v14, $0x10;
	v27 =	vld [tilespmem:s6+$0x0];
	[tilespmem:s1+$0x0] =	vst v24  }
0x4ba: {  	v30 =	vadd.f32 v23, v26;
	v25 =	vld [tilespmem:s10+$0xFFFFFFE0];
	v31 =	vmul.f32 v29, v41;
	[tilespmem:s11+$0x0] =	vst v32;
	s11 =	smov.u32 s7  }
0x4bb: {  	v26 =	vld [tilespmem:s10+$0xFFFFFFF0]  }
0x4bc: {  	v29 =	vshll.u32 v45, $0x10;
	v34 =	vmul.f32 v45, v37;
	v24 =	vld [tilespmem:s10+$0x0];
	v32 =	vadd.f32 v31, v30  }
0x4bd: {  	s13 =	sadd.s32 $0x40, s13;
	v40 =	vld.idx.msk [tilespmem:v50+s22+$0x0], $0xffff;
	v37 =	vmul.f32 v29, v37;
	v30 =	vshll.u32 v28, $0x10;
	v41 =	vmul.f32 v28, v33  }
0x4be: {  	v43 =	vld.idx.msk [tilespmem:v36+s22+$0x0], $0xffff;
	v33 =	vmul.f32 v30, v33;
	v31 =	vshll.u32 v27, $0x10;
	v42 =	vmul.f32 v27, v39;
	[tilespmem:s13+$0x10] =	vst v32  }
0x4bf: {  	v32 =	vshll.u32 v25, $0x10;
	v44 =	vadd.f32 v25, v34;
	v39 =	vmul.f32 v31, v39;
	v48 =	vld.idx.msk [tilespmem:v20+s23+$0x0], $0xffff  }
0x4c0: {  	v37 =	vadd.f32 v32, v37;
	v34 =	vshll.u32 v26, $0x10;
	v51 =	vadd.f32 v26, v41;
	v52 =	vld.idx.msk [tilespmem:v38+s22+$0x0], $0xffff  }
0x4c1: {  	v53 =	vadd.f32 v34, v33;
	v33 =	vshll.u32 v24, $0x10;
	v54 =	vadd.f32 v24, v42;
	v42 =	vld.idx.msk [tilespmem:v16+s24+$0x0], $0xffff;
	v16 =	vmovc v49  }
0x4c2: {  	v39 =	vadd.f32 v33, v39;
	v41 =	vld.idx.msk [tilespmem:v7+s24+$0x0], $0xffff;
	v7 =	vmov v46  }
0x4c3: {  	v44 =	vmul.f32 v44, v40;
	v46 =	vld.idx.msk [tilespmem:v15+s23+$0x0], $0xffff  }
0x4c4: {  	v43 =	vmul.f32 v51, v43;
	v40 =	vld.idx.msk [tilespmem:v12+s24+$0x0], $0xffff;
	v12 =	vmov v47  }
.Ltmp4:
0x4c5: {  	v37 =	vadd.f32 v44, v37;
	v47 =	vmul.f32 v19, v48;
	v44 =	vld.idx.msk [tilespmem:v17+s24+$0x0], $0xffff;
	v17 =	vmov v50;
	(pc) =	sbr.rel @p0 .LBB2_11-.Ltmp4, $4  }
0x4c6: {  	v49 =	vadd.f32 v43, v53;
	v50 =	vmul.f32 v54, v52;
	v43 =	vld.idx.msk [tilespmem:v8+s24+$0x0], $0xffff;
	v8 =	vmov v36  }
0x4c7: {  	v48 =	vmul.f32 v22, v48;
	v51 =	vadd.f32 v14, v47;
	[tilespmem:s13+$0xFFFFFFE0] =	vst v37;
	v37 =	vld.idx.msk [tilespmem:v9+s24+$0x0], $0xffff;
	v9 =	vmov v38  }
0x4c8: {  	v47 =	vadd.f32 v50, v39;
	v39 =	vmul.f32 v21, v42;
	v21 =	vmov v45;
	v38 =	vld.idx.msk [tilespmem:v16+s23+$0x0], $0xffff;
	[tilespmem:s13+$0xFFFFFFF0] =	vst v49  }
0x4c9: {  	s19 =	sadd.s32 $0x40, s19;
	v45 =	vadd.f32 v23, v48;
	v35 =	vmul.f32 v35, v41;
	v46 =	vmul.f32 v51, v46;
	v36 =	vld.idx.msk [tilespmem:v7+s23+$0x0], $0xffff  }
0x4ca: {  	_ =	sdelay $0x2  }
0x4cb: {  	[tilespmem:s13+$0x0] =	vst v47  }
0x4cc: {  	v47 =	vld.idx.msk [tilespmem:v12+s23+$0x0], $0xffff;
	_ =	sdelay $0x1  }
0x4cd: {  	v48 =	vld.idx.msk [tilespmem:v17+s23+$0x0], $0xffff  }
0x4ce: {  	v50 =	vld.idx.msk [tilespmem:v8+s23+$0x0], $0xffff;
	v10 =	vmul.f32 v10, v42;
	v49 =	vmul.f32 v21, v38  }
0x4cf: {  	v52 =	vld.idx.msk [tilespmem:v9+s23+$0x0], $0xffff;
	v63 =	vmul.f32 v29, v38;
	v51 =	vmul.f32 v28, v36  }
0x4d0: {  	v45 =	vadd.f32 v46, v45;
	v49 =	vadd.f32 v25, v49;
	v57 =	vmul.f32 v27, v47  }
0x4d1: {  	s0 =	sadd.s32 $0x40, s1;
	v58 =	vmul.f32 v30, v36;
	v38 =	vadd.f32 v32, v63;
	v59 =	vadd.f32 v26, v51  }
0x4d2: {  	[tilespmem:s0+$0x10] =	vst v45;
	v60 =	vmul.f32 v31, v47;
	v56 =	vmul.f32 v49, v48;
	v61 =	vadd.f32 v24, v57  }
0x4d3: {  	v3 =	vadd.f32 v3, v39;
	v20 =	vld.idx.msk [tilespmem:v20+s24+$0x0], $0xffff;
	v36 =	vadd.f32 v34, v58;
	v62 =	vmul.f32 v59, v50  }
0x4d4: {  	v45 =	vadd.f32 v33, v60;
	v38 =	vadd.f32 v56, v38;
	v63 =	vmul.f32 v61, v52  }
0x4d5: {  	v1 =	vmul.f32 v1, v40;
	v11 =	vmul.f32 v11, v41;
	v36 =	vadd.f32 v62, v36  }
0x4d6: {  	v13 =	vmul.f32 v13, v40;
	v15 =	vld.idx.msk [tilespmem:v15+s24+$0x0], $0xffff;
	[tilespmem:s0+$0xFFFFFFE0] =	vst v38;
	v48 =	vadd.f32 v63, v45  }
0x4d7: {  	v2 =	vadd.f32 v2, v35;
	v3 =	vmul.f32 v3, v44;
	v16 =	vld.idx.msk [tilespmem:v16+s24+$0x0], $0xffff;
	[tilespmem:s0+$0xFFFFFFF0] =	vst v36  }
0x4d8: {  	v1 =	vadd.f32 v5, v1;
	v49 =	vmul.f32 v19, v20;
	v7 =	vld.idx.msk [tilespmem:v7+s24+$0x0], $0xffff;
	[tilespmem:s0+$0x0] =	vst v48  }
0x4d9: {  	v4 =	vadd.f32 v4, v10;
	v6 =	vadd.f32 v6, v11;
	v2 =	vmul.f32 v2, v43;
	v50 =	vld.idx.msk [tilespmem:v12+s24+$0x0], $0xffff  }
0x4da: {  	v13 =	vadd.f32 v18, v13;
	v51 =	vmul.f32 v22, v20;
	v5 =	vadd.f32 v14, v49  }
0x4db: {  	v1 =	vmul.f32 v1, v37;
	v3 =	vadd.f32 v3, v4;
	v2 =	vadd.f32 v2, v6;
	v52 =	vld.idx.msk [tilespmem:v17+s24+$0x0], $0xffff  }
0x4dc: {  	v54 =	vadd.f32 v23, v51;
	v5 =	vmul.f32 v5, v15;
	v55 =	vld.idx.msk [tilespmem:v8+s24+$0x0], $0xffff;
	v53 =	vmul.f32 v21, v16  }
0x4dd: {  	v1 =	vadd.f32 v1, v13;
	v56 =	vld.idx.msk [tilespmem:v9+s24+$0x0], $0xffff;
	v59 =	vmul.f32 v29, v16;
	v57 =	vmul.f32 v28, v7  }
0x4de: {  	v4 =	vadd.f32 v5, v54;
	v58 =	vadd.f32 v25, v53;
	v60 =	vmul.f32 v27, v50  }
0x4df: {  	v7 =	vmul.f32 v30, v7;
	v5 =	vadd.f32 v32, v59;
	v9 =	vadd.f32 v26, v57  }
0x4e0: {  	[tilespmem:s7+$0xFFFFFFE0] =	vst v3;
	v3 =	vmul.f32 v31, v50;
	v11 =	vmul.f32 v58, v52;
	v61 =	vadd.f32 v24, v60  }
0x4e1: {  	[tilespmem:s7+$0xFFFFFFF0] =	vst v2;
	v2 =	vadd.f32 v34, v7;
	v62 =	vmul.f32 v9, v55  }
0x4e2: {  	s15 =	sadd.s32 $0x40, s7;
	s19 =	sadd.s32 $0x3, s3;
	[tilespmem:s11+$0x0] =	vst v1;
	v3 =	vadd.f32 v33, v3;
	v5 =	vadd.f32 v11, v5;
	v63 =	vmul.f32 v61, v56  }
0x4e3: {  	s2 =	sadd.s32 s17, s19;
	s1 =	sshll.u32 s19, $0x4;
	[tilespmem:s15+$0x10] =	vst v4;
	v1 =	vadd.f32 v62, v2  }
0x4e4: {  	s4 =	sshll.u32 s2, $0xA;
	s1 =	sand.u32 $0x70, s1;
	[tilespmem:s15+$0xFFFFFFE0] =	vst v5;
	v2 =	vadd.f32 v63, v3  }
0x4e5: {  	s6 =	sadd.s32 $0x1, s2;
	s4 =	sand.u32 $0x3FE000, s4;
	s1 =	sadd.s32 s8, s1;
	[tilespmem:s15+$0xFFFFFFF0] =	vst v1  }
0x4e6: {  	s1 =	sadd.s32 s4, s1;
	s4 =	simm.s32 $0x19000;
	s7 =	sshll.u32 s6, $0x4;
	[tilespmem:s15+$0x0] =	vst v2  }
0x4e7: {  	[hbm4b:s1+s26] =	stream.strided.scatter [tilespmem:s4], [sflag:$0x4], $0x2000, s28, s26, $0x38;
	[tilespmem:$0x1F000] =	vst v63  }
0x4e8: {  	s0 =	sshll.u32 s6, $0xA;
	s1 =	sand.u32 $0x60, s7  }
0x4e9: {  	s11 =	sadd.s32 $0x2, s2;
	s0 =	sand.u32 $0xFFFE000, s0;
	s1 =	sadd.s32 s8, s1  }
0x4ea: {  	s10 =	simm.s32 $0x1B000;
	s13 =	sshll.u32 s11, $0x4;
	s0 =	sadd.s32 s0, s1  }
0x4eb: {  	[hbm4b:s0+s26] =	stream.strided.scatter [tilespmem:s10], [sflag:$0x4], $0x2000, s28, s26, $0x38;
	[tilespmem:$0x1F000] =	vst v63  }
0x4ec: {  	s1 =	sand.u32 $0x70, s13;
	s0 =	sshll.u32 s11, $0xA  }
0x4ed: {  	s1 =	sadd.s32 s8, s1;
	s0 =	sand.u32 $0xFFFE000, s0  }
0x4ee: {  	s15 =	simm.s32 $0x1D000;
	s0 =	sadd.s32 s0, s1  }
0x4ef: {  	[hbm4b:s0+s26] =	stream.strided.scatter [tilespmem:s15], [sflag:$0x4], $0x2000, s28, s26, $0x38;
	[tilespmem:$0x1F000] =	vst v63  }
0x4f0: {  	s0 =	sadd.s32 s3, s12  }
0x4f1: {  	s1 =	smov.u32 s25;
	p0 =	slt.s32 s0, s25  }
0x4f2: {  	s1 =	smov.u32 @p0 s0  }
0x4f3: {  	s19 =	sshll.u32 s1, $0x4  }
0x4f4: {  	s1 =	sshll.u32 s1, $0xA;
	s2 =	sand.u32 $0x70, s19  }
0x4f5: {  	s1 =	sand.u32 $0xFFFE000, s1;
	s2 =	sadd.s32 s5, s2  }
0x4f6: {  	s1 =	sadd.s32 s1, s2  }
0x4f7: {  	[tilespmem:s22], [sflag:$0x2] =	stream.strided.gather [hbm4b:s1+s26], $0x2000, s28, s26, $0x38;
	[tilespmem:$0x1F000] =	vst v63  }
0x4f8: {  	s1 =	sadd.s32 $0x1, s0  }
0x4f9: {  	s2 =	smov.u32 s25;
	p0 =	slt.s32 s1, s25  }
0x4fa: {  	s2 =	smov.u32 @p0 s1  }
0x4fb: {  	s1 =	sshll.u32 s2, $0x4  }
0x4fc: {  	s2 =	sshll.u32 s2, $0xA;
	s1 =	sand.u32 $0x70, s1  }
0x4fd: {  	s2 =	sand.u32 $0xFFFE000, s2;
	s1 =	sadd.s32 s5, s1  }
0x4fe: {  	s0 =	sadd.s32 $0x2, s0;
	s1 =	sadd.s32 s2, s1  }
0x4ff: {  	[tilespmem:s23], [sflag:$0x2] =	stream.strided.gather [hbm4b:s1+s26], $0x2000, s28, s26, $0x38;
	[tilespmem:$0x1F000] =	vst v63  }
0x500: {  	s14 =	sadd.s32 $0x1, s14;
	p0 =	slt.s32 s0, s25;
	s1 =	smov.u32 s25  }
0x501: {  	s1 =	smov.u32 @p0 s0;
	p0 =	sne.s32 s14, $0xA  }
.Ltmp5:
0x502: {  	s0 =	sshll.u32 s1, $0x4;
	(pc) =	sbr.rel @p0 .LBB2_8-.Ltmp5, $4  }
0x503: {  	s1 =	sshll.u32 s1, $0xA;
	s0 =	sand.u32 $0x70, s0  }
0x504: {  	s1 =	sand.u32 $0xFFFE000, s1;
	s0 =	sadd.s32 s5, s0  }
0x505: {  	s0 =	sadd.s32 s1, s0  }
0x506: {  	[tilespmem:s24], [sflag:$0x2] =	stream.strided.gather [hbm4b:s0+s26], $0x2000, s28, s26, $0x38;
	[tilespmem:$0x1F000] =	vst v63  }
0x507: {  	s0 =	simm.s32 $0x3  }
0x508: {  	_ =	swait.ge [sflag:s0], $0x2000  }
0x509: {  	[sflag:s0] =	ssyncset.done $0x0  }
0x50a: {  	[sflag:s0] =	ssyncadd.s32 $0xFFFFE000  }
0x50b: {  	_ =	swait.ge [sflag:s0], $0x2000  }
0x50c: {  	[sflag:s0] =	ssyncset.done $0x0  }
0x50d: {  	[sflag:s0] =	ssyncadd.s32 $0xFFFFE000  }
0x50e: {  	_ =	swait.ge [sflag:s0], $0x2000  }
0x50f: {  	[sflag:s0] =	ssyncset.done $0x0  }
0x510: {  	[sflag:s0] =	ssyncadd.s32 $0xFFFFE000  }
0x511: {  	_ =	swait.ge [sflag:s31], $0x2000  }
0x512: {  	[sflag:s31] =	ssyncset.done $0x0  }
0x513: {  	[sflag:s31] =	ssyncadd.s32 $0xFFFFE000  }
0x514: {  	_ =	swait.ge [sflag:s31], $0x2000  }
0x515: {  	[sflag:s31] =	ssyncset.done $0x0  }
0x516: {  	[sflag:s31] =	ssyncadd.s32 $0xFFFFE000  }
0x517: {  	_ =	swait.ge [sflag:s31], $0x2000  }
0x518: {  	[sflag:s31] =	ssyncset.done $0x0  }
0x519: {  	s19 =	simm.s32 $0x20;
	[sflag:s31] =	ssyncadd.s32 $0xFFFFE000  }
0x51a: {  	v1 =	vld [tilespmem:s19+$0x10];
	_ =	sdelay $0x4  }
0x51b: {  	v7 =	vshrl.u32 v1, $0x10  }
0x51c: {  	v2 =	vld [tilespmem:s19+$0xFFFFFFF0]  }
0x51d: {  	v3 =	vld [tilespmem:s19+$0xFFFFFFE0]  }
0x51e: {  	s25 =	simm.s32 $0x4020;
	v4 =	vld [tilespmem:s19+$0x0]  }
0x51f: {  	v21 =	vld [tilespmem:s25+$0x10];
	v8 =	vand.u32 $0xFFFF, v1  }
0x520: {  	v1 =	vld.idx.msk [tilespmem:v7+s18+$0x0], $0xffff  }
0x521: {  	s1 =	simm.s32 $0x2020  }
0x522: {  	v24 =	vld [tilespmem:s1+$0x10];
	v32 =	vshrl.u32 v3, $0x10  }
0x523: {  	v36 =	vld [tilespmem:s25+$0xFFFFFFE0];
	v34 =	vshrl.u32 v2, $0x10  }
0x524: {  	v5 =	vld.idx.msk [tilespmem:v8+s18+$0x0], $0xffff  }
0x525: {  	v35 =	vld [tilespmem:s25+$0xFFFFFFF0];
	v33 =	vshrl.u32 v4, $0x10;
	v9 =	vmul.f32 v21, v1  }
0x526: {  	v23 =	vshll.u32 v21, $0x10;
	v38 =	vand.u32 $0xFFFF, v3;
	v37 =	vand.u32 $0xFFFF, v2;
	v2 =	vld [tilespmem:s1+$0xFFFFFFF0]  }
0x527: {  	v11 =	vld.idx.msk [tilespmem:v32+s18+$0x0], $0xffff;
	v1 =	vmul.f32 v23, v1;
	v3 =	vadd.f32 v24, v9  }
0x528: {  	v29 =	vshll.u32 v24, $0x10;
	v6 =	vld.idx.msk [tilespmem:v34+s18+$0x0], $0xffff  }
0x529: {  	v1 =	vadd.f32 v29, v1;
	v5 =	vmul.f32 v3, v5;
	v3 =	vld [tilespmem:s1+$0xFFFFFFE0]  }
0x52a: {  	v12 =	vld.idx.msk [tilespmem:v33+s18+$0x0], $0xffff  }
0x52b: {  	v9 =	vld.idx.msk [tilespmem:v38+s18+$0x0], $0xffff;
	v1 =	vadd.f32 v5, v1  }
0x52c: {  	s2 =	simm.s32 $0x13020;
	v39 =	vand.u32 $0xFFFF, v4;
	v13 =	vld.idx.msk [tilespmem:v37+s18+$0x0], $0xffff;
	v5 =	vmul.f32 v36, v11  }
0x52d: {  	v10 =	vshll.u32 v36, $0x10;
	v14 =	vmul.f32 v35, v6;
	[tilespmem:s2+$0x10] =	vst v1;
	v1 =	vld [tilespmem:s25+$0x0]  }
0x52e: {  	s31 =	simm.s32 $0x60;
	v16 =	vmul.f32 v10, v11;
	v11 =	vshll.u32 v35, $0x10;
	v15 =	vld.idx.msk [tilespmem:v7+s20+$0x0], $0xffff;
	v17 =	vadd.f32 v3, v5  }
0x52f: {  	v25 =	vld [tilespmem:s31+$0xFFFFFFF0];
	v14 =	vadd.f32 v2, v14;
	v18 =	vmul.f32 v11, v6;
	v4 =	vshll.u32 v3, $0x10  }
0x530: {  	v6 =	vshll.u32 v2, $0x10;
	v5 =	vld [tilespmem:s1+$0x0];
	v16 =	vadd.f32 v4, v16;
	v9 =	vmul.f32 v17, v9  }
0x531: {  	v13 =	vmul.f32 v14, v13;
	v14 =	vld.idx.msk [tilespmem:v39+s18+$0x0], $0xffff;
	v17 =	vadd.f32 v6, v18  }
0x532: {  	v19 =	vld.idx.msk [tilespmem:v8+s20+$0x0], $0xffff;
	v9 =	vadd.f32 v9, v16  }
0x533: {  	v26 =	vld [tilespmem:s31+$0x0];
	v18 =	vmul.f32 v1, v12;
	v17 =	vadd.f32 v13, v17;
	v16 =	vmul.f32 v21, v15  }
0x534: {  	v27 =	vld [tilespmem:s31+$0xFFFFFFE0];
	[tilespmem:s2+$0xFFFFFFE0] =	vst v9;
	v9 =	vmul.f32 v23, v15  }
0x535: {  	v13 =	vshll.u32 v1, $0x10;
	[tilespmem:s2+$0xFFFFFFF0] =	vst v17;
	v15 =	vadd.f32 v24, v16;
	v16 =	vadd.f32 v5, v18;
	v22 =	vld.idx.msk [tilespmem:v32+s20+$0x0], $0xffff  }
0x536: {  	v12 =	vmul.f32 v13, v12;
	v18 =	vshll.u32 v5, $0x10;
	v17 =	vld.idx.msk [tilespmem:v34+s20+$0x0], $0xffff  }
0x537: {  	v9 =	vadd.f32 v29, v9;
	v15 =	vmul.f32 v15, v19;
	v14 =	vmul.f32 v16, v14;
	v16 =	vld [tilespmem:s31+$0x10]  }
0x538: {  	v31 =	vld.idx.msk [tilespmem:v38+s20+$0x0], $0xffff;
	v12 =	vadd.f32 v18, v12  }
0x539: {  	s3 =	simm.s32 $0x4060;
	v40 =	vld.idx.msk [tilespmem:v37+s20+$0x0], $0xffff;
	v9 =	vadd.f32 v15, v9  }
0x53a: {  	s7 =	simm.s32 $0x2060;
	s1 =	simm.s32 $0x15020;
	v19 =	vld [tilespmem:s3+$0x10];
	v12 =	vadd.f32 v14, v12  }
0x53b: {  	v14 =	vld [tilespmem:s7+$0x10];
	[tilespmem:s1+$0x10] =	vst v9  }
0x53c: {  	[tilespmem:s2+$0x0] =	vst v12;
	v9 =	vmul.f32 v36, v22;
	v30 =	vld.idx.msk [tilespmem:v7+s21+$0x0], $0xffff;
	v20 =	vshrl.u32 v16, $0x10  }
0x53d: {  	v45 =	vmul.f32 v35, v17;
	v46 =	vmul.f32 v11, v17;
	v17 =	vand.u32 $0xFFFF, v27;
	v28 =	vld.idx.msk [tilespmem:v33+s20+$0x0], $0xffff  }
0x53e: {  	v7 =	vshrl.u32 v25, $0x10;
	v41 =	vld.idx.msk [tilespmem:v8+s21+$0x0], $0xffff;
	v8 =	vand.u32 $0xFFFF, v25;
	v25 =	vadd.f32 v3, v9  }
0x53f: {  	v12 =	vshrl.u32 v26, $0x10;
	v15 =	vand.u32 $0xFFFF, v16;
	v42 =	vld.idx.msk [tilespmem:v39+s20+$0x0], $0xffff  }
0x540: {  	v9 =	vand.u32 $0xFFFF, v26;
	v26 =	vadd.f32 v2, v45;
	v31 =	vmul.f32 v25, v31;
	v25 =	vld [tilespmem:s7+$0xFFFFFFE0]  }
0x541: {  	v43 =	vld.idx.msk [tilespmem:v20+s18+$0x0], $0xffff  }
0x542: {  	v16 =	vshrl.u32 v27, $0x10;
	v40 =	vmul.f32 v26, v40;
	v26 =	vld [tilespmem:s7+$0xFFFFFFF0]  }
0x543: {  	v60 =	vld.idx.msk [tilespmem:v17+s18+$0x0], $0xffff  }
0x544: {  	v22 =	vmul.f32 v10, v22;
	v49 =	vld.idx.msk [tilespmem:v12+s18+$0x0], $0xffff  }
0x545: {  	v46 =	vadd.f32 v6, v46;
	v47 =	vld.idx.msk [tilespmem:v15+s18+$0x0], $0xffff  }
0x546: {  	v48 =	vadd.f32 v4, v22;
	v44 =	vld.idx.msk [tilespmem:v7+s18+$0x0], $0xffff;
	v50 =	vmul.f32 v21, v30;
	v27 =	vmul.f32 v19, v43  }
0x547: {  	v22 =	vshll.u32 v19, $0x10;
	v56 =	vld.idx.msk [tilespmem:v16+s18+$0x0], $0xffff;
	v51 =	vmul.f32 v13, v28;
	v52 =	vmul.f32 v1, v28  }
0x548: {  	v21 =	vld [tilespmem:s3+$0xFFFFFFE0];
	v30 =	vmul.f32 v23, v30;
	v43 =	vmul.f32 v22, v43;
	v53 =	vadd.f32 v14, v27  }
0x549: {  	v28 =	vld [tilespmem:s3+$0xFFFFFFF0];
	v23 =	vshll.u32 v14, $0x10;
	v31 =	vadd.f32 v31, v48;
	v24 =	vadd.f32 v24, v50  }
0x54a: {  	v40 =	vadd.f32 v40, v46;
	v63 =	vld.idx.msk [tilespmem:v9+s18+$0x0], $0xffff;
	v43 =	vadd.f32 v23, v43;
	v47 =	vmul.f32 v53, v47  }
0x54b: {  	v58 =	vadd.f32 v5, v52;
	v29 =	vadd.f32 v29, v30;
	v30 =	vmul.f32 v24, v41;
	v24 =	vld [tilespmem:s7+$0x0]  }
0x54c: {  	v57 =	vadd.f32 v18, v51;
	[tilespmem:s1+$0xFFFFFFF0] =	vst v40;
	v27 =	vld [tilespmem:s3+$0x0];
	v59 =	vadd.f32 v47, v43  }
0x54d: {  	s11 =	simm.s32 $0x13060;
	v42 =	vmul.f32 v58, v42;
	v41 =	vld.idx.msk [tilespmem:v34+s21+$0x0], $0xffff;
	v34 =	vshll.u32 v26, $0x10;
	v61 =	vmul.f32 v21, v56  }
0x54e: {  	v62 =	vmul.f32 v28, v44;
	v46 =	vadd.f32 v30, v29;
	v29 =	vshll.u32 v21, $0x10;
	v47 =	vld.idx.msk [tilespmem:v8+s18+$0x0], $0xffff;
	[tilespmem:s11+$0x10] =	vst v59  }
0x54f: {  	[tilespmem:s1+$0xFFFFFFE0] =	vst v31;
	v30 =	vshll.u32 v28, $0x10;
	v50 =	vadd.f32 v42, v57;
	v45 =	vmul.f32 v29, v56;
	v48 =	vld.idx.msk [tilespmem:v20+s20+$0x0], $0xffff  }
0x550: {  	v42 =	vld.idx.msk [tilespmem:v32+s21+$0x0], $0xffff;
	v32 =	vshll.u32 v25, $0x10;
	v44 =	vmul.f32 v30, v44;
	v58 =	vadd.f32 v25, v61  }
0x551: {  	v51 =	vadd.f32 v26, v62;
	[tilespmem:s1+$0x0] =	vst v50;
	v45 =	vadd.f32 v32, v45;
	v57 =	vmul.f32 v27, v49  }
0x552: {  	v40 =	vld.idx.msk [tilespmem:v33+s21+$0x0], $0xffff;
	v43 =	vmul.f32 v58, v60;
	v60 =	vadd.f32 v34, v44;
	v31 =	vshll.u32 v27, $0x10  }
0x553: {  	s6 =	simm.s32 $0x17020;
	v49 =	vmul.f32 v31, v49;
	v59 =	vld.idx.msk [tilespmem:v15+s20+$0x0], $0xffff;
	v54 =	vadd.f32 v24, v57;
	v47 =	vmul.f32 v51, v47  }
0x554: {  	[tilespmem:s6+$0x10] =	vst v46;
	v33 =	vshll.u32 v24, $0x10;
	v44 =	vld.idx.msk [tilespmem:v38+s21+$0x0], $0xffff;
	v45 =	vadd.f32 v43, v45;
	v61 =	vmul.f32 v19, v48  }
0x555: {  	v43 =	vld.idx.msk [tilespmem:v37+s21+$0x0], $0xffff;
	v49 =	vadd.f32 v33, v49;
	v62 =	vmul.f32 v54, v63;
	v47 =	vadd.f32 v47, v60  }
0x556: {  	v37 =	vld.idx.msk [tilespmem:v39+s21+$0x0], $0xffff;
	[tilespmem:s11+$0xFFFFFFE0] =	vst v45;
	v63 =	vmul.f32 v22, v48;
	v46 =	vadd.f32 v14, v61  }
0x557: {  	v39 =	vmul.f32 v36, v42;
	v38 =	vld.idx.msk [tilespmem:v16+s20+$0x0], $0xffff;
	[tilespmem:s11+$0xFFFFFFF0] =	vst v47;
	v47 =	vadd.f32 v62, v49  }
0x558: {  	s13 =	simm.s32 $0x4;
	s14 =	simm.s32 $0xA0;
	s10 =	simm.s32 $0x17020;
	v35 =	vmul.f32 v35, v41;
	v36 =	vld.idx.msk [tilespmem:v7+s20+$0x0], $0xffff;
	v45 =	vadd.f32 v23, v63;
	v46 =	vmul.f32 v46, v59  }
.LBB2_14:
0x559: {  	v48 =	vld [tilespmem:s14+$0x10];
	s13 =	sadd.s32 $0x4, s13;
	[tilespmem:s11+$0x0] =	vst v47;
	v10 =	vmul.f32 v10, v42;
	v3 =	vadd.f32 v3, v39;
	v47 =	vmul.f32 v1, v40  }
0x55a: {  	v11 =	vmul.f32 v11, v41;
	v39 =	vld [tilespmem:s14+$0xFFFFFFF0];
	p0 =	slt.u32 s13, $0x1FC;
	v42 =	vadd.f32 v46, v45;
	v2 =	vadd.f32 v2, v35;
	v35 =	vmovc v28  }
0x55b: {  	s1 =	sadd.s32 $0x40, s1;
	v1 =	vmovc v27;
	v46 =	vmul.f32 v13, v40;
	v28 =	vld [tilespmem:s14+$0x0];
	v41 =	vmul.f32 v3, v44;
	v40 =	vadd.f32 v5, v47  }
0x55c: {  	v27 =	vadd.f32 v4, v10;
	v13 =	vld [tilespmem:s14+$0xFFFFFFE0];
	[tilespmem:s1+$0x10] =	vst v42;
	v42 =	vadd.f32 v6, v11;
	v43 =	vmul.f32 v2, v43  }
0x55d: {  	v4 =	vmul.f32 v29, v38;
	v50 =	vmul.f32 v21, v38;
	v18 =	vadd.f32 v18, v46;
	v44 =	vld.idx.msk [tilespmem:v20+s21+$0x0], $0xffff  }
0x55e: {  	v6 =	vmul.f32 v30, v36;
	v49 =	vmul.f32 v35, v36;
	v3 =	vmovc v25;
	v20 =	vshrl.u32 v48, $0x10;
	v45 =	vld.idx.msk [tilespmem:v12+s20+$0x0], $0xffff  }
0x55f: {  	v10 =	vmovc v29;
	v2 =	vmovc v26;
	v46 =	vshrl.u32 v39, $0x10;
	v36 =	vand.u32 $0xFFFF, v39;
	v25 =	vld.idx.msk [tilespmem:v17+s20+$0x0], $0xffff;
	v39 =	vadd.f32 v3, v50  }
0x560: {  	v5 =	vmovc v24;
	v11 =	vmovc v30;
	v47 =	vshrl.u32 v28, $0x10;
	v38 =	vand.u32 $0xFFFF, v28;
	v26 =	vld.idx.msk [tilespmem:v8+s20+$0x0], $0xffff;
	v28 =	vadd.f32 v2, v49  }
0x561: {  	v24 =	vadd.f32 v32, v4;
	v4 =	vmovc v32;
	v49 =	vshrl.u32 v13, $0x10;
	v50 =	vand.u32 $0xFFFF, v13;
	v29 =	vld.idx.msk [tilespmem:v15+s21+$0x0], $0xffff;
	v13 =	vmovc v31  }
0x562: {  	v30 =	vadd.f32 v34, v6;
	v32 =	vmul.f32 v40, v37;
	v15 =	vand.u32 $0xFFFF, v48;
	v6 =	vmovc v34;
	v31 =	vld.idx.msk [tilespmem:v9+s20+$0x0], $0xffff  }
0x563: {  	s3 =	sadd.s32 $0x40, s3;
	v27 =	vadd.f32 v41, v27;
	v40 =	vadd.f32 v43, v42;
	v37 =	vmul.f32 v19, v44;
	v34 =	vld.idx.msk [tilespmem:v20+s18+$0x0], $0xffff  }
0x564: {  	v32 =	vadd.f32 v32, v18;
	v18 =	vmovc v33;
	v41 =	vmul.f32 v13, v45;
	v42 =	vmul.f32 v1, v45;
	v19 =	vld [tilespmem:s3+$0x10]  }
0x565: {  	s7 =	sadd.s32 $0x40, s7;
	v22 =	vmul.f32 v22, v44;
	v25 =	vmul.f32 v39, v25;
	v37 =	vadd.f32 v14, v37;
	v33 =	vld.idx.msk [tilespmem:v46+s18+$0x0], $0xffff  }
0x566: {  	v26 =	vmul.f32 v28, v26;
	v28 =	vadd.f32 v18, v41;
	v39 =	vadd.f32 v5, v42;
	v14 =	vld [tilespmem:s7+$0x10];
	[tilespmem:s6+$0xFFFFFFE0] =	vst v27  }
0x567: {  	v22 =	vadd.f32 v23, v22;
	v24 =	vadd.f32 v25, v24;
	v23 =	vmul.f32 v37, v29;
	v41 =	vld.idx.msk [tilespmem:v15+s18+$0x0], $0xffff  }
0x568: {  	v25 =	vadd.f32 v26, v30;
	v26 =	vmul.f32 v39, v31;
	v37 =	vld.idx.msk [tilespmem:v49+s18+$0x0], $0xffff;
	[tilespmem:s6+$0xFFFFFFF0] =	vst v40  }
0x569: {  	v23 =	vadd.f32 v23, v22;
	v39 =	vld.idx.msk [tilespmem:v47+s18+$0x0], $0xffff;
	v27 =	vmul.f32 v19, v34;
	[tilespmem:s1+$0xFFFFFFE0] =	vst v24  }
0x56a: {  	s6 =	sadd.s32 $0x40, s6;
	v22 =	vshll.u32 v19, $0x10;
	v24 =	vadd.f32 v26, v28;
	v45 =	vld [tilespmem:s3+$0xFFFFFFE0];
	[tilespmem:s1+$0xFFFFFFF0] =	vst v25  }
0x56b: {  	v26 =	vmul.f32 v22, v34;
	v28 =	vld [tilespmem:s3+$0xFFFFFFF0];
	v29 =	vadd.f32 v14, v27;
	[tilespmem:s6+$0x10] =	vst v23  }
0x56c: {  	v23 =	vshll.u32 v14, $0x10;
	v27 =	vld [tilespmem:s3+$0x0];
	[tilespmem:s1+$0x0] =	vst v24  }
0x56d: {  	v30 =	vadd.f32 v23, v26;
	v25 =	vld [tilespmem:s7+$0xFFFFFFE0];
	v31 =	vmul.f32 v29, v41;
	[tilespmem:s10+$0x0] =	vst v32;
	s10 =	smov.u32 s6  }
0x56e: {  	v26 =	vld [tilespmem:s7+$0xFFFFFFF0]  }
0x56f: {  	v29 =	vshll.u32 v45, $0x10;
	v34 =	vmul.f32 v45, v37;
	v24 =	vld [tilespmem:s7+$0x0];
	v32 =	vadd.f32 v31, v30  }
0x570: {  	s11 =	sadd.s32 $0x40, s11;
	v40 =	vld.idx.msk [tilespmem:v50+s18+$0x0], $0xffff;
	v37 =	vmul.f32 v29, v37;
	v30 =	vshll.u32 v28, $0x10;
	v41 =	vmul.f32 v28, v33  }
0x571: {  	v43 =	vld.idx.msk [tilespmem:v36+s18+$0x0], $0xffff;
	v33 =	vmul.f32 v30, v33;
	v31 =	vshll.u32 v27, $0x10;
	v42 =	vmul.f32 v27, v39;
	[tilespmem:s11+$0x10] =	vst v32  }
0x572: {  	v32 =	vshll.u32 v25, $0x10;
	v44 =	vadd.f32 v25, v34;
	v39 =	vmul.f32 v31, v39;
	v48 =	vld.idx.msk [tilespmem:v20+s20+$0x0], $0xffff  }
0x573: {  	v37 =	vadd.f32 v32, v37;
	v34 =	vshll.u32 v26, $0x10;
	v51 =	vadd.f32 v26, v41;
	v52 =	vld.idx.msk [tilespmem:v38+s18+$0x0], $0xffff  }
0x574: {  	v53 =	vadd.f32 v34, v33;
	v33 =	vshll.u32 v24, $0x10;
	v54 =	vadd.f32 v24, v42;
	v42 =	vld.idx.msk [tilespmem:v16+s21+$0x0], $0xffff;
	v16 =	vmovc v49  }
0x575: {  	v39 =	vadd.f32 v33, v39;
	v41 =	vld.idx.msk [tilespmem:v7+s21+$0x0], $0xffff;
	v7 =	vmov v46  }
0x576: {  	v44 =	vmul.f32 v44, v40;
	v46 =	vld.idx.msk [tilespmem:v15+s20+$0x0], $0xffff  }
0x577: {  	v43 =	vmul.f32 v51, v43;
	v40 =	vld.idx.msk [tilespmem:v12+s21+$0x0], $0xffff;
	v12 =	vmov v47  }
.Ltmp6:
0x578: {  	v37 =	vadd.f32 v44, v37;
	v47 =	vmul.f32 v19, v48;
	v44 =	vld.idx.msk [tilespmem:v17+s21+$0x0], $0xffff;
	v17 =	vmov v50;
	(pc) =	sbr.rel @p0 .LBB2_14-.Ltmp6, $4  }
0x579: {  	v49 =	vadd.f32 v43, v53;
	v50 =	vmul.f32 v54, v52;
	v43 =	vld.idx.msk [tilespmem:v8+s21+$0x0], $0xffff;
	v8 =	vmov v36  }
0x57a: {  	v48 =	vmul.f32 v22, v48;
	v51 =	vadd.f32 v14, v47;
	[tilespmem:s11+$0xFFFFFFE0] =	vst v37;
	v37 =	vld.idx.msk [tilespmem:v9+s21+$0x0], $0xffff;
	v9 =	vmov v38  }
0x57b: {  	v47 =	vadd.f32 v50, v39;
	v39 =	vmul.f32 v21, v42;
	v21 =	vmov v45;
	v38 =	vld.idx.msk [tilespmem:v16+s20+$0x0], $0xffff;
	[tilespmem:s11+$0xFFFFFFF0] =	vst v49  }
0x57c: {  	s14 =	sadd.s32 $0x40, s14;
	v45 =	vadd.f32 v23, v48;
	v35 =	vmul.f32 v35, v41;
	v46 =	vmul.f32 v51, v46;
	v36 =	vld.idx.msk [tilespmem:v7+s20+$0x0], $0xffff  }
0x57d: {  	_ =	sdelay $0x2  }
0x57e: {  	[tilespmem:s11+$0x0] =	vst v47  }
0x57f: {  	v47 =	vld.idx.msk [tilespmem:v12+s20+$0x0], $0xffff;
	_ =	sdelay $0x1  }
0x580: {  	v48 =	vld.idx.msk [tilespmem:v17+s20+$0x0], $0xffff  }
0x581: {  	v50 =	vld.idx.msk [tilespmem:v8+s20+$0x0], $0xffff;
	v49 =	vmul.f32 v21, v38  }
0x582: {  	v52 =	vld.idx.msk [tilespmem:v9+s20+$0x0], $0xffff;
	v45 =	vadd.f32 v46, v45;
	v56 =	vmul.f32 v29, v38;
	v51 =	vmul.f32 v28, v36  }
0x583: {  	s0 =	sadd.s32 $0x40, s1;
	v10 =	vmul.f32 v10, v42;
	v49 =	vadd.f32 v25, v49;
	v58 =	vmul.f32 v27, v47  }
0x584: {  	[tilespmem:s0+$0x10] =	vst v45;
	v59 =	vmul.f32 v30, v36;
	v38 =	vadd.f32 v32, v56;
	v60 =	vadd.f32 v26, v51  }
0x585: {  	v20 =	vld.idx.msk [tilespmem:v20+s21+$0x0], $0xffff;
	v61 =	vmul.f32 v31, v47;
	v57 =	vmul.f32 v49, v48;
	v62 =	vadd.f32 v24, v58  }
0x586: {  	v3 =	vadd.f32 v3, v39;
	v36 =	vadd.f32 v34, v59;
	v63 =	vmul.f32 v60, v50  }
0x587: {  	v45 =	vadd.f32 v33, v61;
	v38 =	vadd.f32 v57, v38;
	v51 =	vmul.f32 v62, v52  }
0x588: {  	v1 =	vmul.f32 v1, v40;
	v11 =	vmul.f32 v11, v41;
	v36 =	vadd.f32 v63, v36  }
0x589: {  	v2 =	vadd.f32 v2, v35;
	v15 =	vld.idx.msk [tilespmem:v15+s21+$0x0], $0xffff;
	[tilespmem:s0+$0xFFFFFFE0] =	vst v38;
	v52 =	vadd.f32 v51, v45  }
0x58a: {  	v1 =	vadd.f32 v5, v1;
	v5 =	vmul.f32 v19, v20;
	v16 =	vld.idx.msk [tilespmem:v16+s21+$0x0], $0xffff;
	[tilespmem:s0+$0xFFFFFFF0] =	vst v36  }
0x58b: {  	v3 =	vmul.f32 v3, v44;
	v4 =	vadd.f32 v4, v10;
	v7 =	vld.idx.msk [tilespmem:v7+s21+$0x0], $0xffff;
	[tilespmem:s0+$0x0] =	vst v52  }
0x58c: {  	v6 =	vadd.f32 v6, v11;
	v11 =	vmul.f32 v22, v20;
	v5 =	vadd.f32 v14, v5;
	v10 =	vld.idx.msk [tilespmem:v12+s21+$0x0], $0xffff  }
0x58d: {  	v13 =	vmul.f32 v13, v40;
	v2 =	vmul.f32 v2, v43  }
0x58e: {  	v3 =	vadd.f32 v3, v4;
	v4 =	vadd.f32 v23, v11;
	v5 =	vmul.f32 v5, v15;
	v12 =	vld.idx.msk [tilespmem:v17+s21+$0x0], $0xffff  }
0x58f: {  	v13 =	vadd.f32 v18, v13;
	v2 =	vadd.f32 v2, v6;
	v8 =	vld.idx.msk [tilespmem:v8+s21+$0x0], $0xffff;
	v14 =	vmul.f32 v21, v16  }
0x590: {  	v6 =	vld.idx.msk [tilespmem:v9+s21+$0x0], $0xffff;
	v4 =	vadd.f32 v5, v4;
	v5 =	vmul.f32 v29, v16;
	v9 =	vmul.f32 v28, v7  }
0x591: {  	v1 =	vmul.f32 v1, v37;
	v11 =	vadd.f32 v25, v14;
	v14 =	vmul.f32 v27, v10  }
0x592: {  	v7 =	vmul.f32 v30, v7;
	v5 =	vadd.f32 v32, v5;
	v9 =	vadd.f32 v26, v9  }
0x593: {  	[tilespmem:s6+$0xFFFFFFE0] =	vst v3;
	v3 =	vmul.f32 v31, v10;
	v11 =	vmul.f32 v11, v12;
	v10 =	vadd.f32 v24, v14  }
0x594: {  	s9 =	sadd.s32 $0x40, s6;
	v1 =	vadd.f32 v1, v13;
	[tilespmem:s6+$0xFFFFFFF0] =	vst v2;
	v2 =	vadd.f32 v34, v7;
	v7 =	vmul.f32 v9, v8  }
0x595: {  	[tilespmem:s9+$0x10] =	vst v4;
	v3 =	vadd.f32 v33, v3;
	v5 =	vadd.f32 v11, v5;
	v4 =	vmul.f32 v10, v6  }
0x596: {  	[tilespmem:s10+$0x0] =	vst v1;
	v1 =	vadd.f32 v7, v2  }
0x597: {  	[tilespmem:s9+$0xFFFFFFE0] =	vst v5;
	v2 =	vadd.f32 v4, v3  }
0x598: {  	[tilespmem:s9+$0xFFFFFFF0] =	vst v1  }
0x599: {  	[tilespmem:s9+$0x0] =	vst v2  }
0x59a: {  	s0 =	sld [smem:$0x7F9];
	_ =	sdelay $0x1  }
0x59b: {  	s10 =	simm.s32 $0x13000;
	s11 =	sld [smem:$0x7FA]  }
0x59c: {  	[hbm4b:s0+s26] =	stream.strided.scatter [tilespmem:s10], [sflag:$0x3], $0x2000, s28, s26, $0x38;
	[tilespmem:$0x1F000] =	vst v63  }
0x59d: {  	s12 =	sld [smem:$0x7FB]  }
0x59e: {  	[hbm4b:s11+s26] =	stream.strided.scatter [tilespmem:s29], [sflag:$0x3], $0x2000, s28, s26, $0x38;
	[tilespmem:$0x1F000] =	vst v63  }
0x59f: {  	s13 =	simm.s32 $0x17000;
	s14 =	simm.s32 $0x4  }
0x5a0: {  	[hbm4b:s12+s26] =	stream.strided.scatter [tilespmem:s13], [sflag:$0x3], $0x2000, s28, s26, $0x38;
	[tilespmem:$0x1F000] =	vst v63  }
0x5a1: {  	_ =	swait.ge [sflag:s14], $0x2000  }
0x5a2: {  	[sflag:s14] =	ssyncset.done $0x0  }
0x5a3: {  	[sflag:s14] =	ssyncadd.s32 $0xFFFFE000  }
0x5a4: {  	_ =	swait.ge [sflag:s14], $0x2000  }
0x5a5: {  	[sflag:s14] =	ssyncset.done $0x0  }
0x5a6: {  	[sflag:s14] =	ssyncadd.s32 $0xFFFFE000  }
0x5a7: {  	_ =	swait.ge [sflag:s14], $0x2000  }
0x5a8: {  	[sflag:s14] =	ssyncset.done $0x0  }
0x5a9: {  	s15 =	simm.s32 $0x2;
	[sflag:s14] =	ssyncadd.s32 $0xFFFFE000  }
0x5aa: {  	_ =	swait.ge [sflag:s15], $0x2000  }
0x5ab: {  	[sflag:s15] =	ssyncset.done $0x0  }
0x5ac: {  	[sflag:s15] =	ssyncadd.s32 $0xFFFFE000  }
0x5ad: {  	_ =	swait.ge [sflag:s15], $0x2000  }
0x5ae: {  	[sflag:s15] =	ssyncset.done $0x0  }
0x5af: {  	[sflag:s15] =	ssyncadd.s32 $0xFFFFE000  }
0x5b0: {  	_ =	swait.ge [sflag:s15], $0x2000  }
0x5b1: {  	[sflag:s15] =	ssyncset.done $0x0  }
0x5b2: {  	s17 =	simm.s32 $0x20;
	[sflag:s15] =	ssyncadd.s32 $0xFFFFE000  }
0x5b3: {  	v1 =	vld [tilespmem:s17+$0x10]  }
0x5b4: {  	v2 =	vld [tilespmem:s17+$0xFFFFFFF0]  }
0x5b5: {  	v3 =	vld [tilespmem:s17+$0xFFFFFFE0]  }
0x5b6: {  	s19 =	simm.s32 $0x4020;
	v5 =	vld [tilespmem:s17+$0x0]  }
0x5b7: {  	s25 =	simm.s32 $0x2020;
	v9 =	vld [tilespmem:s19+$0x10]  }
0x5b8: {  	v10 =	vld [tilespmem:s25+$0x10]  }
0x5b9: {  	v11 =	vld [tilespmem:s19+$0xFFFFFFE0];
	v4 =	vshrl.u32 v1, $0x10  }
0x5ba: {  	v12 =	vld [tilespmem:s19+$0xFFFFFFF0]  }
0x5bb: {  	s31 =	simm.s32 $0x60;
	v13 =	vld [tilespmem:s19+$0x0]  }
0x5bc: {  	v14 =	vld [tilespmem:s31+$0x10];
	v1 =	vand.u32 $0xFFFF, v1  }
0x5bd: {  	v15 =	vld [tilespmem:s31+$0xFFFFFFF0];
	v7 =	vshrl.u32 v3, $0x10  }
0x5be: {  	v4 =	vld.idx.msk [tilespmem:v4+s22+$0x0], $0xffff  }
0x5bf: {  	v54 =	vld [tilespmem:s31+$0x0]  }
0x5c0: {  	v56 =	vld [tilespmem:s25+$0xFFFFFFE0];
	v6 =	vshrl.u32 v2, $0x10  }
0x5c1: {  	v8 =	vshrl.u32 v5, $0x10;
	v1 =	vld.idx.msk [tilespmem:v1+s22+$0x0], $0xffff  }
0x5c2: {  	v3 =	vand.u32 $0xFFFF, v3;
	v7 =	vld.idx.msk [tilespmem:v7+s22+$0x0], $0xffff  }
0x5c3: {  	v58 =	vld [tilespmem:s25+$0xFFFFFFF0];
	v53 =	vmul.f32 v9, v4;
	v9 =	vshll.u32 v9, $0x10  }
0x5c4: {  	v55 =	vld [tilespmem:s31+$0xFFFFFFE0];
	v2 =	vand.u32 $0xFFFF, v2;
	v4 =	vmul.f32 v9, v4  }
0x5c5: {  	v5 =	vand.u32 $0xFFFF, v5;
	v6 =	vld.idx.msk [tilespmem:v6+s22+$0x0], $0xffff;
	v9 =	vadd.f32 v10, v53;
	v10 =	vshll.u32 v10, $0x10  }
0x5c6: {  	v57 =	vshrl.u32 v14, $0x10;
	v59 =	vshrl.u32 v15, $0x10;
	v8 =	vld.idx.msk [tilespmem:v8+s22+$0x0], $0xffff;
	v4 =	vadd.f32 v10, v4  }
0x5c7: {  	v3 =	vld.idx.msk [tilespmem:v3+s22+$0x0], $0xffff;
	v10 =	vshll.u32 v11, $0x10;
	v11 =	vmul.f32 v11, v7;
	v1 =	vmul.f32 v9, v1  }
0x5c8: {  	v60 =	vshrl.u32 v54, $0x10;
	v61 =	vshll.u32 v56, $0x10;
	v20 =	vshll.u32 v58, $0x10;
	v9 =	vld [tilespmem:s25+$0x0]  }
0x5c9: {  	v2 =	vld.idx.msk [tilespmem:v2+s22+$0x0], $0xffff;
	v11 =	vadd.f32 v56, v11;
	v1 =	vadd.f32 v1, v4;
	v4 =	vmul.f32 v10, v7  }
0x5ca: {  	s3 =	simm.s32 $0x4060;
	v5 =	vld.idx.msk [tilespmem:v5+s22+$0x0], $0xffff;
	v7 =	vshll.u32 v12, $0x10;
	v10 =	vmul.f32 v12, v6;
	v12 =	vshll.u32 v13, $0x10  }
0x5cb: {  	v62 =	vld [tilespmem:s3+$0x10];
	v13 =	vmul.f32 v13, v8;
	v6 =	vmul.f32 v7, v6;
	v7 =	vand.u32 $0xFFFF, v14  }
0x5cc: {  	s6 =	simm.s32 $0x2060;
	v19 =	vld.idx.msk [tilespmem:v57+s22+$0x0], $0xffff;
	v14 =	vshrl.u32 v55, $0x10;
	v8 =	vmul.f32 v12, v8;
	v10 =	vadd.f32 v58, v10  }
0x5cd: {  	v63 =	vld [tilespmem:s6+$0x10];
	v3 =	vmul.f32 v11, v3;
	v12 =	vadd.f32 v61, v4;
	v13 =	vadd.f32 v9, v13  }
0x5ce: {  	v4 =	vld.idx.msk [tilespmem:v59+s22+$0x0], $0xffff;
	v11 =	vadd.f32 v20, v6;
	v6 =	vshll.u32 v9, $0x10;
	v2 =	vmul.f32 v10, v2  }
0x5cf: {  	s1 =	simm.s32 $0x19020;
	v9 =	vadd.f32 v6, v8;
	v3 =	vadd.f32 v3, v12;
	v8 =	vld [tilespmem:s3+$0xFFFFFFE0];
	v10 =	vmul.f32 v13, v5  }
0x5d0: {  	[tilespmem:s1+$0x10] =	vst v1;
	v7 =	vld.idx.msk [tilespmem:v7+s22+$0x0], $0xffff;
	v11 =	vadd.f32 v2, v11  }
0x5d1: {  	v12 =	vmul.f32 v62, v19;
	v6 =	vld.idx.msk [tilespmem:v14+s22+$0x0], $0xffff;
	[tilespmem:s1+$0xFFFFFFE0] =	vst v3;
	v14 =	vadd.f32 v10, v9  }
0x5d2: {  	v5 =	vld.idx.msk [tilespmem:v60+s22+$0x0], $0xffff;
	v10 =	vshll.u32 v62, $0x10;
	[tilespmem:s1+$0xFFFFFFF0] =	vst v11  }
0x5d3: {  	v1 =	vand.u32 $0xFFFF, v15;
	v12 =	vadd.f32 v63, v12;
	v9 =	vld [tilespmem:s3+$0xFFFFFFF0];
	v11 =	vmul.f32 v10, v19;
	[tilespmem:s1+$0x0] =	vst v14  }
0x5d4: {  	s7 =	simm.s32 $0x4;
	s10 =	simm.s32 $0xA0;
	v13 =	vshll.u32 v63, $0x10;
	v2 =	vand.u32 $0xFFFF, v54;
	v3 =	vand.u32 $0xFFFF, v55;
	v10 =	vld [tilespmem:s3+$0x0];
	s2 =	sld [smem:$0x7EB]  }
.LBB2_16:
0x5d5: {  	v14 =	vld [tilespmem:s10+$0x10];
	s7 =	sadd.s32 $0x4, s7;
	v11 =	vadd.f32 v13, v11;
	v7 =	vmul.f32 v12, v7  }
0x5d6: {  	v12 =	vld [tilespmem:s10+$0xFFFFFFF0];
	p0 =	slt.u32 s7, $0x1FC  }
0x5d7: {  	v13 =	vld [tilespmem:s10+$0x0];
	v15 =	vshll.u32 v8, $0x10;
	v8 =	vmul.f32 v8, v6;
	v7 =	vadd.f32 v7, v11  }
0x5d8: {  	s1 =	sadd.s32 $0x40, s1;
	v11 =	vld [tilespmem:s10+$0xFFFFFFE0];
	v6 =	vmul.f32 v15, v6;
	v15 =	vshll.u32 v9, $0x10;
	v9 =	vmul.f32 v9, v4  }
0x5d9: {  	v16 =	vld [tilespmem:s6+$0xFFFFFFE0];
	v4 =	vmul.f32 v15, v4;
	v15 =	vshll.u32 v10, $0x10;
	v10 =	vmul.f32 v10, v5;
	[tilespmem:s1+$0x10] =	vst v7  }
0x5da: {  	v7 =	vshrl.u32 v14, $0x10;
	v17 =	vld [tilespmem:s6+$0xFFFFFFF0];
	v5 =	vmul.f32 v15, v5  }
0x5db: {  	v15 =	vshrl.u32 v12, $0x10;
	v12 =	vand.u32 $0xFFFF, v12;
	v18 =	vld [tilespmem:s6+$0x0]  }
0x5dc: {  	v19 =	vshrl.u32 v13, $0x10;
	v13 =	vand.u32 $0xFFFF, v13;
	v20 =	vld.idx.msk [tilespmem:v3+s22+$0x0], $0xffff  }
0x5dd: {  	v21 =	vshrl.u32 v11, $0x10;
	v3 =	vand.u32 $0xFFFF, v11;
	v11 =	vld.idx.msk [tilespmem:v1+s22+$0x0], $0xffff;
	v1 =	vmov v12  }
0x5de: {  	v12 =	vand.u32 $0xFFFF, v14;
	v14 =	vshll.u32 v16, $0x10;
	v8 =	vadd.f32 v16, v8;
	v16 =	vld.idx.msk [tilespmem:v2+s22+$0x0], $0xffff;
	v2 =	vmovc v13  }
0x5df: {  	s3 =	sadd.s32 $0x40, s3;
	v13 =	vld.idx.msk [tilespmem:v7+s22+$0x0], $0xffff;
	v14 =	vadd.f32 v14, v6;
	v6 =	vshll.u32 v17, $0x10;
	v9 =	vadd.f32 v17, v9  }
0x5e0: {  	v17 =	vld [tilespmem:s3+$0x10];
	v22 =	vadd.f32 v6, v4;
	v6 =	vshll.u32 v18, $0x10;
	v10 =	vadd.f32 v18, v10  }
0x5e1: {  	s6 =	sadd.s32 $0x40, s6;
	v4 =	vld.idx.msk [tilespmem:v15+s22+$0x0], $0xffff;
	v15 =	vadd.f32 v6, v5  }
0x5e2: {  	v5 =	vmul.f32 v8, v20;
	v18 =	vld [tilespmem:s6+$0x10]  }
0x5e3: {  	v8 =	vmul.f32 v9, v11;
	v7 =	vld.idx.msk [tilespmem:v12+s22+$0x0], $0xffff  }
.Ltmp7:
0x5e4: {  	v9 =	vadd.f32 v5, v14;
	v10 =	vmul.f32 v10, v16;
	v6 =	vld.idx.msk [tilespmem:v21+s22+$0x0], $0xffff;
	(pc) =	sbr.rel @p0 .LBB2_16-.Ltmp7, $4  }
0x5e5: {  	v14 =	vadd.f32 v8, v22;
	v5 =	vld.idx.msk [tilespmem:v19+s22+$0x0], $0xffff;
	v12 =	vmul.f32 v17, v13  }
0x5e6: {  	v11 =	vshll.u32 v17, $0x10;
	v15 =	vadd.f32 v10, v15;
	v8 =	vld [tilespmem:s3+$0xFFFFFFE0];
	[tilespmem:s1+$0xFFFFFFE0] =	vst v9  }
0x5e7: {  	v11 =	vmul.f32 v11, v13;
	v9 =	vld [tilespmem:s3+$0xFFFFFFF0];
	v12 =	vadd.f32 v18, v12;
	[tilespmem:s1+$0xFFFFFFF0] =	vst v14  }
0x5e8: {  	s10 =	sadd.s32 $0x40, s10;
	v13 =	vshll.u32 v18, $0x10;
	v10 =	vld [tilespmem:s3+$0x0];
	[tilespmem:s1+$0x0] =	vst v15  }
0x5e9: {  	_ = 	snop  }
0x5ea: {  	v14 =	vld [tilespmem:s6+$0xFFFFFFE0]  }
0x5eb: {  	v11 =	vadd.f32 v13, v11;
	v7 =	vmul.f32 v12, v7;
	v51 =	vld [tilespmem:s6+$0xFFFFFFF0]  }
0x5ec: {  	v52 =	vld [tilespmem:s6+$0x0]  }
0x5ed: {  	v3 =	vld.idx.msk [tilespmem:v3+s22+$0x0], $0xffff;
	v7 =	vadd.f32 v7, v11;
	v53 =	vshll.u32 v8, $0x10  }
0x5ee: {  	v1 =	vld.idx.msk [tilespmem:v1+s22+$0x0], $0xffff;
	v54 =	vmul.f32 v8, v6;
	v55 =	vmul.f32 v53, v6;
	v56 =	vshll.u32 v9, $0x10  }
0x5ef: {  	v2 =	vld.idx.msk [tilespmem:v2+s22+$0x0], $0xffff;
	v57 =	vmul.f32 v9, v4;
	v58 =	vmul.f32 v56, v4;
	v59 =	vshll.u32 v10, $0x10  }
0x5f0: {  	v60 =	vmul.f32 v10, v5;
	v8 =	vadd.f32 v14, v54;
	v14 =	vshll.u32 v14, $0x10  }
0x5f1: {  	v61 =	vmul.f32 v59, v5;
	v9 =	vadd.f32 v51, v57;
	v62 =	vshll.u32 v51, $0x10  }
0x5f2: {  	v6 =	vadd.f32 v14, v55;
	v10 =	vadd.f32 v52, v60;
	v3 =	vmul.f32 v8, v3  }
0x5f3: {  	v63 =	vshll.u32 v52, $0x10;
	v4 =	vadd.f32 v62, v58;
	v1 =	vmul.f32 v9, v1  }
0x5f4: {  	s0 =	sadd.s32 $0x40, s1;
	v5 =	vadd.f32 v63, v61;
	v2 =	vmul.f32 v10, v2;
	v3 =	vadd.f32 v3, v6  }
0x5f5: {  	[tilespmem:s0+$0x10] =	vst v7;
	v1 =	vadd.f32 v1, v4  }
0x5f6: {  	v2 =	vadd.f32 v2, v5;
	[tilespmem:s0+$0xFFFFFFE0] =	vst v3  }
0x5f7: {  	[tilespmem:s0+$0xFFFFFFF0] =	vst v1  }
0x5f8: {  	[tilespmem:s0+$0x0] =	vst v2  }
0x5f9: {  	s0 =	sld [smem:$0x7F1];
	_ =	sdelay $0x1  }
0x5fa: {  	s17 =	simm.s32 $0x19000;
	s19 =	simm.s32 $0x3  }
0x5fb: {  	[hbm4b:s0+s26] =	stream.strided.scatter [tilespmem:s17], [sflag:$0x4], $0x2000, s28, s26, $0x38;
	[tilespmem:$0x1F000] =	vst v63  }
0x5fc: {  	_ =	swait.ge [sflag:s19], $0x2000  }
0x5fd: {  	[sflag:s19] =	ssyncset.done $0x0  }
0x5fe: {  	[sflag:s19] =	ssyncadd.s32 $0xFFFFE000  }
0x5ff: {  	_ =	swait.ge [sflag:s19], $0x2000  }
0x600: {  	[sflag:s19] =	ssyncset.done $0x0  }
0x601: {  	[sflag:s19] =	ssyncadd.s32 $0xFFFFE000  }
0x602: {  	_ =	swait.ge [sflag:s19], $0x2000  }
0x603: {  	[sflag:s19] =	ssyncset.done $0x0  }
0x604: {  	s25 =	simm.s32 $0x4;
	[sflag:s19] =	ssyncadd.s32 $0xFFFFE000  }
0x605: {  	_ =	swait.ge [sflag:s25], $0x2000  }
0x606: {  	s31 =	sld [smem:$0x7F2];
	_ =	sdelay $0x1  }
0x607: {  	s2 =	sadd.s32 $0x1, s2  }
0x608: {  	p0 =	sne.s32 s2, s31  }
.Ltmp8:
0x609: {  	_ = 	snop;
	(pc) =	sbr.rel @p0 .LBB2_1-.Ltmp8, $3  }
0x60a: {  	_ =	sdelay $0x1  }
0x60b: {  	[sflag:s25] =	ssyncset.done $0x0  }
0x60c: {  	[sflag:s25] =	ssyncadd.s32 $0xFFFFE000  }
0x60d: {  	_ =	sfence.sel $0x180000  }
0x60e: {  	[bflag:$0x0] =	sbarrier.arrive $0xFFFF  }
0x60f: {  	_ =	strace $0x90000047  }
0x610: {  	s0 =	stileid.u32;
	[bflag:$0x2] =	sbarrier.arrive $0xFFFF  }
0x611: {  	p0 =	sne.s32 s0, $0x0;
	s0 =	rddreg [dreg:$0x8]  }
0x612: {  	s0 =	sadd.s32 @!p0 $0x100000, s0  }
0x613: {  	[sflag:s0] =	ssyncadd.tile.s32 @!p0 $0x1;
	_ =	shalt  }
.Lfunc_end2:
_tile_overlayer_lowered:
.L_overlay_start_2:
0x614: {  	(tag) =	ssettag $0x2  }
0x615: {  	s0 =	rddreg [dreg:$0x0];
	s2 =	stileid.u32  }
0x616: {  	s1 =	rddreg [dreg:$0x1];
	p0 =	sne.s32 s2, $0x0  }
0x617: {  	s3 =	rddreg [dreg:$0x2];
	[bflag:$0x3] =	sbarrier.arrive $0xFFFF;
	s2 =	simm.s32 @!p0 $0x1C05  }
0x618: {  	[timem:s3], [sflag:s2] =	dma.local @!p0 [hbm:s0], s1  }
0x619: {  	s0 =	simm.s32 @!p0 $0x5  }
0x61a: {  	_ =	swait.ge @!p0 [sflag:s0], s1  }
0x61b: {  	s1 =	ssub.s32 @!p0 $0x0, s1;
	[sflag:s0] =	ssyncset.done @!p0 $0x0  }
0x61c: {  	[sflag:s0] =	ssyncadd.s32 @!p0 s1  }
0x61d: {  	[bflag:$0x3] =	sbarrier.arrive $0xFFFF  }
0x61e: {  	_ =	shalt  }

</sc_bundles>
